<compile_context>
chip_gen: v7x
topology: tpu7x:2x2x1
jax: 0.10.2.dev20260603
libtpu: 0.0.44.dev20260713+nightly
codegen_flags: <defaults>
</compile_context>

<pallas_src>
import functools

import jax
import jax.numpy as jnp
from jax import lax
from jax.experimental import pallas as pl
from jax.experimental.pallas import tpu as pltpu
from jax.experimental.pallas import tpu_sc as plsc

N = 10816
E = 346112
D = 128
G = 64
NPG = 169
NC = 2
NS = 16
NW = NC * NS
EPW = E // NW
CHUNK = 64
NCH = EPW // CHUNK
NEPK = (NCH + 1) // 2
NSLOT = 3
NACC = N
RBLK = 64
NBLK = N // RBLK

_HI = lax.Precision.HIGHEST


def _sc_aggregate(h, epk):
    mesh = plsc.VectorSubcoreMesh(core_axis_name="c", subcore_axis_name="s")

    @functools.partial(
        pl.kernel,
        out_type=jax.ShapeDtypeStruct((NC, N, D), jnp.float32),
        mesh=mesh,
        scratch_types=[
            pltpu.VMEM((NEPK, 2 * CHUNK), jnp.int32),
            pltpu.VMEM((NSLOT, CHUNK), jnp.int32),
            pltpu.VMEM((NSLOT, CHUNK), jnp.int32),
            pltpu.VMEM((NSLOT, CHUNK, D), jnp.float32),
            pltpu.VMEM_SHARED((NACC, D), jnp.float32),
            pltpu.SemaphoreType.DMA,
            pltpu.SemaphoreType.DMA,
            pltpu.SemaphoreType.DMA,
            pltpu.SemaphoreType.DMA,
            pltpu.SemaphoreType.DMA,
            pltpu.SemaphoreType.DMA,
        ],
    )
    def k(h_hbm, epk_hbm, out_hbm, epk_v, src_v, dst_v, rows_v,
          agg_sh, gsem0, gsem1, gsem2, ssem0, ssem1, ssem2):
        c = lax.axis_index("c")
        s = lax.axis_index("s")
        wid = c * NS + s
        gsem = (gsem0, gsem1, gsem2)
        ssem = (ssem0, ssem1, ssem2)

        pltpu.sync_copy(epk_hbm.at[wid], epk_v)

        mask16 = jnp.full((16,), 0xFFFF, jnp.int32)

        def gather(b):
            return pltpu.make_async_copy(
                h_hbm.at[src_v.at[b]], rows_v.at[b], gsem[b])

        def scatter(b):
            return pltpu.make_async_copy(
                rows_v.at[b], agg_sh.at[dst_v.at[b]], ssem[b])

        @pl.loop(0, CHUNK)
        def _(r):
            for cc in range(0, D, 16):
                rows_v[0, r, pl.ds(cc, 16)] = jnp.zeros((16,), jnp.float32)

        @pl.loop(0, 11)
        def _(t):
            b = s + NS * t

            @pl.when(b < NBLK)
            def _():
                pltpu.sync_copy(rows_v.at[0],
                                agg_sh.at[pl.ds(b * RBLK, RBLK)])

        plsc.subcore_barrier()

        def unpack(j, b):
            row = lax.shift_right_logical(j, 1)
            base = jnp.bitwise_and(j, 1) * CHUNK
            for cc in range(0, CHUNK, 16):
                v = epk_v[row, pl.ds(base + cc, 16)]
                src_v[b, pl.ds(cc, 16)] = jnp.bitwise_and(v, mask16)
                dst_v[b, pl.ds(cc, 16)] = lax.shift_right_logical(v, 16)

        for b in range(NSLOT):
            unpack(jnp.int32(b), b)
            gather(b).start()

        @pl.loop(0, NCH // NSLOT - 1)
        def _(t):
            j0 = NSLOT * t
            for b in range(NSLOT):
                gather(b).wait()
                scatter(b).start(add=True)
            for b in range(NSLOT):
                scatter(b).wait()
                unpack(j0 + NSLOT + b, b)
                gather(b).start()

        for b in range(NSLOT):
            gather(b).wait()
            scatter(b).start(add=True)
        scatter(0).wait()
        unpack(jnp.int32(NCH - 1), 0)
        gather(0).start()
        gather(0).wait()
        scatter(0).start(add=True)
        for b in range(NSLOT):
            scatter(b).wait()

        plsc.subcore_barrier()

        @pl.loop(0, 11)
        def _(t):
            b = s + NS * t

            @pl.when(b < NBLK)
            def _():
                pltpu.sync_copy(agg_sh.at[pl.ds(b * RBLK, RBLK)],
                                out_hbm.at[c].at[pl.ds(b * RBLK, RBLK)])

    return k(h, epk)


MLP_BLK = 1352


def _mlp(p, h, W1, b1, W2, b2):
    def body(p_ref, h_ref, w1_ref, b1_ref, w2_ref, b2_ref, o_ref):
        z = p_ref[0] + p_ref[1] + h_ref[...]
        z = jnp.dot(z, w1_ref[...], precision=_HI,
                    preferred_element_type=jnp.float32) + b1_ref[...]
        z = jnp.maximum(z, 0.0)
        z = jnp.dot(z, w2_ref[...], precision=_HI,
                    preferred_element_type=jnp.float32) + b2_ref[...]
        o_ref[...] = jnp.maximum(z, 0.0)

    return pl.pallas_call(
        body,
        grid=(N // MLP_BLK,),
        in_specs=[
            pl.BlockSpec((NC, MLP_BLK, D), lambda i: (0, i, 0)),
            pl.BlockSpec((MLP_BLK, D), lambda i: (i, 0)),
            pl.BlockSpec((D, D), lambda i: (0, 0)),
            pl.BlockSpec((1, D), lambda i: (0, 0)),
            pl.BlockSpec((D, D), lambda i: (0, 0)),
            pl.BlockSpec((1, D), lambda i: (0, 0)),
        ],
        out_specs=pl.BlockSpec((MLP_BLK, D), lambda i: (i, 0)),
        out_shape=jax.ShapeDtypeStruct((N, D), jnp.float32),
    )(p, h, W1, b1, W2, b2)


def _head(h, Wl, bl, Wm, bm, Ws, bs):
    def body(h_ref, wl_ref, bl_ref, wm_ref, bm_ref, ws_ref, bs_ref,
             mean_ref, std_ref):
        node = lax.broadcasted_iota(jnp.int32, (G, N), 1)
        gid = lax.broadcasted_iota(jnp.int32, (G, N), 0)
        P = jnp.where(node // NPG == gid, 1.0, 0.0)
        pooled = jnp.dot(P, h_ref[...], precision=_HI,
                         preferred_element_type=jnp.float32) * (1.0 / NPG)
        feat = jnp.dot(pooled, wl_ref[...], precision=_HI,
                       preferred_element_type=jnp.float32) + bl_ref[...]
        feat = jnp.maximum(feat, 0.0)
        mean_ref[...] = jnp.dot(feat, wm_ref[...], precision=_HI,
                                preferred_element_type=jnp.float32) + bm_ref[...]
        sv = jnp.dot(feat, ws_ref[...], precision=_HI,
                     preferred_element_type=jnp.float32) + bs_ref[...]
        std_ref[...] = jax.nn.softplus(sv)

    return pl.pallas_call(
        body,
        out_shape=(jax.ShapeDtypeStruct((G, 32), jnp.float32),
                   jax.ShapeDtypeStruct((G, 32), jnp.float32)),
    )(h, Wl, bl, Wm, bm, Ws, bs)


def kernel(x, edge_index, W1, b1, W2, b2, Wl, bl, Wm, bm, Ws, bs):
    src = edge_index[0].reshape(NW, EPW)
    dst = edge_index[1].reshape(NW, EPW)
    packed = jnp.bitwise_or(src, jnp.left_shift(dst, 16))
    pad = jnp.zeros((NW, NEPK * 2 * CHUNK - EPW), jnp.int32)
    epk = jnp.concatenate([packed, pad], axis=1).reshape(NW, NEPK, 2 * CHUNK)
    h = x
    for l in range(3):
        p = _sc_aggregate(h, epk)
        h = _mlp(p, h, W1[l], b1[l].reshape(1, D), W2[l], b2[l].reshape(1, D))
    mean, std = _head(h, Wl, bl.reshape(1, -1), Wm, bm.reshape(1, -1),
                      Ws, bs.reshape(1, -1))
    return (mean, std)

# --- scband reference (transcript-rebuilt; emitter-appended) ---
"""Pipeline reference for scband-gnnencoder-28278064677529 (READ-ONLY COPY).

The authoritative reference and input builder live on the scoring server;
editing this copy changes nothing except your own understanding.
"""

import jax, jax.numpy as jnp
import numpy as np

N = 10816
E = 346112
D = 128
H = 128
F = 64
K = 32
B = 64
NODES_PER_GRAPH = 169
L = 3

def setup_inputs(seed: int = 0) -> dict:
    key = jax.random.key(seed)
    ks = jax.random.split(key, 16)
    x = jax.random.normal(ks[0], (N, D), dtype=jnp.float32)
    edge_index = jax.random.randint(ks[1], (2, E), 0, N, dtype=jnp.int32)
    # GIN conv MLP params (num_mlp_layers=2), stacked over L conv layers (D == H so shapes uniform)
    W1 = jax.random.normal(ks[2], (L, D, H), dtype=jnp.float32) * 0.05
    b1 = jax.random.normal(ks[3], (L, H), dtype=jnp.float32) * 0.05
    W2 = jax.random.normal(ks[4], (L, H, H), dtype=jnp.float32) * 0.05
    b2 = jax.random.normal(ks[5], (L, H), dtype=jnp.float32) * 0.05
    # FC_ReLU_Network linear [gnn.output_dim -> 64]
    Wl = jax.random.normal(ks[6], (H, F), dtype=jnp.float32) * 0.05
    bl = jax.random.normal(ks[7], (F,), dtype=jnp.float32) * 0.05
    # bottleneck heads: mean Linear(64,32); std Linear(64,32)+Softplus
    Wm = jax.random.normal(ks[8], (F, K), dtype=jnp.float32) * 0.05
    bm = jax.random.normal(ks[9], (K,), dtype=jnp.float32) * 0.05
    Ws = jax.random.normal(ks[10], (F, K), dtype=jnp.float32) * 0.05
    bs = jax.random.normal(ks[11], (K,), dtype=jnp.float32) * 0.05
    return {"x": x, "edge_index": edge_index, "W1": W1, "b1": b1, "W2": W2, "b2": b2,
            "Wl": Wl, "bl": bl, "Wm": Wm, "bm": bm, "Ws": Ws, "bs": bs}

def reference(x, edge_index, W1, b1, W2, b2, Wl, bl, Wm, bm, Ws, bs):
    src = edge_index[0]
    dst = edge_index[1]
    h = x
    # GIN convolutions: neighbor_pooling_type='sum', learn_eps=False (eps=0)
    for l in range(L):
        msg = h[src]                                   # gather
        agg = jnp.zeros_like(h).at[dst].add(msg)       # scatter-add
        z = agg + h                                    # (1 + eps) * h + sum_neighbors, eps = 0
        z = jax.nn.relu(z @ W1[l] + b1[l])
        z = jax.nn.relu(z @ W2[l] + b2[l])
        h = z
    # graph_pooling_type='mean' over fixed-size graphs (n_nodes=169 per graph)
    graph_ids = jnp.arange(N) // NODES_PER_GRAPH
    pooled = jax.ops.segment_sum(h, graph_ids, num_segments=B) / float(NODES_PER_GRAPH)
    # Flatten (identity on [B, H]) then FC_ReLU_Network linear
    feat = pooled.reshape(B, -1)
    feat = jax.nn.relu(feat @ Wl + bl)
    mean = feat @ Wm + bm
    std = jax.nn.softplus(feat @ Ws + bs)
    return (mean, std)

if __name__ == "__main__":
    import jax
    _d = setup_inputs()
    print(jax.jit(kernel)(*tuple(_d.values())))

</pallas_src>

<mosaic_0001>
#map = affine_map<(d0, d1) -> (0, 0)>
#map1 = affine_map<(d0, d1) -> (0, 0, 0)>
module attributes {stable_mosaic.version = 14 : i64} {
  func.func @k(%arg0: i32, %arg1: i32, %arg2: memref<10816x128xf32, #tpu.memory_space<hbm>>, %arg3: memref<32x85x128xi32, #tpu.memory_space<hbm>>, %arg4: memref<2x10816x128xf32, #tpu.memory_space<hbm>>, %arg5: memref<85x128xi32, #tpu.memory_space<vmem>>, %arg6: memref<3x64xi32, #tpu.memory_space<vmem>>, %arg7: memref<3x64xi32, #tpu.memory_space<vmem>>, %arg8: memref<3x64x128xf32, #tpu.memory_space<vmem>>, %arg9: memref<10816x128xf32, #tpu.memory_space<vmem_shared>>, %arg10: memref<!tpu.dma_semaphore, #tpu.memory_space<semaphore_mem>>, %arg11: memref<!tpu.dma_semaphore, #tpu.memory_space<semaphore_mem>>, %arg12: memref<!tpu.dma_semaphore, #tpu.memory_space<semaphore_mem>>, %arg13: memref<!tpu.dma_semaphore, #tpu.memory_space<semaphore_mem>>, %arg14: memref<!tpu.dma_semaphore, #tpu.memory_space<semaphore_mem>>, %arg15: memref<!tpu.dma_semaphore, #tpu.memory_space<semaphore_mem>>) attributes {dimension_semantics = [#tpu.dimension_semantics<core_parallel>, #tpu.dimension_semantics<subcore_parallel>], iteration_bounds = array<i64: 2, 16>, scalar_prefetch = 0 : i64, scratch_operands = 11 : i64, tpu.core_type = #tpu.core_type<sc_vector_subcore>, window_params = [{transform_indices = #map}, {transform_indices = #map1}, {transform_indices = #map1}]} {
    %mul3A = arith.constant 16 : i32
    %mul3A_0 = arith.muli %arg0, %mul3A : i32
    %add3A = arith.addi %mul3A_0, %arg1 : i32
    "tpu.region"() ({
      %run_scoped3A = tpu.sem_alloc : memref<!tpu.dma_semaphore, #tpu.memory_space<semaphore_mem>>
      %dma_start3A_592 = arith.constant 0 : i32
      %dma_start3A_593 = arith.constant 0 : i32
      %dma_start3A_594 = tpu.memref_slice %arg3[%add3A, %dma_start3A_592, %dma_start3A_593] : memref<32x85x128xi32, #tpu.memory_space<hbm>> -> memref<1x85x128xi32, #tpu.memory_space<hbm>>
      %dma_start3A_595 = tpu.memref_squeeze %dma_start3A_594 : memref<1x85x128xi32, #tpu.memory_space<hbm>> -> memref<85x128xi32, #tpu.memory_space<hbm>>
      %dma_start3A_596 = arith.constant 0 : i32
      %dma_start3A_597 = arith.constant 0 : i32
      %dma_start3A_598 = tpu.memref_slice %arg3[%add3A, %dma_start3A_596, %dma_start3A_597] : memref<32x85x128xi32, #tpu.memory_space<hbm>> -> memref<1x85x128xi32, #tpu.memory_space<hbm>>
      %dma_start3A_599 = tpu.memref_squeeze %dma_start3A_598 : memref<1x85x128xi32, #tpu.memory_space<hbm>> -> memref<85x128xi32, #tpu.memory_space<hbm>>
      tpu.enqueue_dma source(%dma_start3A_599 : memref<85x128xi32, #tpu.memory_space<hbm>>) target(%arg5 : memref<85x128xi32, #tpu.memory_space<vmem>>) target_semaphore(%run_scoped3A : memref<!tpu.dma_semaphore, #tpu.memory_space<semaphore_mem>>)
      %dma_wait3A_600 = arith.constant 0 : i32
      %dma_wait3A_601 = arith.constant 0 : i32
      %dma_wait3A_602 = tpu.memref_slice %arg3[%add3A, %dma_wait3A_600, %dma_wait3A_601] : memref<32x85x128xi32, #tpu.memory_space<hbm>> -> memref<1x85x128xi32, #tpu.memory_space<hbm>>
      %dma_wait3A_603 = tpu.memref_squeeze %dma_wait3A_602 : memref<1x85x128xi32, #tpu.memory_space<hbm>> -> memref<85x128xi32, #tpu.memory_space<hbm>>
      %dma_wait3A_604 = arith.constant 0 : i32
      %dma_wait3A_605 = arith.constant 0 : i32
      %dma_wait3A_606 = tpu.memref_slice %arg3[%add3A, %dma_wait3A_604, %dma_wait3A_605] : memref<32x85x128xi32, #tpu.memory_space<hbm>> -> memref<1x85x128xi32, #tpu.memory_space<hbm>>
      %dma_wait3A_607 = tpu.memref_squeeze %dma_wait3A_606 : memref<1x85x128xi32, #tpu.memory_space<hbm>> -> memref<85x128xi32, #tpu.memory_space<hbm>>
      tpu.wait_dma2 semaphore(%run_scoped3A : memref<!tpu.dma_semaphore, #tpu.memory_space<semaphore_mem>>) src(%dma_wait3A_607 : memref<85x128xi32, #tpu.memory_space<hbm>>) dst(%arg5 : memref<85x128xi32, #tpu.memory_space<vmem>>)
      tpu.yield
    }) : () -> ()
    %broadcast_in_dim3A = arith.constant 65535 : i32
    %broadcast_in_dim3A_1 = vector.broadcast %broadcast_in_dim3A : i32 to vector<16xi32>
    %scan3A = arith.constant 0 : i32
    %scan3A_2 = arith.constant 64 : i32
    %scan3A_3 = arith.addi %scan3A, %scan3A_2 : i32
    %scan3A_4 = arith.constant 1 : i32
    scf.for %scan3A_592 = %scan3A to %scan3A_3 step %scan3A_4  : i32 {
      %mul3A_593 = arith.constant 1 : i32
      %mul3A_594 = arith.muli %scan3A_592, %mul3A_593 : i32
      %add3A_595 = arith.constant 0 : i32
      %add3A_596 = arith.addi %add3A_595, %mul3A_594 : i32
      %broadcast_in_dim3A_597 = arith.constant 0.000000e+00 : f32
      %broadcast_in_dim3A_598 = vector.broadcast %broadcast_in_dim3A_597 : f32 to vector<16xf32>
      %swap3A_599 = arith.constant 0 : i32
      %swap3A_600 = arith.index_cast %swap3A_599 : i32 to index
      %swap3A_601 = arith.index_cast %add3A_596 : i32 to index
      %swap3A_602 = arith.constant 0 : index
      %swap3A_603 = tpu.vector_load %arg8[%swap3A_600, %swap3A_601, %swap3A_602] {strides = array<i32>} : memref<3x64x128xf32, #tpu.memory_space<vmem>>, vector<1x1x16xf32>,
      %swap3A_604 = vector.shape_cast %swap3A_603 : vector<1x1x16xf32> to vector<16xf32>
      %swap3A_605 = vector.shape_cast %broadcast_in_dim3A_598 : vector<16xf32> to vector<1x1x16xf32>
      tpu.vector_store %arg8[%swap3A_600, %swap3A_601, %swap3A_602], %swap3A_605 {strides = array<i32>} : memref<3x64x128xf32, #tpu.memory_space<vmem>>, vector<1x1x16xf32>,
      %broadcast_in_dim3A_606 = arith.constant 0.000000e+00 : f32
      %broadcast_in_dim3A_607 = vector.broadcast %broadcast_in_dim3A_606 : f32 to vector<16xf32>
      %swap3A_608 = arith.constant 0 : i32
      %swap3A_609 = arith.index_cast %swap3A_608 : i32 to index
      %swap3A_610 = arith.index_cast %add3A_596 : i32 to index
      %swap3A_611 = arith.constant 16 : index
      %swap3A_612 = tpu.vector_load %arg8[%swap3A_609, %swap3A_610, %swap3A_611] {strides = array<i32>} : memref<3x64x128xf32, #tpu.memory_space<vmem>>, vector<1x1x16xf32>,
      %swap3A_613 = vector.shape_cast %swap3A_612 : vector<1x1x16xf32> to vector<16xf32>
      %swap3A_614 = vector.shape_cast %broadcast_in_dim3A_607 : vector<16xf32> to vector<1x1x16xf32>
      tpu.vector_store %arg8[%swap3A_609, %swap3A_610, %swap3A_611], %swap3A_614 {strides = array<i32>} : memref<3x64x128xf32, #tpu.memory_space<vmem>>, vector<1x1x16xf32>,
      %broadcast_in_dim3A_615 = arith.constant 0.000000e+00 : f32
      %broadcast_in_dim3A_616 = vector.broadcast %broadcast_in_dim3A_615 : f32 to vector<16xf32>
      %swap3A_617 = arith.constant 0 : i32
      %swap3A_618 = arith.index_cast %swap3A_617 : i32 to index
      %swap3A_619 = arith.index_cast %add3A_596 : i32 to index
      %swap3A_620 = arith.constant 32 : index
      %swap3A_621 = tpu.vector_load %arg8[%swap3A_618, %swap3A_619, %swap3A_620] {strides = array<i32>} : memref<3x64x128xf32, #tpu.memory_space<vmem>>, vector<1x1x16xf32>,
      %swap3A_622 = vector.shape_cast %swap3A_621 : vector<1x1x16xf32> to vector<16xf32>
      %swap3A_623 = vector.shape_cast %broadcast_in_dim3A_616 : vector<16xf32> to vector<1x1x16xf32>
      tpu.vector_store %arg8[%swap3A_618, %swap3A_619, %swap3A_620], %swap3A_623 {strides = array<i32>} : memref<3x64x128xf32, #tpu.memory_space<vmem>>, vector<1x1x16xf32>,
      %broadcast_in_dim3A_624 = arith.constant 0.000000e+00 : f32
      %broadcast_in_dim3A_625 = vector.broadcast %broadcast_in_dim3A_624 : f32 to vector<16xf32>
      %swap3A_626 = arith.constant 0 : i32
      %swap3A_627 = arith.index_cast %swap3A_626 : i32 to index
      %swap3A_628 = arith.index_cast %add3A_596 : i32 to index
      %swap3A_629 = arith.constant 48 : index
      %swap3A_630 = tpu.vector_load %arg8[%swap3A_627, %swap3A_628, %swap3A_629] {strides = array<i32>} : memref<3x64x128xf32, #tpu.memory_space<vmem>>, vector<1x1x16xf32>,
      %swap3A_631 = vector.shape_cast %swap3A_630 : vector<1x1x16xf32> to vector<16xf32>
      %swap3A_632 = vector.shape_cast %broadcast_in_dim3A_625 : vector<16xf32> to vector<1x1x16xf32>
      tpu.vector_store %arg8[%swap3A_627, %swap3A_628, %swap3A_629], %swap3A_632 {strides = array<i32>} : memref<3x64x128xf32, #tpu.memory_space<vmem>>, vector<1x1x16xf32>,
      %broadcast_in_dim3A_633 = arith.constant 0.000000e+00 : f32
      %broadcast_in_dim3A_634 = vector.broadcast %broadcast_in_dim3A_633 : f32 to vector<16xf32>
      %swap3A_635 = arith.constant 0 : i32
      %swap3A_636 = arith.index_cast %swap3A_635 : i32 to index
      %swap3A_637 = arith.index_cast %add3A_596 : i32 to index
      %swap3A_638 = arith.constant 64 : index
      %swap3A_639 = tpu.vector_load %arg8[%swap3A_636, %swap3A_637, %swap3A_638] {strides = array<i32>} : memref<3x64x128xf32, #tpu.memory_space<vmem>>, vector<1x1x16xf32>,
      %swap3A_640 = vector.shape_cast %swap3A_639 : vector<1x1x16xf32> to vector<16xf32>
      %swap3A_641 = vector.shape_cast %broadcast_in_dim3A_634 : vector<16xf32> to vector<1x1x16xf32>
      tpu.vector_store %arg8[%swap3A_636, %swap3A_637, %swap3A_638], %swap3A_641 {strides = array<i32>} : memref<3x64x128xf32, #tpu.memory_space<vmem>>, vector<1x1x16xf32>,
      %broadcast_in_dim3A_642 = arith.constant 0.000000e+00 : f32
      %broadcast_in_dim3A_643 = vector.broadcast %broadcast_in_dim3A_642 : f32 to vector<16xf32>
      %swap3A_644 = arith.constant 0 : i32
      %swap3A_645 = arith.index_cast %swap3A_644 : i32 to index
      %swap3A_646 = arith.index_cast %add3A_596 : i32 to index
      %swap3A_647 = arith.constant 80 : index
      %swap3A_648 = tpu.vector_load %arg8[%swap3A_645, %swap3A_646, %swap3A_647] {strides = array<i32>} : memref<3x64x128xf32, #tpu.memory_space<vmem>>, vector<1x1x16xf32>,
      %swap3A_649 = vector.shape_cast %swap3A_648 : vector<1x1x16xf32> to vector<16xf32>
      %swap3A_650 = vector.shape_cast %broadcast_in_dim3A_643 : vector<16xf32> to vector<1x1x16xf32>
      tpu.vector_store %arg8[%swap3A_645, %swap3A_646, %swap3A_647], %swap3A_650 {strides = array<i32>} : memref<3x64x128xf32, #tpu.memory_space<vmem>>, vector<1x1x16xf32>,
      %broadcast_in_dim3A_651 = arith.constant 0.000000e+00 : f32
      %broadcast_in_dim3A_652 = vector.broadcast %broadcast_in_dim3A_651 : f32 to vector<16xf32>
      %swap3A_653 = arith.constant 0 : i32
      %swap3A_654 = arith.index_cast %swap3A_653 : i32 to index
      %swap3A_655 = arith.index_cast %add3A_596 : i32 to index
      %swap3A_656 = arith.constant 96 : index
      %swap3A_657 = tpu.vector_load %arg8[%swap3A_654, %swap3A_655, %swap3A_656] {strides = array<i32>} : memref<3x64x128xf32, #tpu.memory_space<vmem>>, vector<1x1x16xf32>,
      %swap3A_658 = vector.shape_cast %swap3A_657 : vector<1x1x16xf32> to vector<16xf32>
      %swap3A_659 = vector.shape_cast %broadcast_in_dim3A_652 : vector<16xf32> to vector<1x1x16xf32>
      tpu.vector_store %arg8[%swap3A_654, %swap3A_655, %swap3A_656], %swap3A_659 {strides = array<i32>} : memref<3x64x128xf32, #tpu.memory_space<vmem>>, vector<1x1x16xf32>,
      %broadcast_in_dim3A_660 = arith.constant 0.000000e+00 : f32
      %broadcast_in_dim3A_661 = vector.broadcast %broadcast_in_dim3A_660 : f32 to vector<16xf32>
      %swap3A_662 = arith.constant 0 : i32
      %swap3A_663 = arith.index_cast %swap3A_662 : i32 to index
      %swap3A_664 = arith.index_cast %add3A_596 : i32 to index
      %swap3A_665 = arith.constant 112 : index
      %swap3A_666 = tpu.vector_load %arg8[%swap3A_663, %swap3A_664, %swap3A_665] {strides = array<i32>} : memref<3x64x128xf32, #tpu.memory_space<vmem>>, vector<1x1x16xf32>,
      %swap3A_667 = vector.shape_cast %swap3A_666 : vector<1x1x16xf32> to vector<16xf32>
      %swap3A_668 = vector.shape_cast %broadcast_in_dim3A_661 : vector<16xf32> to vector<1x1x16xf32>
      tpu.vector_store %arg8[%swap3A_663, %swap3A_664, %swap3A_665], %swap3A_668 {strides = array<i32>} : memref<3x64x128xf32, #tpu.memory_space<vmem>>, vector<1x1x16xf32>,
    }
    %scan3A_5 = arith.constant 64 : i32
    %scan3A_6 = arith.constant 0 : i32
    %scan3A_7 = arith.constant 11 : i32
    %scan3A_8 = arith.addi %scan3A_6, %scan3A_7 : i32
    %scan3A_9 = arith.constant 1 : i32
    scf.for %scan3A_592 = %scan3A_6 to %scan3A_8 step %scan3A_9  : i32 {
      %mul3A_593 = arith.constant 1 : i32
      %mul3A_594 = arith.muli %scan3A_592, %mul3A_593 : i32
      %add3A_595 = arith.constant 0 : i32
      %add3A_596 = arith.addi %add3A_595, %mul3A_594 : i32
      %mul3A_597 = arith.constant 16 : i32
      %mul3A_598 = arith.muli %mul3A_597, %add3A_596 : i32
      %add3A_599 = arith.addi %arg1, %mul3A_598 : i32
      %lt3A = arith.constant 169 : i32
      %lt3A_600 = arith.cmpi slt, %add3A_599, %lt3A : i32
      %convert_element_type3A = arith.extui %lt3A_600 : i1 to i32
      %cond3A = arith.constant 0 : i32
      %cond3A_601 = arith.cmpi ne, %convert_element_type3A, %cond3A : i32
      scf.if %cond3A_601 {
        %mul3A_602 = arith.constant 64 : i32
        %mul3A_603 = arith.muli %add3A_599, %mul3A_602 : i32
        %run_scoped3A = arith.constant 0 : i32
        "tpu.region"() ({
          %run_scoped3A_604 = tpu.sem_alloc : memref<!tpu.dma_semaphore, #tpu.memory_space<semaphore_mem>>
          %dma_start3A_605 = arith.constant 0 : i32
          %dma_start3A_606 = arith.constant 0 : i32
          %dma_start3A_607 = tpu.memref_slice %arg8[%run_scoped3A, %dma_start3A_605, %dma_start3A_606] : memref<3x64x128xf32, #tpu.memory_space<vmem>> -> memref<1x64x128xf32, #tpu.memory_space<vmem>>
          %dma_start3A_608 = tpu.memref_squeeze %dma_start3A_607 : memref<1x64x128xf32, #tpu.memory_space<vmem>> -> memref<64x128xf32, #tpu.memory_space<vmem>>
          %dma_start3A_609 = arith.constant 0 : i32
          %dma_start3A_610 = tpu.memref_slice %arg9[%mul3A_603, %dma_start3A_609] : memref<10816x128xf32, #tpu.memory_space<vmem_shared>> -> memref<64x128xf32, #tpu.memory_space<vmem_shared>>
          %dma_start3A_611 = arith.constant 0 : i32
          %dma_start3A_612 = tpu.memref_slice %arg9[%mul3A_603, %dma_start3A_611] : memref<10816x128xf32, #tpu.memory_space<vmem_shared>> -> memref<64x128xf32, #tpu.memory_space<vmem_shared>>
          %dma_start3A_613 = arith.constant 0 : i32
          %dma_start3A_614 = arith.constant 0 : i32
          %dma_start3A_615 = tpu.memref_slice %arg8[%run_scoped3A, %dma_start3A_613, %dma_start3A_614] : memref<3x64x128xf32, #tpu.memory_space<vmem>> -> memref<1x64x128xf32, #tpu.memory_space<vmem>>
          %dma_start3A_616 = tpu.memref_squeeze %dma_start3A_615 : memref<1x64x128xf32, #tpu.memory_space<vmem>> -> memref<64x128xf32, #tpu.memory_space<vmem>>
          tpu.enqueue_dma source(%dma_start3A_616 : memref<64x128xf32, #tpu.memory_space<vmem>>) target(%dma_start3A_612 : memref<64x128xf32, #tpu.memory_space<vmem_shared>>) target_semaphore(%run_scoped3A_604 : memref<!tpu.dma_semaphore, #tpu.memory_space<semaphore_mem>>)
          %dma_wait3A_617 = arith.constant 0 : i32
          %dma_wait3A_618 = arith.constant 0 : i32
          %dma_wait3A_619 = tpu.memref_slice %arg8[%run_scoped3A, %dma_wait3A_617, %dma_wait3A_618] : memref<3x64x128xf32, #tpu.memory_space<vmem>> -> memref<1x64x128xf32, #tpu.memory_space<vmem>>
          %dma_wait3A_620 = tpu.memref_squeeze %dma_wait3A_619 : memref<1x64x128xf32, #tpu.memory_space<vmem>> -> memref<64x128xf32, #tpu.memory_space<vmem>>
          %dma_wait3A_621 = arith.constant 0 : i32
          %dma_wait3A_622 = tpu.memref_slice %arg9[%mul3A_603, %dma_wait3A_621] : memref<10816x128xf32, #tpu.memory_space<vmem_shared>> -> memref<64x128xf32, #tpu.memory_space<vmem_shared>>
          %dma_wait3A_623 = arith.constant 0 : i32
          %dma_wait3A_624 = tpu.memref_slice %arg9[%mul3A_603, %dma_wait3A_623] : memref<10816x128xf32, #tpu.memory_space<vmem_shared>> -> memref<64x128xf32, #tpu.memory_space<vmem_shared>>
          %dma_wait3A_625 = arith.constant 0 : i32
          %dma_wait3A_626 = arith.constant 0 : i32
          %dma_wait3A_627 = tpu.memref_slice %arg8[%run_scoped3A, %dma_wait3A_625, %dma_wait3A_626] : memref<3x64x128xf32, #tpu.memory_space<vmem>> -> memref<1x64x128xf32, #tpu.memory_space<vmem>>
          %dma_wait3A_628 = tpu.memref_squeeze %dma_wait3A_627 : memref<1x64x128xf32, #tpu.memory_space<vmem>> -> memref<64x128xf32, #tpu.memory_space<vmem>>
          tpu.wait_dma2 semaphore(%run_scoped3A_604 : memref<!tpu.dma_semaphore, #tpu.memory_space<semaphore_mem>>) src(%dma_wait3A_628 : memref<64x128xf32, #tpu.memory_space<vmem>>) dst(%dma_wait3A_624 : memref<64x128xf32, #tpu.memory_space<vmem_shared>>)
          tpu.yield
        }) : () -> ()
      } else {
      }
    }
    %scan3A_10 = arith.constant 11 : i32
    %barrier3A = arith.constant 0 : index
    tpu.barrier barrier_id(%barrier3A)
    %shift_right_logical3A = arith.constant 0 : i32
    %shift_right_logical3A_11 = arith.constant 1 : i32
    %shift_right_logical3A_12 = arith.shrui %shift_right_logical3A, %shift_right_logical3A_11 : i32
    %and3A = arith.constant 0 : i32
    %and3A_13 = arith.constant 1 : i32
    %and3A_14 = arith.andi %and3A, %and3A_13 : i32
    %mul3A_15 = arith.constant 64 : i32
    %mul3A_16 = arith.muli %and3A_14, %mul3A_15 : i32
    %add3A_17 = arith.constant 0 : i32
    %add3A_18 = arith.addi %mul3A_16, %add3A_17 : i32
    %get3A = arith.index_cast %shift_right_logical3A_12 : i32 to index
    %get3A_19 = arith.index_cast %add3A_18 : i32 to index
    %get3A_20 = tpu.vector_load %arg5[%get3A, %get3A_19] {strides = array<i32>} : memref<85x128xi32, #tpu.memory_space<vmem>>, vector<1x16xi32>,
    %get3A_21 = vector.shape_cast %get3A_20 : vector<1x16xi32> to vector<16xi32>
    %and3A_22 = arith.andi %get3A_21, %broadcast_in_dim3A_1 : vector<16xi32>
    %swap3A = arith.constant 0 : i32
    %swap3A_23 = arith.index_cast %swap3A : i32 to index
    %swap3A_24 = arith.constant 0 : index
    %swap3A_25 = tpu.vector_load %arg6[%swap3A_23, %swap3A_24] {strides = array<i32>} : memref<3x64xi32, #tpu.memory_space<vmem>>, vector<1x16xi32>,
    %swap3A_26 = vector.shape_cast %swap3A_25 : vector<1x16xi32> to vector<16xi32>
    %swap3A_27 = vector.shape_cast %and3A_22 : vector<16xi32> to vector<1x16xi32>
    tpu.vector_store %arg6[%swap3A_23, %swap3A_24], %swap3A_27 {strides = array<i32>} : memref<3x64xi32, #tpu.memory_space<vmem>>, vector<1x16xi32>,
    %shift_right_logical3A_28 = arith.constant 16 : i32
    %shift_right_logical3A_29 = vector.broadcast %shift_right_logical3A_28 : i32 to vector<16xi32>
    %shift_right_logical3A_30 = arith.shrui %get3A_21, %shift_right_logical3A_29 : vector<16xi32>
    %swap3A_31 = arith.constant 0 : i32
    %swap3A_32 = arith.index_cast %swap3A_31 : i32 to index
    %swap3A_33 = arith.constant 0 : index
    %swap3A_34 = tpu.vector_load %arg7[%swap3A_32, %swap3A_33] {strides = array<i32>} : memref<3x64xi32, #tpu.memory_space<vmem>>, vector<1x16xi32>,
    %swap3A_35 = vector.shape_cast %swap3A_34 : vector<1x16xi32> to vector<16xi32>
    %swap3A_36 = vector.shape_cast %shift_right_logical3A_30 : vector<16xi32> to vector<1x16xi32>
    tpu.vector_store %arg7[%swap3A_32, %swap3A_33], %swap3A_36 {strides = array<i32>} : memref<3x64xi32, #tpu.memory_space<vmem>>, vector<1x16xi32>,
    %add3A_37 = arith.constant 16 : i32
    %add3A_38 = arith.addi %mul3A_16, %add3A_37 : i32
    %get3A_39 = arith.index_cast %shift_right_logical3A_12 : i32 to index
    %get3A_40 = arith.index_cast %add3A_38 : i32 to index
    %get3A_41 = tpu.vector_load %arg5[%get3A_39, %get3A_40] {strides = array<i32>} : memref<85x128xi32, #tpu.memory_space<vmem>>, vector<1x16xi32>,
    %get3A_42 = vector.shape_cast %get3A_41 : vector<1x16xi32> to vector<16xi32>
    %and3A_43 = arith.andi %get3A_42, %broadcast_in_dim3A_1 : vector<16xi32>
    %swap3A_44 = arith.constant 0 : i32
    %swap3A_45 = arith.index_cast %swap3A_44 : i32 to index
    %swap3A_46 = arith.constant 16 : index
    %swap3A_47 = tpu.vector_load %arg6[%swap3A_45, %swap3A_46] {strides = array<i32>} : memref<3x64xi32, #tpu.memory_space<vmem>>, vector<1x16xi32>,
    %swap3A_48 = vector.shape_cast %swap3A_47 : vector<1x16xi32> to vector<16xi32>
    %swap3A_49 = vector.shape_cast %and3A_43 : vector<16xi32> to vector<1x16xi32>
    tpu.vector_store %arg6[%swap3A_45, %swap3A_46], %swap3A_49 {strides = array<i32>} : memref<3x64xi32, #tpu.memory_space<vmem>>, vector<1x16xi32>,
    %shift_right_logical3A_50 = arith.constant 16 : i32
    %shift_right_logical3A_51 = vector.broadcast %shift_right_logical3A_50 : i32 to vector<16xi32>
    %shift_right_logical3A_52 = arith.shrui %get3A_42, %shift_right_logical3A_51 : vector<16xi32>
    %swap3A_53 = arith.constant 0 : i32
    %swap3A_54 = arith.index_cast %swap3A_53 : i32 to index
    %swap3A_55 = arith.constant 16 : index
    %swap3A_56 = tpu.vector_load %arg7[%swap3A_54, %swap3A_55] {strides = array<i32>} : memref<3x64xi32, #tpu.memory_space<vmem>>, vector<1x16xi32>,
    %swap3A_57 = vector.shape_cast %swap3A_56 : vector<1x16xi32> to vector<16xi32>
    %swap3A_58 = vector.shape_cast %shift_right_logical3A_52 : vector<16xi32> to vector<1x16xi32>
    tpu.vector_store %arg7[%swap3A_54, %swap3A_55], %swap3A_58 {strides = array<i32>} : memref<3x64xi32, #tpu.memory_space<vmem>>, vector<1x16xi32>,
    %add3A_59 = arith.constant 32 : i32
    %add3A_60 = arith.addi %mul3A_16, %add3A_59 : i32
    %get3A_61 = arith.index_cast %shift_right_logical3A_12 : i32 to index
    %get3A_62 = arith.index_cast %add3A_60 : i32 to index
    %get3A_63 = tpu.vector_load %arg5[%get3A_61, %get3A_62] {strides = array<i32>} : memref<85x128xi32, #tpu.memory_space<vmem>>, vector<1x16xi32>,
    %get3A_64 = vector.shape_cast %get3A_63 : vector<1x16xi32> to vector<16xi32>
    %and3A_65 = arith.andi %get3A_64, %broadcast_in_dim3A_1 : vector<16xi32>
    %swap3A_66 = arith.constant 0 : i32
    %swap3A_67 = arith.index_cast %swap3A_66 : i32 to index
    %swap3A_68 = arith.constant 32 : index
    %swap3A_69 = tpu.vector_load %arg6[%swap3A_67, %swap3A_68] {strides = array<i32>} : memref<3x64xi32, #tpu.memory_space<vmem>>, vector<1x16xi32>,
    %swap3A_70 = vector.shape_cast %swap3A_69 : vector<1x16xi32> to vector<16xi32>
    %swap3A_71 = vector.shape_cast %and3A_65 : vector<16xi32> to vector<1x16xi32>
    tpu.vector_store %arg6[%swap3A_67, %swap3A_68], %swap3A_71 {strides = array<i32>} : memref<3x64xi32, #tpu.memory_space<vmem>>, vector<1x16xi32>,
    %shift_right_logical3A_72 = arith.constant 16 : i32
    %shift_right_logical3A_73 = vector.broadcast %shift_right_logical3A_72 : i32 to vector<16xi32>
    %shift_right_logical3A_74 = arith.shrui %get3A_64, %shift_right_logical3A_73 : vector<16xi32>
    %swap3A_75 = arith.constant 0 : i32
    %swap3A_76 = arith.index_cast %swap3A_75 : i32 to index
    %swap3A_77 = arith.constant 32 : index
    %swap3A_78 = tpu.vector_load %arg7[%swap3A_76, %swap3A_77] {strides = array<i32>} : memref<3x64xi32, #tpu.memory_space<vmem>>, vector<1x16xi32>,
    %swap3A_79 = vector.shape_cast %swap3A_78 : vector<1x16xi32> to vector<16xi32>
    %swap3A_80 = vector.shape_cast %shift_right_logical3A_74 : vector<16xi32> to vector<1x16xi32>
    tpu.vector_store %arg7[%swap3A_76, %swap3A_77], %swap3A_80 {strides = array<i32>} : memref<3x64xi32, #tpu.memory_space<vmem>>, vector<1x16xi32>,
    %add3A_81 = arith.constant 48 : i32
    %add3A_82 = arith.addi %mul3A_16, %add3A_81 : i32
    %get3A_83 = arith.index_cast %shift_right_logical3A_12 : i32 to index
    %get3A_84 = arith.index_cast %add3A_82 : i32 to index
    %get3A_85 = tpu.vector_load %arg5[%get3A_83, %get3A_84] {strides = array<i32>} : memref<85x128xi32, #tpu.memory_space<vmem>>, vector<1x16xi32>,
    %get3A_86 = vector.shape_cast %get3A_85 : vector<1x16xi32> to vector<16xi32>
    %and3A_87 = arith.andi %get3A_86, %broadcast_in_dim3A_1 : vector<16xi32>
    %swap3A_88 = arith.constant 0 : i32
    %swap3A_89 = arith.index_cast %swap3A_88 : i32 to index
    %swap3A_90 = arith.constant 48 : index
    %swap3A_91 = tpu.vector_load %arg6[%swap3A_89, %swap3A_90] {strides = array<i32>} : memref<3x64xi32, #tpu.memory_space<vmem>>, vector<1x16xi32>,
    %swap3A_92 = vector.shape_cast %swap3A_91 : vector<1x16xi32> to vector<16xi32>
    %swap3A_93 = vector.shape_cast %and3A_87 : vector<16xi32> to vector<1x16xi32>
    tpu.vector_store %arg6[%swap3A_89, %swap3A_90], %swap3A_93 {strides = array<i32>} : memref<3x64xi32, #tpu.memory_space<vmem>>, vector<1x16xi32>,
    %shift_right_logical3A_94 = arith.constant 16 : i32
    %shift_right_logical3A_95 = vector.broadcast %shift_right_logical3A_94 : i32 to vector<16xi32>
    %shift_right_logical3A_96 = arith.shrui %get3A_86, %shift_right_logical3A_95 : vector<16xi32>
    %swap3A_97 = arith.constant 0 : i32
    %swap3A_98 = arith.index_cast %swap3A_97 : i32 to index
    %swap3A_99 = arith.constant 48 : index
    %swap3A_100 = tpu.vector_load %arg7[%swap3A_98, %swap3A_99] {strides = array<i32>} : memref<3x64xi32, #tpu.memory_space<vmem>>, vector<1x16xi32>,
    %swap3A_101 = vector.shape_cast %swap3A_100 : vector<1x16xi32> to vector<16xi32>
    %swap3A_102 = vector.shape_cast %shift_right_logical3A_96 : vector<16xi32> to vector<1x16xi32>
    tpu.vector_store %arg7[%swap3A_98, %swap3A_99], %swap3A_102 {strides = array<i32>} : memref<3x64xi32, #tpu.memory_space<vmem>>, vector<1x16xi32>,
    %dma_start3A = arith.constant 0 : i32
    %dma_start3A_103 = arith.constant 0 : i32
    %dma_start3A_104 = arith.constant 0 : i32
    %dma_start3A_105 = arith.constant 0 : i32
    %dma_start3A_106 = tpu.memref_slice %arg8[%dma_start3A_103, %dma_start3A_104, %dma_start3A_105] : memref<3x64x128xf32, #tpu.memory_space<vmem>> -> memref<1x64x128xf32, #tpu.memory_space<vmem>>
    %dma_start3A_107 = tpu.memref_squeeze %dma_start3A_106 : memref<1x64x128xf32, #tpu.memory_space<vmem>> -> memref<64x128xf32, #tpu.memory_space<vmem>>
    %dma_start3A_108 = arith.constant 0 : i32
    %dma_start3A_109 = tpu.memref_slice %arg6[%dma_start3A, %dma_start3A_108] : memref<3x64xi32, #tpu.memory_space<vmem>> -> memref<1x64xi32, #tpu.memory_space<vmem>>
    %dma_start3A_110 = tpu.memref_squeeze %dma_start3A_109 : memref<1x64xi32, #tpu.memory_space<vmem>> -> memref<64xi32, #tpu.memory_space<vmem>>
    %dma_start3A_111 = arith.constant 0 : i32
    %dma_start3A_112 = arith.constant 0 : i32
    %dma_start3A_113 = tpu.memref_slice %arg2[%dma_start3A_111, %dma_start3A_112] : memref<10816x128xf32, #tpu.memory_space<hbm>> -> memref<10816x128xf32, #tpu.memory_space<hbm>>
    tpu.enqueue_indirect_dma source(%dma_start3A_113 : memref<10816x128xf32, #tpu.memory_space<hbm>>) target(%dma_start3A_107 : memref<64x128xf32, #tpu.memory_space<vmem>>) offsets(%dma_start3A_110 : memref<64xi32, #tpu.memory_space<vmem>>) semaphore(%arg10 : memref<!tpu.dma_semaphore, #tpu.memory_space<semaphore_mem>>)
    %shift_right_logical3A_114 = arith.constant 1 : i32
    %shift_right_logical3A_115 = arith.constant 1 : i32
    %shift_right_logical3A_116 = arith.shrui %shift_right_logical3A_114, %shift_right_logical3A_115 : i32
    %and3A_117 = arith.constant 1 : i32
    %and3A_118 = arith.constant 1 : i32
    %and3A_119 = arith.andi %and3A_117, %and3A_118 : i32
    %mul3A_120 = arith.constant 64 : i32
    %mul3A_121 = arith.muli %and3A_119, %mul3A_120 : i32
    %add3A_122 = arith.constant 0 : i32
    %add3A_123 = arith.addi %mul3A_121, %add3A_122 : i32
    %get3A_124 = arith.index_cast %shift_right_logical3A_116 : i32 to index
    %get3A_125 = arith.index_cast %add3A_123 : i32 to index
    %get3A_126 = tpu.vector_load %arg5[%get3A_124, %get3A_125] {strides = array<i32>} : memref<85x128xi32, #tpu.memory_space<vmem>>, vector<1x16xi32>,
    %get3A_127 = vector.shape_cast %get3A_126 : vector<1x16xi32> to vector<16xi32>
    %and3A_128 = arith.andi %get3A_127, %broadcast_in_dim3A_1 : vector<16xi32>
    %swap3A_129 = arith.constant 1 : i32
    %swap3A_130 = arith.index_cast %swap3A_129 : i32 to index
    %swap3A_131 = arith.constant 0 : index
    %swap3A_132 = tpu.vector_load %arg6[%swap3A_130, %swap3A_131] {strides = array<i32>} : memref<3x64xi32, #tpu.memory_space<vmem>>, vector<1x16xi32>,
    %swap3A_133 = vector.shape_cast %swap3A_132 : vector<1x16xi32> to vector<16xi32>
    %swap3A_134 = vector.shape_cast %and3A_128 : vector<16xi32> to vector<1x16xi32>
    tpu.vector_store %arg6[%swap3A_130, %swap3A_131], %swap3A_134 {strides = array<i32>} : memref<3x64xi32, #tpu.memory_space<vmem>>, vector<1x16xi32>,
    %shift_right_logical3A_135 = arith.constant 16 : i32
    %shift_right_logical3A_136 = vector.broadcast %shift_right_logical3A_135 : i32 to vector<16xi32>
    %shift_right_logical3A_137 = arith.shrui %get3A_127, %shift_right_logical3A_136 : vector<16xi32>
    %swap3A_138 = arith.constant 1 : i32
    %swap3A_139 = arith.index_cast %swap3A_138 : i32 to index
    %swap3A_140 = arith.constant 0 : index
    %swap3A_141 = tpu.vector_load %arg7[%swap3A_139, %swap3A_140] {strides = array<i32>} : memref<3x64xi32, #tpu.memory_space<vmem>>, vector<1x16xi32>,
    %swap3A_142 = vector.shape_cast %swap3A_141 : vector<1x16xi32> to vector<16xi32>
    %swap3A_143 = vector.shape_cast %shift_right_logical3A_137 : vector<16xi32> to vector<1x16xi32>
    tpu.vector_store %arg7[%swap3A_139, %swap3A_140], %swap3A_143 {strides = array<i32>} : memref<3x64xi32, #tpu.memory_space<vmem>>, vector<1x16xi32>,
    %add3A_144 = arith.constant 16 : i32
    %add3A_145 = arith.addi %mul3A_121, %add3A_144 : i32
    %get3A_146 = arith.index_cast %shift_right_logical3A_116 : i32 to index
    %get3A_147 = arith.index_cast %add3A_145 : i32 to index
    %get3A_148 = tpu.vector_load %arg5[%get3A_146, %get3A_147] {strides = array<i32>} : memref<85x128xi32, #tpu.memory_space<vmem>>, vector<1x16xi32>,
    %get3A_149 = vector.shape_cast %get3A_148 : vector<1x16xi32> to vector<16xi32>
    %and3A_150 = arith.andi %get3A_149, %broadcast_in_dim3A_1 : vector<16xi32>
    %swap3A_151 = arith.constant 1 : i32
    %swap3A_152 = arith.index_cast %swap3A_151 : i32 to index
    %swap3A_153 = arith.constant 16 : index
    %swap3A_154 = tpu.vector_load %arg6[%swap3A_152, %swap3A_153] {strides = array<i32>} : memref<3x64xi32, #tpu.memory_space<vmem>>, vector<1x16xi32>,
    %swap3A_155 = vector.shape_cast %swap3A_154 : vector<1x16xi32> to vector<16xi32>
    %swap3A_156 = vector.shape_cast %and3A_150 : vector<16xi32> to vector<1x16xi32>
    tpu.vector_store %arg6[%swap3A_152, %swap3A_153], %swap3A_156 {strides = array<i32>} : memref<3x64xi32, #tpu.memory_space<vmem>>, vector<1x16xi32>,
    %shift_right_logical3A_157 = arith.constant 16 : i32
    %shift_right_logical3A_158 = vector.broadcast %shift_right_logical3A_157 : i32 to vector<16xi32>
    %shift_right_logical3A_159 = arith.shrui %get3A_149, %shift_right_logical3A_158 : vector<16xi32>
    %swap3A_160 = arith.constant 1 : i32
    %swap3A_161 = arith.index_cast %swap3A_160 : i32 to index
    %swap3A_162 = arith.constant 16 : index
    %swap3A_163 = tpu.vector_load %arg7[%swap3A_161, %swap3A_162] {strides = array<i32>} : memref<3x64xi32, #tpu.memory_space<vmem>>, vector<1x16xi32>,
    %swap3A_164 = vector.shape_cast %swap3A_163 : vector<1x16xi32> to vector<16xi32>
    %swap3A_165 = vector.shape_cast %shift_right_logical3A_159 : vector<16xi32> to vector<1x16xi32>
    tpu.vector_store %arg7[%swap3A_161, %swap3A_162], %swap3A_165 {strides = array<i32>} : memref<3x64xi32, #tpu.memory_space<vmem>>, vector<1x16xi32>,
    %add3A_166 = arith.constant 32 : i32
    %add3A_167 = arith.addi %mul3A_121, %add3A_166 : i32
    %get3A_168 = arith.index_cast %shift_right_logical3A_116 : i32 to index
    %get3A_169 = arith.index_cast %add3A_167 : i32 to index
    %get3A_170 = tpu.vector_load %arg5[%get3A_168, %get3A_169] {strides = array<i32>} : memref<85x128xi32, #tpu.memory_space<vmem>>, vector<1x16xi32>,
    %get3A_171 = vector.shape_cast %get3A_170 : vector<1x16xi32> to vector<16xi32>
    %and3A_172 = arith.andi %get3A_171, %broadcast_in_dim3A_1 : vector<16xi32>
    %swap3A_173 = arith.constant 1 : i32
    %swap3A_174 = arith.index_cast %swap3A_173 : i32 to index
    %swap3A_175 = arith.constant 32 : index
    %swap3A_176 = tpu.vector_load %arg6[%swap3A_174, %swap3A_175] {strides = array<i32>} : memref<3x64xi32, #tpu.memory_space<vmem>>, vector<1x16xi32>,
    %swap3A_177 = vector.shape_cast %swap3A_176 : vector<1x16xi32> to vector<16xi32>
    %swap3A_178 = vector.shape_cast %and3A_172 : vector<16xi32> to vector<1x16xi32>
    tpu.vector_store %arg6[%swap3A_174, %swap3A_175], %swap3A_178 {strides = array<i32>} : memref<3x64xi32, #tpu.memory_space<vmem>>, vector<1x16xi32>,
    %shift_right_logical3A_179 = arith.constant 16 : i32
    %shift_right_logical3A_180 = vector.broadcast %shift_right_logical3A_179 : i32 to vector<16xi32>
    %shift_right_logical3A_181 = arith.shrui %get3A_171, %shift_right_logical3A_180 : vector<16xi32>
    %swap3A_182 = arith.constant 1 : i32
    %swap3A_183 = arith.index_cast %swap3A_182 : i32 to index
    %swap3A_184 = arith.constant 32 : index
    %swap3A_185 = tpu.vector_load %arg7[%swap3A_183, %swap3A_184] {strides = array<i32>} : memref<3x64xi32, #tpu.memory_space<vmem>>, vector<1x16xi32>,
    %swap3A_186 = vector.shape_cast %swap3A_185 : vector<1x16xi32> to vector<16xi32>
    %swap3A_187 = vector.shape_cast %shift_right_logical3A_181 : vector<16xi32> to vector<1x16xi32>
    tpu.vector_store %arg7[%swap3A_183, %swap3A_184], %swap3A_187 {strides = array<i32>} : memref<3x64xi32, #tpu.memory_space<vmem>>, vector<1x16xi32>,
    %add3A_188 = arith.constant 48 : i32
    %add3A_189 = arith.addi %mul3A_121, %add3A_188 : i32
    %get3A_190 = arith.index_cast %shift_right_logical3A_116 : i32 to index
    %get3A_191 = arith.index_cast %add3A_189 : i32 to index
    %get3A_192 = tpu.vector_load %arg5[%get3A_190, %get3A_191] {strides = array<i32>} : memref<85x128xi32, #tpu.memory_space<vmem>>, vector<1x16xi32>,
    %get3A_193 = vector.shape_cast %get3A_192 : vector<1x16xi32> to vector<16xi32>
    %and3A_194 = arith.andi %get3A_193, %broadcast_in_dim3A_1 : vector<16xi32>
    %swap3A_195 = arith.constant 1 : i32
    %swap3A_196 = arith.index_cast %swap3A_195 : i32 to index
    %swap3A_197 = arith.constant 48 : index
    %swap3A_198 = tpu.vector_load %arg6[%swap3A_196, %swap3A_197] {strides = array<i32>} : memref<3x64xi32, #tpu.memory_space<vmem>>, vector<1x16xi32>,
    %swap3A_199 = vector.shape_cast %swap3A_198 : vector<1x16xi32> to vector<16xi32>
    %swap3A_200 = vector.shape_cast %and3A_194 : vector<16xi32> to vector<1x16xi32>
    tpu.vector_store %arg6[%swap3A_196, %swap3A_197], %swap3A_200 {strides = array<i32>} : memref<3x64xi32, #tpu.memory_space<vmem>>, vector<1x16xi32>,
    %shift_right_logical3A_201 = arith.constant 16 : i32
    %shift_right_logical3A_202 = vector.broadcast %shift_right_logical3A_201 : i32 to vector<16xi32>
    %shift_right_logical3A_203 = arith.shrui %get3A_193, %shift_right_logical3A_202 : vector<16xi32>
    %swap3A_204 = arith.constant 1 : i32
    %swap3A_205 = arith.index_cast %swap3A_204 : i32 to index
    %swap3A_206 = arith.constant 48 : index
    %swap3A_207 = tpu.vector_load %arg7[%swap3A_205, %swap3A_206] {strides = array<i32>} : memref<3x64xi32, #tpu.memory_space<vmem>>, vector<1x16xi32>,
    %swap3A_208 = vector.shape_cast %swap3A_207 : vector<1x16xi32> to vector<16xi32>
    %swap3A_209 = vector.shape_cast %shift_right_logical3A_203 : vector<16xi32> to vector<1x16xi32>
    tpu.vector_store %arg7[%swap3A_205, %swap3A_206], %swap3A_209 {strides = array<i32>} : memref<3x64xi32, #tpu.memory_space<vmem>>, vector<1x16xi32>,
    %dma_start3A_210 = arith.constant 1 : i32
    %dma_start3A_211 = arith.constant 1 : i32
    %dma_start3A_212 = arith.constant 0 : i32
    %dma_start3A_213 = arith.constant 0 : i32
    %dma_start3A_214 = tpu.memref_slice %arg8[%dma_start3A_211, %dma_start3A_212, %dma_start3A_213] : memref<3x64x128xf32, #tpu.memory_space<vmem>> -> memref<1x64x128xf32, #tpu.memory_space<vmem>>
    %dma_start3A_215 = tpu.memref_squeeze %dma_start3A_214 : memref<1x64x128xf32, #tpu.memory_space<vmem>> -> memref<64x128xf32, #tpu.memory_space<vmem>>
    %dma_start3A_216 = arith.constant 0 : i32
    %dma_start3A_217 = tpu.memref_slice %arg6[%dma_start3A_210, %dma_start3A_216] : memref<3x64xi32, #tpu.memory_space<vmem>> -> memref<1x64xi32, #tpu.memory_space<vmem>>
    %dma_start3A_218 = tpu.memref_squeeze %dma_start3A_217 : memref<1x64xi32, #tpu.memory_space<vmem>> -> memref<64xi32, #tpu.memory_space<vmem>>
    %dma_start3A_219 = arith.constant 0 : i32
    %dma_start3A_220 = arith.constant 0 : i32
    %dma_start3A_221 = tpu.memref_slice %arg2[%dma_start3A_219, %dma_start3A_220] : memref<10816x128xf32, #tpu.memory_space<hbm>> -> memref<10816x128xf32, #tpu.memory_space<hbm>>
    tpu.enqueue_indirect_dma source(%dma_start3A_221 : memref<10816x128xf32, #tpu.memory_space<hbm>>) target(%dma_start3A_215 : memref<64x128xf32, #tpu.memory_space<vmem>>) offsets(%dma_start3A_218 : memref<64xi32, #tpu.memory_space<vmem>>) semaphore(%arg11 : memref<!tpu.dma_semaphore, #tpu.memory_space<semaphore_mem>>)
    %shift_right_logical3A_222 = arith.constant 2 : i32
    %shift_right_logical3A_223 = arith.constant 1 : i32
    %shift_right_logical3A_224 = arith.shrui %shift_right_logical3A_222, %shift_right_logical3A_223 : i32
    %and3A_225 = arith.constant 2 : i32
    %and3A_226 = arith.constant 1 : i32
    %and3A_227 = arith.andi %and3A_225, %and3A_226 : i32
    %mul3A_228 = arith.constant 64 : i32
    %mul3A_229 = arith.muli %and3A_227, %mul3A_228 : i32
    %add3A_230 = arith.constant 0 : i32
    %add3A_231 = arith.addi %mul3A_229, %add3A_230 : i32
    %get3A_232 = arith.index_cast %shift_right_logical3A_224 : i32 to index
    %get3A_233 = arith.index_cast %add3A_231 : i32 to index
    %get3A_234 = tpu.vector_load %arg5[%get3A_232, %get3A_233] {strides = array<i32>} : memref<85x128xi32, #tpu.memory_space<vmem>>, vector<1x16xi32>,
    %get3A_235 = vector.shape_cast %get3A_234 : vector<1x16xi32> to vector<16xi32>
    %and3A_236 = arith.andi %get3A_235, %broadcast_in_dim3A_1 : vector<16xi32>
    %swap3A_237 = arith.constant 2 : i32
    %swap3A_238 = arith.index_cast %swap3A_237 : i32 to index
    %swap3A_239 = arith.constant 0 : index
    %swap3A_240 = tpu.vector_load %arg6[%swap3A_238, %swap3A_239] {strides = array<i32>} : memref<3x64xi32, #tpu.memory_space<vmem>>, vector<1x16xi32>,
    %swap3A_241 = vector.shape_cast %swap3A_240 : vector<1x16xi32> to vector<16xi32>
    %swap3A_242 = vector.shape_cast %and3A_236 : vector<16xi32> to vector<1x16xi32>
    tpu.vector_store %arg6[%swap3A_238, %swap3A_239], %swap3A_242 {strides = array<i32>} : memref<3x64xi32, #tpu.memory_space<vmem>>, vector<1x16xi32>,
    %shift_right_logical3A_243 = arith.constant 16 : i32
    %shift_right_logical3A_244 = vector.broadcast %shift_right_logical3A_243 : i32 to vector<16xi32>
    %shift_right_logical3A_245 = arith.shrui %get3A_235, %shift_right_logical3A_244 : vector<16xi32>
    %swap3A_246 = arith.constant 2 : i32
    %swap3A_247 = arith.index_cast %swap3A_246 : i32 to index
    %swap3A_248 = arith.constant 0 : index
    %swap3A_249 = tpu.vector_load %arg7[%swap3A_247, %swap3A_248] {strides = array<i32>} : memref<3x64xi32, #tpu.memory_space<vmem>>, vector<1x16xi32>,
    %swap3A_250 = vector.shape_cast %swap3A_249 : vector<1x16xi32> to vector<16xi32>
    %swap3A_251 = vector.shape_cast %shift_right_logical3A_245 : vector<16xi32> to vector<1x16xi32>
    tpu.vector_store %arg7[%swap3A_247, %swap3A_248], %swap3A_251 {strides = array<i32>} : memref<3x64xi32, #tpu.memory_space<vmem>>, vector<1x16xi32>,
    %add3A_252 = arith.constant 16 : i32
    %add3A_253 = arith.addi %mul3A_229, %add3A_252 : i32
    %get3A_254 = arith.index_cast %shift_right_logical3A_224 : i32 to index
    %get3A_255 = arith.index_cast %add3A_253 : i32 to index
    %get3A_256 = tpu.vector_load %arg5[%get3A_254, %get3A_255] {strides = array<i32>} : memref<85x128xi32, #tpu.memory_space<vmem>>, vector<1x16xi32>,
    %get3A_257 = vector.shape_cast %get3A_256 : vector<1x16xi32> to vector<16xi32>
    %and3A_258 = arith.andi %get3A_257, %broadcast_in_dim3A_1 : vector<16xi32>
    %swap3A_259 = arith.constant 2 : i32
    %swap3A_260 = arith.index_cast %swap3A_259 : i32 to index
    %swap3A_261 = arith.constant 16 : index
    %swap3A_262 = tpu.vector_load %arg6[%swap3A_260, %swap3A_261] {strides = array<i32>} : memref<3x64xi32, #tpu.memory_space<vmem>>, vector<1x16xi32>,
    %swap3A_263 = vector.shape_cast %swap3A_262 : vector<1x16xi32> to vector<16xi32>
    %swap3A_264 = vector.shape_cast %and3A_258 : vector<16xi32> to vector<1x16xi32>
    tpu.vector_store %arg6[%swap3A_260, %swap3A_261], %swap3A_264 {strides = array<i32>} : memref<3x64xi32, #tpu.memory_space<vmem>>, vector<1x16xi32>,
    %shift_right_logical3A_265 = arith.constant 16 : i32
    %shift_right_logical3A_266 = vector.broadcast %shift_right_logical3A_265 : i32 to vector<16xi32>
    %shift_right_logical3A_267 = arith.shrui %get3A_257, %shift_right_logical3A_266 : vector<16xi32>
    %swap3A_268 = arith.constant 2 : i32
    %swap3A_269 = arith.index_cast %swap3A_268 : i32 to index
    %swap3A_270 = arith.constant 16 : index
    %swap3A_271 = tpu.vector_load %arg7[%swap3A_269, %swap3A_270] {strides = array<i32>} : memref<3x64xi32, #tpu.memory_space<vmem>>, vector<1x16xi32>,
    %swap3A_272 = vector.shape_cast %swap3A_271 : vector<1x16xi32> to vector<16xi32>
    %swap3A_273 = vector.shape_cast %shift_right_logical3A_267 : vector<16xi32> to vector<1x16xi32>
    tpu.vector_store %arg7[%swap3A_269, %swap3A_270], %swap3A_273 {strides = array<i32>} : memref<3x64xi32, #tpu.memory_space<vmem>>, vector<1x16xi32>,
    %add3A_274 = arith.constant 32 : i32
    %add3A_275 = arith.addi %mul3A_229, %add3A_274 : i32
    %get3A_276 = arith.index_cast %shift_right_logical3A_224 : i32 to index
    %get3A_277 = arith.index_cast %add3A_275 : i32 to index
    %get3A_278 = tpu.vector_load %arg5[%get3A_276, %get3A_277] {strides = array<i32>} : memref<85x128xi32, #tpu.memory_space<vmem>>, vector<1x16xi32>,
    %get3A_279 = vector.shape_cast %get3A_278 : vector<1x16xi32> to vector<16xi32>
    %and3A_280 = arith.andi %get3A_279, %broadcast_in_dim3A_1 : vector<16xi32>
    %swap3A_281 = arith.constant 2 : i32
    %swap3A_282 = arith.index_cast %swap3A_281 : i32 to index
    %swap3A_283 = arith.constant 32 : index
    %swap3A_284 = tpu.vector_load %arg6[%swap3A_282, %swap3A_283] {strides = array<i32>} : memref<3x64xi32, #tpu.memory_space<vmem>>, vector<1x16xi32>,
    %swap3A_285 = vector.shape_cast %swap3A_284 : vector<1x16xi32> to vector<16xi32>
    %swap3A_286 = vector.shape_cast %and3A_280 : vector<16xi32> to vector<1x16xi32>
    tpu.vector_store %arg6[%swap3A_282, %swap3A_283], %swap3A_286 {strides = array<i32>} : memref<3x64xi32, #tpu.memory_space<vmem>>, vector<1x16xi32>,
    %shift_right_logical3A_287 = arith.constant 16 : i32
    %shift_right_logical3A_288 = vector.broadcast %shift_right_logical3A_287 : i32 to vector<16xi32>
    %shift_right_logical3A_289 = arith.shrui %get3A_279, %shift_right_logical3A_288 : vector<16xi32>
    %swap3A_290 = arith.constant 2 : i32
    %swap3A_291 = arith.index_cast %swap3A_290 : i32 to index
    %swap3A_292 = arith.constant 32 : index
    %swap3A_293 = tpu.vector_load %arg7[%swap3A_291, %swap3A_292] {strides = array<i32>} : memref<3x64xi32, #tpu.memory_space<vmem>>, vector<1x16xi32>,
    %swap3A_294 = vector.shape_cast %swap3A_293 : vector<1x16xi32> to vector<16xi32>
    %swap3A_295 = vector.shape_cast %shift_right_logical3A_289 : vector<16xi32> to vector<1x16xi32>
    tpu.vector_store %arg7[%swap3A_291, %swap3A_292], %swap3A_295 {strides = array<i32>} : memref<3x64xi32, #tpu.memory_space<vmem>>, vector<1x16xi32>,
    %add3A_296 = arith.constant 48 : i32
    %add3A_297 = arith.addi %mul3A_229, %add3A_296 : i32
    %get3A_298 = arith.index_cast %shift_right_logical3A_224 : i32 to index
    %get3A_299 = arith.index_cast %add3A_297 : i32 to index
    %get3A_300 = tpu.vector_load %arg5[%get3A_298, %get3A_299] {strides = array<i32>} : memref<85x128xi32, #tpu.memory_space<vmem>>, vector<1x16xi32>,
    %get3A_301 = vector.shape_cast %get3A_300 : vector<1x16xi32> to vector<16xi32>
    %and3A_302 = arith.andi %get3A_301, %broadcast_in_dim3A_1 : vector<16xi32>
    %swap3A_303 = arith.constant 2 : i32
    %swap3A_304 = arith.index_cast %swap3A_303 : i32 to index
    %swap3A_305 = arith.constant 48 : index
    %swap3A_306 = tpu.vector_load %arg6[%swap3A_304, %swap3A_305] {strides = array<i32>} : memref<3x64xi32, #tpu.memory_space<vmem>>, vector<1x16xi32>,
    %swap3A_307 = vector.shape_cast %swap3A_306 : vector<1x16xi32> to vector<16xi32>
    %swap3A_308 = vector.shape_cast %and3A_302 : vector<16xi32> to vector<1x16xi32>
    tpu.vector_store %arg6[%swap3A_304, %swap3A_305], %swap3A_308 {strides = array<i32>} : memref<3x64xi32, #tpu.memory_space<vmem>>, vector<1x16xi32>,
    %shift_right_logical3A_309 = arith.constant 16 : i32
    %shift_right_logical3A_310 = vector.broadcast %shift_right_logical3A_309 : i32 to vector<16xi32>
    %shift_right_logical3A_311 = arith.shrui %get3A_301, %shift_right_logical3A_310 : vector<16xi32>
    %swap3A_312 = arith.constant 2 : i32
    %swap3A_313 = arith.index_cast %swap3A_312 : i32 to index
    %swap3A_314 = arith.constant 48 : index
    %swap3A_315 = tpu.vector_load %arg7[%swap3A_313, %swap3A_314] {strides = array<i32>} : memref<3x64xi32, #tpu.memory_space<vmem>>, vector<1x16xi32>,
    %swap3A_316 = vector.shape_cast %swap3A_315 : vector<1x16xi32> to vector<16xi32>
    %swap3A_317 = vector.shape_cast %shift_right_logical3A_311 : vector<16xi32> to vector<1x16xi32>
    tpu.vector_store %arg7[%swap3A_313, %swap3A_314], %swap3A_317 {strides = array<i32>} : memref<3x64xi32, #tpu.memory_space<vmem>>, vector<1x16xi32>,
    %dma_start3A_318 = arith.constant 2 : i32
    %dma_start3A_319 = arith.constant 2 : i32
    %dma_start3A_320 = arith.constant 0 : i32
    %dma_start3A_321 = arith.constant 0 : i32
    %dma_start3A_322 = tpu.memref_slice %arg8[%dma_start3A_319, %dma_start3A_320, %dma_start3A_321] : memref<3x64x128xf32, #tpu.memory_space<vmem>> -> memref<1x64x128xf32, #tpu.memory_space<vmem>>
    %dma_start3A_323 = tpu.memref_squeeze %dma_start3A_322 : memref<1x64x128xf32, #tpu.memory_space<vmem>> -> memref<64x128xf32, #tpu.memory_space<vmem>>
    %dma_start3A_324 = arith.constant 0 : i32
    %dma_start3A_325 = tpu.memref_slice %arg6[%dma_start3A_318, %dma_start3A_324] : memref<3x64xi32, #tpu.memory_space<vmem>> -> memref<1x64xi32, #tpu.memory_space<vmem>>
    %dma_start3A_326 = tpu.memref_squeeze %dma_start3A_325 : memref<1x64xi32, #tpu.memory_space<vmem>> -> memref<64xi32, #tpu.memory_space<vmem>>
    %dma_start3A_327 = arith.constant 0 : i32
    %dma_start3A_328 = arith.constant 0 : i32
    %dma_start3A_329 = tpu.memref_slice %arg2[%dma_start3A_327, %dma_start3A_328] : memref<10816x128xf32, #tpu.memory_space<hbm>> -> memref<10816x128xf32, #tpu.memory_space<hbm>>
    tpu.enqueue_indirect_dma source(%dma_start3A_329 : memref<10816x128xf32, #tpu.memory_space<hbm>>) target(%dma_start3A_323 : memref<64x128xf32, #tpu.memory_space<vmem>>) offsets(%dma_start3A_326 : memref<64xi32, #tpu.memory_space<vmem>>) semaphore(%arg12 : memref<!tpu.dma_semaphore, #tpu.memory_space<semaphore_mem>>)
    %scan3A_330 = arith.constant 0 : i32
    %scan3A_331 = arith.constant 55 : i32
    %scan3A_332 = arith.addi %scan3A_330, %scan3A_331 : i32
    %scan3A_333 = arith.constant 1 : i32
    scf.for %scan3A_592 = %scan3A_330 to %scan3A_332 step %scan3A_333  : i32 {
      %mul3A_593 = arith.constant 1 : i32
      %mul3A_594 = arith.muli %scan3A_592, %mul3A_593 : i32
      %add3A_595 = arith.constant 0 : i32
      %add3A_596 = arith.addi %add3A_595, %mul3A_594 : i32
      %mul3A_597 = arith.constant 3 : i32
      %mul3A_598 = arith.muli %mul3A_597, %add3A_596 : i32
      %dma_wait3A_599 = arith.constant 0 : i32
      %dma_wait3A_600 = arith.constant 0 : i32
      %dma_wait3A_601 = arith.constant 0 : i32
      %dma_wait3A_602 = arith.constant 0 : i32
      %dma_wait3A_603 = tpu.memref_slice %arg8[%dma_wait3A_600, %dma_wait3A_601, %dma_wait3A_602] : memref<3x64x128xf32, #tpu.memory_space<vmem>> -> memref<1x64x128xf32, #tpu.memory_space<vmem>>
      %dma_wait3A_604 = tpu.memref_squeeze %dma_wait3A_603 : memref<1x64x128xf32, #tpu.memory_space<vmem>> -> memref<64x128xf32, #tpu.memory_space<vmem>>
      %dma_wait3A_605 = arith.constant 0 : i32
      %dma_wait3A_606 = tpu.memref_slice %arg6[%dma_wait3A_599, %dma_wait3A_605] : memref<3x64xi32, #tpu.memory_space<vmem>> -> memref<1x64xi32, #tpu.memory_space<vmem>>
      %dma_wait3A_607 = tpu.memref_squeeze %dma_wait3A_606 : memref<1x64xi32, #tpu.memory_space<vmem>> -> memref<64xi32, #tpu.memory_space<vmem>>
      %dma_wait3A_608 = arith.constant 0 : i32
      %dma_wait3A_609 = arith.constant 0 : i32
      %dma_wait3A_610 = tpu.memref_slice %arg2[%dma_wait3A_608, %dma_wait3A_609] : memref<10816x128xf32, #tpu.memory_space<hbm>> -> memref<10816x128xf32, #tpu.memory_space<hbm>>
      tpu.wait_indirect_dma semaphore(%arg10 : memref<!tpu.dma_semaphore, #tpu.memory_space<semaphore_mem>>) src(%dma_wait3A_610 : memref<10816x128xf32, #tpu.memory_space<hbm>>) dst(%dma_wait3A_604 : memref<64x128xf32, #tpu.memory_space<vmem>>)
      %dma_start3A_611 = arith.constant 0 : i32
      %dma_start3A_612 = arith.constant 0 : i32
      %dma_start3A_613 = arith.constant 0 : i32
      %dma_start3A_614 = arith.constant 0 : i32
      %dma_start3A_615 = tpu.memref_slice %arg8[%dma_start3A_611, %dma_start3A_613, %dma_start3A_614] : memref<3x64x128xf32, #tpu.memory_space<vmem>> -> memref<1x64x128xf32, #tpu.memory_space<vmem>>
      %dma_start3A_616 = tpu.memref_squeeze %dma_start3A_615 : memref<1x64x128xf32, #tpu.memory_space<vmem>> -> memref<64x128xf32, #tpu.memory_space<vmem>>
      %dma_start3A_617 = arith.constant 0 : i32
      %dma_start3A_618 = tpu.memref_slice %arg7[%dma_start3A_612, %dma_start3A_617] : memref<3x64xi32, #tpu.memory_space<vmem>> -> memref<1x64xi32, #tpu.memory_space<vmem>>
      %dma_start3A_619 = tpu.memref_squeeze %dma_start3A_618 : memref<1x64xi32, #tpu.memory_space<vmem>> -> memref<64xi32, #tpu.memory_space<vmem>>
      %dma_start3A_620 = arith.constant 0 : i32
      %dma_start3A_621 = arith.constant 0 : i32
      %dma_start3A_622 = tpu.memref_slice %arg9[%dma_start3A_620, %dma_start3A_621] : memref<10816x128xf32, #tpu.memory_space<vmem_shared>> -> memref<10816x128xf32, #tpu.memory_space<vmem_shared>>
      tpu.enqueue_indirect_dma source(%dma_start3A_616 : memref<64x128xf32, #tpu.memory_space<vmem>>) target(%dma_start3A_622 : memref<10816x128xf32, #tpu.memory_space<vmem_shared>>) offsets(%dma_start3A_619 : memref<64xi32, #tpu.memory_space<vmem>>) semaphore(%arg13 : memref<!tpu.dma_semaphore, #tpu.memory_space<semaphore_mem>>) {add = true}
      %dma_wait3A_623 = arith.constant 1 : i32
      %dma_wait3A_624 = arith.constant 1 : i32
      %dma_wait3A_625 = arith.constant 0 : i32
      %dma_wait3A_626 = arith.constant 0 : i32
      %dma_wait3A_627 = tpu.memref_slice %arg8[%dma_wait3A_624, %dma_wait3A_625, %dma_wait3A_626] : memref<3x64x128xf32, #tpu.memory_space<vmem>> -> memref<1x64x128xf32, #tpu.memory_space<vmem>>
      %dma_wait3A_628 = tpu.memref_squeeze %dma_wait3A_627 : memref<1x64x128xf32, #tpu.memory_space<vmem>> -> memref<64x128xf32, #tpu.memory_space<vmem>>
      %dma_wait3A_629 = arith.constant 0 : i32
      %dma_wait3A_630 = tpu.memref_slice %arg6[%dma_wait3A_623, %dma_wait3A_629] : memref<3x64xi32, #tpu.memory_space<vmem>> -> memref<1x64xi32, #tpu.memory_space<vmem>>
      %dma_wait3A_631 = tpu.memref_squeeze %dma_wait3A_630 : memref<1x64xi32, #tpu.memory_space<vmem>> -> memref<64xi32, #tpu.memory_space<vmem>>
      %dma_wait3A_632 = arith.constant 0 : i32
      %dma_wait3A_633 = arith.constant 0 : i32
      %dma_wait3A_634 = tpu.memref_slice %arg2[%dma_wait3A_632, %dma_wait3A_633] : memref<10816x128xf32, #tpu.memory_space<hbm>> -> memref<10816x128xf32, #tpu.memory_space<hbm>>
      tpu.wait_indirect_dma semaphore(%arg11 : memref<!tpu.dma_semaphore, #tpu.memory_space<semaphore_mem>>) src(%dma_wait3A_634 : memref<10816x128xf32, #tpu.memory_space<hbm>>) dst(%dma_wait3A_628 : memref<64x128xf32, #tpu.memory_space<vmem>>)
      %dma_start3A_635 = arith.constant 1 : i32
      %dma_start3A_636 = arith.constant 1 : i32
      %dma_start3A_637 = arith.constant 0 : i32
      %dma_start3A_638 = arith.constant 0 : i32
      %dma_start3A_639 = tpu.memref_slice %arg8[%dma_start3A_635, %dma_start3A_637, %dma_start3A_638] : memref<3x64x128xf32, #tpu.memory_space<vmem>> -> memref<1x64x128xf32, #tpu.memory_space<vmem>>
      %dma_start3A_640 = tpu.memref_squeeze %dma_start3A_639 : memref<1x64x128xf32, #tpu.memory_space<vmem>> -> memref<64x128xf32, #tpu.memory_space<vmem>>
      %dma_start3A_641 = arith.constant 0 : i32
      %dma_start3A_642 = tpu.memref_slice %arg7[%dma_start3A_636, %dma_start3A_641] : memref<3x64xi32, #tpu.memory_space<vmem>> -> memref<1x64xi32, #tpu.memory_space<vmem>>
      %dma_start3A_643 = tpu.memref_squeeze %dma_start3A_642 : memref<1x64xi32, #tpu.memory_space<vmem>> -> memref<64xi32, #tpu.memory_space<vmem>>
      %dma_start3A_644 = arith.constant 0 : i32
      %dma_start3A_645 = arith.constant 0 : i32
      %dma_start3A_646 = tpu.memref_slice %arg9[%dma_start3A_644, %dma_start3A_645] : memref<10816x128xf32, #tpu.memory_space<vmem_shared>> -> memref<10816x128xf32, #tpu.memory_space<vmem_shared>>
      tpu.enqueue_indirect_dma source(%dma_start3A_640 : memref<64x128xf32, #tpu.memory_space<vmem>>) target(%dma_start3A_646 : memref<10816x128xf32, #tpu.memory_space<vmem_shared>>) offsets(%dma_start3A_643 : memref<64xi32, #tpu.memory_space<vmem>>) semaphore(%arg14 : memref<!tpu.dma_semaphore, #tpu.memory_space<semaphore_mem>>) {add = true}
      %dma_wait3A_647 = arith.constant 2 : i32
      %dma_wait3A_648 = arith.constant 2 : i32
      %dma_wait3A_649 = arith.constant 0 : i32
      %dma_wait3A_650 = arith.constant 0 : i32
      %dma_wait3A_651 = tpu.memref_slice %arg8[%dma_wait3A_648, %dma_wait3A_649, %dma_wait3A_650] : memref<3x64x128xf32, #tpu.memory_space<vmem>> -> memref<1x64x128xf32, #tpu.memory_space<vmem>>
      %dma_wait3A_652 = tpu.memref_squeeze %dma_wait3A_651 : memref<1x64x128xf32, #tpu.memory_space<vmem>> -> memref<64x128xf32, #tpu.memory_space<vmem>>
      %dma_wait3A_653 = arith.constant 0 : i32
      %dma_wait3A_654 = tpu.memref_slice %arg6[%dma_wait3A_647, %dma_wait3A_653] : memref<3x64xi32, #tpu.memory_space<vmem>> -> memref<1x64xi32, #tpu.memory_space<vmem>>
      %dma_wait3A_655 = tpu.memref_squeeze %dma_wait3A_654 : memref<1x64xi32, #tpu.memory_space<vmem>> -> memref<64xi32, #tpu.memory_space<vmem>>
      %dma_wait3A_656 = arith.constant 0 : i32
      %dma_wait3A_657 = arith.constant 0 : i32
      %dma_wait3A_658 = tpu.memref_slice %arg2[%dma_wait3A_656, %dma_wait3A_657] : memref<10816x128xf32, #tpu.memory_space<hbm>> -> memref<10816x128xf32, #tpu.memory_space<hbm>>
      tpu.wait_indirect_dma semaphore(%arg12 : memref<!tpu.dma_semaphore, #tpu.memory_space<semaphore_mem>>) src(%dma_wait3A_658 : memref<10816x128xf32, #tpu.memory_space<hbm>>) dst(%dma_wait3A_652 : memref<64x128xf32, #tpu.memory_space<vmem>>)
      %dma_start3A_659 = arith.constant 2 : i32
      %dma_start3A_660 = arith.constant 2 : i32
      %dma_start3A_661 = arith.constant 0 : i32
      %dma_start3A_662 = arith.constant 0 : i32
      %dma_start3A_663 = tpu.memref_slice %arg8[%dma_start3A_659, %dma_start3A_661, %dma_start3A_662] : memref<3x64x128xf32, #tpu.memory_space<vmem>> -> memref<1x64x128xf32, #tpu.memory_space<vmem>>
      %dma_start3A_664 = tpu.memref_squeeze %dma_start3A_663 : memref<1x64x128xf32, #tpu.memory_space<vmem>> -> memref<64x128xf32, #tpu.memory_space<vmem>>
      %dma_start3A_665 = arith.constant 0 : i32
      %dma_start3A_666 = tpu.memref_slice %arg7[%dma_start3A_660, %dma_start3A_665] : memref<3x64xi32, #tpu.memory_space<vmem>> -> memref<1x64xi32, #tpu.memory_space<vmem>>
      %dma_start3A_667 = tpu.memref_squeeze %dma_start3A_666 : memref<1x64xi32, #tpu.memory_space<vmem>> -> memref<64xi32, #tpu.memory_space<vmem>>
      %dma_start3A_668 = arith.constant 0 : i32
      %dma_start3A_669 = arith.constant 0 : i32
      %dma_start3A_670 = tpu.memref_slice %arg9[%dma_start3A_668, %dma_start3A_669] : memref<10816x128xf32, #tpu.memory_space<vmem_shared>> -> memref<10816x128xf32, #tpu.memory_space<vmem_shared>>
      tpu.enqueue_indirect_dma source(%dma_start3A_664 : memref<64x128xf32, #tpu.memory_space<vmem>>) target(%dma_start3A_670 : memref<10816x128xf32, #tpu.memory_space<vmem_shared>>) offsets(%dma_start3A_667 : memref<64xi32, #tpu.memory_space<vmem>>) semaphore(%arg15 : memref<!tpu.dma_semaphore, #tpu.memory_space<semaphore_mem>>) {add = true}
      %dma_wait3A_671 = arith.constant 0 : i32
      %dma_wait3A_672 = arith.constant 0 : i32
      %dma_wait3A_673 = arith.constant 0 : i32
      %dma_wait3A_674 = arith.constant 0 : i32
      %dma_wait3A_675 = tpu.memref_slice %arg8[%dma_wait3A_671, %dma_wait3A_673, %dma_wait3A_674] : memref<3x64x128xf32, #tpu.memory_space<vmem>> -> memref<1x64x128xf32, #tpu.memory_space<vmem>>
      %dma_wait3A_676 = tpu.memref_squeeze %dma_wait3A_675 : memref<1x64x128xf32, #tpu.memory_space<vmem>> -> memref<64x128xf32, #tpu.memory_space<vmem>>
      %dma_wait3A_677 = arith.constant 0 : i32
      %dma_wait3A_678 = tpu.memref_slice %arg7[%dma_wait3A_672, %dma_wait3A_677] : memref<3x64xi32, #tpu.memory_space<vmem>> -> memref<1x64xi32, #tpu.memory_space<vmem>>
      %dma_wait3A_679 = tpu.memref_squeeze %dma_wait3A_678 : memref<1x64xi32, #tpu.memory_space<vmem>> -> memref<64xi32, #tpu.memory_space<vmem>>
      %dma_wait3A_680 = arith.constant 0 : i32
      %dma_wait3A_681 = arith.constant 0 : i32
      %dma_wait3A_682 = tpu.memref_slice %arg9[%dma_wait3A_680, %dma_wait3A_681] : memref<10816x128xf32, #tpu.memory_space<vmem_shared>> -> memref<10816x128xf32, #tpu.memory_space<vmem_shared>>
      tpu.wait_indirect_dma semaphore(%arg13 : memref<!tpu.dma_semaphore, #tpu.memory_space<semaphore_mem>>) src(%dma_wait3A_676 : memref<64x128xf32, #tpu.memory_space<vmem>>) dst(%dma_wait3A_682 : memref<10816x128xf32, #tpu.memory_space<vmem_shared>>)
      %add3A_683 = arith.constant 3 : i32
      %add3A_684 = arith.addi %mul3A_598, %add3A_683 : i32
      %add3A_685 = arith.constant 0 : i32
      %add3A_686 = arith.addi %add3A_684, %add3A_685 : i32
      %shift_right_logical3A_687 = arith.constant 1 : i32
      %shift_right_logical3A_688 = arith.shrui %add3A_686, %shift_right_logical3A_687 : i32
      %and3A_689 = arith.constant 1 : i32
      %and3A_690 = arith.andi %add3A_686, %and3A_689 : i32
      %mul3A_691 = arith.constant 64 : i32
      %mul3A_692 = arith.muli %and3A_690, %mul3A_691 : i32
      %add3A_693 = arith.constant 0 : i32
      %add3A_694 = arith.addi %mul3A_692, %add3A_693 : i32
      %get3A_695 = arith.index_cast %shift_right_logical3A_688 : i32 to index
      %get3A_696 = arith.index_cast %add3A_694 : i32 to index
      %get3A_697 = tpu.vector_load %arg5[%get3A_695, %get3A_696] {strides = array<i32>} : memref<85x128xi32, #tpu.memory_space<vmem>>, vector<1x16xi32>,
      %get3A_698 = vector.shape_cast %get3A_697 : vector<1x16xi32> to vector<16xi32>
      %and3A_699 = arith.andi %get3A_698, %broadcast_in_dim3A_1 : vector<16xi32>
      %swap3A_700 = arith.constant 0 : i32
      %swap3A_701 = arith.index_cast %swap3A_700 : i32 to index
      %swap3A_702 = arith.constant 0 : index
      %swap3A_703 = tpu.vector_load %arg6[%swap3A_701, %swap3A_702] {strides = array<i32>} : memref<3x64xi32, #tpu.memory_space<vmem>>, vector<1x16xi32>,
      %swap3A_704 = vector.shape_cast %swap3A_703 : vector<1x16xi32> to vector<16xi32>
      %swap3A_705 = vector.shape_cast %and3A_699 : vector<16xi32> to vector<1x16xi32>
      tpu.vector_store %arg6[%swap3A_701, %swap3A_702], %swap3A_705 {strides = array<i32>} : memref<3x64xi32, #tpu.memory_space<vmem>>, vector<1x16xi32>,
      %shift_right_logical3A_706 = arith.constant 16 : i32
      %shift_right_logical3A_707 = vector.broadcast %shift_right_logical3A_706 : i32 to vector<16xi32>
      %shift_right_logical3A_708 = arith.shrui %get3A_698, %shift_right_logical3A_707 : vector<16xi32>
      %swap3A_709 = arith.constant 0 : i32
      %swap3A_710 = arith.index_cast %swap3A_709 : i32 to index
      %swap3A_711 = arith.constant 0 : index
      %swap3A_712 = tpu.vector_load %arg7[%swap3A_710, %swap3A_711] {strides = array<i32>} : memref<3x64xi32, #tpu.memory_space<vmem>>, vector<1x16xi32>,
      %swap3A_713 = vector.shape_cast %swap3A_712 : vector<1x16xi32> to vector<16xi32>
      %swap3A_714 = vector.shape_cast %shift_right_logical3A_708 : vector<16xi32> to vector<1x16xi32>
      tpu.vector_store %arg7[%swap3A_710, %swap3A_711], %swap3A_714 {strides = array<i32>} : memref<3x64xi32, #tpu.memory_space<vmem>>, vector<1x16xi32>,
      %add3A_715 = arith.constant 16 : i32
      %add3A_716 = arith.addi %mul3A_692, %add3A_715 : i32
      %get3A_717 = arith.index_cast %shift_right_logical3A_688 : i32 to index
      %get3A_718 = arith.index_cast %add3A_716 : i32 to index
      %get3A_719 = tpu.vector_load %arg5[%get3A_717, %get3A_718] {strides = array<i32>} : memref<85x128xi32, #tpu.memory_space<vmem>>, vector<1x16xi32>,
      %get3A_720 = vector.shape_cast %get3A_719 : vector<1x16xi32> to vector<16xi32>
      %and3A_721 = arith.andi %get3A_720, %broadcast_in_dim3A_1 : vector<16xi32>
      %swap3A_722 = arith.constant 0 : i32
      %swap3A_723 = arith.index_cast %swap3A_722 : i32 to index
      %swap3A_724 = arith.constant 16 : index
      %swap3A_725 = tpu.vector_load %arg6[%swap3A_723, %swap3A_724] {strides = array<i32>} : memref<3x64xi32, #tpu.memory_space<vmem>>, vector<1x16xi32>,
      %swap3A_726 = vector.shape_cast %swap3A_725 : vector<1x16xi32> to vector<16xi32>
      %swap3A_727 = vector.shape_cast %and3A_721 : vector<16xi32> to vector<1x16xi32>
      tpu.vector_store %arg6[%swap3A_723, %swap3A_724], %swap3A_727 {strides = array<i32>} : memref<3x64xi32, #tpu.memory_space<vmem>>, vector<1x16xi32>,
      %shift_right_logical3A_728 = arith.constant 16 : i32
      %shift_right_logical3A_729 = vector.broadcast %shift_right_logical3A_728 : i32 to vector<16xi32>
      %shift_right_logical3A_730 = arith.shrui %get3A_720, %shift_right_logical3A_729 : vector<16xi32>
      %swap3A_731 = arith.constant 0 : i32
      %swap3A_732 = arith.index_cast %swap3A_731 : i32 to index
      %swap3A_733 = arith.constant 16 : index
      %swap3A_734 = tpu.vector_load %arg7[%swap3A_732, %swap3A_733] {strides = array<i32>} : memref<3x64xi32, #tpu.memory_space<vmem>>, vector<1x16xi32>,
      %swap3A_735 = vector.shape_cast %swap3A_734 : vector<1x16xi32> to vector<16xi32>
      %swap3A_736 = vector.shape_cast %shift_right_logical3A_730 : vector<16xi32> to vector<1x16xi32>
      tpu.vector_store %arg7[%swap3A_732, %swap3A_733], %swap3A_736 {strides = array<i32>} : memref<3x64xi32, #tpu.memory_space<vmem>>, vector<1x16xi32>,
      %add3A_737 = arith.constant 32 : i32
      %add3A_738 = arith.addi %mul3A_692, %add3A_737 : i32
      %get3A_739 = arith.index_cast %shift_right_logical3A_688 : i32 to index
      %get3A_740 = arith.index_cast %add3A_738 : i32 to index
      %get3A_741 = tpu.vector_load %arg5[%get3A_739, %get3A_740] {strides = array<i32>} : memref<85x128xi32, #tpu.memory_space<vmem>>, vector<1x16xi32>,
      %get3A_742 = vector.shape_cast %get3A_741 : vector<1x16xi32> to vector<16xi32>
      %and3A_743 = arith.andi %get3A_742, %broadcast_in_dim3A_1 : vector<16xi32>
      %swap3A_744 = arith.constant 0 : i32
      %swap3A_745 = arith.index_cast %swap3A_744 : i32 to index
      %swap3A_746 = arith.constant 32 : index
      %swap3A_747 = tpu.vector_load %arg6[%swap3A_745, %swap3A_746] {strides = array<i32>} : memref<3x64xi32, #tpu.memory_space<vmem>>, vector<1x16xi32>,
      %swap3A_748 = vector.shape_cast %swap3A_747 : vector<1x16xi32> to vector<16xi32>
      %swap3A_749 = vector.shape_cast %and3A_743 : vector<16xi32> to vector<1x16xi32>
      tpu.vector_store %arg6[%swap3A_745, %swap3A_746], %swap3A_749 {strides = array<i32>} : memref<3x64xi32, #tpu.memory_space<vmem>>, vector<1x16xi32>,
      %shift_right_logical3A_750 = arith.constant 16 : i32
      %shift_right_logical3A_751 = vector.broadcast %shift_right_logical3A_750 : i32 to vector<16xi32>
      %shift_right_logical3A_752 = arith.shrui %get3A_742, %shift_right_logical3A_751 : vector<16xi32>
      %swap3A_753 = arith.constant 0 : i32
      %swap3A_754 = arith.index_cast %swap3A_753 : i32 to index
      %swap3A_755 = arith.constant 32 : index
      %swap3A_756 = tpu.vector_load %arg7[%swap3A_754, %swap3A_755] {strides = array<i32>} : memref<3x64xi32, #tpu.memory_space<vmem>>, vector<1x16xi32>,
      %swap3A_757 = vector.shape_cast %swap3A_756 : vector<1x16xi32> to vector<16xi32>
      %swap3A_758 = vector.shape_cast %shift_right_logical3A_752 : vector<16xi32> to vector<1x16xi32>
      tpu.vector_store %arg7[%swap3A_754, %swap3A_755], %swap3A_758 {strides = array<i32>} : memref<3x64xi32, #tpu.memory_space<vmem>>, vector<1x16xi32>,
      %add3A_759 = arith.constant 48 : i32
      %add3A_760 = arith.addi %mul3A_692, %add3A_759 : i32
      %get3A_761 = arith.index_cast %shift_right_logical3A_688 : i32 to index
      %get3A_762 = arith.index_cast %add3A_760 : i32 to index
      %get3A_763 = tpu.vector_load %arg5[%get3A_761, %get3A_762] {strides = array<i32>} : memref<85x128xi32, #tpu.memory_space<vmem>>, vector<1x16xi32>,
      %get3A_764 = vector.shape_cast %get3A_763 : vector<1x16xi32> to vector<16xi32>
      %and3A_765 = arith.andi %get3A_764, %broadcast_in_dim3A_1 : vector<16xi32>
      %swap3A_766 = arith.constant 0 : i32
      %swap3A_767 = arith.index_cast %swap3A_766 : i32 to index
      %swap3A_768 = arith.constant 48 : index
      %swap3A_769 = tpu.vector_load %arg6[%swap3A_767, %swap3A_768] {strides = array<i32>} : memref<3x64xi32, #tpu.memory_space<vmem>>, vector<1x16xi32>,
      %swap3A_770 = vector.shape_cast %swap3A_769 : vector<1x16xi32> to vector<16xi32>
      %swap3A_771 = vector.shape_cast %and3A_765 : vector<16xi32> to vector<1x16xi32>
      tpu.vector_store %arg6[%swap3A_767, %swap3A_768], %swap3A_771 {strides = array<i32>} : memref<3x64xi32, #tpu.memory_space<vmem>>, vector<1x16xi32>,
      %shift_right_logical3A_772 = arith.constant 16 : i32
      %shift_right_logical3A_773 = vector.broadcast %shift_right_logical3A_772 : i32 to vector<16xi32>
      %shift_right_logical3A_774 = arith.shrui %get3A_764, %shift_right_logical3A_773 : vector<16xi32>
      %swap3A_775 = arith.constant 0 : i32
      %swap3A_776 = arith.index_cast %swap3A_775 : i32 to index
      %swap3A_777 = arith.constant 48 : index
      %swap3A_778 = tpu.vector_load %arg7[%swap3A_776, %swap3A_777] {strides = array<i32>} : memref<3x64xi32, #tpu.memory_space<vmem>>, vector<1x16xi32>,
      %swap3A_779 = vector.shape_cast %swap3A_778 : vector<1x16xi32> to vector<16xi32>
      %swap3A_780 = vector.shape_cast %shift_right_logical3A_774 : vector<16xi32> to vector<1x16xi32>
      tpu.vector_store %arg7[%swap3A_776, %swap3A_777], %swap3A_780 {strides = array<i32>} : memref<3x64xi32, #tpu.memory_space<vmem>>, vector<1x16xi32>,
      %dma_start3A_781 = arith.constant 0 : i32
      %dma_start3A_782 = arith.constant 0 : i32
      %dma_start3A_783 = arith.constant 0 : i32
      %dma_start3A_784 = arith.constant 0 : i32
      %dma_start3A_785 = tpu.memref_slice %arg8[%dma_start3A_782, %dma_start3A_783, %dma_start3A_784] : memref<3x64x128xf32, #tpu.memory_space<vmem>> -> memref<1x64x128xf32, #tpu.memory_space<vmem>>
      %dma_start3A_786 = tpu.memref_squeeze %dma_start3A_785 : memref<1x64x128xf32, #tpu.memory_space<vmem>> -> memref<64x128xf32, #tpu.memory_space<vmem>>
      %dma_start3A_787 = arith.constant 0 : i32
      %dma_start3A_788 = tpu.memref_slice %arg6[%dma_start3A_781, %dma_start3A_787] : memref<3x64xi32, #tpu.memory_space<vmem>> -> memref<1x64xi32, #tpu.memory_space<vmem>>
      %dma_start3A_789 = tpu.memref_squeeze %dma_start3A_788 : memref<1x64xi32, #tpu.memory_space<vmem>> -> memref<64xi32, #tpu.memory_space<vmem>>
      %dma_start3A_790 = arith.constant 0 : i32
      %dma_start3A_791 = arith.constant 0 : i32
      %dma_start3A_792 = tpu.memref_slice %arg2[%dma_start3A_790, %dma_start3A_791] : memref<10816x128xf32, #tpu.memory_space<hbm>> -> memref<10816x128xf32, #tpu.memory_space<hbm>>
      tpu.enqueue_indirect_dma source(%dma_start3A_792 : memref<10816x128xf32, #tpu.memory_space<hbm>>) target(%dma_start3A_786 : memref<64x128xf32, #tpu.memory_space<vmem>>) offsets(%dma_start3A_789 : memref<64xi32, #tpu.memory_space<vmem>>) semaphore(%arg10 : memref<!tpu.dma_semaphore, #tpu.memory_space<semaphore_mem>>)
      %dma_wait3A_793 = arith.constant 1 : i32
      %dma_wait3A_794 = arith.constant 1 : i32
      %dma_wait3A_795 = arith.constant 0 : i32
      %dma_wait3A_796 = arith.constant 0 : i32
      %dma_wait3A_797 = tpu.memref_slice %arg8[%dma_wait3A_793, %dma_wait3A_795, %dma_wait3A_796] : memref<3x64x128xf32, #tpu.memory_space<vmem>> -> memref<1x64x128xf32, #tpu.memory_space<vmem>>
      %dma_wait3A_798 = tpu.memref_squeeze %dma_wait3A_797 : memref<1x64x128xf32, #tpu.memory_space<vmem>> -> memref<64x128xf32, #tpu.memory_space<vmem>>
      %dma_wait3A_799 = arith.constant 0 : i32
      %dma_wait3A_800 = tpu.memref_slice %arg7[%dma_wait3A_794, %dma_wait3A_799] : memref<3x64xi32, #tpu.memory_space<vmem>> -> memref<1x64xi32, #tpu.memory_space<vmem>>
      %dma_wait3A_801 = tpu.memref_squeeze %dma_wait3A_800 : memref<1x64xi32, #tpu.memory_space<vmem>> -> memref<64xi32, #tpu.memory_space<vmem>>
      %dma_wait3A_802 = arith.constant 0 : i32
      %dma_wait3A_803 = arith.constant 0 : i32
      %dma_wait3A_804 = tpu.memref_slice %arg9[%dma_wait3A_802, %dma_wait3A_803] : memref<10816x128xf32, #tpu.memory_space<vmem_shared>> -> memref<10816x128xf32, #tpu.memory_space<vmem_shared>>
      tpu.wait_indirect_dma semaphore(%arg14 : memref<!tpu.dma_semaphore, #tpu.memory_space<semaphore_mem>>) src(%dma_wait3A_798 : memref<64x128xf32, #tpu.memory_space<vmem>>) dst(%dma_wait3A_804 : memref<10816x128xf32, #tpu.memory_space<vmem_shared>>)
      %add3A_805 = arith.constant 3 : i32
      %add3A_806 = arith.addi %mul3A_598, %add3A_805 : i32
      %add3A_807 = arith.constant 1 : i32
      %add3A_808 = arith.addi %add3A_806, %add3A_807 : i32
      %shift_right_logical3A_809 = arith.constant 1 : i32
      %shift_right_logical3A_810 = arith.shrui %add3A_808, %shift_right_logical3A_809 : i32
      %and3A_811 = arith.constant 1 : i32
      %and3A_812 = arith.andi %add3A_808, %and3A_811 : i32
      %mul3A_813 = arith.constant 64 : i32
      %mul3A_814 = arith.muli %and3A_812, %mul3A_813 : i32
      %add3A_815 = arith.constant 0 : i32
      %add3A_816 = arith.addi %mul3A_814, %add3A_815 : i32
      %get3A_817 = arith.index_cast %shift_right_logical3A_810 : i32 to index
      %get3A_818 = arith.index_cast %add3A_816 : i32 to index
      %get3A_819 = tpu.vector_load %arg5[%get3A_817, %get3A_818] {strides = array<i32>} : memref<85x128xi32, #tpu.memory_space<vmem>>, vector<1x16xi32>,
      %get3A_820 = vector.shape_cast %get3A_819 : vector<1x16xi32> to vector<16xi32>
      %and3A_821 = arith.andi %get3A_820, %broadcast_in_dim3A_1 : vector<16xi32>
      %swap3A_822 = arith.constant 1 : i32
      %swap3A_823 = arith.index_cast %swap3A_822 : i32 to index
      %swap3A_824 = arith.constant 0 : index
      %swap3A_825 = tpu.vector_load %arg6[%swap3A_823, %swap3A_824] {strides = array<i32>} : memref<3x64xi32, #tpu.memory_space<vmem>>, vector<1x16xi32>,
      %swap3A_826 = vector.shape_cast %swap3A_825 : vector<1x16xi32> to vector<16xi32>
      %swap3A_827 = vector.shape_cast %and3A_821 : vector<16xi32> to vector<1x16xi32>
      tpu.vector_store %arg6[%swap3A_823, %swap3A_824], %swap3A_827 {strides = array<i32>} : memref<3x64xi32, #tpu.memory_space<vmem>>, vector<1x16xi32>,
      %shift_right_logical3A_828 = arith.constant 16 : i32
      %shift_right_logical3A_829 = vector.broadcast %shift_right_logical3A_828 : i32 to vector<16xi32>
      %shift_right_logical3A_830 = arith.shrui %get3A_820, %shift_right_logical3A_829 : vector<16xi32>
      %swap3A_831 = arith.constant 1 : i32
      %swap3A_832 = arith.index_cast %swap3A_831 : i32 to index
      %swap3A_833 = arith.constant 0 : index
      %swap3A_834 = tpu.vector_load %arg7[%swap3A_832, %swap3A_833] {strides = array<i32>} : memref<3x64xi32, #tpu.memory_space<vmem>>, vector<1x16xi32>,
      %swap3A_835 = vector.shape_cast %swap3A_834 : vector<1x16xi32> to vector<16xi32>
      %swap3A_836 = vector.shape_cast %shift_right_logical3A_830 : vector<16xi32> to vector<1x16xi32>
      tpu.vector_store %arg7[%swap3A_832, %swap3A_833], %swap3A_836 {strides = array<i32>} : memref<3x64xi32, #tpu.memory_space<vmem>>, vector<1x16xi32>,
      %add3A_837 = arith.constant 16 : i32
      %add3A_838 = arith.addi %mul3A_814, %add3A_837 : i32
      %get3A_839 = arith.index_cast %shift_right_logical3A_810 : i32 to index
      %get3A_840 = arith.index_cast %add3A_838 : i32 to index
      %get3A_841 = tpu.vector_load %arg5[%get3A_839, %get3A_840] {strides = array<i32>} : memref<85x128xi32, #tpu.memory_space<vmem>>, vector<1x16xi32>,
      %get3A_842 = vector.shape_cast %get3A_841 : vector<1x16xi32> to vector<16xi32>
      %and3A_843 = arith.andi %get3A_842, %broadcast_in_dim3A_1 : vector<16xi32>
      %swap3A_844 = arith.constant 1 : i32
      %swap3A_845 = arith.index_cast %swap3A_844 : i32 to index
      %swap3A_846 = arith.constant 16 : index
      %swap3A_847 = tpu.vector_load %arg6[%swap3A_845, %swap3A_846] {strides = array<i32>} : memref<3x64xi32, #tpu.memory_space<vmem>>, vector<1x16xi32>,
      %swap3A_848 = vector.shape_cast %swap3A_847 : vector<1x16xi32> to vector<16xi32>
      %swap3A_849 = vector.shape_cast %and3A_843 : vector<16xi32> to vector<1x16xi32>
      tpu.vector_store %arg6[%swap3A_845, %swap3A_846], %swap3A_849 {strides = array<i32>} : memref<3x64xi32, #tpu.memory_space<vmem>>, vector<1x16xi32>,
      %shift_right_logical3A_850 = arith.constant 16 : i32
      %shift_right_logical3A_851 = vector.broadcast %shift_right_logical3A_850 : i32 to vector<16xi32>
      %shift_right_logical3A_852 = arith.shrui %get3A_842, %shift_right_logical3A_851 : vector<16xi32>
      %swap3A_853 = arith.constant 1 : i32
      %swap3A_854 = arith.index_cast %swap3A_853 : i32 to index
      %swap3A_855 = arith.constant 16 : index
      %swap3A_856 = tpu.vector_load %arg7[%swap3A_854, %swap3A_855] {strides = array<i32>} : memref<3x64xi32, #tpu.memory_space<vmem>>, vector<1x16xi32>,
      %swap3A_857 = vector.shape_cast %swap3A_856 : vector<1x16xi32> to vector<16xi32>
      %swap3A_858 = vector.shape_cast %shift_right_logical3A_852 : vector<16xi32> to vector<1x16xi32>
      tpu.vector_store %arg7[%swap3A_854, %swap3A_855], %swap3A_858 {strides = array<i32>} : memref<3x64xi32, #tpu.memory_space<vmem>>, vector<1x16xi32>,
      %add3A_859 = arith.constant 32 : i32
      %add3A_860 = arith.addi %mul3A_814, %add3A_859 : i32
      %get3A_861 = arith.index_cast %shift_right_logical3A_810 : i32 to index
      %get3A_862 = arith.index_cast %add3A_860 : i32 to index
      %get3A_863 = tpu.vector_load %arg5[%get3A_861, %get3A_862] {strides = array<i32>} : memref<85x128xi32, #tpu.memory_space<vmem>>, vector<1x16xi32>,
      %get3A_864 = vector.shape_cast %get3A_863 : vector<1x16xi32> to vector<16xi32>
      %and3A_865 = arith.andi %get3A_864, %broadcast_in_dim3A_1 : vector<16xi32>
      %swap3A_866 = arith.constant 1 : i32
      %swap3A_867 = arith.index_cast %swap3A_866 : i32 to index
      %swap3A_868 = arith.constant 32 : index
      %swap3A_869 = tpu.vector_load %arg6[%swap3A_867, %swap3A_868] {strides = array<i32>} : memref<3x64xi32, #tpu.memory_space<vmem>>, vector<1x16xi32>,
      %swap3A_870 = vector.shape_cast %swap3A_869 : vector<1x16xi32> to vector<16xi32>
      %swap3A_871 = vector.shape_cast %and3A_865 : vector<16xi32> to vector<1x16xi32>
      tpu.vector_store %arg6[%swap3A_867, %swap3A_868], %swap3A_871 {strides = array<i32>} : memref<3x64xi32, #tpu.memory_space<vmem>>, vector<1x16xi32>,
      %shift_right_logical3A_872 = arith.constant 16 : i32
      %shift_right_logical3A_873 = vector.broadcast %shift_right_logical3A_872 : i32 to vector<16xi32>
      %shift_right_logical3A_874 = arith.shrui %get3A_864, %shift_right_logical3A_873 : vector<16xi32>
      %swap3A_875 = arith.constant 1 : i32
      %swap3A_876 = arith.index_cast %swap3A_875 : i32 to index
      %swap3A_877 = arith.constant 32 : index
      %swap3A_878 = tpu.vector_load %arg7[%swap3A_876, %swap3A_877] {strides = array<i32>} : memref<3x64xi32, #tpu.memory_space<vmem>>, vector<1x16xi32>,
      %swap3A_879 = vector.shape_cast %swap3A_878 : vector<1x16xi32> to vector<16xi32>
      %swap3A_880 = vector.shape_cast %shift_right_logical3A_874 : vector<16xi32> to vector<1x16xi32>
      tpu.vector_store %arg7[%swap3A_876, %swap3A_877], %swap3A_880 {strides = array<i32>} : memref<3x64xi32, #tpu.memory_space<vmem>>, vector<1x16xi32>,
      %add3A_881 = arith.constant 48 : i32
      %add3A_882 = arith.addi %mul3A_814, %add3A_881 : i32
      %get3A_883 = arith.index_cast %shift_right_logical3A_810 : i32 to index
      %get3A_884 = arith.index_cast %add3A_882 : i32 to index
      %get3A_885 = tpu.vector_load %arg5[%get3A_883, %get3A_884] {strides = array<i32>} : memref<85x128xi32, #tpu.memory_space<vmem>>, vector<1x16xi32>,
      %get3A_886 = vector.shape_cast %get3A_885 : vector<1x16xi32> to vector<16xi32>
      %and3A_887 = arith.andi %get3A_886, %broadcast_in_dim3A_1 : vector<16xi32>
      %swap3A_888 = arith.constant 1 : i32
      %swap3A_889 = arith.index_cast %swap3A_888 : i32 to index
      %swap3A_890 = arith.constant 48 : index
      %swap3A_891 = tpu.vector_load %arg6[%swap3A_889, %swap3A_890] {strides = array<i32>} : memref<3x64xi32, #tpu.memory_space<vmem>>, vector<1x16xi32>,
      %swap3A_892 = vector.shape_cast %swap3A_891 : vector<1x16xi32> to vector<16xi32>
      %swap3A_893 = vector.shape_cast %and3A_887 : vector<16xi32> to vector<1x16xi32>
      tpu.vector_store %arg6[%swap3A_889, %swap3A_890], %swap3A_893 {strides = array<i32>} : memref<3x64xi32, #tpu.memory_space<vmem>>, vector<1x16xi32>,
      %shift_right_logical3A_894 = arith.constant 16 : i32
      %shift_right_logical3A_895 = vector.broadcast %shift_right_logical3A_894 : i32 to vector<16xi32>
      %shift_right_logical3A_896 = arith.shrui %get3A_886, %shift_right_logical3A_895 : vector<16xi32>
      %swap3A_897 = arith.constant 1 : i32
      %swap3A_898 = arith.index_cast %swap3A_897 : i32 to index
      %swap3A_899 = arith.constant 48 : index
      %swap3A_900 = tpu.vector_load %arg7[%swap3A_898, %swap3A_899] {strides = array<i32>} : memref<3x64xi32, #tpu.memory_space<vmem>>, vector<1x16xi32>,
      %swap3A_901 = vector.shape_cast %swap3A_900 : vector<1x16xi32> to vector<16xi32>
      %swap3A_902 = vector.shape_cast %shift_right_logical3A_896 : vector<16xi32> to vector<1x16xi32>
      tpu.vector_store %arg7[%swap3A_898, %swap3A_899], %swap3A_902 {strides = array<i32>} : memref<3x64xi32, #tpu.memory_space<vmem>>, vector<1x16xi32>,
      %dma_start3A_903 = arith.constant 1 : i32
      %dma_start3A_904 = arith.constant 1 : i32
      %dma_start3A_905 = arith.constant 0 : i32
      %dma_start3A_906 = arith.constant 0 : i32
      %dma_start3A_907 = tpu.memref_slice %arg8[%dma_start3A_904, %dma_start3A_905, %dma_start3A_906] : memref<3x64x128xf32, #tpu.memory_space<vmem>> -> memref<1x64x128xf32, #tpu.memory_space<vmem>>
      %dma_start3A_908 = tpu.memref_squeeze %dma_start3A_907 : memref<1x64x128xf32, #tpu.memory_space<vmem>> -> memref<64x128xf32, #tpu.memory_space<vmem>>
      %dma_start3A_909 = arith.constant 0 : i32
      %dma_start3A_910 = tpu.memref_slice %arg6[%dma_start3A_903, %dma_start3A_909] : memref<3x64xi32, #tpu.memory_space<vmem>> -> memref<1x64xi32, #tpu.memory_space<vmem>>
      %dma_start3A_911 = tpu.memref_squeeze %dma_start3A_910 : memref<1x64xi32, #tpu.memory_space<vmem>> -> memref<64xi32, #tpu.memory_space<vmem>>
      %dma_start3A_912 = arith.constant 0 : i32
      %dma_start3A_913 = arith.constant 0 : i32
      %dma_start3A_914 = tpu.memref_slice %arg2[%dma_start3A_912, %dma_start3A_913] : memref<10816x128xf32, #tpu.memory_space<hbm>> -> memref<10816x128xf32, #tpu.memory_space<hbm>>
      tpu.enqueue_indirect_dma source(%dma_start3A_914 : memref<10816x128xf32, #tpu.memory_space<hbm>>) target(%dma_start3A_908 : memref<64x128xf32, #tpu.memory_space<vmem>>) offsets(%dma_start3A_911 : memref<64xi32, #tpu.memory_space<vmem>>) semaphore(%arg11 : memref<!tpu.dma_semaphore, #tpu.memory_space<semaphore_mem>>)
      %dma_wait3A_915 = arith.constant 2 : i32
      %dma_wait3A_916 = arith.constant 2 : i32
      %dma_wait3A_917 = arith.constant 0 : i32
      %dma_wait3A_918 = arith.constant 0 : i32
      %dma_wait3A_919 = tpu.memref_slice %arg8[%dma_wait3A_915, %dma_wait3A_917, %dma_wait3A_918] : memref<3x64x128xf32, #tpu.memory_space<vmem>> -> memref<1x64x128xf32, #tpu.memory_space<vmem>>
      %dma_wait3A_920 = tpu.memref_squeeze %dma_wait3A_919 : memref<1x64x128xf32, #tpu.memory_space<vmem>> -> memref<64x128xf32, #tpu.memory_space<vmem>>
      %dma_wait3A_921 = arith.constant 0 : i32
      %dma_wait3A_922 = tpu.memref_slice %arg7[%dma_wait3A_916, %dma_wait3A_921] : memref<3x64xi32, #tpu.memory_space<vmem>> -> memref<1x64xi32, #tpu.memory_space<vmem>>
      %dma_wait3A_923 = tpu.memref_squeeze %dma_wait3A_922 : memref<1x64xi32, #tpu.memory_space<vmem>> -> memref<64xi32, #tpu.memory_space<vmem>>
      %dma_wait3A_924 = arith.constant 0 : i32
      %dma_wait3A_925 = arith.constant 0 : i32
      %dma_wait3A_926 = tpu.memref_slice %arg9[%dma_wait3A_924, %dma_wait3A_925] : memref<10816x128xf32, #tpu.memory_space<vmem_shared>> -> memref<10816x128xf32, #tpu.memory_space<vmem_shared>>
      tpu.wait_indirect_dma semaphore(%arg15 : memref<!tpu.dma_semaphore, #tpu.memory_space<semaphore_mem>>) src(%dma_wait3A_920 : memref<64x128xf32, #tpu.memory_space<vmem>>) dst(%dma_wait3A_926 : memref<10816x128xf32, #tpu.memory_space<vmem_shared>>)
      %add3A_927 = arith.constant 3 : i32
      %add3A_928 = arith.addi %mul3A_598, %add3A_927 : i32
      %add3A_929 = arith.constant 2 : i32
      %add3A_930 = arith.addi %add3A_928, %add3A_929 : i32
      %shift_right_logical3A_931 = arith.constant 1 : i32
      %shift_right_logical3A_932 = arith.shrui %add3A_930, %shift_right_logical3A_931 : i32
      %and3A_933 = arith.constant 1 : i32
      %and3A_934 = arith.andi %add3A_930, %and3A_933 : i32
      %mul3A_935 = arith.constant 64 : i32
      %mul3A_936 = arith.muli %and3A_934, %mul3A_935 : i32
      %add3A_937 = arith.constant 0 : i32
      %add3A_938 = arith.addi %mul3A_936, %add3A_937 : i32
      %get3A_939 = arith.index_cast %shift_right_logical3A_932 : i32 to index
      %get3A_940 = arith.index_cast %add3A_938 : i32 to index
      %get3A_941 = tpu.vector_load %arg5[%get3A_939, %get3A_940] {strides = array<i32>} : memref<85x128xi32, #tpu.memory_space<vmem>>, vector<1x16xi32>,
      %get3A_942 = vector.shape_cast %get3A_941 : vector<1x16xi32> to vector<16xi32>
      %and3A_943 = arith.andi %get3A_942, %broadcast_in_dim3A_1 : vector<16xi32>
      %swap3A_944 = arith.constant 2 : i32
      %swap3A_945 = arith.index_cast %swap3A_944 : i32 to index
      %swap3A_946 = arith.constant 0 : index
      %swap3A_947 = tpu.vector_load %arg6[%swap3A_945, %swap3A_946] {strides = array<i32>} : memref<3x64xi32, #tpu.memory_space<vmem>>, vector<1x16xi32>,
      %swap3A_948 = vector.shape_cast %swap3A_947 : vector<1x16xi32> to vector<16xi32>
      %swap3A_949 = vector.shape_cast %and3A_943 : vector<16xi32> to vector<1x16xi32>
      tpu.vector_store %arg6[%swap3A_945, %swap3A_946], %swap3A_949 {strides = array<i32>} : memref<3x64xi32, #tpu.memory_space<vmem>>, vector<1x16xi32>,
      %shift_right_logical3A_950 = arith.constant 16 : i32
      %shift_right_logical3A_951 = vector.broadcast %shift_right_logical3A_950 : i32 to vector<16xi32>
      %shift_right_logical3A_952 = arith.shrui %get3A_942, %shift_right_logical3A_951 : vector<16xi32>
      %swap3A_953 = arith.constant 2 : i32
      %swap3A_954 = arith.index_cast %swap3A_953 : i32 to index
      %swap3A_955 = arith.constant 0 : index
      %swap3A_956 = tpu.vector_load %arg7[%swap3A_954, %swap3A_955] {strides = array<i32>} : memref<3x64xi32, #tpu.memory_space<vmem>>, vector<1x16xi32>,
      %swap3A_957 = vector.shape_cast %swap3A_956 : vector<1x16xi32> to vector<16xi32>
      %swap3A_958 = vector.shape_cast %shift_right_logical3A_952 : vector<16xi32> to vector<1x16xi32>
      tpu.vector_store %arg7[%swap3A_954, %swap3A_955], %swap3A_958 {strides = array<i32>} : memref<3x64xi32, #tpu.memory_space<vmem>>, vector<1x16xi32>,
      %add3A_959 = arith.constant 16 : i32
      %add3A_960 = arith.addi %mul3A_936, %add3A_959 : i32
      %get3A_961 = arith.index_cast %shift_right_logical3A_932 : i32 to index
      %get3A_962 = arith.index_cast %add3A_960 : i32 to index
      %get3A_963 = tpu.vector_load %arg5[%get3A_961, %get3A_962] {strides = array<i32>} : memref<85x128xi32, #tpu.memory_space<vmem>>, vector<1x16xi32>,
      %get3A_964 = vector.shape_cast %get3A_963 : vector<1x16xi32> to vector<16xi32>
      %and3A_965 = arith.andi %get3A_964, %broadcast_in_dim3A_1 : vector<16xi32>
      %swap3A_966 = arith.constant 2 : i32
      %swap3A_967 = arith.index_cast %swap3A_966 : i32 to index
      %swap3A_968 = arith.constant 16 : index
      %swap3A_969 = tpu.vector_load %arg6[%swap3A_967, %swap3A_968] {strides = array<i32>} : memref<3x64xi32, #tpu.memory_space<vmem>>, vector<1x16xi32>,
      %swap3A_970 = vector.shape_cast %swap3A_969 : vector<1x16xi32> to vector<16xi32>
      %swap3A_971 = vector.shape_cast %and3A_965 : vector<16xi32> to vector<1x16xi32>
      tpu.vector_store %arg6[%swap3A_967, %swap3A_968], %swap3A_971 {strides = array<i32>} : memref<3x64xi32, #tpu.memory_space<vmem>>, vector<1x16xi32>,
      %shift_right_logical3A_972 = arith.constant 16 : i32
      %shift_right_logical3A_973 = vector.broadcast %shift_right_logical3A_972 : i32 to vector<16xi32>
      %shift_right_logical3A_974 = arith.shrui %get3A_964, %shift_right_logical3A_973 : vector<16xi32>
      %swap3A_975 = arith.constant 2 : i32
      %swap3A_976 = arith.index_cast %swap3A_975 : i32 to index
      %swap3A_977 = arith.constant 16 : index
      %swap3A_978 = tpu.vector_load %arg7[%swap3A_976, %swap3A_977] {strides = array<i32>} : memref<3x64xi32, #tpu.memory_space<vmem>>, vector<1x16xi32>,
      %swap3A_979 = vector.shape_cast %swap3A_978 : vector<1x16xi32> to vector<16xi32>
      %swap3A_980 = vector.shape_cast %shift_right_logical3A_974 : vector<16xi32> to vector<1x16xi32>
      tpu.vector_store %arg7[%swap3A_976, %swap3A_977], %swap3A_980 {strides = array<i32>} : memref<3x64xi32, #tpu.memory_space<vmem>>, vector<1x16xi32>,
      %add3A_981 = arith.constant 32 : i32
      %add3A_982 = arith.addi %mul3A_936, %add3A_981 : i32
      %get3A_983 = arith.index_cast %shift_right_logical3A_932 : i32 to index
      %get3A_984 = arith.index_cast %add3A_982 : i32 to index
      %get3A_985 = tpu.vector_load %arg5[%get3A_983, %get3A_984] {strides = array<i32>} : memref<85x128xi32, #tpu.memory_space<vmem>>, vector<1x16xi32>,
      %get3A_986 = vector.shape_cast %get3A_985 : vector<1x16xi32> to vector<16xi32>
      %and3A_987 = arith.andi %get3A_986, %broadcast_in_dim3A_1 : vector<16xi32>
      %swap3A_988 = arith.constant 2 : i32
      %swap3A_989 = arith.index_cast %swap3A_988 : i32 to index
      %swap3A_990 = arith.constant 32 : index
      %swap3A_991 = tpu.vector_load %arg6[%swap3A_989, %swap3A_990] {strides = array<i32>} : memref<3x64xi32, #tpu.memory_space<vmem>>, vector<1x16xi32>,
      %swap3A_992 = vector.shape_cast %swap3A_991 : vector<1x16xi32> to vector<16xi32>
      %swap3A_993 = vector.shape_cast %and3A_987 : vector<16xi32> to vector<1x16xi32>
      tpu.vector_store %arg6[%swap3A_989, %swap3A_990], %swap3A_993 {strides = array<i32>} : memref<3x64xi32, #tpu.memory_space<vmem>>, vector<1x16xi32>,
      %shift_right_logical3A_994 = arith.constant 16 : i32
      %shift_right_logical3A_995 = vector.broadcast %shift_right_logical3A_994 : i32 to vector<16xi32>
      %shift_right_logical3A_996 = arith.shrui %get3A_986, %shift_right_logical3A_995 : vector<16xi32>
      %swap3A_997 = arith.constant 2 : i32
      %swap3A_998 = arith.index_cast %swap3A_997 : i32 to index
      %swap3A_999 = arith.constant 32 : index
      %swap3A_1000 = tpu.vector_load %arg7[%swap3A_998, %swap3A_999] {strides = array<i32>} : memref<3x64xi32, #tpu.memory_space<vmem>>, vector<1x16xi32>,
      %swap3A_1001 = vector.shape_cast %swap3A_1000 : vector<1x16xi32> to vector<16xi32>
      %swap3A_1002 = vector.shape_cast %shift_right_logical3A_996 : vector<16xi32> to vector<1x16xi32>
      tpu.vector_store %arg7[%swap3A_998, %swap3A_999], %swap3A_1002 {strides = array<i32>} : memref<3x64xi32, #tpu.memory_space<vmem>>, vector<1x16xi32>,
      %add3A_1003 = arith.constant 48 : i32
      %add3A_1004 = arith.addi %mul3A_936, %add3A_1003 : i32
      %get3A_1005 = arith.index_cast %shift_right_logical3A_932 : i32 to index
      %get3A_1006 = arith.index_cast %add3A_1004 : i32 to index
      %get3A_1007 = tpu.vector_load %arg5[%get3A_1005, %get3A_1006] {strides = array<i32>} : memref<85x128xi32, #tpu.memory_space<vmem>>, vector<1x16xi32>,
      %get3A_1008 = vector.shape_cast %get3A_1007 : vector<1x16xi32> to vector<16xi32>
      %and3A_1009 = arith.andi %get3A_1008, %broadcast_in_dim3A_1 : vector<16xi32>
      %swap3A_1010 = arith.constant 2 : i32
      %swap3A_1011 = arith.index_cast %swap3A_1010 : i32 to index
      %swap3A_1012 = arith.constant 48 : index
      %swap3A_1013 = tpu.vector_load %arg6[%swap3A_1011, %swap3A_1012] {strides = array<i32>} : memref<3x64xi32, #tpu.memory_space<vmem>>, vector<1x16xi32>,
      %swap3A_1014 = vector.shape_cast %swap3A_1013 : vector<1x16xi32> to vector<16xi32>
      %swap3A_1015 = vector.shape_cast %and3A_1009 : vector<16xi32> to vector<1x16xi32>
      tpu.vector_store %arg6[%swap3A_1011, %swap3A_1012], %swap3A_1015 {strides = array<i32>} : memref<3x64xi32, #tpu.memory_space<vmem>>, vector<1x16xi32>,
      %shift_right_logical3A_1016 = arith.constant 16 : i32
      %shift_right_logical3A_1017 = vector.broadcast %shift_right_logical3A_1016 : i32 to vector<16xi32>
      %shift_right_logical3A_1018 = arith.shrui %get3A_1008, %shift_right_logical3A_1017 : vector<16xi32>
      %swap3A_1019 = arith.constant 2 : i32
      %swap3A_1020 = arith.index_cast %swap3A_1019 : i32 to index
      %swap3A_1021 = arith.constant 48 : index
      %swap3A_1022 = tpu.vector_load %arg7[%swap3A_1020, %swap3A_1021] {strides = array<i32>} : memref<3x64xi32, #tpu.memory_space<vmem>>, vector<1x16xi32>,
      %swap3A_1023 = vector.shape_cast %swap3A_1022 : vector<1x16xi32> to vector<16xi32>
      %swap3A_1024 = vector.shape_cast %shift_right_logical3A_1018 : vector<16xi32> to vector<1x16xi32>
      tpu.vector_store %arg7[%swap3A_1020, %swap3A_1021], %swap3A_1024 {strides = array<i32>} : memref<3x64xi32, #tpu.memory_space<vmem>>, vector<1x16xi32>,
      %dma_start3A_1025 = arith.constant 2 : i32
      %dma_start3A_1026 = arith.constant 2 : i32
      %dma_start3A_1027 = arith.constant 0 : i32
      %dma_start3A_1028 = arith.constant 0 : i32
      %dma_start3A_1029 = tpu.memref_slice %arg8[%dma_start3A_1026, %dma_start3A_1027, %dma_start3A_1028] : memref<3x64x128xf32, #tpu.memory_space<vmem>> -> memref<1x64x128xf32, #tpu.memory_space<vmem>>
      %dma_start3A_1030 = tpu.memref_squeeze %dma_start3A_1029 : memref<1x64x128xf32, #tpu.memory_space<vmem>> -> memref<64x128xf32, #tpu.memory_space<vmem>>
      %dma_start3A_1031 = arith.constant 0 : i32
      %dma_start3A_1032 = tpu.memref_slice %arg6[%dma_start3A_1025, %dma_start3A_1031] : memref<3x64xi32, #tpu.memory_space<vmem>> -> memref<1x64xi32, #tpu.memory_space<vmem>>
      %dma_start3A_1033 = tpu.memref_squeeze %dma_start3A_1032 : memref<1x64xi32, #tpu.memory_space<vmem>> -> memref<64xi32, #tpu.memory_space<vmem>>
      %dma_start3A_1034 = arith.constant 0 : i32
      %dma_start3A_1035 = arith.constant 0 : i32
      %dma_start3A_1036 = tpu.memref_slice %arg2[%dma_start3A_1034, %dma_start3A_1035] : memref<10816x128xf32, #tpu.memory_space<hbm>> -> memref<10816x128xf32, #tpu.memory_space<hbm>>
      tpu.enqueue_indirect_dma source(%dma_start3A_1036 : memref<10816x128xf32, #tpu.memory_space<hbm>>) target(%dma_start3A_1030 : memref<64x128xf32, #tpu.memory_space<vmem>>) offsets(%dma_start3A_1033 : memref<64xi32, #tpu.memory_space<vmem>>) semaphore(%arg12 : memref<!tpu.dma_semaphore, #tpu.memory_space<semaphore_mem>>)
    }
    %scan3A_334 = arith.constant 55 : i32
    %dma_wait3A = arith.constant 0 : i32
    %dma_wait3A_335 = arith.constant 0 : i32
    %dma_wait3A_336 = arith.constant 0 : i32
    %dma_wait3A_337 = arith.constant 0 : i32
    %dma_wait3A_338 = tpu.memref_slice %arg8[%dma_wait3A_335, %dma_wait3A_336, %dma_wait3A_337] : memref<3x64x128xf32, #tpu.memory_space<vmem>> -> memref<1x64x128xf32, #tpu.memory_space<vmem>>
    %dma_wait3A_339 = tpu.memref_squeeze %dma_wait3A_338 : memref<1x64x128xf32, #tpu.memory_space<vmem>> -> memref<64x128xf32, #tpu.memory_space<vmem>>
    %dma_wait3A_340 = arith.constant 0 : i32
    %dma_wait3A_341 = tpu.memref_slice %arg6[%dma_wait3A, %dma_wait3A_340] : memref<3x64xi32, #tpu.memory_space<vmem>> -> memref<1x64xi32, #tpu.memory_space<vmem>>
    %dma_wait3A_342 = tpu.memref_squeeze %dma_wait3A_341 : memref<1x64xi32, #tpu.memory_space<vmem>> -> memref<64xi32, #tpu.memory_space<vmem>>
    %dma_wait3A_343 = arith.constant 0 : i32
    %dma_wait3A_344 = arith.constant 0 : i32
    %dma_wait3A_345 = tpu.memref_slice %arg2[%dma_wait3A_343, %dma_wait3A_344] : memref<10816x128xf32, #tpu.memory_space<hbm>> -> memref<10816x128xf32, #tpu.memory_space<hbm>>
    tpu.wait_indirect_dma semaphore(%arg10 : memref<!tpu.dma_semaphore, #tpu.memory_space<semaphore_mem>>) src(%dma_wait3A_345 : memref<10816x128xf32, #tpu.memory_space<hbm>>) dst(%dma_wait3A_339 : memref<64x128xf32, #tpu.memory_space<vmem>>)
    %dma_start3A_346 = arith.constant 0 : i32
    %dma_start3A_347 = arith.constant 0 : i32
    %dma_start3A_348 = arith.constant 0 : i32
    %dma_start3A_349 = arith.constant 0 : i32
    %dma_start3A_350 = tpu.memref_slice %arg8[%dma_start3A_346, %dma_start3A_348, %dma_start3A_349] : memref<3x64x128xf32, #tpu.memory_space<vmem>> -> memref<1x64x128xf32, #tpu.memory_space<vmem>>
    %dma_start3A_351 = tpu.memref_squeeze %dma_start3A_350 : memref<1x64x128xf32, #tpu.memory_space<vmem>> -> memref<64x128xf32, #tpu.memory_space<vmem>>
    %dma_start3A_352 = arith.constant 0 : i32
    %dma_start3A_353 = tpu.memref_slice %arg7[%dma_start3A_347, %dma_start3A_352] : memref<3x64xi32, #tpu.memory_space<vmem>> -> memref<1x64xi32, #tpu.memory_space<vmem>>
    %dma_start3A_354 = tpu.memref_squeeze %dma_start3A_353 : memref<1x64xi32, #tpu.memory_space<vmem>> -> memref<64xi32, #tpu.memory_space<vmem>>
    %dma_start3A_355 = arith.constant 0 : i32
    %dma_start3A_356 = arith.constant 0 : i32
    %dma_start3A_357 = tpu.memref_slice %arg9[%dma_start3A_355, %dma_start3A_356] : memref<10816x128xf32, #tpu.memory_space<vmem_shared>> -> memref<10816x128xf32, #tpu.memory_space<vmem_shared>>
    tpu.enqueue_indirect_dma source(%dma_start3A_351 : memref<64x128xf32, #tpu.memory_space<vmem>>) target(%dma_start3A_357 : memref<10816x128xf32, #tpu.memory_space<vmem_shared>>) offsets(%dma_start3A_354 : memref<64xi32, #tpu.memory_space<vmem>>) semaphore(%arg13 : memref<!tpu.dma_semaphore, #tpu.memory_space<semaphore_mem>>) {add = true}
    %dma_wait3A_358 = arith.constant 1 : i32
    %dma_wait3A_359 = arith.constant 1 : i32
    %dma_wait3A_360 = arith.constant 0 : i32
    %dma_wait3A_361 = arith.constant 0 : i32
    %dma_wait3A_362 = tpu.memref_slice %arg8[%dma_wait3A_359, %dma_wait3A_360, %dma_wait3A_361] : memref<3x64x128xf32, #tpu.memory_space<vmem>> -> memref<1x64x128xf32, #tpu.memory_space<vmem>>
    %dma_wait3A_363 = tpu.memref_squeeze %dma_wait3A_362 : memref<1x64x128xf32, #tpu.memory_space<vmem>> -> memref<64x128xf32, #tpu.memory_space<vmem>>
    %dma_wait3A_364 = arith.constant 0 : i32
    %dma_wait3A_365 = tpu.memref_slice %arg6[%dma_wait3A_358, %dma_wait3A_364] : memref<3x64xi32, #tpu.memory_space<vmem>> -> memref<1x64xi32, #tpu.memory_space<vmem>>
    %dma_wait3A_366 = tpu.memref_squeeze %dma_wait3A_365 : memref<1x64xi32, #tpu.memory_space<vmem>> -> memref<64xi32, #tpu.memory_space<vmem>>
    %dma_wait3A_367 = arith.constant 0 : i32
    %dma_wait3A_368 = arith.constant 0 : i32
    %dma_wait3A_369 = tpu.memref_slice %arg2[%dma_wait3A_367, %dma_wait3A_368] : memref<10816x128xf32, #tpu.memory_space<hbm>> -> memref<10816x128xf32, #tpu.memory_space<hbm>>
    tpu.wait_indirect_dma semaphore(%arg11 : memref<!tpu.dma_semaphore, #tpu.memory_space<semaphore_mem>>) src(%dma_wait3A_369 : memref<10816x128xf32, #tpu.memory_space<hbm>>) dst(%dma_wait3A_363 : memref<64x128xf32, #tpu.memory_space<vmem>>)
    %dma_start3A_370 = arith.constant 1 : i32
    %dma_start3A_371 = arith.constant 1 : i32
    %dma_start3A_372 = arith.constant 0 : i32
    %dma_start3A_373 = arith.constant 0 : i32
    %dma_start3A_374 = tpu.memref_slice %arg8[%dma_start3A_370, %dma_start3A_372, %dma_start3A_373] : memref<3x64x128xf32, #tpu.memory_space<vmem>> -> memref<1x64x128xf32, #tpu.memory_space<vmem>>
    %dma_start3A_375 = tpu.memref_squeeze %dma_start3A_374 : memref<1x64x128xf32, #tpu.memory_space<vmem>> -> memref<64x128xf32, #tpu.memory_space<vmem>>
    %dma_start3A_376 = arith.constant 0 : i32
    %dma_start3A_377 = tpu.memref_slice %arg7[%dma_start3A_371, %dma_start3A_376] : memref<3x64xi32, #tpu.memory_space<vmem>> -> memref<1x64xi32, #tpu.memory_space<vmem>>
    %dma_start3A_378 = tpu.memref_squeeze %dma_start3A_377 : memref<1x64xi32, #tpu.memory_space<vmem>> -> memref<64xi32, #tpu.memory_space<vmem>>
    %dma_start3A_379 = arith.constant 0 : i32
    %dma_start3A_380 = arith.constant 0 : i32
    %dma_start3A_381 = tpu.memref_slice %arg9[%dma_start3A_379, %dma_start3A_380] : memref<10816x128xf32, #tpu.memory_space<vmem_shared>> -> memref<10816x128xf32, #tpu.memory_space<vmem_shared>>
    tpu.enqueue_indirect_dma source(%dma_start3A_375 : memref<64x128xf32, #tpu.memory_space<vmem>>) target(%dma_start3A_381 : memref<10816x128xf32, #tpu.memory_space<vmem_shared>>) offsets(%dma_start3A_378 : memref<64xi32, #tpu.memory_space<vmem>>) semaphore(%arg14 : memref<!tpu.dma_semaphore, #tpu.memory_space<semaphore_mem>>) {add = true}
    %dma_wait3A_382 = arith.constant 2 : i32
    %dma_wait3A_383 = arith.constant 2 : i32
    %dma_wait3A_384 = arith.constant 0 : i32
    %dma_wait3A_385 = arith.constant 0 : i32
    %dma_wait3A_386 = tpu.memref_slice %arg8[%dma_wait3A_383, %dma_wait3A_384, %dma_wait3A_385] : memref<3x64x128xf32, #tpu.memory_space<vmem>> -> memref<1x64x128xf32, #tpu.memory_space<vmem>>
    %dma_wait3A_387 = tpu.memref_squeeze %dma_wait3A_386 : memref<1x64x128xf32, #tpu.memory_space<vmem>> -> memref<64x128xf32, #tpu.memory_space<vmem>>
    %dma_wait3A_388 = arith.constant 0 : i32
    %dma_wait3A_389 = tpu.memref_slice %arg6[%dma_wait3A_382, %dma_wait3A_388] : memref<3x64xi32, #tpu.memory_space<vmem>> -> memref<1x64xi32, #tpu.memory_space<vmem>>
    %dma_wait3A_390 = tpu.memref_squeeze %dma_wait3A_389 : memref<1x64xi32, #tpu.memory_space<vmem>> -> memref<64xi32, #tpu.memory_space<vmem>>
    %dma_wait3A_391 = arith.constant 0 : i32
    %dma_wait3A_392 = arith.constant 0 : i32
    %dma_wait3A_393 = tpu.memref_slice %arg2[%dma_wait3A_391, %dma_wait3A_392] : memref<10816x128xf32, #tpu.memory_space<hbm>> -> memref<10816x128xf32, #tpu.memory_space<hbm>>
    tpu.wait_indirect_dma semaphore(%arg12 : memref<!tpu.dma_semaphore, #tpu.memory_space<semaphore_mem>>) src(%dma_wait3A_393 : memref<10816x128xf32, #tpu.memory_space<hbm>>) dst(%dma_wait3A_387 : memref<64x128xf32, #tpu.memory_space<vmem>>)
    %dma_start3A_394 = arith.constant 2 : i32
    %dma_start3A_395 = arith.constant 2 : i32
    %dma_start3A_396 = arith.constant 0 : i32
    %dma_start3A_397 = arith.constant 0 : i32
    %dma_start3A_398 = tpu.memref_slice %arg8[%dma_start3A_394, %dma_start3A_396, %dma_start3A_397] : memref<3x64x128xf32, #tpu.memory_space<vmem>> -> memref<1x64x128xf32, #tpu.memory_space<vmem>>
    %dma_start3A_399 = tpu.memref_squeeze %dma_start3A_398 : memref<1x64x128xf32, #tpu.memory_space<vmem>> -> memref<64x128xf32, #tpu.memory_space<vmem>>
    %dma_start3A_400 = arith.constant 0 : i32
    %dma_start3A_401 = tpu.memref_slice %arg7[%dma_start3A_395, %dma_start3A_400] : memref<3x64xi32, #tpu.memory_space<vmem>> -> memref<1x64xi32, #tpu.memory_space<vmem>>
    %dma_start3A_402 = tpu.memref_squeeze %dma_start3A_401 : memref<1x64xi32, #tpu.memory_space<vmem>> -> memref<64xi32, #tpu.memory_space<vmem>>
    %dma_start3A_403 = arith.constant 0 : i32
    %dma_start3A_404 = arith.constant 0 : i32
    %dma_start3A_405 = tpu.memref_slice %arg9[%dma_start3A_403, %dma_start3A_404] : memref<10816x128xf32, #tpu.memory_space<vmem_shared>> -> memref<10816x128xf32, #tpu.memory_space<vmem_shared>>
    tpu.enqueue_indirect_dma source(%dma_start3A_399 : memref<64x128xf32, #tpu.memory_space<vmem>>) target(%dma_start3A_405 : memref<10816x128xf32, #tpu.memory_space<vmem_shared>>) offsets(%dma_start3A_402 : memref<64xi32, #tpu.memory_space<vmem>>) semaphore(%arg15 : memref<!tpu.dma_semaphore, #tpu.memory_space<semaphore_mem>>) {add = true}
    %dma_wait3A_406 = arith.constant 0 : i32
    %dma_wait3A_407 = arith.constant 0 : i32
    %dma_wait3A_408 = arith.constant 0 : i32
    %dma_wait3A_409 = arith.constant 0 : i32
    %dma_wait3A_410 = tpu.memref_slice %arg8[%dma_wait3A_406, %dma_wait3A_408, %dma_wait3A_409] : memref<3x64x128xf32, #tpu.memory_space<vmem>> -> memref<1x64x128xf32, #tpu.memory_space<vmem>>
    %dma_wait3A_411 = tpu.memref_squeeze %dma_wait3A_410 : memref<1x64x128xf32, #tpu.memory_space<vmem>> -> memref<64x128xf32, #tpu.memory_space<vmem>>
    %dma_wait3A_412 = arith.constant 0 : i32
    %dma_wait3A_413 = tpu.memref_slice %arg7[%dma_wait3A_407, %dma_wait3A_412] : memref<3x64xi32, #tpu.memory_space<vmem>> -> memref<1x64xi32, #tpu.memory_space<vmem>>
    %dma_wait3A_414 = tpu.memref_squeeze %dma_wait3A_413 : memref<1x64xi32, #tpu.memory_space<vmem>> -> memref<64xi32, #tpu.memory_space<vmem>>
    %dma_wait3A_415 = arith.constant 0 : i32
    %dma_wait3A_416 = arith.constant 0 : i32
    %dma_wait3A_417 = tpu.memref_slice %arg9[%dma_wait3A_415, %dma_wait3A_416] : memref<10816x128xf32, #tpu.memory_space<vmem_shared>> -> memref<10816x128xf32, #tpu.memory_space<vmem_shared>>
    tpu.wait_indirect_dma semaphore(%arg13 : memref<!tpu.dma_semaphore, #tpu.memory_space<semaphore_mem>>) src(%dma_wait3A_411 : memref<64x128xf32, #tpu.memory_space<vmem>>) dst(%dma_wait3A_417 : memref<10816x128xf32, #tpu.memory_space<vmem_shared>>)
    %shift_right_logical3A_418 = arith.constant 168 : i32
    %shift_right_logical3A_419 = arith.constant 1 : i32
    %shift_right_logical3A_420 = arith.shrui %shift_right_logical3A_418, %shift_right_logical3A_419 : i32
    %and3A_421 = arith.constant 168 : i32
    %and3A_422 = arith.constant 1 : i32
    %and3A_423 = arith.andi %and3A_421, %and3A_422 : i32
    %mul3A_424 = arith.constant 64 : i32
    %mul3A_425 = arith.muli %and3A_423, %mul3A_424 : i32
    %add3A_426 = arith.constant 0 : i32
    %add3A_427 = arith.addi %mul3A_425, %add3A_426 : i32
    %get3A_428 = arith.index_cast %shift_right_logical3A_420 : i32 to index
    %get3A_429 = arith.index_cast %add3A_427 : i32 to index
    %get3A_430 = tpu.vector_load %arg5[%get3A_428, %get3A_429] {strides = array<i32>} : memref<85x128xi32, #tpu.memory_space<vmem>>, vector<1x16xi32>,
    %get3A_431 = vector.shape_cast %get3A_430 : vector<1x16xi32> to vector<16xi32>
    %and3A_432 = arith.andi %get3A_431, %broadcast_in_dim3A_1 : vector<16xi32>
    %swap3A_433 = arith.constant 0 : i32
    %swap3A_434 = arith.index_cast %swap3A_433 : i32 to index
    %swap3A_435 = arith.constant 0 : index
    %swap3A_436 = tpu.vector_load %arg6[%swap3A_434, %swap3A_435] {strides = array<i32>} : memref<3x64xi32, #tpu.memory_space<vmem>>, vector<1x16xi32>,
    %swap3A_437 = vector.shape_cast %swap3A_436 : vector<1x16xi32> to vector<16xi32>
    %swap3A_438 = vector.shape_cast %and3A_432 : vector<16xi32> to vector<1x16xi32>
    tpu.vector_store %arg6[%swap3A_434, %swap3A_435], %swap3A_438 {strides = array<i32>} : memref<3x64xi32, #tpu.memory_space<vmem>>, vector<1x16xi32>,
    %shift_right_logical3A_439 = arith.constant 16 : i32
    %shift_right_logical3A_440 = vector.broadcast %shift_right_logical3A_439 : i32 to vector<16xi32>
    %shift_right_logical3A_441 = arith.shrui %get3A_431, %shift_right_logical3A_440 : vector<16xi32>
    %swap3A_442 = arith.constant 0 : i32
    %swap3A_443 = arith.index_cast %swap3A_442 : i32 to index
    %swap3A_444 = arith.constant 0 : index
    %swap3A_445 = tpu.vector_load %arg7[%swap3A_443, %swap3A_444] {strides = array<i32>} : memref<3x64xi32, #tpu.memory_space<vmem>>, vector<1x16xi32>,
    %swap3A_446 = vector.shape_cast %swap3A_445 : vector<1x16xi32> to vector<16xi32>
    %swap3A_447 = vector.shape_cast %shift_right_logical3A_441 : vector<16xi32> to vector<1x16xi32>
    tpu.vector_store %arg7[%swap3A_443, %swap3A_444], %swap3A_447 {strides = array<i32>} : memref<3x64xi32, #tpu.memory_space<vmem>>, vector<1x16xi32>,
    %add3A_448 = arith.constant 16 : i32
    %add3A_449 = arith.addi %mul3A_425, %add3A_448 : i32
    %get3A_450 = arith.index_cast %shift_right_logical3A_420 : i32 to index
    %get3A_451 = arith.index_cast %add3A_449 : i32 to index
    %get3A_452 = tpu.vector_load %arg5[%get3A_450, %get3A_451] {strides = array<i32>} : memref<85x128xi32, #tpu.memory_space<vmem>>, vector<1x16xi32>,
    %get3A_453 = vector.shape_cast %get3A_452 : vector<1x16xi32> to vector<16xi32>
    %and3A_454 = arith.andi %get3A_453, %broadcast_in_dim3A_1 : vector<16xi32>
    %swap3A_455 = arith.constant 0 : i32
    %swap3A_456 = arith.index_cast %swap3A_455 : i32 to index
    %swap3A_457 = arith.constant 16 : index
    %swap3A_458 = tpu.vector_load %arg6[%swap3A_456, %swap3A_457] {strides = array<i32>} : memref<3x64xi32, #tpu.memory_space<vmem>>, vector<1x16xi32>,
    %swap3A_459 = vector.shape_cast %swap3A_458 : vector<1x16xi32> to vector<16xi32>
    %swap3A_460 = vector.shape_cast %and3A_454 : vector<16xi32> to vector<1x16xi32>
    tpu.vector_store %arg6[%swap3A_456, %swap3A_457], %swap3A_460 {strides = array<i32>} : memref<3x64xi32, #tpu.memory_space<vmem>>, vector<1x16xi32>,
    %shift_right_logical3A_461 = arith.constant 16 : i32
    %shift_right_logical3A_462 = vector.broadcast %shift_right_logical3A_461 : i32 to vector<16xi32>
    %shift_right_logical3A_463 = arith.shrui %get3A_453, %shift_right_logical3A_462 : vector<16xi32>
    %swap3A_464 = arith.constant 0 : i32
    %swap3A_465 = arith.index_cast %swap3A_464 : i32 to index
    %swap3A_466 = arith.constant 16 : index
    %swap3A_467 = tpu.vector_load %arg7[%swap3A_465, %swap3A_466] {strides = array<i32>} : memref<3x64xi32, #tpu.memory_space<vmem>>, vector<1x16xi32>,
    %swap3A_468 = vector.shape_cast %swap3A_467 : vector<1x16xi32> to vector<16xi32>
    %swap3A_469 = vector.shape_cast %shift_right_logical3A_463 : vector<16xi32> to vector<1x16xi32>
    tpu.vector_store %arg7[%swap3A_465, %swap3A_466], %swap3A_469 {strides = array<i32>} : memref<3x64xi32, #tpu.memory_space<vmem>>, vector<1x16xi32>,
    %add3A_470 = arith.constant 32 : i32
    %add3A_471 = arith.addi %mul3A_425, %add3A_470 : i32
    %get3A_472 = arith.index_cast %shift_right_logical3A_420 : i32 to index
    %get3A_473 = arith.index_cast %add3A_471 : i32 to index
    %get3A_474 = tpu.vector_load %arg5[%get3A_472, %get3A_473] {strides = array<i32>} : memref<85x128xi32, #tpu.memory_space<vmem>>, vector<1x16xi32>,
    %get3A_475 = vector.shape_cast %get3A_474 : vector<1x16xi32> to vector<16xi32>
    %and3A_476 = arith.andi %get3A_475, %broadcast_in_dim3A_1 : vector<16xi32>
    %swap3A_477 = arith.constant 0 : i32
    %swap3A_478 = arith.index_cast %swap3A_477 : i32 to index
    %swap3A_479 = arith.constant 32 : index
    %swap3A_480 = tpu.vector_load %arg6[%swap3A_478, %swap3A_479] {strides = array<i32>} : memref<3x64xi32, #tpu.memory_space<vmem>>, vector<1x16xi32>,
    %swap3A_481 = vector.shape_cast %swap3A_480 : vector<1x16xi32> to vector<16xi32>
    %swap3A_482 = vector.shape_cast %and3A_476 : vector<16xi32> to vector<1x16xi32>
    tpu.vector_store %arg6[%swap3A_478, %swap3A_479], %swap3A_482 {strides = array<i32>} : memref<3x64xi32, #tpu.memory_space<vmem>>, vector<1x16xi32>,
    %shift_right_logical3A_483 = arith.constant 16 : i32
    %shift_right_logical3A_484 = vector.broadcast %shift_right_logical3A_483 : i32 to vector<16xi32>
    %shift_right_logical3A_485 = arith.shrui %get3A_475, %shift_right_logical3A_484 : vector<16xi32>
    %swap3A_486 = arith.constant 0 : i32
    %swap3A_487 = arith.index_cast %swap3A_486 : i32 to index
    %swap3A_488 = arith.constant 32 : index
    %swap3A_489 = tpu.vector_load %arg7[%swap3A_487, %swap3A_488] {strides = array<i32>} : memref<3x64xi32, #tpu.memory_space<vmem>>, vector<1x16xi32>,
    %swap3A_490 = vector.shape_cast %swap3A_489 : vector<1x16xi32> to vector<16xi32>
    %swap3A_491 = vector.shape_cast %shift_right_logical3A_485 : vector<16xi32> to vector<1x16xi32>
    tpu.vector_store %arg7[%swap3A_487, %swap3A_488], %swap3A_491 {strides = array<i32>} : memref<3x64xi32, #tpu.memory_space<vmem>>, vector<1x16xi32>,
    %add3A_492 = arith.constant 48 : i32
    %add3A_493 = arith.addi %mul3A_425, %add3A_492 : i32
    %get3A_494 = arith.index_cast %shift_right_logical3A_420 : i32 to index
    %get3A_495 = arith.index_cast %add3A_493 : i32 to index
    %get3A_496 = tpu.vector_load %arg5[%get3A_494, %get3A_495] {strides = array<i32>} : memref<85x128xi32, #tpu.memory_space<vmem>>, vector<1x16xi32>,
    %get3A_497 = vector.shape_cast %get3A_496 : vector<1x16xi32> to vector<16xi32>
    %and3A_498 = arith.andi %get3A_497, %broadcast_in_dim3A_1 : vector<16xi32>
    %swap3A_499 = arith.constant 0 : i32
    %swap3A_500 = arith.index_cast %swap3A_499 : i32 to index
    %swap3A_501 = arith.constant 48 : index
    %swap3A_502 = tpu.vector_load %arg6[%swap3A_500, %swap3A_501] {strides = array<i32>} : memref<3x64xi32, #tpu.memory_space<vmem>>, vector<1x16xi32>,
    %swap3A_503 = vector.shape_cast %swap3A_502 : vector<1x16xi32> to vector<16xi32>
    %swap3A_504 = vector.shape_cast %and3A_498 : vector<16xi32> to vector<1x16xi32>
    tpu.vector_store %arg6[%swap3A_500, %swap3A_501], %swap3A_504 {strides = array<i32>} : memref<3x64xi32, #tpu.memory_space<vmem>>, vector<1x16xi32>,
    %shift_right_logical3A_505 = arith.constant 16 : i32
    %shift_right_logical3A_506 = vector.broadcast %shift_right_logical3A_505 : i32 to vector<16xi32>
    %shift_right_logical3A_507 = arith.shrui %get3A_497, %shift_right_logical3A_506 : vector<16xi32>
    %swap3A_508 = arith.constant 0 : i32
    %swap3A_509 = arith.index_cast %swap3A_508 : i32 to index
    %swap3A_510 = arith.constant 48 : index
    %swap3A_511 = tpu.vector_load %arg7[%swap3A_509, %swap3A_510] {strides = array<i32>} : memref<3x64xi32, #tpu.memory_space<vmem>>, vector<1x16xi32>,
    %swap3A_512 = vector.shape_cast %swap3A_511 : vector<1x16xi32> to vector<16xi32>
    %swap3A_513 = vector.shape_cast %shift_right_logical3A_507 : vector<16xi32> to vector<1x16xi32>
    tpu.vector_store %arg7[%swap3A_509, %swap3A_510], %swap3A_513 {strides = array<i32>} : memref<3x64xi32, #tpu.memory_space<vmem>>, vector<1x16xi32>,
    %dma_start3A_514 = arith.constant 0 : i32
    %dma_start3A_515 = arith.constant 0 : i32
    %dma_start3A_516 = arith.constant 0 : i32
    %dma_start3A_517 = arith.constant 0 : i32
    %dma_start3A_518 = tpu.memref_slice %arg8[%dma_start3A_515, %dma_start3A_516, %dma_start3A_517] : memref<3x64x128xf32, #tpu.memory_space<vmem>> -> memref<1x64x128xf32, #tpu.memory_space<vmem>>
    %dma_start3A_519 = tpu.memref_squeeze %dma_start3A_518 : memref<1x64x128xf32, #tpu.memory_space<vmem>> -> memref<64x128xf32, #tpu.memory_space<vmem>>
    %dma_start3A_520 = arith.constant 0 : i32
    %dma_start3A_521 = tpu.memref_slice %arg6[%dma_start3A_514, %dma_start3A_520] : memref<3x64xi32, #tpu.memory_space<vmem>> -> memref<1x64xi32, #tpu.memory_space<vmem>>
    %dma_start3A_522 = tpu.memref_squeeze %dma_start3A_521 : memref<1x64xi32, #tpu.memory_space<vmem>> -> memref<64xi32, #tpu.memory_space<vmem>>
    %dma_start3A_523 = arith.constant 0 : i32
    %dma_start3A_524 = arith.constant 0 : i32
    %dma_start3A_525 = tpu.memref_slice %arg2[%dma_start3A_523, %dma_start3A_524] : memref<10816x128xf32, #tpu.memory_space<hbm>> -> memref<10816x128xf32, #tpu.memory_space<hbm>>
    tpu.enqueue_indirect_dma source(%dma_start3A_525 : memref<10816x128xf32, #tpu.memory_space<hbm>>) target(%dma_start3A_519 : memref<64x128xf32, #tpu.memory_space<vmem>>) offsets(%dma_start3A_522 : memref<64xi32, #tpu.memory_space<vmem>>) semaphore(%arg10 : memref<!tpu.dma_semaphore, #tpu.memory_space<semaphore_mem>>)
    %dma_wait3A_526 = arith.constant 0 : i32
    %dma_wait3A_527 = arith.constant 0 : i32
    %dma_wait3A_528 = arith.constant 0 : i32
    %dma_wait3A_529 = arith.constant 0 : i32
    %dma_wait3A_530 = tpu.memref_slice %arg8[%dma_wait3A_527, %dma_wait3A_528, %dma_wait3A_529] : memref<3x64x128xf32, #tpu.memory_space<vmem>> -> memref<1x64x128xf32, #tpu.memory_space<vmem>>
    %dma_wait3A_531 = tpu.memref_squeeze %dma_wait3A_530 : memref<1x64x128xf32, #tpu.memory_space<vmem>> -> memref<64x128xf32, #tpu.memory_space<vmem>>
    %dma_wait3A_532 = arith.constant 0 : i32
    %dma_wait3A_533 = tpu.memref_slice %arg6[%dma_wait3A_526, %dma_wait3A_532] : memref<3x64xi32, #tpu.memory_space<vmem>> -> memref<1x64xi32, #tpu.memory_space<vmem>>
    %dma_wait3A_534 = tpu.memref_squeeze %dma_wait3A_533 : memref<1x64xi32, #tpu.memory_space<vmem>> -> memref<64xi32, #tpu.memory_space<vmem>>
    %dma_wait3A_535 = arith.constant 0 : i32
    %dma_wait3A_536 = arith.constant 0 : i32
    %dma_wait3A_537 = tpu.memref_slice %arg2[%dma_wait3A_535, %dma_wait3A_536] : memref<10816x128xf32, #tpu.memory_space<hbm>> -> memref<10816x128xf32, #tpu.memory_space<hbm>>
    tpu.wait_indirect_dma semaphore(%arg10 : memref<!tpu.dma_semaphore, #tpu.memory_space<semaphore_mem>>) src(%dma_wait3A_537 : memref<10816x128xf32, #tpu.memory_space<hbm>>) dst(%dma_wait3A_531 : memref<64x128xf32, #tpu.memory_space<vmem>>)
    %dma_start3A_538 = arith.constant 0 : i32
    %dma_start3A_539 = arith.constant 0 : i32
    %dma_start3A_540 = arith.constant 0 : i32
    %dma_start3A_541 = arith.constant 0 : i32
    %dma_start3A_542 = tpu.memref_slice %arg8[%dma_start3A_538, %dma_start3A_540, %dma_start3A_541] : memref<3x64x128xf32, #tpu.memory_space<vmem>> -> memref<1x64x128xf32, #tpu.memory_space<vmem>>
    %dma_start3A_543 = tpu.memref_squeeze %dma_start3A_542 : memref<1x64x128xf32, #tpu.memory_space<vmem>> -> memref<64x128xf32, #tpu.memory_space<vmem>>
    %dma_start3A_544 = arith.constant 0 : i32
    %dma_start3A_545 = tpu.memref_slice %arg7[%dma_start3A_539, %dma_start3A_544] : memref<3x64xi32, #tpu.memory_space<vmem>> -> memref<1x64xi32, #tpu.memory_space<vmem>>
    %dma_start3A_546 = tpu.memref_squeeze %dma_start3A_545 : memref<1x64xi32, #tpu.memory_space<vmem>> -> memref<64xi32, #tpu.memory_space<vmem>>
    %dma_start3A_547 = arith.constant 0 : i32
    %dma_start3A_548 = arith.constant 0 : i32
    %dma_start3A_549 = tpu.memref_slice %arg9[%dma_start3A_547, %dma_start3A_548] : memref<10816x128xf32, #tpu.memory_space<vmem_shared>> -> memref<10816x128xf32, #tpu.memory_space<vmem_shared>>
    tpu.enqueue_indirect_dma source(%dma_start3A_543 : memref<64x128xf32, #tpu.memory_space<vmem>>) target(%dma_start3A_549 : memref<10816x128xf32, #tpu.memory_space<vmem_shared>>) offsets(%dma_start3A_546 : memref<64xi32, #tpu.memory_space<vmem>>) semaphore(%arg13 : memref<!tpu.dma_semaphore, #tpu.memory_space<semaphore_mem>>) {add = true}
    %dma_wait3A_550 = arith.constant 0 : i32
    %dma_wait3A_551 = arith.constant 0 : i32
    %dma_wait3A_552 = arith.constant 0 : i32
    %dma_wait3A_553 = arith.constant 0 : i32
    %dma_wait3A_554 = tpu.memref_slice %arg8[%dma_wait3A_550, %dma_wait3A_552, %dma_wait3A_553] : memref<3x64x128xf32, #tpu.memory_space<vmem>> -> memref<1x64x128xf32, #tpu.memory_space<vmem>>
    %dma_wait3A_555 = tpu.memref_squeeze %dma_wait3A_554 : memref<1x64x128xf32, #tpu.memory_space<vmem>> -> memref<64x128xf32, #tpu.memory_space<vmem>>
    %dma_wait3A_556 = arith.constant 0 : i32
    %dma_wait3A_557 = tpu.memref_slice %arg7[%dma_wait3A_551, %dma_wait3A_556] : memref<3x64xi32, #tpu.memory_space<vmem>> -> memref<1x64xi32, #tpu.memory_space<vmem>>
    %dma_wait3A_558 = tpu.memref_squeeze %dma_wait3A_557 : memref<1x64xi32, #tpu.memory_space<vmem>> -> memref<64xi32, #tpu.memory_space<vmem>>
    %dma_wait3A_559 = arith.constant 0 : i32
    %dma_wait3A_560 = arith.constant 0 : i32
    %dma_wait3A_561 = tpu.memref_slice %arg9[%dma_wait3A_559, %dma_wait3A_560] : memref<10816x128xf32, #tpu.memory_space<vmem_shared>> -> memref<10816x128xf32, #tpu.memory_space<vmem_shared>>
    tpu.wait_indirect_dma semaphore(%arg13 : memref<!tpu.dma_semaphore, #tpu.memory_space<semaphore_mem>>) src(%dma_wait3A_555 : memref<64x128xf32, #tpu.memory_space<vmem>>) dst(%dma_wait3A_561 : memref<10816x128xf32, #tpu.memory_space<vmem_shared>>)
    %dma_wait3A_562 = arith.constant 1 : i32
    %dma_wait3A_563 = arith.constant 1 : i32
    %dma_wait3A_564 = arith.constant 0 : i32
    %dma_wait3A_565 = arith.constant 0 : i32
    %dma_wait3A_566 = tpu.memref_slice %arg8[%dma_wait3A_562, %dma_wait3A_564, %dma_wait3A_565] : memref<3x64x128xf32, #tpu.memory_space<vmem>> -> memref<1x64x128xf32, #tpu.memory_space<vmem>>
    %dma_wait3A_567 = tpu.memref_squeeze %dma_wait3A_566 : memref<1x64x128xf32, #tpu.memory_space<vmem>> -> memref<64x128xf32, #tpu.memory_space<vmem>>
    %dma_wait3A_568 = arith.constant 0 : i32
    %dma_wait3A_569 = tpu.memref_slice %arg7[%dma_wait3A_563, %dma_wait3A_568] : memref<3x64xi32, #tpu.memory_space<vmem>> -> memref<1x64xi32, #tpu.memory_space<vmem>>
    %dma_wait3A_570 = tpu.memref_squeeze %dma_wait3A_569 : memref<1x64xi32, #tpu.memory_space<vmem>> -> memref<64xi32, #tpu.memory_space<vmem>>
    %dma_wait3A_571 = arith.constant 0 : i32
    %dma_wait3A_572 = arith.constant 0 : i32
    %dma_wait3A_573 = tpu.memref_slice %arg9[%dma_wait3A_571, %dma_wait3A_572] : memref<10816x128xf32, #tpu.memory_space<vmem_shared>> -> memref<10816x128xf32, #tpu.memory_space<vmem_shared>>
    tpu.wait_indirect_dma semaphore(%arg14 : memref<!tpu.dma_semaphore, #tpu.memory_space<semaphore_mem>>) src(%dma_wait3A_567 : memref<64x128xf32, #tpu.memory_space<vmem>>) dst(%dma_wait3A_573 : memref<10816x128xf32, #tpu.memory_space<vmem_shared>>)
    %dma_wait3A_574 = arith.constant 2 : i32
    %dma_wait3A_575 = arith.constant 2 : i32
    %dma_wait3A_576 = arith.constant 0 : i32
    %dma_wait3A_577 = arith.constant 0 : i32
    %dma_wait3A_578 = tpu.memref_slice %arg8[%dma_wait3A_574, %dma_wait3A_576, %dma_wait3A_577] : memref<3x64x128xf32, #tpu.memory_space<vmem>> -> memref<1x64x128xf32, #tpu.memory_space<vmem>>
    %dma_wait3A_579 = tpu.memref_squeeze %dma_wait3A_578 : memref<1x64x128xf32, #tpu.memory_space<vmem>> -> memref<64x128xf32, #tpu.memory_space<vmem>>
    %dma_wait3A_580 = arith.constant 0 : i32
    %dma_wait3A_581 = tpu.memref_slice %arg7[%dma_wait3A_575, %dma_wait3A_580] : memref<3x64xi32, #tpu.memory_space<vmem>> -> memref<1x64xi32, #tpu.memory_space<vmem>>
    %dma_wait3A_582 = tpu.memref_squeeze %dma_wait3A_581 : memref<1x64xi32, #tpu.memory_space<vmem>> -> memref<64xi32, #tpu.memory_space<vmem>>
    %dma_wait3A_583 = arith.constant 0 : i32
    %dma_wait3A_584 = arith.constant 0 : i32
    %dma_wait3A_585 = tpu.memref_slice %arg9[%dma_wait3A_583, %dma_wait3A_584] : memref<10816x128xf32, #tpu.memory_space<vmem_shared>> -> memref<10816x128xf32, #tpu.memory_space<vmem_shared>>
    tpu.wait_indirect_dma semaphore(%arg15 : memref<!tpu.dma_semaphore, #tpu.memory_space<semaphore_mem>>) src(%dma_wait3A_579 : memref<64x128xf32, #tpu.memory_space<vmem>>) dst(%dma_wait3A_585 : memref<10816x128xf32, #tpu.memory_space<vmem_shared>>)
    %barrier3A_586 = arith.constant 0 : index
    tpu.barrier barrier_id(%barrier3A_586)
    %scan3A_587 = arith.constant 0 : i32
    %scan3A_588 = arith.constant 11 : i32
    %scan3A_589 = arith.addi %scan3A_587, %scan3A_588 : i32
    %scan3A_590 = arith.constant 1 : i32
    scf.for %scan3A_592 = %scan3A_587 to %scan3A_589 step %scan3A_590  : i32 {
      %mul3A_593 = arith.constant 1 : i32
      %mul3A_594 = arith.muli %scan3A_592, %mul3A_593 : i32
      %add3A_595 = arith.constant 0 : i32
      %add3A_596 = arith.addi %add3A_595, %mul3A_594 : i32
      %mul3A_597 = arith.constant 16 : i32
      %mul3A_598 = arith.muli %mul3A_597, %add3A_596 : i32
      %add3A_599 = arith.addi %arg1, %mul3A_598 : i32
      %lt3A = arith.constant 169 : i32
      %lt3A_600 = arith.cmpi slt, %add3A_599, %lt3A : i32
      %convert_element_type3A = arith.extui %lt3A_600 : i1 to i32
      %cond3A = arith.constant 0 : i32
      %cond3A_601 = arith.cmpi ne, %convert_element_type3A, %cond3A : i32
      scf.if %cond3A_601 {
        %mul3A_602 = arith.constant 64 : i32
        %mul3A_603 = arith.muli %add3A_599, %mul3A_602 : i32
        %mul3A_604 = arith.constant 64 : i32
        %mul3A_605 = arith.muli %add3A_599, %mul3A_604 : i32
        "tpu.region"() ({
          %run_scoped3A = tpu.sem_alloc : memref<!tpu.dma_semaphore, #tpu.memory_space<semaphore_mem>>
          %dma_start3A_606 = arith.constant 0 : i32
          %dma_start3A_607 = arith.constant 0 : i32
          %dma_start3A_608 = tpu.memref_slice %arg4[%arg0, %dma_start3A_606, %dma_start3A_607] : memref<2x10816x128xf32, #tpu.memory_space<hbm>> -> memref<1x10816x128xf32, #tpu.memory_space<hbm>>
          %dma_start3A_609 = tpu.memref_squeeze %dma_start3A_608 : memref<1x10816x128xf32, #tpu.memory_space<hbm>> -> memref<10816x128xf32, #tpu.memory_space<hbm>>
          %dma_start3A_610 = arith.constant 0 : i32
          %dma_start3A_611 = tpu.memref_slice %dma_start3A_609[%mul3A_605, %dma_start3A_610] : memref<10816x128xf32, #tpu.memory_space<hbm>> -> memref<64x128xf32, #tpu.memory_space<hbm>>
          %dma_start3A_612 = arith.constant 0 : i32
          %dma_start3A_613 = tpu.memref_slice %arg9[%mul3A_603, %dma_start3A_612] : memref<10816x128xf32, #tpu.memory_space<vmem_shared>> -> memref<64x128xf32, #tpu.memory_space<vmem_shared>>
          tpu.enqueue_dma source(%dma_start3A_613 : memref<64x128xf32, #tpu.memory_space<vmem_shared>>) target(%dma_start3A_611 : memref<64x128xf32, #tpu.memory_space<hbm>>) target_semaphore(%run_scoped3A : memref<!tpu.dma_semaphore, #tpu.memory_space<semaphore_mem>>)
          %dma_wait3A_614 = arith.constant 0 : i32
          %dma_wait3A_615 = arith.constant 0 : i32
          %dma_wait3A_616 = tpu.memref_slice %arg4[%arg0, %dma_wait3A_614, %dma_wait3A_615] : memref<2x10816x128xf32, #tpu.memory_space<hbm>> -> memref<1x10816x128xf32, #tpu.memory_space<hbm>>
          %dma_wait3A_617 = tpu.memref_squeeze %dma_wait3A_616 : memref<1x10816x128xf32, #tpu.memory_space<hbm>> -> memref<10816x128xf32, #tpu.memory_space<hbm>>
          %dma_wait3A_618 = arith.constant 0 : i32
          %dma_wait3A_619 = tpu.memref_slice %dma_wait3A_617[%mul3A_605, %dma_wait3A_618] : memref<10816x128xf32, #tpu.memory_space<hbm>> -> memref<64x128xf32, #tpu.memory_space<hbm>>
          %dma_wait3A_620 = arith.constant 0 : i32
          %dma_wait3A_621 = tpu.memref_slice %arg9[%mul3A_603, %dma_wait3A_620] : memref<10816x128xf32, #tpu.memory_space<vmem_shared>> -> memref<64x128xf32, #tpu.memory_space<vmem_shared>>
          tpu.wait_dma2 semaphore(%run_scoped3A : memref<!tpu.dma_semaphore, #tpu.memory_space<semaphore_mem>>) src(%dma_wait3A_621 : memref<64x128xf32, #tpu.memory_space<vmem_shared>>) dst(%dma_wait3A_619 : memref<64x128xf32, #tpu.memory_space<hbm>>)
          tpu.yield
        }) : () -> ()
      } else {
      }
    }
    %scan3A_591 = arith.constant 11 : i32
    return
  }
}

#map = affine_map<(d0, d1) -> (0, 0)>
#map1 = affine_map<(d0, d1) -> (0, 0, 0)>
module attributes {stable_mosaic.version = 14 : i64} {
  func.func @k(%arg0: i32, %arg1: i32, %arg2: memref<10816x128xf32, #tpu.memory_space<hbm>>, %arg3: memref<32x85x128xi32, #tpu.memory_space<hbm>>, %arg4: memref<2x10816x128xf32, #tpu.memory_space<hbm>>, %arg5: memref<85x128xi32, #tpu.memory_space<vmem>>, %arg6: memref<3x64xi32, #tpu.memory_space<vmem>>, %arg7: memref<3x64xi32, #tpu.memory_space<vmem>>, %arg8: memref<3x64x128xf32, #tpu.memory_space<vmem>>, %arg9: memref<10816x128xf32, #tpu.memory_space<vmem_shared>>, %arg10: memref<!tpu.dma_semaphore, #tpu.memory_space<semaphore_mem>>, %arg11: memref<!tpu.dma_semaphore, #tpu.memory_space<semaphore_mem>>, %arg12: memref<!tpu.dma_semaphore, #tpu.memory_space<semaphore_mem>>, %arg13: memref<!tpu.dma_semaphore, #tpu.memory_space<semaphore_mem>>, %arg14: memref<!tpu.dma_semaphore, #tpu.memory_space<semaphore_mem>>, %arg15: memref<!tpu.dma_semaphore, #tpu.memory_space<semaphore_mem>>) attributes {dimension_semantics = [#tpu.dimension_semantics<core_parallel>, #tpu.dimension_semantics<subcore_parallel>], iteration_bounds = array<i64: 2, 16>, scalar_prefetch = 0 : i64, scratch_operands = 11 : i64, tpu.core_type = #tpu.core_type<sc_vector_subcore>, window_params = [{transform_indices = #map}, {transform_indices = #map1}, {transform_indices = #map1}]} {
    %mul3A = arith.constant 16 : i32
    %mul3A_0 = arith.muli %arg0, %mul3A : i32
    %add3A = arith.addi %mul3A_0, %arg1 : i32
    "tpu.region"() ({
      %run_scoped3A = tpu.sem_alloc : memref<!tpu.dma_semaphore, #tpu.memory_space<semaphore_mem>>
      %dma_start3A_592 = arith.constant 0 : i32
      %dma_start3A_593 = arith.constant 0 : i32
      %dma_start3A_594 = tpu.memref_slice %arg3[%add3A, %dma_start3A_592, %dma_start3A_593] : memref<32x85x128xi32, #tpu.memory_space<hbm>> -> memref<1x85x128xi32, #tpu.memory_space<hbm>>
      %dma_start3A_595 = tpu.memref_squeeze %dma_start3A_594 : memref<1x85x128xi32, #tpu.memory_space<hbm>> -> memref<85x128xi32, #tpu.memory_space<hbm>>
      %dma_start3A_596 = arith.constant 0 : i32
      %dma_start3A_597 = arith.constant 0 : i32
      %dma_start3A_598 = tpu.memref_slice %arg3[%add3A, %dma_start3A_596, %dma_start3A_597] : memref<32x85x128xi32, #tpu.memory_space<hbm>> -> memref<1x85x128xi32, #tpu.memory_space<hbm>>
      %dma_start3A_599 = tpu.memref_squeeze %dma_start3A_598 : memref<1x85x128xi32, #tpu.memory_space<hbm>> -> memref<85x128xi32, #tpu.memory_space<hbm>>
      tpu.enqueue_dma source(%dma_start3A_599 : memref<85x128xi32, #tpu.memory_space<hbm>>) target(%arg5 : memref<85x128xi32, #tpu.memory_space<vmem>>) target_semaphore(%run_scoped3A : memref<!tpu.dma_semaphore, #tpu.memory_space<semaphore_mem>>)
      %dma_wait3A_600 = arith.constant 0 : i32
      %dma_wait3A_601 = arith.constant 0 : i32
      %dma_wait3A_602 = tpu.memref_slice %arg3[%add3A, %dma_wait3A_600, %dma_wait3A_601] : memref<32x85x128xi32, #tpu.memory_space<hbm>> -> memref<1x85x128xi32, #tpu.memory_space<hbm>>
      %dma_wait3A_603 = tpu.memref_squeeze %dma_wait3A_602 : memref<1x85x128xi32, #tpu.memory_space<hbm>> -> memref<85x128xi32, #tpu.memory_space<hbm>>
      %dma_wait3A_604 = arith.constant 0 : i32
      %dma_wait3A_605 = arith.constant 0 : i32
      %dma_wait3A_606 = tpu.memref_slice %arg3[%add3A, %dma_wait3A_604, %dma_wait3A_605] : memref<32x85x128xi32, #tpu.memory_space<hbm>> -> memref<1x85x128xi32, #tpu.memory_space<hbm>>
      %dma_wait3A_607 = tpu.memref_squeeze %dma_wait3A_606 : memref<1x85x128xi32, #tpu.memory_space<hbm>> -> memref<85x128xi32, #tpu.memory_space<hbm>>
      tpu.wait_dma2 semaphore(%run_scoped3A : memref<!tpu.dma_semaphore, #tpu.memory_space<semaphore_mem>>) src(%dma_wait3A_607 : memref<85x128xi32, #tpu.memory_space<hbm>>) dst(%arg5 : memref<85x128xi32, #tpu.memory_space<vmem>>)
      tpu.yield
    }) : () -> ()
    %broadcast_in_dim3A = arith.constant 65535 : i32
    %broadcast_in_dim3A_1 = vector.broadcast %broadcast_in_dim3A : i32 to vector<16xi32>
    %scan3A = arith.constant 0 : i32
    %scan3A_2 = arith.constant 64 : i32
    %scan3A_3 = arith.addi %scan3A, %scan3A_2 : i32
    %scan3A_4 = arith.constant 1 : i32
    scf.for %scan3A_592 = %scan3A to %scan3A_3 step %scan3A_4  : i32 {
      %mul3A_593 = arith.constant 1 : i32
      %mul3A_594 = arith.muli %scan3A_592, %mul3A_593 : i32
      %add3A_595 = arith.constant 0 : i32
      %add3A_596 = arith.addi %add3A_595, %mul3A_594 : i32
      %broadcast_in_dim3A_597 = arith.constant 0.000000e+00 : f32
      %broadcast_in_dim3A_598 = vector.broadcast %broadcast_in_dim3A_597 : f32 to vector<16xf32>
      %swap3A_599 = arith.constant 0 : i32
      %swap3A_600 = arith.index_cast %swap3A_599 : i32 to index
      %swap3A_601 = arith.index_cast %add3A_596 : i32 to index
      %swap3A_602 = arith.constant 0 : index
      %swap3A_603 = tpu.vector_load %arg8[%swap3A_600, %swap3A_601, %swap3A_602] {strides = array<i32>} : memref<3x64x128xf32, #tpu.memory_space<vmem>>, vector<1x1x16xf32>,
      %swap3A_604 = vector.shape_cast %swap3A_603 : vector<1x1x16xf32> to vector<16xf32>
      %swap3A_605 = vector.shape_cast %broadcast_in_dim3A_598 : vector<16xf32> to vector<1x1x16xf32>
      tpu.vector_store %arg8[%swap3A_600, %swap3A_601, %swap3A_602], %swap3A_605 {strides = array<i32>} : memref<3x64x128xf32, #tpu.memory_space<vmem>>, vector<1x1x16xf32>,
      %broadcast_in_dim3A_606 = arith.constant 0.000000e+00 : f32
      %broadcast_in_dim3A_607 = vector.broadcast %broadcast_in_dim3A_606 : f32 to vector<16xf32>
      %swap3A_608 = arith.constant 0 : i32
      %swap3A_609 = arith.index_cast %swap3A_608 : i32 to index
      %swap3A_610 = arith.index_cast %add3A_596 : i32 to index
      %swap3A_611 = arith.constant 16 : index
      %swap3A_612 = tpu.vector_load %arg8[%swap3A_609, %swap3A_610, %swap3A_611] {strides = array<i32>} : memref<3x64x128xf32, #tpu.memory_space<vmem>>, vector<1x1x16xf32>,
      %swap3A_613 = vector.shape_cast %swap3A_612 : vector<1x1x16xf32> to vector<16xf32>
      %swap3A_614 = vector.shape_cast %broadcast_in_dim3A_607 : vector<16xf32> to vector<1x1x16xf32>
      tpu.vector_store %arg8[%swap3A_609, %swap3A_610, %swap3A_611], %swap3A_614 {strides = array<i32>} : memref<3x64x128xf32, #tpu.memory_space<vmem>>, vector<1x1x16xf32>,
      %broadcast_in_dim3A_615 = arith.constant 0.000000e+00 : f32
      %broadcast_in_dim3A_616 = vector.broadcast %broadcast_in_dim3A_615 : f32 to vector<16xf32>
      %swap3A_617 = arith.constant 0 : i32
      %swap3A_618 = arith.index_cast %swap3A_617 : i32 to index
      %swap3A_619 = arith.index_cast %add3A_596 : i32 to index
      %swap3A_620 = arith.constant 32 : index
      %swap3A_621 = tpu.vector_load %arg8[%swap3A_618, %swap3A_619, %swap3A_620] {strides = array<i32>} : memref<3x64x128xf32, #tpu.memory_space<vmem>>, vector<1x1x16xf32>,
      %swap3A_622 = vector.shape_cast %swap3A_621 : vector<1x1x16xf32> to vector<16xf32>
      %swap3A_623 = vector.shape_cast %broadcast_in_dim3A_616 : vector<16xf32> to vector<1x1x16xf32>
      tpu.vector_store %arg8[%swap3A_618, %swap3A_619, %swap3A_620], %swap3A_623 {strides = array<i32>} : memref<3x64x128xf32, #tpu.memory_space<vmem>>, vector<1x1x16xf32>,
      %broadcast_in_dim3A_624 = arith.constant 0.000000e+00 : f32
      %broadcast_in_dim3A_625 = vector.broadcast %broadcast_in_dim3A_624 : f32 to vector<16xf32>
      %swap3A_626 = arith.constant 0 : i32
      %swap3A_627 = arith.index_cast %swap3A_626 : i32 to index
      %swap3A_628 = arith.index_cast %add3A_596 : i32 to index
      %swap3A_629 = arith.constant 48 : index
      %swap3A_630 = tpu.vector_load %arg8[%swap3A_627, %swap3A_628, %swap3A_629] {strides = array<i32>} : memref<3x64x128xf32, #tpu.memory_space<vmem>>, vector<1x1x16xf32>,
      %swap3A_631 = vector.shape_cast %swap3A_630 : vector<1x1x16xf32> to vector<16xf32>
      %swap3A_632 = vector.shape_cast %broadcast_in_dim3A_625 : vector<16xf32> to vector<1x1x16xf32>
      tpu.vector_store %arg8[%swap3A_627, %swap3A_628, %swap3A_629], %swap3A_632 {strides = array<i32>} : memref<3x64x128xf32, #tpu.memory_space<vmem>>, vector<1x1x16xf32>,
      %broadcast_in_dim3A_633 = arith.constant 0.000000e+00 : f32
      %broadcast_in_dim3A_634 = vector.broadcast %broadcast_in_dim3A_633 : f32 to vector<16xf32>
      %swap3A_635 = arith.constant 0 : i32
      %swap3A_636 = arith.index_cast %swap3A_635 : i32 to index
      %swap3A_637 = arith.index_cast %add3A_596 : i32 to index
      %swap3A_638 = arith.constant 64 : index
      %swap3A_639 = tpu.vector_load %arg8[%swap3A_636, %swap3A_637, %swap3A_638] {strides = array<i32>} : memref<3x64x128xf32, #tpu.memory_space<vmem>>, vector<1x1x16xf32>,
      %swap3A_640 = vector.shape_cast %swap3A_639 : vector<1x1x16xf32> to vector<16xf32>
      %swap3A_641 = vector.shape_cast %broadcast_in_dim3A_634 : vector<16xf32> to vector<1x1x16xf32>
      tpu.vector_store %arg8[%swap3A_636, %swap3A_637, %swap3A_638], %swap3A_641 {strides = array<i32>} : memref<3x64x128xf32, #tpu.memory_space<vmem>>, vector<1x1x16xf32>,
      %broadcast_in_dim3A_642 = arith.constant 0.000000e+00 : f32
      %broadcast_in_dim3A_643 = vector.broadcast %broadcast_in_dim3A_642 : f32 to vector<16xf32>
      %swap3A_644 = arith.constant 0 : i32
      %swap3A_645 = arith.index_cast %swap3A_644 : i32 to index
      %swap3A_646 = arith.index_cast %add3A_596 : i32 to index
      %swap3A_647 = arith.constant 80 : index
      %swap3A_648 = tpu.vector_load %arg8[%swap3A_645, %swap3A_646, %swap3A_647] {strides = array<i32>} : memref<3x64x128xf32, #tpu.memory_space<vmem>>, vector<1x1x16xf32>,
      %swap3A_649 = vector.shape_cast %swap3A_648 : vector<1x1x16xf32> to vector<16xf32>
      %swap3A_650 = vector.shape_cast %broadcast_in_dim3A_643 : vector<16xf32> to vector<1x1x16xf32>
      tpu.vector_store %arg8[%swap3A_645, %swap3A_646, %swap3A_647], %swap3A_650 {strides = array<i32>} : memref<3x64x128xf32, #tpu.memory_space<vmem>>, vector<1x1x16xf32>,
      %broadcast_in_dim3A_651 = arith.constant 0.000000e+00 : f32
      %broadcast_in_dim3A_652 = vector.broadcast %broadcast_in_dim3A_651 : f32 to vector<16xf32>
      %swap3A_653 = arith.constant 0 : i32
      %swap3A_654 = arith.index_cast %swap3A_653 : i32 to index
      %swap3A_655 = arith.index_cast %add3A_596 : i32 to index
      %swap3A_656 = arith.constant 96 : index
      %swap3A_657 = tpu.vector_load %arg8[%swap3A_654, %swap3A_655, %swap3A_656] {strides = array<i32>} : memref<3x64x128xf32, #tpu.memory_space<vmem>>, vector<1x1x16xf32>,
      %swap3A_658 = vector.shape_cast %swap3A_657 : vector<1x1x16xf32> to vector<16xf32>
      %swap3A_659 = vector.shape_cast %broadcast_in_dim3A_652 : vector<16xf32> to vector<1x1x16xf32>
      tpu.vector_store %arg8[%swap3A_654, %swap3A_655, %swap3A_656], %swap3A_659 {strides = array<i32>} : memref<3x64x128xf32, #tpu.memory_space<vmem>>, vector<1x1x16xf32>,
      %broadcast_in_dim3A_660 = arith.constant 0.000000e+00 : f32
      %broadcast_in_dim3A_661 = vector.broadcast %broadcast_in_dim3A_660 : f32 to vector<16xf32>
      %swap3A_662 = arith.constant 0 : i32
      %swap3A_663 = arith.index_cast %swap3A_662 : i32 to index
      %swap3A_664 = arith.index_cast %add3A_596 : i32 to index
      %swap3A_665 = arith.constant 112 : index
      %swap3A_666 = tpu.vector_load %arg8[%swap3A_663, %swap3A_664, %swap3A_665] {strides = array<i32>} : memref<3x64x128xf32, #tpu.memory_space<vmem>>, vector<1x1x16xf32>,
      %swap3A_667 = vector.shape_cast %swap3A_666 : vector<1x1x16xf32> to vector<16xf32>
      %swap3A_668 = vector.shape_cast %broadcast_in_dim3A_661 : vector<16xf32> to vector<1x1x16xf32>
      tpu.vector_store %arg8[%swap3A_663, %swap3A_664, %swap3A_665], %swap3A_668 {strides = array<i32>} : memref<3x64x128xf32, #tpu.memory_space<vmem>>, vector<1x1x16xf32>,
    }
    %scan3A_5 = arith.constant 64 : i32
    %scan3A_6 = arith.constant 0 : i32
    %scan3A_7 = arith.constant 11 : i32
    %scan3A_8 = arith.addi %scan3A_6, %scan3A_7 : i32
    %scan3A_9 = arith.constant 1 : i32
    scf.for %scan3A_592 = %scan3A_6 to %scan3A_8 step %scan3A_9  : i32 {
      %mul3A_593 = arith.constant 1 : i32
      %mul3A_594 = arith.muli %scan3A_592, %mul3A_593 : i32
      %add3A_595 = arith.constant 0 : i32
      %add3A_596 = arith.addi %add3A_595, %mul3A_594 : i32
      %mul3A_597 = arith.constant 16 : i32
      %mul3A_598 = arith.muli %mul3A_597, %add3A_596 : i32
      %add3A_599 = arith.addi %arg1, %mul3A_598 : i32
      %lt3A = arith.constant 169 : i32
      %lt3A_600 = arith.cmpi slt, %add3A_599, %lt3A : i32
      %convert_element_type3A = arith.extui %lt3A_600 : i1 to i32
      %cond3A = arith.constant 0 : i32
      %cond3A_601 = arith.cmpi ne, %convert_element_type3A, %cond3A : i32
      scf.if %cond3A_601 {
        %mul3A_602 = arith.constant 64 : i32
        %mul3A_603 = arith.muli %add3A_599, %mul3A_602 : i32
        %run_scoped3A = arith.constant 0 : i32
        "tpu.region"() ({
          %run_scoped3A_604 = tpu.sem_alloc : memref<!tpu.dma_semaphore, #tpu.memory_space<semaphore_mem>>
          %dma_start3A_605 = arith.constant 0 : i32
          %dma_start3A_606 = arith.constant 0 : i32
          %dma_start3A_607 = tpu.memref_slice %arg8[%run_scoped3A, %dma_start3A_605, %dma_start3A_606] : memref<3x64x128xf32, #tpu.memory_space<vmem>> -> memref<1x64x128xf32, #tpu.memory_space<vmem>>
          %dma_start3A_608 = tpu.memref_squeeze %dma_start3A_607 : memref<1x64x128xf32, #tpu.memory_space<vmem>> -> memref<64x128xf32, #tpu.memory_space<vmem>>
          %dma_start3A_609 = arith.constant 0 : i32
          %dma_start3A_610 = tpu.memref_slice %arg9[%mul3A_603, %dma_start3A_609] : memref<10816x128xf32, #tpu.memory_space<vmem_shared>> -> memref<64x128xf32, #tpu.memory_space<vmem_shared>>
          %dma_start3A_611 = arith.constant 0 : i32
          %dma_start3A_612 = tpu.memref_slice %arg9[%mul3A_603, %dma_start3A_611] : memref<10816x128xf32, #tpu.memory_space<vmem_shared>> -> memref<64x128xf32, #tpu.memory_space<vmem_shared>>
          %dma_start3A_613 = arith.constant 0 : i32
          %dma_start3A_614 = arith.constant 0 : i32
          %dma_start3A_615 = tpu.memref_slice %arg8[%run_scoped3A, %dma_start3A_613, %dma_start3A_614] : memref<3x64x128xf32, #tpu.memory_space<vmem>> -> memref<1x64x128xf32, #tpu.memory_space<vmem>>
          %dma_start3A_616 = tpu.memref_squeeze %dma_start3A_615 : memref<1x64x128xf32, #tpu.memory_space<vmem>> -> memref<64x128xf32, #tpu.memory_space<vmem>>
          tpu.enqueue_dma source(%dma_start3A_616 : memref<64x128xf32, #tpu.memory_space<vmem>>) target(%dma_start3A_612 : memref<64x128xf32, #tpu.memory_space<vmem_shared>>) target_semaphore(%run_scoped3A_604 : memref<!tpu.dma_semaphore, #tpu.memory_space<semaphore_mem>>)
          %dma_wait3A_617 = arith.constant 0 : i32
          %dma_wait3A_618 = arith.constant 0 : i32
          %dma_wait3A_619 = tpu.memref_slice %arg8[%run_scoped3A, %dma_wait3A_617, %dma_wait3A_618] : memref<3x64x128xf32, #tpu.memory_space<vmem>> -> memref<1x64x128xf32, #tpu.memory_space<vmem>>
          %dma_wait3A_620 = tpu.memref_squeeze %dma_wait3A_619 : memref<1x64x128xf32, #tpu.memory_space<vmem>> -> memref<64x128xf32, #tpu.memory_space<vmem>>
          %dma_wait3A_621 = arith.constant 0 : i32
          %dma_wait3A_622 = tpu.memref_slice %arg9[%mul3A_603, %dma_wait3A_621] : memref<10816x128xf32, #tpu.memory_space<vmem_shared>> -> memref<64x128xf32, #tpu.memory_space<vmem_shared>>
          %dma_wait3A_623 = arith.constant 0 : i32
          %dma_wait3A_624 = tpu.memref_slice %arg9[%mul3A_603, %dma_wait3A_623] : memref<10816x128xf32, #tpu.memory_space<vmem_shared>> -> memref<64x128xf32, #tpu.memory_space<vmem_shared>>
          %dma_wait3A_625 = arith.constant 0 : i32
          %dma_wait3A_626 = arith.constant 0 : i32
          %dma_wait3A_627 = tpu.memref_slice %arg8[%run_scoped3A, %dma_wait3A_625, %dma_wait3A_626] : memref<3x64x128xf32, #tpu.memory_space<vmem>> -> memref<1x64x128xf32, #tpu.memory_space<vmem>>
          %dma_wait3A_628 = tpu.memref_squeeze %dma_wait3A_627 : memref<1x64x128xf32, #tpu.memory_space<vmem>> -> memref<64x128xf32, #tpu.memory_space<vmem>>
          tpu.wait_dma2 semaphore(%run_scoped3A_604 : memref<!tpu.dma_semaphore, #tpu.memory_space<semaphore_mem>>) src(%dma_wait3A_628 : memref<64x128xf32, #tpu.memory_space<vmem>>) dst(%dma_wait3A_624 : memref<64x128xf32, #tpu.memory_space<vmem_shared>>)
          tpu.yield
        }) : () -> ()
      } else {
      }
    }
    %scan3A_10 = arith.constant 11 : i32
    %barrier3A = arith.constant 0 : index
    tpu.barrier barrier_id(%barrier3A)
    %shift_right_logical3A = arith.constant 0 : i32
    %shift_right_logical3A_11 = arith.constant 1 : i32
    %shift_right_logical3A_12 = arith.shrui %shift_right_logical3A, %shift_right_logical3A_11 : i32
    %and3A = arith.constant 0 : i32
    %and3A_13 = arith.constant 1 : i32
    %and3A_14 = arith.andi %and3A, %and3A_13 : i32
    %mul3A_15 = arith.constant 64 : i32
    %mul3A_16 = arith.muli %and3A_14, %mul3A_15 : i32
    %add3A_17 = arith.constant 0 : i32
    %add3A_18 = arith.addi %mul3A_16, %add3A_17 : i32
    %get3A = arith.index_cast %shift_right_logical3A_12 : i32 to index
    %get3A_19 = arith.index_cast %add3A_18 : i32 to index
    %get3A_20 = tpu.vector_load %arg5[%get3A, %get3A_19] {strides = array<i32>} : memref<85x128xi32, #tpu.memory_space<vmem>>, vector<1x16xi32>,
    %get3A_21 = vector.shape_cast %get3A_20 : vector<1x16xi32> to vector<16xi32>
    %and3A_22 = arith.andi %get3A_21, %broadcast_in_dim3A_1 : vector<16xi32>
    %swap3A = arith.constant 0 : i32
    %swap3A_23 = arith.index_cast %swap3A : i32 to index
    %swap3A_24 = arith.constant 0 : index
    %swap3A_25 = tpu.vector_load %arg6[%swap3A_23, %swap3A_24] {strides = array<i32>} : memref<3x64xi32, #tpu.memory_space<vmem>>, vector<1x16xi32>,
    %swap3A_26 = vector.shape_cast %swap3A_25 : vector<1x16xi32> to vector<16xi32>
    %swap3A_27 = vector.shape_cast %and3A_22 : vector<16xi32> to vector<1x16xi32>
    tpu.vector_store %arg6[%swap3A_23, %swap3A_24], %swap3A_27 {strides = array<i32>} : memref<3x64xi32, #tpu.memory_space<vmem>>, vector<1x16xi32>,
    %shift_right_logical3A_28 = arith.constant 16 : i32
    %shift_right_logical3A_29 = vector.broadcast %shift_right_logical3A_28 : i32 to vector<16xi32>
    %shift_right_logical3A_30 = arith.shrui %get3A_21, %shift_right_logical3A_29 : vector<16xi32>
    %swap3A_31 = arith.constant 0 : i32
    %swap3A_32 = arith.index_cast %swap3A_31 : i32 to index
    %swap3A_33 = arith.constant 0 : index
    %swap3A_34 = tpu.vector_load %arg7[%swap3A_32, %swap3A_33] {strides = array<i32>} : memref<3x64xi32, #tpu.memory_space<vmem>>, vector<1x16xi32>,
    %swap3A_35 = vector.shape_cast %swap3A_34 : vector<1x16xi32> to vector<16xi32>
    %swap3A_36 = vector.shape_cast %shift_right_logical3A_30 : vector<16xi32> to vector<1x16xi32>
    tpu.vector_store %arg7[%swap3A_32, %swap3A_33], %swap3A_36 {strides = array<i32>} : memref<3x64xi32, #tpu.memory_space<vmem>>, vector<1x16xi32>,
    %add3A_37 = arith.constant 16 : i32
    %add3A_38 = arith.addi %mul3A_16, %add3A_37 : i32
    %get3A_39 = arith.index_cast %shift_right_logical3A_12 : i32 to index
    %get3A_40 = arith.index_cast %add3A_38 : i32 to index
    %get3A_41 = tpu.vector_load %arg5[%get3A_39, %get3A_40] {strides = array<i32>} : memref<85x128xi32, #tpu.memory_space<vmem>>, vector<1x16xi32>,
    %get3A_42 = vector.shape_cast %get3A_41 : vector<1x16xi32> to vector<16xi32>
    %and3A_43 = arith.andi %get3A_42, %broadcast_in_dim3A_1 : vector<16xi32>
    %swap3A_44 = arith.constant 0 : i32
    %swap3A_45 = arith.index_cast %swap3A_44 : i32 to index
    %swap3A_46 = arith.constant 16 : index
    %swap3A_47 = tpu.vector_load %arg6[%swap3A_45, %swap3A_46] {strides = array<i32>} : memref<3x64xi32, #tpu.memory_space<vmem>>, vector<1x16xi32>,
    %swap3A_48 = vector.shape_cast %swap3A_47 : vector<1x16xi32> to vector<16xi32>
    %swap3A_49 = vector.shape_cast %and3A_43 : vector<16xi32> to vector<1x16xi32>
    tpu.vector_store %arg6[%swap3A_45, %swap3A_46], %swap3A_49 {strides = array<i32>} : memref<3x64xi32, #tpu.memory_space<vmem>>, vector<1x16xi32>,
    %shift_right_logical3A_50 = arith.constant 16 : i32
    %shift_right_logical3A_51 = vector.broadcast %shift_right_logical3A_50 : i32 to vector<16xi32>
    %shift_right_logical3A_52 = arith.shrui %get3A_42, %shift_right_logical3A_51 : vector<16xi32>
    %swap3A_53 = arith.constant 0 : i32
    %swap3A_54 = arith.index_cast %swap3A_53 : i32 to index
    %swap3A_55 = arith.constant 16 : index
    %swap3A_56 = tpu.vector_load %arg7[%swap3A_54, %swap3A_55] {strides = array<i32>} : memref<3x64xi32, #tpu.memory_space<vmem>>, vector<1x16xi32>,
    %swap3A_57 = vector.shape_cast %swap3A_56 : vector<1x16xi32> to vector<16xi32>
    %swap3A_58 = vector.shape_cast %shift_right_logical3A_52 : vector<16xi32> to vector<1x16xi32>
    tpu.vector_store %arg7[%swap3A_54, %swap3A_55], %swap3A_58 {strides = array<i32>} : memref<3x64xi32, #tpu.memory_space<vmem>>, vector<1x16xi32>,
    %add3A_59 = arith.constant 32 : i32
    %add3A_60 = arith.addi %mul3A_16, %add3A_59 : i32
    %get3A_61 = arith.index_cast %shift_right_logical3A_12 : i32 to index
    %get3A_62 = arith.index_cast %add3A_60 : i32 to index
    %get3A_63 = tpu.vector_load %arg5[%get3A_61, %get3A_62] {strides = array<i32>} : memref<85x128xi32, #tpu.memory_space<vmem>>, vector<1x16xi32>,
    %get3A_64 = vector.shape_cast %get3A_63 : vector<1x16xi32> to vector<16xi32>
    %and3A_65 = arith.andi %get3A_64, %broadcast_in_dim3A_1 : vector<16xi32>
    %swap3A_66 = arith.constant 0 : i32
    %swap3A_67 = arith.index_cast %swap3A_66 : i32 to index
    %swap3A_68 = arith.constant 32 : index
    %swap3A_69 = tpu.vector_load %arg6[%swap3A_67, %swap3A_68] {strides = array<i32>} : memref<3x64xi32, #tpu.memory_space<vmem>>, vector<1x16xi32>,
    %swap3A_70 = vector.shape_cast %swap3A_69 : vector<1x16xi32> to vector<16xi32>
    %swap3A_71 = vector.shape_cast %and3A_65 : vector<16xi32> to vector<1x16xi32>
    tpu.vector_store %arg6[%swap3A_67, %swap3A_68], %swap3A_71 {strides = array<i32>} : memref<3x64xi32, #tpu.memory_space<vmem>>, vector<1x16xi32>,
    %shift_right_logical3A_72 = arith.constant 16 : i32
    %shift_right_logical3A_73 = vector.broadcast %shift_right_logical3A_72 : i32 to vector<16xi32>
    %shift_right_logical3A_74 = arith.shrui %get3A_64, %shift_right_logical3A_73 : vector<16xi32>
    %swap3A_75 = arith.constant 0 : i32
    %swap3A_76 = arith.index_cast %swap3A_75 : i32 to index
    %swap3A_77 = arith.constant 32 : index
    %swap3A_78 = tpu.vector_load %arg7[%swap3A_76, %swap3A_77] {strides = array<i32>} : memref<3x64xi32, #tpu.memory_space<vmem>>, vector<1x16xi32>,
    %swap3A_79 = vector.shape_cast %swap3A_78 : vector<1x16xi32> to vector<16xi32>
    %swap3A_80 = vector.shape_cast %shift_right_logical3A_74 : vector<16xi32> to vector<1x16xi32>
    tpu.vector_store %arg7[%swap3A_76, %swap3A_77], %swap3A_80 {strides = array<i32>} : memref<3x64xi32, #tpu.memory_space<vmem>>, vector<1x16xi32>,
    %add3A_81 = arith.constant 48 : i32
    %add3A_82 = arith.addi %mul3A_16, %add3A_81 : i32
    %get3A_83 = arith.index_cast %shift_right_logical3A_12 : i32 to index
    %get3A_84 = arith.index_cast %add3A_82 : i32 to index
    %get3A_85 = tpu.vector_load %arg5[%get3A_83, %get3A_84] {strides = array<i32>} : memref<85x128xi32, #tpu.memory_space<vmem>>, vector<1x16xi32>,
    %get3A_86 = vector.shape_cast %get3A_85 : vector<1x16xi32> to vector<16xi32>
    %and3A_87 = arith.andi %get3A_86, %broadcast_in_dim3A_1 : vector<16xi32>
    %swap3A_88 = arith.constant 0 : i32
    %swap3A_89 = arith.index_cast %swap3A_88 : i32 to index
    %swap3A_90 = arith.constant 48 : index
    %swap3A_91 = tpu.vector_load %arg6[%swap3A_89, %swap3A_90] {strides = array<i32>} : memref<3x64xi32, #tpu.memory_space<vmem>>, vector<1x16xi32>,
    %swap3A_92 = vector.shape_cast %swap3A_91 : vector<1x16xi32> to vector<16xi32>
    %swap3A_93 = vector.shape_cast %and3A_87 : vector<16xi32> to vector<1x16xi32>
    tpu.vector_store %arg6[%swap3A_89, %swap3A_90], %swap3A_93 {strides = array<i32>} : memref<3x64xi32, #tpu.memory_space<vmem>>, vector<1x16xi32>,
    %shift_right_logical3A_94 = arith.constant 16 : i32
    %shift_right_logical3A_95 = vector.broadcast %shift_right_logical3A_94 : i32 to vector<16xi32>
    %shift_right_logical3A_96 = arith.shrui %get3A_86, %shift_right_logical3A_95 : vector<16xi32>
    %swap3A_97 = arith.constant 0 : i32
    %swap3A_98 = arith.index_cast %swap3A_97 : i32 to index
    %swap3A_99 = arith.constant 48 : index
    %swap3A_100 = tpu.vector_load %arg7[%swap3A_98, %swap3A_99] {strides = array<i32>} : memref<3x64xi32, #tpu.memory_space<vmem>>, vector<1x16xi32>,
    %swap3A_101 = vector.shape_cast %swap3A_100 : vector<1x16xi32> to vector<16xi32>
    %swap3A_102 = vector.shape_cast %shift_right_logical3A_96 : vector<16xi32> to vector<1x16xi32>
    tpu.vector_store %arg7[%swap3A_98, %swap3A_99], %swap3A_102 {strides = array<i32>} : memref<3x64xi32, #tpu.memory_space<vmem>>, vector<1x16xi32>,
    %dma_start3A = arith.constant 0 : i32
    %dma_start3A_103 = arith.constant 0 : i32
    %dma_start3A_104 = arith.constant 0 : i32
    %dma_start3A_105 = arith.constant 0 : i32
    %dma_start3A_106 = tpu.memref_slice %arg8[%dma_start3A_103, %dma_start3A_104, %dma_start3A_105] : memref<3x64x128xf32, #tpu.memory_space<vmem>> -> memref<1x64x128xf32, #tpu.memory_space<vmem>>
    %dma_start3A_107 = tpu.memref_squeeze %dma_start3A_106 : memref<1x64x128xf32, #tpu.memory_space<vmem>> -> memref<64x128xf32, #tpu.memory_space<vmem>>
    %dma_start3A_108 = arith.constant 0 : i32
    %dma_start3A_109 = tpu.memref_slice %arg6[%dma_start3A, %dma_start3A_108] : memref<3x64xi32, #tpu.memory_space<vmem>> -> memref<1x64xi32, #tpu.memory_space<vmem>>
    %dma_start3A_110 = tpu.memref_squeeze %dma_start3A_109 : memref<1x64xi32, #tpu.memory_space<vmem>> -> memref<64xi32, #tpu.memory_space<vmem>>
    %dma_start3A_111 = arith.constant 0 : i32
    %dma_start3A_112 = arith.constant 0 : i32
    %dma_start3A_113 = tpu.memref_slice %arg2[%dma_start3A_111, %dma_start3A_112] : memref<10816x128xf32, #tpu.memory_space<hbm>> -> memref<10816x128xf32, #tpu.memory_space<hbm>>
    tpu.enqueue_indirect_dma source(%dma_start3A_113 : memref<10816x128xf32, #tpu.memory_space<hbm>>) target(%dma_start3A_107 : memref<64x128xf32, #tpu.memory_space<vmem>>) offsets(%dma_start3A_110 : memref<64xi32, #tpu.memory_space<vmem>>) semaphore(%arg10 : memref<!tpu.dma_semaphore, #tpu.memory_space<semaphore_mem>>)
    %shift_right_logical3A_114 = arith.constant 1 : i32
    %shift_right_logical3A_115 = arith.constant 1 : i32
    %shift_right_logical3A_116 = arith.shrui %shift_right_logical3A_114, %shift_right_logical3A_115 : i32
    %and3A_117 = arith.constant 1 : i32
    %and3A_118 = arith.constant 1 : i32
    %and3A_119 = arith.andi %and3A_117, %and3A_118 : i32
    %mul3A_120 = arith.constant 64 : i32
    %mul3A_121 = arith.muli %and3A_119, %mul3A_120 : i32
    %add3A_122 = arith.constant 0 : i32
    %add3A_123 = arith.addi %mul3A_121, %add3A_122 : i32
    %get3A_124 = arith.index_cast %shift_right_logical3A_116 : i32 to index
    %get3A_125 = arith.index_cast %add3A_123 : i32 to index
    %get3A_126 = tpu.vector_load %arg5[%get3A_124, %get3A_125] {strides = array<i32>} : memref<85x128xi32, #tpu.memory_space<vmem>>, vector<1x16xi32>,
    %get3A_127 = vector.shape_cast %get3A_126 : vector<1x16xi32> to vector<16xi32>
    %and3A_128 = arith.andi %get3A_127, %broadcast_in_dim3A_1 : vector<16xi32>
    %swap3A_129 = arith.constant 1 : i32
    %swap3A_130 = arith.index_cast %swap3A_129 : i32 to index
    %swap3A_131 = arith.constant 0 : index
    %swap3A_132 = tpu.vector_load %arg6[%swap3A_130, %swap3A_131] {strides = array<i32>} : memref<3x64xi32, #tpu.memory_space<vmem>>, vector<1x16xi32>,
    %swap3A_133 = vector.shape_cast %swap3A_132 : vector<1x16xi32> to vector<16xi32>
    %swap3A_134 = vector.shape_cast %and3A_128 : vector<16xi32> to vector<1x16xi32>
    tpu.vector_store %arg6[%swap3A_130, %swap3A_131], %swap3A_134 {strides = array<i32>} : memref<3x64xi32, #tpu.memory_space<vmem>>, vector<1x16xi32>,
    %shift_right_logical3A_135 = arith.constant 16 : i32
    %shift_right_logical3A_136 = vector.broadcast %shift_right_logical3A_135 : i32 to vector<16xi32>
    %shift_right_logical3A_137 = arith.shrui %get3A_127, %shift_right_logical3A_136 : vector<16xi32>
    %swap3A_138 = arith.constant 1 : i32
    %swap3A_139 = arith.index_cast %swap3A_138 : i32 to index
    %swap3A_140 = arith.constant 0 : index
    %swap3A_141 = tpu.vector_load %arg7[%swap3A_139, %swap3A_140] {strides = array<i32>} : memref<3x64xi32, #tpu.memory_space<vmem>>, vector<1x16xi32>,
    %swap3A_142 = vector.shape_cast %swap3A_141 : vector<1x16xi32> to vector<16xi32>
    %swap3A_143 = vector.shape_cast %shift_right_logical3A_137 : vector<16xi32> to vector<1x16xi32>
    tpu.vector_store %arg7[%swap3A_139, %swap3A_140], %swap3A_143 {strides = array<i32>} : memref<3x64xi32, #tpu.memory_space<vmem>>, vector<1x16xi32>,
    %add3A_144 = arith.constant 16 : i32
    %add3A_145 = arith.addi %mul3A_121, %add3A_144 : i32
    %get3A_146 = arith.index_cast %shift_right_logical3A_116 : i32 to index
    %get3A_147 = arith.index_cast %add3A_145 : i32 to index
    %get3A_148 = tpu.vector_load %arg5[%get3A_146, %get3A_147] {strides = array<i32>} : memref<85x128xi32, #tpu.memory_space<vmem>>, vector<1x16xi32>,
    %get3A_149 = vector.shape_cast %get3A_148 : vector<1x16xi32> to vector<16xi32>
    %and3A_150 = arith.andi %get3A_149, %broadcast_in_dim3A_1 : vector<16xi32>
    %swap3A_151 = arith.constant 1 : i32
    %swap3A_152 = arith.index_cast %swap3A_151 : i32 to index
    %swap3A_153 = arith.constant 16 : index
    %swap3A_154 = tpu.vector_load %arg6[%swap3A_152, %swap3A_153] {strides = array<i32>} : memref<3x64xi32, #tpu.memory_space<vmem>>, vector<1x16xi32>,
    %swap3A_155 = vector.shape_cast %swap3A_154 : vector<1x16xi32> to vector<16xi32>
    %swap3A_156 = vector.shape_cast %and3A_150 : vector<16xi32> to vector<1x16xi32>
    tpu.vector_store %arg6[%swap3A_152, %swap3A_153], %swap3A_156 {strides = array<i32>} : memref<3x64xi32, #tpu.memory_space<vmem>>, vector<1x16xi32>,
    %shift_right_logical3A_157 = arith.constant 16 : i32
    %shift_right_logical3A_158 = vector.broadcast %shift_right_logical3A_157 : i32 to vector<16xi32>
    %shift_right_logical3A_159 = arith.shrui %get3A_149, %shift_right_logical3A_158 : vector<16xi32>
    %swap3A_160 = arith.constant 1 : i32
    %swap3A_161 = arith.index_cast %swap3A_160 : i32 to index
    %swap3A_162 = arith.constant 16 : index
    %swap3A_163 = tpu.vector_load %arg7[%swap3A_161, %swap3A_162] {strides = array<i32>} : memref<3x64xi32, #tpu.memory_space<vmem>>, vector<1x16xi32>,
    %swap3A_164 = vector.shape_cast %swap3A_163 : vector<1x16xi32> to vector<16xi32>
    %swap3A_165 = vector.shape_cast %shift_right_logical3A_159 : vector<16xi32> to vector<1x16xi32>
    tpu.vector_store %arg7[%swap3A_161, %swap3A_162], %swap3A_165 {strides = array<i32>} : memref<3x64xi32, #tpu.memory_space<vmem>>, vector<1x16xi32>,
    %add3A_166 = arith.constant 32 : i32
    %add3A_167 = arith.addi %mul3A_121, %add3A_166 : i32
    %get3A_168 = arith.index_cast %shift_right_logical3A_116 : i32 to index
    %get3A_169 = arith.index_cast %add3A_167 : i32 to index
    %get3A_170 = tpu.vector_load %arg5[%get3A_168, %get3A_169] {strides = array<i32>} : memref<85x128xi32, #tpu.memory_space<vmem>>, vector<1x16xi32>,
    %get3A_171 = vector.shape_cast %get3A_170 : vector<1x16xi32> to vector<16xi32>
    %and3A_172 = arith.andi %get3A_171, %broadcast_in_dim3A_1 : vector<16xi32>
    %swap3A_173 = arith.constant 1 : i32
    %swap3A_174 = arith.index_cast %swap3A_173 : i32 to index
    %swap3A_175 = arith.constant 32 : index
    %swap3A_176 = tpu.vector_load %arg6[%swap3A_174, %swap3A_175] {strides = array<i32>} : memref<3x64xi32, #tpu.memory_space<vmem>>, vector<1x16xi32>,
    %swap3A_177 = vector.shape_cast %swap3A_176 : vector<1x16xi32> to vector<16xi32>
    %swap3A_178 = vector.shape_cast %and3A_172 : vector<16xi32> to vector<1x16xi32>
    tpu.vector_store %arg6[%swap3A_174, %swap3A_175], %swap3A_178 {strides = array<i32>} : memref<3x64xi32, #tpu.memory_space<vmem>>, vector<1x16xi32>,
    %shift_right_logical3A_179 = arith.constant 16 : i32
    %shift_right_logical3A_180 = vector.broadcast %shift_right_logical3A_179 : i32 to vector<16xi32>
    %shift_right_logical3A_181 = arith.shrui %get3A_171, %shift_right_logical3A_180 : vector<16xi32>
    %swap3A_182 = arith.constant 1 : i32
    %swap3A_183 = arith.index_cast %swap3A_182 : i32 to index
    %swap3A_184 = arith.constant 32 : index
    %swap3A_185 = tpu.vector_load %arg7[%swap3A_183, %swap3A_184] {strides = array<i32>} : memref<3x64xi32, #tpu.memory_space<vmem>>, vector<1x16xi32>,
    %swap3A_186 = vector.shape_cast %swap3A_185 : vector<1x16xi32> to vector<16xi32>
    %swap3A_187 = vector.shape_cast %shift_right_logical3A_181 : vector<16xi32> to vector<1x16xi32>
    tpu.vector_store %arg7[%swap3A_183, %swap3A_184], %swap3A_187 {strides = array<i32>} : memref<3x64xi32, #tpu.memory_space<vmem>>, vector<1x16xi32>,
    %add3A_188 = arith.constant 48 : i32
    %add3A_189 = arith.addi %mul3A_121, %add3A_188 : i32
    %get3A_190 = arith.index_cast %shift_right_logical3A_116 : i32 to index
    %get3A_191 = arith.index_cast %add3A_189 : i32 to index
    %get3A_192 = tpu.vector_load %arg5[%get3A_190, %get3A_191] {strides = array<i32>} : memref<85x128xi32, #tpu.memory_space<vmem>>, vector<1x16xi32>,
    %get3A_193 = vector.shape_cast %get3A_192 : vector<1x16xi32> to vector<16xi32>
    %and3A_194 = arith.andi %get3A_193, %broadcast_in_dim3A_1 : vector<16xi32>
    %swap3A_195 = arith.constant 1 : i32
    %swap3A_196 = arith.index_cast %swap3A_195 : i32 to index
    %swap3A_197 = arith.constant 48 : index
    %swap3A_198 = tpu.vector_load %arg6[%swap3A_196, %swap3A_197] {strides = array<i32>} : memref<3x64xi32, #tpu.memory_space<vmem>>, vector<1x16xi32>,
    %swap3A_199 = vector.shape_cast %swap3A_198 : vector<1x16xi32> to vector<16xi32>
    %swap3A_200 = vector.shape_cast %and3A_194 : vector<16xi32> to vector<1x16xi32>
    tpu.vector_store %arg6[%swap3A_196, %swap3A_197], %swap3A_200 {strides = array<i32>} : memref<3x64xi32, #tpu.memory_space<vmem>>, vector<1x16xi32>,
    %shift_right_logical3A_201 = arith.constant 16 : i32
    %shift_right_logical3A_202 = vector.broadcast %shift_right_logical3A_201 : i32 to vector<16xi32>
    %shift_right_logical3A_203 = arith.shrui %get3A_193, %shift_right_logical3A_202 : vector<16xi32>
    %swap3A_204 = arith.constant 1 : i32
    %swap3A_205 = arith.index_cast %swap3A_204 : i32 to index
    %swap3A_206 = arith.constant 48 : index
    %swap3A_207 = tpu.vector_load %arg7[%swap3A_205, %swap3A_206] {strides = array<i32>} : memref<3x64xi32, #tpu.memory_space<vmem>>, vector<1x16xi32>,
    %swap3A_208 = vector.shape_cast %swap3A_207 : vector<1x16xi32> to vector<16xi32>
    %swap3A_209 = vector.shape_cast %shift_right_logical3A_203 : vector<16xi32> to vector<1x16xi32>
    tpu.vector_store %arg7[%swap3A_205, %swap3A_206], %swap3A_209 {strides = array<i32>} : memref<3x64xi32, #tpu.memory_space<vmem>>, vector<1x16xi32>,
    %dma_start3A_210 = arith.constant 1 : i32
    %dma_start3A_211 = arith.constant 1 : i32
    %dma_start3A_212 = arith.constant 0 : i32
    %dma_start3A_213 = arith.constant 0 : i32
    %dma_start3A_214 = tpu.memref_slice %arg8[%dma_start3A_211, %dma_start3A_212, %dma_start3A_213] : memref<3x64x128xf32, #tpu.memory_space<vmem>> -> memref<1x64x128xf32, #tpu.memory_space<vmem>>
    %dma_start3A_215 = tpu.memref_squeeze %dma_start3A_214 : memref<1x64x128xf32, #tpu.memory_space<vmem>> -> memref<64x128xf32, #tpu.memory_space<vmem>>
    %dma_start3A_216 = arith.constant 0 : i32
    %dma_start3A_217 = tpu.memref_slice %arg6[%dma_start3A_210, %dma_start3A_216] : memref<3x64xi32, #tpu.memory_space<vmem>> -> memref<1x64xi32, #tpu.memory_space<vmem>>
    %dma_start3A_218 = tpu.memref_squeeze %dma_start3A_217 : memref<1x64xi32, #tpu.memory_space<vmem>> -> memref<64xi32, #tpu.memory_space<vmem>>
    %dma_start3A_219 = arith.constant 0 : i32
    %dma_start3A_220 = arith.constant 0 : i32
    %dma_start3A_221 = tpu.memref_slice %arg2[%dma_start3A_219, %dma_start3A_220] : memref<10816x128xf32, #tpu.memory_space<hbm>> -> memref<10816x128xf32, #tpu.memory_space<hbm>>
    tpu.enqueue_indirect_dma source(%dma_start3A_221 : memref<10816x128xf32, #tpu.memory_space<hbm>>) target(%dma_start3A_215 : memref<64x128xf32, #tpu.memory_space<vmem>>) offsets(%dma_start3A_218 : memref<64xi32, #tpu.memory_space<vmem>>) semaphore(%arg11 : memref<!tpu.dma_semaphore, #tpu.memory_space<semaphore_mem>>)
    %shift_right_logical3A_222 = arith.constant 2 : i32
    %shift_right_logical3A_223 = arith.constant 1 : i32
    %shift_right_logical3A_224 = arith.shrui %shift_right_logical3A_222, %shift_right_logical3A_223 : i32
    %and3A_225 = arith.constant 2 : i32
    %and3A_226 = arith.constant 1 : i32
    %and3A_227 = arith.andi %and3A_225, %and3A_226 : i32
    %mul3A_228 = arith.constant 64 : i32
    %mul3A_229 = arith.muli %and3A_227, %mul3A_228 : i32
    %add3A_230 = arith.constant 0 : i32
    %add3A_231 = arith.addi %mul3A_229, %add3A_230 : i32
    %get3A_232 = arith.index_cast %shift_right_logical3A_224 : i32 to index
    %get3A_233 = arith.index_cast %add3A_231 : i32 to index
    %get3A_234 = tpu.vector_load %arg5[%get3A_232, %get3A_233] {strides = array<i32>} : memref<85x128xi32, #tpu.memory_space<vmem>>, vector<1x16xi32>,
    %get3A_235 = vector.shape_cast %get3A_234 : vector<1x16xi32> to vector<16xi32>
    %and3A_236 = arith.andi %get3A_235, %broadcast_in_dim3A_1 : vector<16xi32>
    %swap3A_237 = arith.constant 2 : i32
    %swap3A_238 = arith.index_cast %swap3A_237 : i32 to index
    %swap3A_239 = arith.constant 0 : index
    %swap3A_240 = tpu.vector_load %arg6[%swap3A_238, %swap3A_239] {strides = array<i32>} : memref<3x64xi32, #tpu.memory_space<vmem>>, vector<1x16xi32>,
    %swap3A_241 = vector.shape_cast %swap3A_240 : vector<1x16xi32> to vector<16xi32>
    %swap3A_242 = vector.shape_cast %and3A_236 : vector<16xi32> to vector<1x16xi32>
    tpu.vector_store %arg6[%swap3A_238, %swap3A_239], %swap3A_242 {strides = array<i32>} : memref<3x64xi32, #tpu.memory_space<vmem>>, vector<1x16xi32>,
    %shift_right_logical3A_243 = arith.constant 16 : i32
    %shift_right_logical3A_244 = vector.broadcast %shift_right_logical3A_243 : i32 to vector<16xi32>
    %shift_right_logical3A_245 = arith.shrui %get3A_235, %shift_right_logical3A_244 : vector<16xi32>
    %swap3A_246 = arith.constant 2 : i32
    %swap3A_247 = arith.index_cast %swap3A_246 : i32 to index
    %swap3A_248 = arith.constant 0 : index
    %swap3A_249 = tpu.vector_load %arg7[%swap3A_247, %swap3A_248] {strides = array<i32>} : memref<3x64xi32, #tpu.memory_space<vmem>>, vector<1x16xi32>,
    %swap3A_250 = vector.shape_cast %swap3A_249 : vector<1x16xi32> to vector<16xi32>
    %swap3A_251 = vector.shape_cast %shift_right_logical3A_245 : vector<16xi32> to vector<1x16xi32>
    tpu.vector_store %arg7[%swap3A_247, %swap3A_248], %swap3A_251 {strides = array<i32>} : memref<3x64xi32, #tpu.memory_space<vmem>>, vector<1x16xi32>,
    %add3A_252 = arith.constant 16 : i32
    %add3A_253 = arith.addi %mul3A_229, %add3A_252 : i32
    %get3A_254 = arith.index_cast %shift_right_logical3A_224 : i32 to index
    %get3A_255 = arith.index_cast %add3A_253 : i32 to index
    %get3A_256 = tpu.vector_load %arg5[%get3A_254, %get3A_255] {strides = array<i32>} : memref<85x128xi32, #tpu.memory_space<vmem>>, vector<1x16xi32>,
    %get3A_257 = vector.shape_cast %get3A_256 : vector<1x16xi32> to vector<16xi32>
    %and3A_258 = arith.andi %get3A_257, %broadcast_in_dim3A_1 : vector<16xi32>
    %swap3A_259 = arith.constant 2 : i32
    %swap3A_260 = arith.index_cast %swap3A_259 : i32 to index
    %swap3A_261 = arith.constant 16 : index
    %swap3A_262 = tpu.vector_load %arg6[%swap3A_260, %swap3A_261] {strides = array<i32>} : memref<3x64xi32, #tpu.memory_space<vmem>>, vector<1x16xi32>,
    %swap3A_263 = vector.shape_cast %swap3A_262 : vector<1x16xi32> to vector<16xi32>
    %swap3A_264 = vector.shape_cast %and3A_258 : vector<16xi32> to vector<1x16xi32>
    tpu.vector_store %arg6[%swap3A_260, %swap3A_261], %swap3A_264 {strides = array<i32>} : memref<3x64xi32, #tpu.memory_space<vmem>>, vector<1x16xi32>,
    %shift_right_logical3A_265 = arith.constant 16 : i32
    %shift_right_logical3A_266 = vector.broadcast %shift_right_logical3A_265 : i32 to vector<16xi32>
    %shift_right_logical3A_267 = arith.shrui %get3A_257, %shift_right_logical3A_266 : vector<16xi32>
    %swap3A_268 = arith.constant 2 : i32
    %swap3A_269 = arith.index_cast %swap3A_268 : i32 to index
    %swap3A_270 = arith.constant 16 : index
    %swap3A_271 = tpu.vector_load %arg7[%swap3A_269, %swap3A_270] {strides = array<i32>} : memref<3x64xi32, #tpu.memory_space<vmem>>, vector<1x16xi32>,
    %swap3A_272 = vector.shape_cast %swap3A_271 : vector<1x16xi32> to vector<16xi32>
    %swap3A_273 = vector.shape_cast %shift_right_logical3A_267 : vector<16xi32> to vector<1x16xi32>
    tpu.vector_store %arg7[%swap3A_269, %swap3A_270], %swap3A_273 {strides = array<i32>} : memref<3x64xi32, #tpu.memory_space<vmem>>, vector<1x16xi32>,
    %add3A_274 = arith.constant 32 : i32
    %add3A_275 = arith.addi %mul3A_229, %add3A_274 : i32
    %get3A_276 = arith.index_cast %shift_right_logical3A_224 : i32 to index
    %get3A_277 = arith.index_cast %add3A_275 : i32 to index
    %get3A_278 = tpu.vector_load %arg5[%get3A_276, %get3A_277] {strides = array<i32>} : memref<85x128xi32, #tpu.memory_space<vmem>>, vector<1x16xi32>,
    %get3A_279 = vector.shape_cast %get3A_278 : vector<1x16xi32> to vector<16xi32>
    %and3A_280 = arith.andi %get3A_279, %broadcast_in_dim3A_1 : vector<16xi32>
    %swap3A_281 = arith.constant 2 : i32
    %swap3A_282 = arith.index_cast %swap3A_281 : i32 to index
    %swap3A_283 = arith.constant 32 : index
    %swap3A_284 = tpu.vector_load %arg6[%swap3A_282, %swap3A_283] {strides = array<i32>} : memref<3x64xi32, #tpu.memory_space<vmem>>, vector<1x16xi32>,
    %swap3A_285 = vector.shape_cast %swap3A_284 : vector<1x16xi32> to vector<16xi32>
    %swap3A_286 = vector.shape_cast %and3A_280 : vector<16xi32> to vector<1x16xi32>
    tpu.vector_store %arg6[%swap3A_282, %swap3A_283], %swap3A_286 {strides = array<i32>} : memref<3x64xi32, #tpu.memory_space<vmem>>, vector<1x16xi32>,
    %shift_right_logical3A_287 = arith.constant 16 : i32
    %shift_right_logical3A_288 = vector.broadcast %shift_right_logical3A_287 : i32 to vector<16xi32>
    %shift_right_logical3A_289 = arith.shrui %get3A_279, %shift_right_logical3A_288 : vector<16xi32>
    %swap3A_290 = arith.constant 2 : i32
    %swap3A_291 = arith.index_cast %swap3A_290 : i32 to index
    %swap3A_292 = arith.constant 32 : index
    %swap3A_293 = tpu.vector_load %arg7[%swap3A_291, %swap3A_292] {strides = array<i32>} : memref<3x64xi32, #tpu.memory_space<vmem>>, vector<1x16xi32>,
    %swap3A_294 = vector.shape_cast %swap3A_293 : vector<1x16xi32> to vector<16xi32>
    %swap3A_295 = vector.shape_cast %shift_right_logical3A_289 : vector<16xi32> to vector<1x16xi32>
    tpu.vector_store %arg7[%swap3A_291, %swap3A_292], %swap3A_295 {strides = array<i32>} : memref<3x64xi32, #tpu.memory_space<vmem>>, vector<1x16xi32>,
    %add3A_296 = arith.constant 48 : i32
    %add3A_297 = arith.addi %mul3A_229, %add3A_296 : i32
    %get3A_298 = arith.index_cast %shift_right_logical3A_224 : i32 to index
    %get3A_299 = arith.index_cast %add3A_297 : i32 to index
    %get3A_300 = tpu.vector_load %arg5[%get3A_298, %get3A_299] {strides = array<i32>} : memref<85x128xi32, #tpu.memory_space<vmem>>, vector<1x16xi32>,
    %get3A_301 = vector.shape_cast %get3A_300 : vector<1x16xi32> to vector<16xi32>
    %and3A_302 = arith.andi %get3A_301, %broadcast_in_dim3A_1 : vector<16xi32>
    %swap3A_303 = arith.constant 2 : i32
    %swap3A_304 = arith.index_cast %swap3A_303 : i32 to index
    %swap3A_305 = arith.constant 48 : index
    %swap3A_306 = tpu.vector_load %arg6[%swap3A_304, %swap3A_305] {strides = array<i32>} : memref<3x64xi32, #tpu.memory_space<vmem>>, vector<1x16xi32>,
    %swap3A_307 = vector.shape_cast %swap3A_306 : vector<1x16xi32> to vector<16xi32>
    %swap3A_308 = vector.shape_cast %and3A_302 : vector<16xi32> to vector<1x16xi32>
    tpu.vector_store %arg6[%swap3A_304, %swap3A_305], %swap3A_308 {strides = array<i32>} : memref<3x64xi32, #tpu.memory_space<vmem>>, vector<1x16xi32>,
    %shift_right_logical3A_309 = arith.constant 16 : i32
    %shift_right_logical3A_310 = vector.broadcast %shift_right_logical3A_309 : i32 to vector<16xi32>
    %shift_right_logical3A_311 = arith.shrui %get3A_301, %shift_right_logical3A_310 : vector<16xi32>
    %swap3A_312 = arith.constant 2 : i32
    %swap3A_313 = arith.index_cast %swap3A_312 : i32 to index
    %swap3A_314 = arith.constant 48 : index
    %swap3A_315 = tpu.vector_load %arg7[%swap3A_313, %swap3A_314] {strides = array<i32>} : memref<3x64xi32, #tpu.memory_space<vmem>>, vector<1x16xi32>,
    %swap3A_316 = vector.shape_cast %swap3A_315 : vector<1x16xi32> to vector<16xi32>
    %swap3A_317 = vector.shape_cast %shift_right_logical3A_311 : vector<16xi32> to vector<1x16xi32>
    tpu.vector_store %arg7[%swap3A_313, %swap3A_314], %swap3A_317 {strides = array<i32>} : memref<3x64xi32, #tpu.memory_space<vmem>>, vector<1x16xi32>,
    %dma_start3A_318 = arith.constant 2 : i32
    %dma_start3A_319 = arith.constant 2 : i32
    %dma_start3A_320 = arith.constant 0 : i32
    %dma_start3A_321 = arith.constant 0 : i32
    %dma_start3A_322 = tpu.memref_slice %arg8[%dma_start3A_319, %dma_start3A_320, %dma_start3A_321] : memref<3x64x128xf32, #tpu.memory_space<vmem>> -> memref<1x64x128xf32, #tpu.memory_space<vmem>>
    %dma_start3A_323 = tpu.memref_squeeze %dma_start3A_322 : memref<1x64x128xf32, #tpu.memory_space<vmem>> -> memref<64x128xf32, #tpu.memory_space<vmem>>
    %dma_start3A_324 = arith.constant 0 : i32
    %dma_start3A_325 = tpu.memref_slice %arg6[%dma_start3A_318, %dma_start3A_324] : memref<3x64xi32, #tpu.memory_space<vmem>> -> memref<1x64xi32, #tpu.memory_space<vmem>>
    %dma_start3A_326 = tpu.memref_squeeze %dma_start3A_325 : memref<1x64xi32, #tpu.memory_space<vmem>> -> memref<64xi32, #tpu.memory_space<vmem>>
    %dma_start3A_327 = arith.constant 0 : i32
    %dma_start3A_328 = arith.constant 0 : i32
    %dma_start3A_329 = tpu.memref_slice %arg2[%dma_start3A_327, %dma_start3A_328] : memref<10816x128xf32, #tpu.memory_space<hbm>> -> memref<10816x128xf32, #tpu.memory_space<hbm>>
    tpu.enqueue_indirect_dma source(%dma_start3A_329 : memref<10816x128xf32, #tpu.memory_space<hbm>>) target(%dma_start3A_323 : memref<64x128xf32, #tpu.memory_space<vmem>>) offsets(%dma_start3A_326 : memref<64xi32, #tpu.memory_space<vmem>>) semaphore(%arg12 : memref<!tpu.dma_semaphore, #tpu.memory_space<semaphore_mem>>)
    %scan3A_330 = arith.constant 0 : i32
    %scan3A_331 = arith.constant 55 : i32
    %scan3A_332 = arith.addi %scan3A_330, %scan3A_331 : i32
    %scan3A_333 = arith.constant 1 : i32
    scf.for %scan3A_592 = %scan3A_330 to %scan3A_332 step %scan3A_333  : i32 {
      %mul3A_593 = arith.constant 1 : i32
      %mul3A_594 = arith.muli %scan3A_592, %mul3A_593 : i32
      %add3A_595 = arith.constant 0 : i32
      %add3A_596 = arith.addi %add3A_595, %mul3A_594 : i32
      %mul3A_597 = arith.constant 3 : i32
      %mul3A_598 = arith.muli %mul3A_597, %add3A_596 : i32
      %dma_wait3A_599 = arith.constant 0 : i32
      %dma_wait3A_600 = arith.constant 0 : i32
      %dma_wait3A_601 = arith.constant 0 : i32
      %dma_wait3A_602 = arith.constant 0 : i32
      %dma_wait3A_603 = tpu.memref_slice %arg8[%dma_wait3A_600, %dma_wait3A_601, %dma_wait3A_602] : memref<3x64x128xf32, #tpu.memory_space<vmem>> -> memref<1x64x128xf32, #tpu.memory_space<vmem>>
      %dma_wait3A_604 = tpu.memref_squeeze %dma_wait3A_603 : memref<1x64x128xf32, #tpu.memory_space<vmem>> -> memref<64x128xf32, #tpu.memory_space<vmem>>
      %dma_wait3A_605 = arith.constant 0 : i32
      %dma_wait3A_606 = tpu.memref_slice %arg6[%dma_wait3A_599, %dma_wait3A_605] : memref<3x64xi32, #tpu.memory_space<vmem>> -> memref<1x64xi32, #tpu.memory_space<vmem>>
      %dma_wait3A_607 = tpu.memref_squeeze %dma_wait3A_606 : memref<1x64xi32, #tpu.memory_space<vmem>> -> memref<64xi32, #tpu.memory_space<vmem>>
      %dma_wait3A_608 = arith.constant 0 : i32
      %dma_wait3A_609 = arith.constant 0 : i32
      %dma_wait3A_610 = tpu.memref_slice %arg2[%dma_wait3A_608, %dma_wait3A_609] : memref<10816x128xf32, #tpu.memory_space<hbm>> -> memref<10816x128xf32, #tpu.memory_space<hbm>>
      tpu.wait_indirect_dma semaphore(%arg10 : memref<!tpu.dma_semaphore, #tpu.memory_space<semaphore_mem>>) src(%dma_wait3A_610 : memref<10816x128xf32, #tpu.memory_space<hbm>>) dst(%dma_wait3A_604 : memref<64x128xf32, #tpu.memory_space<vmem>>)
      %dma_start3A_611 = arith.constant 0 : i32
      %dma_start3A_612 = arith.constant 0 : i32
      %dma_start3A_613 = arith.constant 0 : i32
      %dma_start3A_614 = arith.constant 0 : i32
      %dma_start3A_615 = tpu.memref_slice %arg8[%dma_start3A_611, %dma_start3A_613, %dma_start3A_614] : memref<3x64x128xf32, #tpu.memory_space<vmem>> -> memref<1x64x128xf32, #tpu.memory_space<vmem>>
      %dma_start3A_616 = tpu.memref_squeeze %dma_start3A_615 : memref<1x64x128xf32, #tpu.memory_space<vmem>> -> memref<64x128xf32, #tpu.memory_space<vmem>>
      %dma_start3A_617 = arith.constant 0 : i32
      %dma_start3A_618 = tpu.memref_slice %arg7[%dma_start3A_612, %dma_start3A_617] : memref<3x64xi32, #tpu.memory_space<vmem>> -> memref<1x64xi32, #tpu.memory_space<vmem>>
      %dma_start3A_619 = tpu.memref_squeeze %dma_start3A_618 : memref<1x64xi32, #tpu.memory_space<vmem>> -> memref<64xi32, #tpu.memory_space<vmem>>
      %dma_start3A_620 = arith.constant 0 : i32
      %dma_start3A_621 = arith.constant 0 : i32
      %dma_start3A_622 = tpu.memref_slice %arg9[%dma_start3A_620, %dma_start3A_621] : memref<10816x128xf32, #tpu.memory_space<vmem_shared>> -> memref<10816x128xf32, #tpu.memory_space<vmem_shared>>
      tpu.enqueue_indirect_dma source(%dma_start3A_616 : memref<64x128xf32, #tpu.memory_space<vmem>>) target(%dma_start3A_622 : memref<10816x128xf32, #tpu.memory_space<vmem_shared>>) offsets(%dma_start3A_619 : memref<64xi32, #tpu.memory_space<vmem>>) semaphore(%arg13 : memref<!tpu.dma_semaphore, #tpu.memory_space<semaphore_mem>>) {add = true}
      %dma_wait3A_623 = arith.constant 1 : i32
      %dma_wait3A_624 = arith.constant 1 : i32
      %dma_wait3A_625 = arith.constant 0 : i32
      %dma_wait3A_626 = arith.constant 0 : i32
      %dma_wait3A_627 = tpu.memref_slice %arg8[%dma_wait3A_624, %dma_wait3A_625, %dma_wait3A_626] : memref<3x64x128xf32, #tpu.memory_space<vmem>> -> memref<1x64x128xf32, #tpu.memory_space<vmem>>
      %dma_wait3A_628 = tpu.memref_squeeze %dma_wait3A_627 : memref<1x64x128xf32, #tpu.memory_space<vmem>> -> memref<64x128xf32, #tpu.memory_space<vmem>>
      %dma_wait3A_629 = arith.constant 0 : i32
      %dma_wait3A_630 = tpu.memref_slice %arg6[%dma_wait3A_623, %dma_wait3A_629] : memref<3x64xi32, #tpu.memory_space<vmem>> -> memref<1x64xi32, #tpu.memory_space<vmem>>
      %dma_wait3A_631 = tpu.memref_squeeze %dma_wait3A_630 : memref<1x64xi32, #tpu.memory_space<vmem>> -> memref<64xi32, #tpu.memory_space<vmem>>
      %dma_wait3A_632 = arith.constant 0 : i32
      %dma_wait3A_633 = arith.constant 0 : i32
      %dma_wait3A_634 = tpu.memref_slice %arg2[%dma_wait3A_632, %dma_wait3A_633] : memref<10816x128xf32, #tpu.memory_space<hbm>> -> memref<10816x128xf32, #tpu.memory_space<hbm>>
      tpu.wait_indirect_dma semaphore(%arg11 : memref<!tpu.dma_semaphore, #tpu.memory_space<semaphore_mem>>) src(%dma_wait3A_634 : memref<10816x128xf32, #tpu.memory_space<hbm>>) dst(%dma_wait3A_628 : memref<64x128xf32, #tpu.memory_space<vmem>>)
      %dma_start3A_635 = arith.constant 1 : i32
      %dma_start3A_636 = arith.constant 1 : i32
      %dma_start3A_637 = arith.constant 0 : i32
      %dma_start3A_638 = arith.constant 0 : i32
      %dma_start3A_639 = tpu.memref_slice %arg8[%dma_start3A_635, %dma_start3A_637, %dma_start3A_638] : memref<3x64x128xf32, #tpu.memory_space<vmem>> -> memref<1x64x128xf32, #tpu.memory_space<vmem>>
      %dma_start3A_640 = tpu.memref_squeeze %dma_start3A_639 : memref<1x64x128xf32, #tpu.memory_space<vmem>> -> memref<64x128xf32, #tpu.memory_space<vmem>>
      %dma_start3A_641 = arith.constant 0 : i32
      %dma_start3A_642 = tpu.memref_slice %arg7[%dma_start3A_636, %dma_start3A_641] : memref<3x64xi32, #tpu.memory_space<vmem>> -> memref<1x64xi32, #tpu.memory_space<vmem>>
      %dma_start3A_643 = tpu.memref_squeeze %dma_start3A_642 : memref<1x64xi32, #tpu.memory_space<vmem>> -> memref<64xi32, #tpu.memory_space<vmem>>
      %dma_start3A_644 = arith.constant 0 : i32
      %dma_start3A_645 = arith.constant 0 : i32
      %dma_start3A_646 = tpu.memref_slice %arg9[%dma_start3A_644, %dma_start3A_645] : memref<10816x128xf32, #tpu.memory_space<vmem_shared>> -> memref<10816x128xf32, #tpu.memory_space<vmem_shared>>
      tpu.enqueue_indirect_dma source(%dma_start3A_640 : memref<64x128xf32, #tpu.memory_space<vmem>>) target(%dma_start3A_646 : memref<10816x128xf32, #tpu.memory_space<vmem_shared>>) offsets(%dma_start3A_643 : memref<64xi32, #tpu.memory_space<vmem>>) semaphore(%arg14 : memref<!tpu.dma_semaphore, #tpu.memory_space<semaphore_mem>>) {add = true}
      %dma_wait3A_647 = arith.constant 2 : i32
      %dma_wait3A_648 = arith.constant 2 : i32
      %dma_wait3A_649 = arith.constant 0 : i32
      %dma_wait3A_650 = arith.constant 0 : i32
      %dma_wait3A_651 = tpu.memref_slice %arg8[%dma_wait3A_648, %dma_wait3A_649, %dma_wait3A_650] : memref<3x64x128xf32, #tpu.memory_space<vmem>> -> memref<1x64x128xf32, #tpu.memory_space<vmem>>
      %dma_wait3A_652 = tpu.memref_squeeze %dma_wait3A_651 : memref<1x64x128xf32, #tpu.memory_space<vmem>> -> memref<64x128xf32, #tpu.memory_space<vmem>>
      %dma_wait3A_653 = arith.constant 0 : i32
      %dma_wait3A_654 = tpu.memref_slice %arg6[%dma_wait3A_647, %dma_wait3A_653] : memref<3x64xi32, #tpu.memory_space<vmem>> -> memref<1x64xi32, #tpu.memory_space<vmem>>
      %dma_wait3A_655 = tpu.memref_squeeze %dma_wait3A_654 : memref<1x64xi32, #tpu.memory_space<vmem>> -> memref<64xi32, #tpu.memory_space<vmem>>
      %dma_wait3A_656 = arith.constant 0 : i32
      %dma_wait3A_657 = arith.constant 0 : i32
      %dma_wait3A_658 = tpu.memref_slice %arg2[%dma_wait3A_656, %dma_wait3A_657] : memref<10816x128xf32, #tpu.memory_space<hbm>> -> memref<10816x128xf32, #tpu.memory_space<hbm>>
      tpu.wait_indirect_dma semaphore(%arg12 : memref<!tpu.dma_semaphore, #tpu.memory_space<semaphore_mem>>) src(%dma_wait3A_658 : memref<10816x128xf32, #tpu.memory_space<hbm>>) dst(%dma_wait3A_652 : memref<64x128xf32, #tpu.memory_space<vmem>>)
      %dma_start3A_659 = arith.constant 2 : i32
      %dma_start3A_660 = arith.constant 2 : i32
      %dma_start3A_661 = arith.constant 0 : i32
      %dma_start3A_662 = arith.constant 0 : i32
      %dma_start3A_663 = tpu.memref_slice %arg8[%dma_start3A_659, %dma_start3A_661, %dma_start3A_662] : memref<3x64x128xf32, #tpu.memory_space<vmem>> -> memref<1x64x128xf32, #tpu.memory_space<vmem>>
      %dma_start3A_664 = tpu.memref_squeeze %dma_start3A_663 : memref<1x64x128xf32, #tpu.memory_space<vmem>> -> memref<64x128xf32, #tpu.memory_space<vmem>>
      %dma_start3A_665 = arith.constant 0 : i32
      %dma_start3A_666 = tpu.memref_slice %arg7[%dma_start3A_660, %dma_start3A_665] : memref<3x64xi32, #tpu.memory_space<vmem>> -> memref<1x64xi32, #tpu.memory_space<vmem>>
      %dma_start3A_667 = tpu.memref_squeeze %dma_start3A_666 : memref<1x64xi32, #tpu.memory_space<vmem>> -> memref<64xi32, #tpu.memory_space<vmem>>
      %dma_start3A_668 = arith.constant 0 : i32
      %dma_start3A_669 = arith.constant 0 : i32
      %dma_start3A_670 = tpu.memref_slice %arg9[%dma_start3A_668, %dma_start3A_669] : memref<10816x128xf32, #tpu.memory_space<vmem_shared>> -> memref<10816x128xf32, #tpu.memory_space<vmem_shared>>
      tpu.enqueue_indirect_dma source(%dma_start3A_664 : memref<64x128xf32, #tpu.memory_space<vmem>>) target(%dma_start3A_670 : memref<10816x128xf32, #tpu.memory_space<vmem_shared>>) offsets(%dma_start3A_667 : memref<64xi32, #tpu.memory_space<vmem>>) semaphore(%arg15 : memref<!tpu.dma_semaphore, #tpu.memory_space<semaphore_mem>>) {add = true}
      %dma_wait3A_671 = arith.constant 0 : i32
      %dma_wait3A_672 = arith.constant 0 : i32
      %dma_wait3A_673 = arith.constant 0 : i32
      %dma_wait3A_674 = arith.constant 0 : i32
      %dma_wait3A_675 = tpu.memref_slice %arg8[%dma_wait3A_671, %dma_wait3A_673, %dma_wait3A_674] : memref<3x64x128xf32, #tpu.memory_space<vmem>> -> memref<1x64x128xf32, #tpu.memory_space<vmem>>
      %dma_wait3A_676 = tpu.memref_squeeze %dma_wait3A_675 : memref<1x64x128xf32, #tpu.memory_space<vmem>> -> memref<64x128xf32, #tpu.memory_space<vmem>>
      %dma_wait3A_677 = arith.constant 0 : i32
      %dma_wait3A_678 = tpu.memref_slice %arg7[%dma_wait3A_672, %dma_wait3A_677] : memref<3x64xi32, #tpu.memory_space<vmem>> -> memref<1x64xi32, #tpu.memory_space<vmem>>
      %dma_wait3A_679 = tpu.memref_squeeze %dma_wait3A_678 : memref<1x64xi32, #tpu.memory_space<vmem>> -> memref<64xi32, #tpu.memory_space<vmem>>
      %dma_wait3A_680 = arith.constant 0 : i32
      %dma_wait3A_681 = arith.constant 0 : i32
      %dma_wait3A_682 = tpu.memref_slice %arg9[%dma_wait3A_680, %dma_wait3A_681] : memref<10816x128xf32, #tpu.memory_space<vmem_shared>> -> memref<10816x128xf32, #tpu.memory_space<vmem_shared>>
      tpu.wait_indirect_dma semaphore(%arg13 : memref<!tpu.dma_semaphore, #tpu.memory_space<semaphore_mem>>) src(%dma_wait3A_676 : memref<64x128xf32, #tpu.memory_space<vmem>>) dst(%dma_wait3A_682 : memref<10816x128xf32, #tpu.memory_space<vmem_shared>>)
      %add3A_683 = arith.constant 3 : i32
      %add3A_684 = arith.addi %mul3A_598, %add3A_683 : i32
      %add3A_685 = arith.constant 0 : i32
      %add3A_686 = arith.addi %add3A_684, %add3A_685 : i32
      %shift_right_logical3A_687 = arith.constant 1 : i32
      %shift_right_logical3A_688 = arith.shrui %add3A_686, %shift_right_logical3A_687 : i32
      %and3A_689 = arith.constant 1 : i32
      %and3A_690 = arith.andi %add3A_686, %and3A_689 : i32
      %mul3A_691 = arith.constant 64 : i32
      %mul3A_692 = arith.muli %and3A_690, %mul3A_691 : i32
      %add3A_693 = arith.constant 0 : i32
      %add3A_694 = arith.addi %mul3A_692, %add3A_693 : i32
      %get3A_695 = arith.index_cast %shift_right_logical3A_688 : i32 to index
      %get3A_696 = arith.index_cast %add3A_694 : i32 to index
      %get3A_697 = tpu.vector_load %arg5[%get3A_695, %get3A_696] {strides = array<i32>} : memref<85x128xi32, #tpu.memory_space<vmem>>, vector<1x16xi32>,
      %get3A_698 = vector.shape_cast %get3A_697 : vector<1x16xi32> to vector<16xi32>
      %and3A_699 = arith.andi %get3A_698, %broadcast_in_dim3A_1 : vector<16xi32>
      %swap3A_700 = arith.constant 0 : i32
      %swap3A_701 = arith.index_cast %swap3A_700 : i32 to index
      %swap3A_702 = arith.constant 0 : index
      %swap3A_703 = tpu.vector_load %arg6[%swap3A_701, %swap3A_702] {strides = array<i32>} : memref<3x64xi32, #tpu.memory_space<vmem>>, vector<1x16xi32>,
      %swap3A_704 = vector.shape_cast %swap3A_703 : vector<1x16xi32> to vector<16xi32>
      %swap3A_705 = vector.shape_cast %and3A_699 : vector<16xi32> to vector<1x16xi32>
      tpu.vector_store %arg6[%swap3A_701, %swap3A_702], %swap3A_705 {strides = array<i32>} : memref<3x64xi32, #tpu.memory_space<vmem>>, vector<1x16xi32>,
      %shift_right_logical3A_706 = arith.constant 16 : i32
      %shift_right_logical3A_707 = vector.broadcast %shift_right_logical3A_706 : i32 to vector<16xi32>
      %shift_right_logical3A_708 = arith.shrui %get3A_698, %shift_right_logical3A_707 : vector<16xi32>
      %swap3A_709 = arith.constant 0 : i32
      %swap3A_710 = arith.index_cast %swap3A_709 : i32 to index
      %swap3A_711 = arith.constant 0 : index
      %swap3A_712 = tpu.vector_load %arg7[%swap3A_710, %swap3A_711] {strides = array<i32>} : memref<3x64xi32, #tpu.memory_space<vmem>>, vector<1x16xi32>,
      %swap3A_713 = vector.shape_cast %swap3A_712 : vector<1x16xi32> to vector<16xi32>
      %swap3A_714 = vector.shape_cast %shift_right_logical3A_708 : vector<16xi32> to vector<1x16xi32>
      tpu.vector_store %arg7[%swap3A_710, %swap3A_711], %swap3A_714 {strides = array<i32>} : memref<3x64xi32, #tpu.memory_space<vmem>>, vector<1x16xi32>,
      %add3A_715 = arith.constant 16 : i32
      %add3A_716 = arith.addi %mul3A_692, %add3A_715 : i32
      %get3A_717 = arith.index_cast %shift_right_logical3A_688 : i32 to index
      %get3A_718 = arith.index_cast %add3A_716 : i32 to index
      %get3A_719 = tpu.vector_load %arg5[%get3A_717, %get3A_718] {strides = array<i32>} : memref<85x128xi32, #tpu.memory_space<vmem>>, vector<1x16xi32>,
      %get3A_720 = vector.shape_cast %get3A_719 : vector<1x16xi32> to vector<16xi32>
      %and3A_721 = arith.andi %get3A_720, %broadcast_in_dim3A_1 : vector<16xi32>
      %swap3A_722 = arith.constant 0 : i32
      %swap3A_723 = arith.index_cast %swap3A_722 : i32 to index
      %swap3A_724 = arith.constant 16 : index
      %swap3A_725 = tpu.vector_load %arg6[%swap3A_723, %swap3A_724] {strides = array<i32>} : memref<3x64xi32, #tpu.memory_space<vmem>>, vector<1x16xi32>,
      %swap3A_726 = vector.shape_cast %swap3A_725 : vector<1x16xi32> to vector<16xi32>
      %swap3A_727 = vector.shape_cast %and3A_721 : vector<16xi32> to vector<1x16xi32>
      tpu.vector_store %arg6[%swap3A_723, %swap3A_724], %swap3A_727 {strides = array<i32>} : memref<3x64xi32, #tpu.memory_space<vmem>>, vector<1x16xi32>,
      %shift_right_logical3A_728 = arith.constant 16 : i32
      %shift_right_logical3A_729 = vector.broadcast %shift_right_logical3A_728 : i32 to vector<16xi32>
      %shift_right_logical3A_730 = arith.shrui %get3A_720, %shift_right_logical3A_729 : vector<16xi32>
      %swap3A_731 = arith.constant 0 : i32
      %swap3A_732 = arith.index_cast %swap3A_731 : i32 to index
      %swap3A_733 = arith.constant 16 : index
      %swap3A_734 = tpu.vector_load %arg7[%swap3A_732, %swap3A_733] {strides = array<i32>} : memref<3x64xi32, #tpu.memory_space<vmem>>, vector<1x16xi32>,
      %swap3A_735 = vector.shape_cast %swap3A_734 : vector<1x16xi32> to vector<16xi32>
      %swap3A_736 = vector.shape_cast %shift_right_logical3A_730 : vector<16xi32> to vector<1x16xi32>
      tpu.vector_store %arg7[%swap3A_732, %swap3A_733], %swap3A_736 {strides = array<i32>} : memref<3x64xi32, #tpu.memory_space<vmem>>, vector<1x16xi32>,
      %add3A_737 = arith.constant 32 : i32
      %add3A_738 = arith.addi %mul3A_692, %add3A_737 : i32
      %get3A_739 = arith.index_cast %shift_right_logical3A_688 : i32 to index
      %get3A_740 = arith.index_cast %add3A_738 : i32 to index
      %get3A_741 = tpu.vector_load %arg5[%get3A_739, %get3A_740] {strides = array<i32>} : memref<85x128xi32, #tpu.memory_space<vmem>>, vector<1x16xi32>,
      %get3A_742 = vector.shape_cast %get3A_741 : vector<1x16xi32> to vector<16xi32>
      %and3A_743 = arith.andi %get3A_742, %broadcast_in_dim3A_1 : vector<16xi32>
      %swap3A_744 = arith.constant 0 : i32
      %swap3A_745 = arith.index_cast %swap3A_744 : i32 to index
      %swap3A_746 = arith.constant 32 : index
      %swap3A_747 = tpu.vector_load %arg6[%swap3A_745, %swap3A_746] {strides = array<i32>} : memref<3x64xi32, #tpu.memory_space<vmem>>, vector<1x16xi32>,
      %swap3A_748 = vector.shape_cast %swap3A_747 : vector<1x16xi32> to vector<16xi32>
      %swap3A_749 = vector.shape_cast %and3A_743 : vector<16xi32> to vector<1x16xi32>
      tpu.vector_store %arg6[%swap3A_745, %swap3A_746], %swap3A_749 {strides = array<i32>} : memref<3x64xi32, #tpu.memory_space<vmem>>, vector<1x16xi32>,
      %shift_right_logical3A_750 = arith.constant 16 : i32
      %shift_right_logical3A_751 = vector.broadcast %shift_right_logical3A_750 : i32 to vector<16xi32>
      %shift_right_logical3A_752 = arith.shrui %get3A_742, %shift_right_logical3A_751 : vector<16xi32>
      %swap3A_753 = arith.constant 0 : i32
      %swap3A_754 = arith.index_cast %swap3A_753 : i32 to index
      %swap3A_755 = arith.constant 32 : index
      %swap3A_756 = tpu.vector_load %arg7[%swap3A_754, %swap3A_755] {strides = array<i32>} : memref<3x64xi32, #tpu.memory_space<vmem>>, vector<1x16xi32>,
      %swap3A_757 = vector.shape_cast %swap3A_756 : vector<1x16xi32> to vector<16xi32>
      %swap3A_758 = vector.shape_cast %shift_right_logical3A_752 : vector<16xi32> to vector<1x16xi32>
      tpu.vector_store %arg7[%swap3A_754, %swap3A_755], %swap3A_758 {strides = array<i32>} : memref<3x64xi32, #tpu.memory_space<vmem>>, vector<1x16xi32>,
      %add3A_759 = arith.constant 48 : i32
      %add3A_760 = arith.addi %mul3A_692, %add3A_759 : i32
      %get3A_761 = arith.index_cast %shift_right_logical3A_688 : i32 to index
      %get3A_762 = arith.index_cast %add3A_760 : i32 to index
      %get3A_763 = tpu.vector_load %arg5[%get3A_761, %get3A_762] {strides = array<i32>} : memref<85x128xi32, #tpu.memory_space<vmem>>, vector<1x16xi32>,
      %get3A_764 = vector.shape_cast %get3A_763 : vector<1x16xi32> to vector<16xi32>
      %and3A_765 = arith.andi %get3A_764, %broadcast_in_dim3A_1 : vector<16xi32>
      %swap3A_766 = arith.constant 0 : i32
      %swap3A_767 = arith.index_cast %swap3A_766 : i32 to index
      %swap3A_768 = arith.constant 48 : index
      %swap3A_769 = tpu.vector_load %arg6[%swap3A_767, %swap3A_768] {strides = array<i32>} : memref<3x64xi32, #tpu.memory_space<vmem>>, vector<1x16xi32>,
      %swap3A_770 = vector.shape_cast %swap3A_769 : vector<1x16xi32> to vector<16xi32>
      %swap3A_771 = vector.shape_cast %and3A_765 : vector<16xi32> to vector<1x16xi32>
      tpu.vector_store %arg6[%swap3A_767, %swap3A_768], %swap3A_771 {strides = array<i32>} : memref<3x64xi32, #tpu.memory_space<vmem>>, vector<1x16xi32>,
      %shift_right_logical3A_772 = arith.constant 16 : i32
      %shift_right_logical3A_773 = vector.broadcast %shift_right_logical3A_772 : i32 to vector<16xi32>
      %shift_right_logical3A_774 = arith.shrui %get3A_764, %shift_right_logical3A_773 : vector<16xi32>
      %swap3A_775 = arith.constant 0 : i32
      %swap3A_776 = arith.index_cast %swap3A_775 : i32 to index
      %swap3A_777 = arith.constant 48 : index
      %swap3A_778 = tpu.vector_load %arg7[%swap3A_776, %swap3A_777] {strides = array<i32>} : memref<3x64xi32, #tpu.memory_space<vmem>>, vector<1x16xi32>,
      %swap3A_779 = vector.shape_cast %swap3A_778 : vector<1x16xi32> to vector<16xi32>
      %swap3A_780 = vector.shape_cast %shift_right_logical3A_774 : vector<16xi32> to vector<1x16xi32>
      tpu.vector_store %arg7[%swap3A_776, %swap3A_777], %swap3A_780 {strides = array<i32>} : memref<3x64xi32, #tpu.memory_space<vmem>>, vector<1x16xi32>,
      %dma_start3A_781 = arith.constant 0 : i32
      %dma_start3A_782 = arith.constant 0 : i32
      %dma_start3A_783 = arith.constant 0 : i32
      %dma_start3A_784 = arith.constant 0 : i32
      %dma_start3A_785 = tpu.memref_slice %arg8[%dma_start3A_782, %dma_start3A_783, %dma_start3A_784] : memref<3x64x128xf32, #tpu.memory_space<vmem>> -> memref<1x64x128xf32, #tpu.memory_space<vmem>>
      %dma_start3A_786 = tpu.memref_squeeze %dma_start3A_785 : memref<1x64x128xf32, #tpu.memory_space<vmem>> -> memref<64x128xf32, #tpu.memory_space<vmem>>
      %dma_start3A_787 = arith.constant 0 : i32
      %dma_start3A_788 = tpu.memref_slice %arg6[%dma_start3A_781, %dma_start3A_787] : memref<3x64xi32, #tpu.memory_space<vmem>> -> memref<1x64xi32, #tpu.memory_space<vmem>>
      %dma_start3A_789 = tpu.memref_squeeze %dma_start3A_788 : memref<1x64xi32, #tpu.memory_space<vmem>> -> memref<64xi32, #tpu.memory_space<vmem>>
      %dma_start3A_790 = arith.constant 0 : i32
      %dma_start3A_791 = arith.constant 0 : i32
      %dma_start3A_792 = tpu.memref_slice %arg2[%dma_start3A_790, %dma_start3A_791] : memref<10816x128xf32, #tpu.memory_space<hbm>> -> memref<10816x128xf32, #tpu.memory_space<hbm>>
      tpu.enqueue_indirect_dma source(%dma_start3A_792 : memref<10816x128xf32, #tpu.memory_space<hbm>>) target(%dma_start3A_786 : memref<64x128xf32, #tpu.memory_space<vmem>>) offsets(%dma_start3A_789 : memref<64xi32, #tpu.memory_space<vmem>>) semaphore(%arg10 : memref<!tpu.dma_semaphore, #tpu.memory_space<semaphore_mem>>)
      %dma_wait3A_793 = arith.constant 1 : i32
      %dma_wait3A_794 = arith.constant 1 : i32
      %dma_wait3A_795 = arith.constant 0 : i32
      %dma_wait3A_796 = arith.constant 0 : i32
      %dma_wait3A_797 = tpu.memref_slice %arg8[%dma_wait3A_793, %dma_wait3A_795, %dma_wait3A_796] : memref<3x64x128xf32, #tpu.memory_space<vmem>> -> memref<1x64x128xf32, #tpu.memory_space<vmem>>
      %dma_wait3A_798 = tpu.memref_squeeze %dma_wait3A_797 : memref<1x64x128xf32, #tpu.memory_space<vmem>> -> memref<64x128xf32, #tpu.memory_space<vmem>>
      %dma_wait3A_799 = arith.constant 0 : i32
      %dma_wait3A_800 = tpu.memref_slice %arg7[%dma_wait3A_794, %dma_wait3A_799] : memref<3x64xi32, #tpu.memory_space<vmem>> -> memref<1x64xi32, #tpu.memory_space<vmem>>
      %dma_wait3A_801 = tpu.memref_squeeze %dma_wait3A_800 : memref<1x64xi32, #tpu.memory_space<vmem>> -> memref<64xi32, #tpu.memory_space<vmem>>
      %dma_wait3A_802 = arith.constant 0 : i32
      %dma_wait3A_803 = arith.constant 0 : i32
      %dma_wait3A_804 = tpu.memref_slice %arg9[%dma_wait3A_802, %dma_wait3A_803] : memref<10816x128xf32, #tpu.memory_space<vmem_shared>> -> memref<10816x128xf32, #tpu.memory_space<vmem_shared>>
      tpu.wait_indirect_dma semaphore(%arg14 : memref<!tpu.dma_semaphore, #tpu.memory_space<semaphore_mem>>) src(%dma_wait3A_798 : memref<64x128xf32, #tpu.memory_space<vmem>>) dst(%dma_wait3A_804 : memref<10816x128xf32, #tpu.memory_space<vmem_shared>>)
      %add3A_805 = arith.constant 3 : i32
      %add3A_806 = arith.addi %mul3A_598, %add3A_805 : i32
      %add3A_807 = arith.constant 1 : i32
      %add3A_808 = arith.addi %add3A_806, %add3A_807 : i32
      %shift_right_logical3A_809 = arith.constant 1 : i32
      %shift_right_logical3A_810 = arith.shrui %add3A_808, %shift_right_logical3A_809 : i32
      %and3A_811 = arith.constant 1 : i32
      %and3A_812 = arith.andi %add3A_808, %and3A_811 : i32
      %mul3A_813 = arith.constant 64 : i32
      %mul3A_814 = arith.muli %and3A_812, %mul3A_813 : i32
      %add3A_815 = arith.constant 0 : i32
      %add3A_816 = arith.addi %mul3A_814, %add3A_815 : i32
      %get3A_817 = arith.index_cast %shift_right_logical3A_810 : i32 to index
      %get3A_818 = arith.index_cast %add3A_816 : i32 to index
      %get3A_819 = tpu.vector_load %arg5[%get3A_817, %get3A_818] {strides = array<i32>} : memref<85x128xi32, #tpu.memory_space<vmem>>, vector<1x16xi32>,
      %get3A_820 = vector.shape_cast %get3A_819 : vector<1x16xi32> to vector<16xi32>
      %and3A_821 = arith.andi %get3A_820, %broadcast_in_dim3A_1 : vector<16xi32>
      %swap3A_822 = arith.constant 1 : i32
      %swap3A_823 = arith.index_cast %swap3A_822 : i32 to index
      %swap3A_824 = arith.constant 0 : index
      %swap3A_825 = tpu.vector_load %arg6[%swap3A_823, %swap3A_824] {strides = array<i32>} : memref<3x64xi32, #tpu.memory_space<vmem>>, vector<1x16xi32>,
      %swap3A_826 = vector.shape_cast %swap3A_825 : vector<1x16xi32> to vector<16xi32>
      %swap3A_827 = vector.shape_cast %and3A_821 : vector<16xi32> to vector<1x16xi32>
      tpu.vector_store %arg6[%swap3A_823, %swap3A_824], %swap3A_827 {strides = array<i32>} : memref<3x64xi32, #tpu.memory_space<vmem>>, vector<1x16xi32>,
      %shift_right_logical3A_828 = arith.constant 16 : i32
      %shift_right_logical3A_829 = vector.broadcast %shift_right_logical3A_828 : i32 to vector<16xi32>
      %shift_right_logical3A_830 = arith.shrui %get3A_820, %shift_right_logical3A_829 : vector<16xi32>
      %swap3A_831 = arith.constant 1 : i32
      %swap3A_832 = arith.index_cast %swap3A_831 : i32 to index
      %swap3A_833 = arith.constant 0 : index
      %swap3A_834 = tpu.vector_load %arg7[%swap3A_832, %swap3A_833] {strides = array<i32>} : memref<3x64xi32, #tpu.memory_space<vmem>>, vector<1x16xi32>,
      %swap3A_835 = vector.shape_cast %swap3A_834 : vector<1x16xi32> to vector<16xi32>
      %swap3A_836 = vector.shape_cast %shift_right_logical3A_830 : vector<16xi32> to vector<1x16xi32>
      tpu.vector_store %arg7[%swap3A_832, %swap3A_833], %swap3A_836 {strides = array<i32>} : memref<3x64xi32, #tpu.memory_space<vmem>>, vector<1x16xi32>,
      %add3A_837 = arith.constant 16 : i32
      %add3A_838 = arith.addi %mul3A_814, %add3A_837 : i32
      %get3A_839 = arith.index_cast %shift_right_logical3A_810 : i32 to index
      %get3A_840 = arith.index_cast %add3A_838 : i32 to index
      %get3A_841 = tpu.vector_load %arg5[%get3A_839, %get3A_840] {strides = array<i32>} : memref<85x128xi32, #tpu.memory_space<vmem>>, vector<1x16xi32>,
      %get3A_842 = vector.shape_cast %get3A_841 : vector<1x16xi32> to vector<16xi32>
      %and3A_843 = arith.andi %get3A_842, %broadcast_in_dim3A_1 : vector<16xi32>
      %swap3A_844 = arith.constant 1 : i32
      %swap3A_845 = arith.index_cast %swap3A_844 : i32 to index
      %swap3A_846 = arith.constant 16 : index
      %swap3A_847 = tpu.vector_load %arg6[%swap3A_845, %swap3A_846] {strides = array<i32>} : memref<3x64xi32, #tpu.memory_space<vmem>>, vector<1x16xi32>,
      %swap3A_848 = vector.shape_cast %swap3A_847 : vector<1x16xi32> to vector<16xi32>
      %swap3A_849 = vector.shape_cast %and3A_843 : vector<16xi32> to vector<1x16xi32>
      tpu.vector_store %arg6[%swap3A_845, %swap3A_846], %swap3A_849 {strides = array<i32>} : memref<3x64xi32, #tpu.memory_space<vmem>>, vector<1x16xi32>,
      %shift_right_logical3A_850 = arith.constant 16 : i32
      %shift_right_logical3A_851 = vector.broadcast %shift_right_logical3A_850 : i32 to vector<16xi32>
      %shift_right_logical3A_852 = arith.shrui %get3A_842, %shift_right_logical3A_851 : vector<16xi32>
      %swap3A_853 = arith.constant 1 : i32
      %swap3A_854 = arith.index_cast %swap3A_853 : i32 to index
      %swap3A_855 = arith.constant 16 : index
      %swap3A_856 = tpu.vector_load %arg7[%swap3A_854, %swap3A_855] {strides = array<i32>} : memref<3x64xi32, #tpu.memory_space<vmem>>, vector<1x16xi32>,
      %swap3A_857 = vector.shape_cast %swap3A_856 : vector<1x16xi32> to vector<16xi32>
      %swap3A_858 = vector.shape_cast %shift_right_logical3A_852 : vector<16xi32> to vector<1x16xi32>
      tpu.vector_store %arg7[%swap3A_854, %swap3A_855], %swap3A_858 {strides = array<i32>} : memref<3x64xi32, #tpu.memory_space<vmem>>, vector<1x16xi32>,
      %add3A_859 = arith.constant 32 : i32
      %add3A_860 = arith.addi %mul3A_814, %add3A_859 : i32
      %get3A_861 = arith.index_cast %shift_right_logical3A_810 : i32 to index
      %get3A_862 = arith.index_cast %add3A_860 : i32 to index
      %get3A_863 = tpu.vector_load %arg5[%get3A_861, %get3A_862] {strides = array<i32>} : memref<85x128xi32, #tpu.memory_space<vmem>>, vector<1x16xi32>,
      %get3A_864 = vector.shape_cast %get3A_863 : vector<1x16xi32> to vector<16xi32>
      %and3A_865 = arith.andi %get3A_864, %broadcast_in_dim3A_1 : vector<16xi32>
      %swap3A_866 = arith.constant 1 : i32
      %swap3A_867 = arith.index_cast %swap3A_866 : i32 to index
      %swap3A_868 = arith.constant 32 : index
      %swap3A_869 = tpu.vector_load %arg6[%swap3A_867, %swap3A_868] {strides = array<i32>} : memref<3x64xi32, #tpu.memory_space<vmem>>, vector<1x16xi32>,
      %swap3A_870 = vector.shape_cast %swap3A_869 : vector<1x16xi32> to vector<16xi32>
      %swap3A_871 = vector.shape_cast %and3A_865 : vector<16xi32> to vector<1x16xi32>
      tpu.vector_store %arg6[%swap3A_867, %swap3A_868], %swap3A_871 {strides = array<i32>} : memref<3x64xi32, #tpu.memory_space<vmem>>, vector<1x16xi32>,
      %shift_right_logical3A_872 = arith.constant 16 : i32
      %shift_right_logical3A_873 = vector.broadcast %shift_right_logical3A_872 : i32 to vector<16xi32>
      %shift_right_logical3A_874 = arith.shrui %get3A_864, %shift_right_logical3A_873 : vector<16xi32>
      %swap3A_875 = arith.constant 1 : i32
      %swap3A_876 = arith.index_cast %swap3A_875 : i32 to index
      %swap3A_877 = arith.constant 32 : index
      %swap3A_878 = tpu.vector_load %arg7[%swap3A_876, %swap3A_877] {strides = array<i32>} : memref<3x64xi32, #tpu.memory_space<vmem>>, vector<1x16xi32>,
      %swap3A_879 = vector.shape_cast %swap3A_878 : vector<1x16xi32> to vector<16xi32>
      %swap3A_880 = vector.shape_cast %shift_right_logical3A_874 : vector<16xi32> to vector<1x16xi32>
      tpu.vector_store %arg7[%swap3A_876, %swap3A_877], %swap3A_880 {strides = array<i32>} : memref<3x64xi32, #tpu.memory_space<vmem>>, vector<1x16xi32>,
      %add3A_881 = arith.constant 48 : i32
      %add3A_882 = arith.addi %mul3A_814, %add3A_881 : i32
      %get3A_883 = arith.index_cast %shift_right_logical3A_810 : i32 to index
      %get3A_884 = arith.index_cast %add3A_882 : i32 to index
      %get3A_885 = tpu.vector_load %arg5[%get3A_883, %get3A_884] {strides = array<i32>} : memref<85x128xi32, #tpu.memory_space<vmem>>, vector<1x16xi32>,
      %get3A_886 = vector.shape_cast %get3A_885 : vector<1x16xi32> to vector<16xi32>
      %and3A_887 = arith.andi %get3A_886, %broadcast_in_dim3A_1 : vector<16xi32>
      %swap3A_888 = arith.constant 1 : i32
      %swap3A_889 = arith.index_cast %swap3A_888 : i32 to index
      %swap3A_890 = arith.constant 48 : index
      %swap3A_891 = tpu.vector_load %arg6[%swap3A_889, %swap3A_890] {strides = array<i32>} : memref<3x64xi32, #tpu.memory_space<vmem>>, vector<1x16xi32>,
      %swap3A_892 = vector.shape_cast %swap3A_891 : vector<1x16xi32> to vector<16xi32>
      %swap3A_893 = vector.shape_cast %and3A_887 : vector<16xi32> to vector<1x16xi32>
      tpu.vector_store %arg6[%swap3A_889, %swap3A_890], %swap3A_893 {strides = array<i32>} : memref<3x64xi32, #tpu.memory_space<vmem>>, vector<1x16xi32>,
      %shift_right_logical3A_894 = arith.constant 16 : i32
      %shift_right_logical3A_895 = vector.broadcast %shift_right_logical3A_894 : i32 to vector<16xi32>
      %shift_right_logical3A_896 = arith.shrui %get3A_886, %shift_right_logical3A_895 : vector<16xi32>
      %swap3A_897 = arith.constant 1 : i32
      %swap3A_898 = arith.index_cast %swap3A_897 : i32 to index
      %swap3A_899 = arith.constant 48 : index
      %swap3A_900 = tpu.vector_load %arg7[%swap3A_898, %swap3A_899] {strides = array<i32>} : memref<3x64xi32, #tpu.memory_space<vmem>>, vector<1x16xi32>,
      %swap3A_901 = vector.shape_cast %swap3A_900 : vector<1x16xi32> to vector<16xi32>
      %swap3A_902 = vector.shape_cast %shift_right_logical3A_896 : vector<16xi32> to vector<1x16xi32>
      tpu.vector_store %arg7[%swap3A_898, %swap3A_899], %swap3A_902 {strides = array<i32>} : memref<3x64xi32, #tpu.memory_space<vmem>>, vector<1x16xi32>,
      %dma_start3A_903 = arith.constant 1 : i32
      %dma_start3A_904 = arith.constant 1 : i32
      %dma_start3A_905 = arith.constant 0 : i32
      %dma_start3A_906 = arith.constant 0 : i32
      %dma_start3A_907 = tpu.memref_slice %arg8[%dma_start3A_904, %dma_start3A_905, %dma_start3A_906] : memref<3x64x128xf32, #tpu.memory_space<vmem>> -> memref<1x64x128xf32, #tpu.memory_space<vmem>>
      %dma_start3A_908 = tpu.memref_squeeze %dma_start3A_907 : memref<1x64x128xf32, #tpu.memory_space<vmem>> -> memref<64x128xf32, #tpu.memory_space<vmem>>
      %dma_start3A_909 = arith.constant 0 : i32
      %dma_start3A_910 = tpu.memref_slice %arg6[%dma_start3A_903, %dma_start3A_909] : memref<3x64xi32, #tpu.memory_space<vmem>> -> memref<1x64xi32, #tpu.memory_space<vmem>>
      %dma_start3A_911 = tpu.memref_squeeze %dma_start3A_910 : memref<1x64xi32, #tpu.memory_space<vmem>> -> memref<64xi32, #tpu.memory_space<vmem>>
      %dma_start3A_912 = arith.constant 0 : i32
      %dma_start3A_913 = arith.constant 0 : i32
      %dma_start3A_914 = tpu.memref_slice %arg2[%dma_start3A_912, %dma_start3A_913] : memref<10816x128xf32, #tpu.memory_space<hbm>> -> memref<10816x128xf32, #tpu.memory_space<hbm>>
      tpu.enqueue_indirect_dma source(%dma_start3A_914 : memref<10816x128xf32, #tpu.memory_space<hbm>>) target(%dma_start3A_908 : memref<64x128xf32, #tpu.memory_space<vmem>>) offsets(%dma_start3A_911 : memref<64xi32, #tpu.memory_space<vmem>>) semaphore(%arg11 : memref<!tpu.dma_semaphore, #tpu.memory_space<semaphore_mem>>)
      %dma_wait3A_915 = arith.constant 2 : i32
      %dma_wait3A_916 = arith.constant 2 : i32
      %dma_wait3A_917 = arith.constant 0 : i32
      %dma_wait3A_918 = arith.constant 0 : i32
      %dma_wait3A_919 = tpu.memref_slice %arg8[%dma_wait3A_915, %dma_wait3A_917, %dma_wait3A_918] : memref<3x64x128xf32, #tpu.memory_space<vmem>> -> memref<1x64x128xf32, #tpu.memory_space<vmem>>
      %dma_wait3A_920 = tpu.memref_squeeze %dma_wait3A_919 : memref<1x64x128xf32, #tpu.memory_space<vmem>> -> memref<64x128xf32, #tpu.memory_space<vmem>>
      %dma_wait3A_921 = arith.constant 0 : i32
      %dma_wait3A_922 = tpu.memref_slice %arg7[%dma_wait3A_916, %dma_wait3A_921] : memref<3x64xi32, #tpu.memory_space<vmem>> -> memref<1x64xi32, #tpu.memory_space<vmem>>
      %dma_wait3A_923 = tpu.memref_squeeze %dma_wait3A_922 : memref<1x64xi32, #tpu.memory_space<vmem>> -> memref<64xi32, #tpu.memory_space<vmem>>
      %dma_wait3A_924 = arith.constant 0 : i32
      %dma_wait3A_925 = arith.constant 0 : i32
      %dma_wait3A_926 = tpu.memref_slice %arg9[%dma_wait3A_924, %dma_wait3A_925] : memref<10816x128xf32, #tpu.memory_space<vmem_shared>> -> memref<10816x128xf32, #tpu.memory_space<vmem_shared>>
      tpu.wait_indirect_dma semaphore(%arg15 : memref<!tpu.dma_semaphore, #tpu.memory_space<semaphore_mem>>) src(%dma_wait3A_920 : memref<64x128xf32, #tpu.memory_space<vmem>>) dst(%dma_wait3A_926 : memref<10816x128xf32, #tpu.memory_space<vmem_shared>>)
      %add3A_927 = arith.constant 3 : i32
      %add3A_928 = arith.addi %mul3A_598, %add3A_927 : i32
      %add3A_929 = arith.constant 2 : i32
      %add3A_930 = arith.addi %add3A_928, %add3A_929 : i32
      %shift_right_logical3A_931 = arith.constant 1 : i32
      %shift_right_logical3A_932 = arith.shrui %add3A_930, %shift_right_logical3A_931 : i32
      %and3A_933 = arith.constant 1 : i32
      %and3A_934 = arith.andi %add3A_930, %and3A_933 : i32
      %mul3A_935 = arith.constant 64 : i32
      %mul3A_936 = arith.muli %and3A_934, %mul3A_935 : i32
      %add3A_937 = arith.constant 0 : i32
      %add3A_938 = arith.addi %mul3A_936, %add3A_937 : i32
      %get3A_939 = arith.index_cast %shift_right_logical3A_932 : i32 to index
      %get3A_940 = arith.index_cast %add3A_938 : i32 to index
      %get3A_941 = tpu.vector_load %arg5[%get3A_939, %get3A_940] {strides = array<i32>} : memref<85x128xi32, #tpu.memory_space<vmem>>, vector<1x16xi32>,
      %get3A_942 = vector.shape_cast %get3A_941 : vector<1x16xi32> to vector<16xi32>
      %and3A_943 = arith.andi %get3A_942, %broadcast_in_dim3A_1 : vector<16xi32>
      %swap3A_944 = arith.constant 2 : i32
      %swap3A_945 = arith.index_cast %swap3A_944 : i32 to index
      %swap3A_946 = arith.constant 0 : index
      %swap3A_947 = tpu.vector_load %arg6[%swap3A_945, %swap3A_946] {strides = array<i32>} : memref<3x64xi32, #tpu.memory_space<vmem>>, vector<1x16xi32>,
      %swap3A_948 = vector.shape_cast %swap3A_947 : vector<1x16xi32> to vector<16xi32>
      %swap3A_949 = vector.shape_cast %and3A_943 : vector<16xi32> to vector<1x16xi32>
      tpu.vector_store %arg6[%swap3A_945, %swap3A_946], %swap3A_949 {strides = array<i32>} : memref<3x64xi32, #tpu.memory_space<vmem>>, vector<1x16xi32>,
      %shift_right_logical3A_950 = arith.constant 16 : i32
      %shift_right_logical3A_951 = vector.broadcast %shift_right_logical3A_950 : i32 to vector<16xi32>
      %shift_right_logical3A_952 = arith.shrui %get3A_942, %shift_right_logical3A_951 : vector<16xi32>
      %swap3A_953 = arith.constant 2 : i32
      %swap3A_954 = arith.index_cast %swap3A_953 : i32 to index
      %swap3A_955 = arith.constant 0 : index
      %swap3A_956 = tpu.vector_load %arg7[%swap3A_954, %swap3A_955] {strides = array<i32>} : memref<3x64xi32, #tpu.memory_space<vmem>>, vector<1x16xi32>,
      %swap3A_957 = vector.shape_cast %swap3A_956 : vector<1x16xi32> to vector<16xi32>
      %swap3A_958 = vector.shape_cast %shift_right_logical3A_952 : vector<16xi32> to vector<1x16xi32>
      tpu.vector_store %arg7[%swap3A_954, %swap3A_955], %swap3A_958 {strides = array<i32>} : memref<3x64xi32, #tpu.memory_space<vmem>>, vector<1x16xi32>,
      %add3A_959 = arith.constant 16 : i32
      %add3A_960 = arith.addi %mul3A_936, %add3A_959 : i32
      %get3A_961 = arith.index_cast %shift_right_logical3A_932 : i32 to index
      %get3A_962 = arith.index_cast %add3A_960 : i32 to index
      %get3A_963 = tpu.vector_load %arg5[%get3A_961, %get3A_962] {strides = array<i32>} : memref<85x128xi32, #tpu.memory_space<vmem>>, vector<1x16xi32>,
      %get3A_964 = vector.shape_cast %get3A_963 : vector<1x16xi32> to vector<16xi32>
      %and3A_965 = arith.andi %get3A_964, %broadcast_in_dim3A_1 : vector<16xi32>
      %swap3A_966 = arith.constant 2 : i32
      %swap3A_967 = arith.index_cast %swap3A_966 : i32 to index
      %swap3A_968 = arith.constant 16 : index
      %swap3A_969 = tpu.vector_load %arg6[%swap3A_967, %swap3A_968] {strides = array<i32>} : memref<3x64xi32, #tpu.memory_space<vmem>>, vector<1x16xi32>,
      %swap3A_970 = vector.shape_cast %swap3A_969 : vector<1x16xi32> to vector<16xi32>
      %swap3A_971 = vector.shape_cast %and3A_965 : vector<16xi32> to vector<1x16xi32>
      tpu.vector_store %arg6[%swap3A_967, %swap3A_968], %swap3A_971 {strides = array<i32>} : memref<3x64xi32, #tpu.memory_space<vmem>>, vector<1x16xi32>,
      %shift_right_logical3A_972 = arith.constant 16 : i32
      %shift_right_logical3A_973 = vector.broadcast %shift_right_logical3A_972 : i32 to vector<16xi32>
      %shift_right_logical3A_974 = arith.shrui %get3A_964, %shift_right_logical3A_973 : vector<16xi32>
      %swap3A_975 = arith.constant 2 : i32
      %swap3A_976 = arith.index_cast %swap3A_975 : i32 to index
      %swap3A_977 = arith.constant 16 : index
      %swap3A_978 = tpu.vector_load %arg7[%swap3A_976, %swap3A_977] {strides = array<i32>} : memref<3x64xi32, #tpu.memory_space<vmem>>, vector<1x16xi32>,
      %swap3A_979 = vector.shape_cast %swap3A_978 : vector<1x16xi32> to vector<16xi32>
      %swap3A_980 = vector.shape_cast %shift_right_logical3A_974 : vector<16xi32> to vector<1x16xi32>
      tpu.vector_store %arg7[%swap3A_976, %swap3A_977], %swap3A_980 {strides = array<i32>} : memref<3x64xi32, #tpu.memory_space<vmem>>, vector<1x16xi32>,
      %add3A_981 = arith.constant 32 : i32
      %add3A_982 = arith.addi %mul3A_936, %add3A_981 : i32
      %get3A_983 = arith.index_cast %shift_right_logical3A_932 : i32 to index
      %get3A_984 = arith.index_cast %add3A_982 : i32 to index
      %get3A_985 = tpu.vector_load %arg5[%get3A_983, %get3A_984] {strides = array<i32>} : memref<85x128xi32, #tpu.memory_space<vmem>>, vector<1x16xi32>,
      %get3A_986 = vector.shape_cast %get3A_985 : vector<1x16xi32> to vector<16xi32>
      %and3A_987 = arith.andi %get3A_986, %broadcast_in_dim3A_1 : vector<16xi32>
      %swap3A_988 = arith.constant 2 : i32
      %swap3A_989 = arith.index_cast %swap3A_988 : i32 to index
      %swap3A_990 = arith.constant 32 : index
      %swap3A_991 = tpu.vector_load %arg6[%swap3A_989, %swap3A_990] {strides = array<i32>} : memref<3x64xi32, #tpu.memory_space<vmem>>, vector<1x16xi32>,
      %swap3A_992 = vector.shape_cast %swap3A_991 : vector<1x16xi32> to vector<16xi32>
      %swap3A_993 = vector.shape_cast %and3A_987 : vector<16xi32> to vector<1x16xi32>
      tpu.vector_store %arg6[%swap3A_989, %swap3A_990], %swap3A_993 {strides = array<i32>} : memref<3x64xi32, #tpu.memory_space<vmem>>, vector<1x16xi32>,
      %shift_right_logical3A_994 = arith.constant 16 : i32
      %shift_right_logical3A_995 = vector.broadcast %shift_right_logical3A_994 : i32 to vector<16xi32>
      %shift_right_logical3A_996 = arith.shrui %get3A_986, %shift_right_logical3A_995 : vector<16xi32>
      %swap3A_997 = arith.constant 2 : i32
      %swap3A_998 = arith.index_cast %swap3A_997 : i32 to index
      %swap3A_999 = arith.constant 32 : index
      %swap3A_1000 = tpu.vector_load %arg7[%swap3A_998, %swap3A_999] {strides = array<i32>} : memref<3x64xi32, #tpu.memory_space<vmem>>, vector<1x16xi32>,
      %swap3A_1001 = vector.shape_cast %swap3A_1000 : vector<1x16xi32> to vector<16xi32>
      %swap3A_1002 = vector.shape_cast %shift_right_logical3A_996 : vector<16xi32> to vector<1x16xi32>
      tpu.vector_store %arg7[%swap3A_998, %swap3A_999], %swap3A_1002 {strides = array<i32>} : memref<3x64xi32, #tpu.memory_space<vmem>>, vector<1x16xi32>,
      %add3A_1003 = arith.constant 48 : i32
      %add3A_1004 = arith.addi %mul3A_936, %add3A_1003 : i32
      %get3A_1005 = arith.index_cast %shift_right_logical3A_932 : i32 to index
      %get3A_1006 = arith.index_cast %add3A_1004 : i32 to index
      %get3A_1007 = tpu.vector_load %arg5[%get3A_1005, %get3A_1006] {strides = array<i32>} : memref<85x128xi32, #tpu.memory_space<vmem>>, vector<1x16xi32>,
      %get3A_1008 = vector.shape_cast %get3A_1007 : vector<1x16xi32> to vector<16xi32>
      %and3A_1009 = arith.andi %get3A_1008, %broadcast_in_dim3A_1 : vector<16xi32>
      %swap3A_1010 = arith.constant 2 : i32
      %swap3A_1011 = arith.index_cast %swap3A_1010 : i32 to index
      %swap3A_1012 = arith.constant 48 : index
      %swap3A_1013 = tpu.vector_load %arg6[%swap3A_1011, %swap3A_1012] {strides = array<i32>} : memref<3x64xi32, #tpu.memory_space<vmem>>, vector<1x16xi32>,
      %swap3A_1014 = vector.shape_cast %swap3A_1013 : vector<1x16xi32> to vector<16xi32>
      %swap3A_1015 = vector.shape_cast %and3A_1009 : vector<16xi32> to vector<1x16xi32>
      tpu.vector_store %arg6[%swap3A_1011, %swap3A_1012], %swap3A_1015 {strides = array<i32>} : memref<3x64xi32, #tpu.memory_space<vmem>>, vector<1x16xi32>,
      %shift_right_logical3A_1016 = arith.constant 16 : i32
      %shift_right_logical3A_1017 = vector.broadcast %shift_right_logical3A_1016 : i32 to vector<16xi32>
      %shift_right_logical3A_1018 = arith.shrui %get3A_1008, %shift_right_logical3A_1017 : vector<16xi32>
      %swap3A_1019 = arith.constant 2 : i32
      %swap3A_1020 = arith.index_cast %swap3A_1019 : i32 to index
      %swap3A_1021 = arith.constant 48 : index
      %swap3A_1022 = tpu.vector_load %arg7[%swap3A_1020, %swap3A_1021] {strides = array<i32>} : memref<3x64xi32, #tpu.memory_space<vmem>>, vector<1x16xi32>,
      %swap3A_1023 = vector.shape_cast %swap3A_1022 : vector<1x16xi32> to vector<16xi32>
      %swap3A_1024 = vector.shape_cast %shift_right_logical3A_1018 : vector<16xi32> to vector<1x16xi32>
      tpu.vector_store %arg7[%swap3A_1020, %swap3A_1021], %swap3A_1024 {strides = array<i32>} : memref<3x64xi32, #tpu.memory_space<vmem>>, vector<1x16xi32>,
      %dma_start3A_1025 = arith.constant 2 : i32
      %dma_start3A_1026 = arith.constant 2 : i32
      %dma_start3A_1027 = arith.constant 0 : i32
      %dma_start3A_1028 = arith.constant 0 : i32
      %dma_start3A_1029 = tpu.memref_slice %arg8[%dma_start3A_1026, %dma_start3A_1027, %dma_start3A_1028] : memref<3x64x128xf32, #tpu.memory_space<vmem>> -> memref<1x64x128xf32, #tpu.memory_space<vmem>>
      %dma_start3A_1030 = tpu.memref_squeeze %dma_start3A_1029 : memref<1x64x128xf32, #tpu.memory_space<vmem>> -> memref<64x128xf32, #tpu.memory_space<vmem>>
      %dma_start3A_1031 = arith.constant 0 : i32
      %dma_start3A_1032 = tpu.memref_slice %arg6[%dma_start3A_1025, %dma_start3A_1031] : memref<3x64xi32, #tpu.memory_space<vmem>> -> memref<1x64xi32, #tpu.memory_space<vmem>>
      %dma_start3A_1033 = tpu.memref_squeeze %dma_start3A_1032 : memref<1x64xi32, #tpu.memory_space<vmem>> -> memref<64xi32, #tpu.memory_space<vmem>>
      %dma_start3A_1034 = arith.constant 0 : i32
      %dma_start3A_1035 = arith.constant 0 : i32
      %dma_start3A_1036 = tpu.memref_slice %arg2[%dma_start3A_1034, %dma_start3A_1035] : memref<10816x128xf32, #tpu.memory_space<hbm>> -> memref<10816x128xf32, #tpu.memory_space<hbm>>
      tpu.enqueue_indirect_dma source(%dma_start3A_1036 : memref<10816x128xf32, #tpu.memory_space<hbm>>) target(%dma_start3A_1030 : memref<64x128xf32, #tpu.memory_space<vmem>>) offsets(%dma_start3A_1033 : memref<64xi32, #tpu.memory_space<vmem>>) semaphore(%arg12 : memref<!tpu.dma_semaphore, #tpu.memory_space<semaphore_mem>>)
    }
    %scan3A_334 = arith.constant 55 : i32
    %dma_wait3A = arith.constant 0 : i32
    %dma_wait3A_335 = arith.constant 0 : i32
    %dma_wait3A_336 = arith.constant 0 : i32
    %dma_wait3A_337 = arith.constant 0 : i32
    %dma_wait3A_338 = tpu.memref_slice %arg8[%dma_wait3A_335, %dma_wait3A_336, %dma_wait3A_337] : memref<3x64x128xf32, #tpu.memory_space<vmem>> -> memref<1x64x128xf32, #tpu.memory_space<vmem>>
    %dma_wait3A_339 = tpu.memref_squeeze %dma_wait3A_338 : memref<1x64x128xf32, #tpu.memory_space<vmem>> -> memref<64x128xf32, #tpu.memory_space<vmem>>
    %dma_wait3A_340 = arith.constant 0 : i32
    %dma_wait3A_341 = tpu.memref_slice %arg6[%dma_wait3A, %dma_wait3A_340] : memref<3x64xi32, #tpu.memory_space<vmem>> -> memref<1x64xi32, #tpu.memory_space<vmem>>
    %dma_wait3A_342 = tpu.memref_squeeze %dma_wait3A_341 : memref<1x64xi32, #tpu.memory_space<vmem>> -> memref<64xi32, #tpu.memory_space<vmem>>
    %dma_wait3A_343 = arith.constant 0 : i32
    %dma_wait3A_344 = arith.constant 0 : i32
    %dma_wait3A_345 = tpu.memref_slice %arg2[%dma_wait3A_343, %dma_wait3A_344] : memref<10816x128xf32, #tpu.memory_space<hbm>> -> memref<10816x128xf32, #tpu.memory_space<hbm>>
    tpu.wait_indirect_dma semaphore(%arg10 : memref<!tpu.dma_semaphore, #tpu.memory_space<semaphore_mem>>) src(%dma_wait3A_345 : memref<10816x128xf32, #tpu.memory_space<hbm>>) dst(%dma_wait3A_339 : memref<64x128xf32, #tpu.memory_space<vmem>>)
    %dma_start3A_346 = arith.constant 0 : i32
    %dma_start3A_347 = arith.constant 0 : i32
    %dma_start3A_348 = arith.constant 0 : i32
    %dma_start3A_349 = arith.constant 0 : i32
    %dma_start3A_350 = tpu.memref_slice %arg8[%dma_start3A_346, %dma_start3A_348, %dma_start3A_349] : memref<3x64x128xf32, #tpu.memory_space<vmem>> -> memref<1x64x128xf32, #tpu.memory_space<vmem>>
    %dma_start3A_351 = tpu.memref_squeeze %dma_start3A_350 : memref<1x64x128xf32, #tpu.memory_space<vmem>> -> memref<64x128xf32, #tpu.memory_space<vmem>>
    %dma_start3A_352 = arith.constant 0 : i32
    %dma_start3A_353 = tpu.memref_slice %arg7[%dma_start3A_347, %dma_start3A_352] : memref<3x64xi32, #tpu.memory_space<vmem>> -> memref<1x64xi32, #tpu.memory_space<vmem>>
    %dma_start3A_354 = tpu.memref_squeeze %dma_start3A_353 : memref<1x64xi32, #tpu.memory_space<vmem>> -> memref<64xi32, #tpu.memory_space<vmem>>
    %dma_start3A_355 = arith.constant 0 : i32
    %dma_start3A_356 = arith.constant 0 : i32
    %dma_start3A_357 = tpu.memref_slice %arg9[%dma_start3A_355, %dma_start3A_356] : memref<10816x128xf32, #tpu.memory_space<vmem_shared>> -> memref<10816x128xf32, #tpu.memory_space<vmem_shared>>
    tpu.enqueue_indirect_dma source(%dma_start3A_351 : memref<64x128xf32, #tpu.memory_space<vmem>>) target(%dma_start3A_357 : memref<10816x128xf32, #tpu.memory_space<vmem_shared>>) offsets(%dma_start3A_354 : memref<64xi32, #tpu.memory_space<vmem>>) semaphore(%arg13 : memref<!tpu.dma_semaphore, #tpu.memory_space<semaphore_mem>>) {add = true}
    %dma_wait3A_358 = arith.constant 1 : i32
    %dma_wait3A_359 = arith.constant 1 : i32
    %dma_wait3A_360 = arith.constant 0 : i32
    %dma_wait3A_361 = arith.constant 0 : i32
    %dma_wait3A_362 = tpu.memref_slice %arg8[%dma_wait3A_359, %dma_wait3A_360, %dma_wait3A_361] : memref<3x64x128xf32, #tpu.memory_space<vmem>> -> memref<1x64x128xf32, #tpu.memory_space<vmem>>
    %dma_wait3A_363 = tpu.memref_squeeze %dma_wait3A_362 : memref<1x64x128xf32, #tpu.memory_space<vmem>> -> memref<64x128xf32, #tpu.memory_space<vmem>>
    %dma_wait3A_364 = arith.constant 0 : i32
    %dma_wait3A_365 = tpu.memref_slice %arg6[%dma_wait3A_358, %dma_wait3A_364] : memref<3x64xi32, #tpu.memory_space<vmem>> -> memref<1x64xi32, #tpu.memory_space<vmem>>
    %dma_wait3A_366 = tpu.memref_squeeze %dma_wait3A_365 : memref<1x64xi32, #tpu.memory_space<vmem>> -> memref<64xi32, #tpu.memory_space<vmem>>
    %dma_wait3A_367 = arith.constant 0 : i32
    %dma_wait3A_368 = arith.constant 0 : i32
    %dma_wait3A_369 = tpu.memref_slice %arg2[%dma_wait3A_367, %dma_wait3A_368] : memref<10816x128xf32, #tpu.memory_space<hbm>> -> memref<10816x128xf32, #tpu.memory_space<hbm>>
    tpu.wait_indirect_dma semaphore(%arg11 : memref<!tpu.dma_semaphore, #tpu.memory_space<semaphore_mem>>) src(%dma_wait3A_369 : memref<10816x128xf32, #tpu.memory_space<hbm>>) dst(%dma_wait3A_363 : memref<64x128xf32, #tpu.memory_space<vmem>>)
    %dma_start3A_370 = arith.constant 1 : i32
    %dma_start3A_371 = arith.constant 1 : i32
    %dma_start3A_372 = arith.constant 0 : i32
    %dma_start3A_373 = arith.constant 0 : i32
    %dma_start3A_374 = tpu.memref_slice %arg8[%dma_start3A_370, %dma_start3A_372, %dma_start3A_373] : memref<3x64x128xf32, #tpu.memory_space<vmem>> -> memref<1x64x128xf32, #tpu.memory_space<vmem>>
    %dma_start3A_375 = tpu.memref_squeeze %dma_start3A_374 : memref<1x64x128xf32, #tpu.memory_space<vmem>> -> memref<64x128xf32, #tpu.memory_space<vmem>>
    %dma_start3A_376 = arith.constant 0 : i32
    %dma_start3A_377 = tpu.memref_slice %arg7[%dma_start3A_371, %dma_start3A_376] : memref<3x64xi32, #tpu.memory_space<vmem>> -> memref<1x64xi32, #tpu.memory_space<vmem>>
    %dma_start3A_378 = tpu.memref_squeeze %dma_start3A_377 : memref<1x64xi32, #tpu.memory_space<vmem>> -> memref<64xi32, #tpu.memory_space<vmem>>
    %dma_start3A_379 = arith.constant 0 : i32
    %dma_start3A_380 = arith.constant 0 : i32
    %dma_start3A_381 = tpu.memref_slice %arg9[%dma_start3A_379, %dma_start3A_380] : memref<10816x128xf32, #tpu.memory_space<vmem_shared>> -> memref<10816x128xf32, #tpu.memory_space<vmem_shared>>
    tpu.enqueue_indirect_dma source(%dma_start3A_375 : memref<64x128xf32, #tpu.memory_space<vmem>>) target(%dma_start3A_381 : memref<10816x128xf32, #tpu.memory_space<vmem_shared>>) offsets(%dma_start3A_378 : memref<64xi32, #tpu.memory_space<vmem>>) semaphore(%arg14 : memref<!tpu.dma_semaphore, #tpu.memory_space<semaphore_mem>>) {add = true}
    %dma_wait3A_382 = arith.constant 2 : i32
    %dma_wait3A_383 = arith.constant 2 : i32
    %dma_wait3A_384 = arith.constant 0 : i32
    %dma_wait3A_385 = arith.constant 0 : i32
    %dma_wait3A_386 = tpu.memref_slice %arg8[%dma_wait3A_383, %dma_wait3A_384, %dma_wait3A_385] : memref<3x64x128xf32, #tpu.memory_space<vmem>> -> memref<1x64x128xf32, #tpu.memory_space<vmem>>
    %dma_wait3A_387 = tpu.memref_squeeze %dma_wait3A_386 : memref<1x64x128xf32, #tpu.memory_space<vmem>> -> memref<64x128xf32, #tpu.memory_space<vmem>>
    %dma_wait3A_388 = arith.constant 0 : i32
    %dma_wait3A_389 = tpu.memref_slice %arg6[%dma_wait3A_382, %dma_wait3A_388] : memref<3x64xi32, #tpu.memory_space<vmem>> -> memref<1x64xi32, #tpu.memory_space<vmem>>
    %dma_wait3A_390 = tpu.memref_squeeze %dma_wait3A_389 : memref<1x64xi32, #tpu.memory_space<vmem>> -> memref<64xi32, #tpu.memory_space<vmem>>
    %dma_wait3A_391 = arith.constant 0 : i32
    %dma_wait3A_392 = arith.constant 0 : i32
    %dma_wait3A_393 = tpu.memref_slice %arg2[%dma_wait3A_391, %dma_wait3A_392] : memref<10816x128xf32, #tpu.memory_space<hbm>> -> memref<10816x128xf32, #tpu.memory_space<hbm>>
    tpu.wait_indirect_dma semaphore(%arg12 : memref<!tpu.dma_semaphore, #tpu.memory_space<semaphore_mem>>) src(%dma_wait3A_393 : memref<10816x128xf32, #tpu.memory_space<hbm>>) dst(%dma_wait3A_387 : memref<64x128xf32, #tpu.memory_space<vmem>>)
    %dma_start3A_394 = arith.constant 2 : i32
    %dma_start3A_395 = arith.constant 2 : i32
    %dma_start3A_396 = arith.constant 0 : i32
    %dma_start3A_397 = arith.constant 0 : i32
    %dma_start3A_398 = tpu.memref_slice %arg8[%dma_start3A_394, %dma_start3A_396, %dma_start3A_397] : memref<3x64x128xf32, #tpu.memory_space<vmem>> -> memref<1x64x128xf32, #tpu.memory_space<vmem>>
    %dma_start3A_399 = tpu.memref_squeeze %dma_start3A_398 : memref<1x64x128xf32, #tpu.memory_space<vmem>> -> memref<64x128xf32, #tpu.memory_space<vmem>>
    %dma_start3A_400 = arith.constant 0 : i32
    %dma_start3A_401 = tpu.memref_slice %arg7[%dma_start3A_395, %dma_start3A_400] : memref<3x64xi32, #tpu.memory_space<vmem>> -> memref<1x64xi32, #tpu.memory_space<vmem>>
    %dma_start3A_402 = tpu.memref_squeeze %dma_start3A_401 : memref<1x64xi32, #tpu.memory_space<vmem>> -> memref<64xi32, #tpu.memory_space<vmem>>
    %dma_start3A_403 = arith.constant 0 : i32
    %dma_start3A_404 = arith.constant 0 : i32
    %dma_start3A_405 = tpu.memref_slice %arg9[%dma_start3A_403, %dma_start3A_404] : memref<10816x128xf32, #tpu.memory_space<vmem_shared>> -> memref<10816x128xf32, #tpu.memory_space<vmem_shared>>
    tpu.enqueue_indirect_dma source(%dma_start3A_399 : memref<64x128xf32, #tpu.memory_space<vmem>>) target(%dma_start3A_405 : memref<10816x128xf32, #tpu.memory_space<vmem_shared>>) offsets(%dma_start3A_402 : memref<64xi32, #tpu.memory_space<vmem>>) semaphore(%arg15 : memref<!tpu.dma_semaphore, #tpu.memory_space<semaphore_mem>>) {add = true}
    %dma_wait3A_406 = arith.constant 0 : i32
    %dma_wait3A_407 = arith.constant 0 : i32
    %dma_wait3A_408 = arith.constant 0 : i32
    %dma_wait3A_409 = arith.constant 0 : i32
    %dma_wait3A_410 = tpu.memref_slice %arg8[%dma_wait3A_406, %dma_wait3A_408, %dma_wait3A_409] : memref<3x64x128xf32, #tpu.memory_space<vmem>> -> memref<1x64x128xf32, #tpu.memory_space<vmem>>
    %dma_wait3A_411 = tpu.memref_squeeze %dma_wait3A_410 : memref<1x64x128xf32, #tpu.memory_space<vmem>> -> memref<64x128xf32, #tpu.memory_space<vmem>>
    %dma_wait3A_412 = arith.constant 0 : i32
    %dma_wait3A_413 = tpu.memref_slice %arg7[%dma_wait3A_407, %dma_wait3A_412] : memref<3x64xi32, #tpu.memory_space<vmem>> -> memref<1x64xi32, #tpu.memory_space<vmem>>
    %dma_wait3A_414 = tpu.memref_squeeze %dma_wait3A_413 : memref<1x64xi32, #tpu.memory_space<vmem>> -> memref<64xi32, #tpu.memory_space<vmem>>
    %dma_wait3A_415 = arith.constant 0 : i32
    %dma_wait3A_416 = arith.constant 0 : i32
    %dma_wait3A_417 = tpu.memref_slice %arg9[%dma_wait3A_415, %dma_wait3A_416] : memref<10816x128xf32, #tpu.memory_space<vmem_shared>> -> memref<10816x128xf32, #tpu.memory_space<vmem_shared>>
    tpu.wait_indirect_dma semaphore(%arg13 : memref<!tpu.dma_semaphore, #tpu.memory_space<semaphore_mem>>) src(%dma_wait3A_411 : memref<64x128xf32, #tpu.memory_space<vmem>>) dst(%dma_wait3A_417 : memref<10816x128xf32, #tpu.memory_space<vmem_shared>>)
    %shift_right_logical3A_418 = arith.constant 168 : i32
    %shift_right_logical3A_419 = arith.constant 1 : i32
    %shift_right_logical3A_420 = arith.shrui %shift_right_logical3A_418, %shift_right_logical3A_419 : i32
    %and3A_421 = arith.constant 168 : i32
    %and3A_422 = arith.constant 1 : i32
    %and3A_423 = arith.andi %and3A_421, %and3A_422 : i32
    %mul3A_424 = arith.constant 64 : i32
    %mul3A_425 = arith.muli %and3A_423, %mul3A_424 : i32
    %add3A_426 = arith.constant 0 : i32
    %add3A_427 = arith.addi %mul3A_425, %add3A_426 : i32
    %get3A_428 = arith.index_cast %shift_right_logical3A_420 : i32 to index
    %get3A_429 = arith.index_cast %add3A_427 : i32 to index
    %get3A_430 = tpu.vector_load %arg5[%get3A_428, %get3A_429] {strides = array<i32>} : memref<85x128xi32, #tpu.memory_space<vmem>>, vector<1x16xi32>,
    %get3A_431 = vector.shape_cast %get3A_430 : vector<1x16xi32> to vector<16xi32>
    %and3A_432 = arith.andi %get3A_431, %broadcast_in_dim3A_1 : vector<16xi32>
    %swap3A_433 = arith.constant 0 : i32
    %swap3A_434 = arith.index_cast %swap3A_433 : i32 to index
    %swap3A_435 = arith.constant 0 : index
    %swap3A_436 = tpu.vector_load %arg6[%swap3A_434, %swap3A_435] {strides = array<i32>} : memref<3x64xi32, #tpu.memory_space<vmem>>, vector<1x16xi32>,
    %swap3A_437 = vector.shape_cast %swap3A_436 : vector<1x16xi32> to vector<16xi32>
    %swap3A_438 = vector.shape_cast %and3A_432 : vector<16xi32> to vector<1x16xi32>
    tpu.vector_store %arg6[%swap3A_434, %swap3A_435], %swap3A_438 {strides = array<i32>} : memref<3x64xi32, #tpu.memory_space<vmem>>, vector<1x16xi32>,
    %shift_right_logical3A_439 = arith.constant 16 : i32
    %shift_right_logical3A_440 = vector.broadcast %shift_right_logical3A_439 : i32 to vector<16xi32>
    %shift_right_logical3A_441 = arith.shrui %get3A_431, %shift_right_logical3A_440 : vector<16xi32>
    %swap3A_442 = arith.constant 0 : i32
    %swap3A_443 = arith.index_cast %swap3A_442 : i32 to index
    %swap3A_444 = arith.constant 0 : index
    %swap3A_445 = tpu.vector_load %arg7[%swap3A_443, %swap3A_444] {strides = array<i32>} : memref<3x64xi32, #tpu.memory_space<vmem>>, vector<1x16xi32>,
    %swap3A_446 = vector.shape_cast %swap3A_445 : vector<1x16xi32> to vector<16xi32>
    %swap3A_447 = vector.shape_cast %shift_right_logical3A_441 : vector<16xi32> to vector<1x16xi32>
    tpu.vector_store %arg7[%swap3A_443, %swap3A_444], %swap3A_447 {strides = array<i32>} : memref<3x64xi32, #tpu.memory_space<vmem>>, vector<1x16xi32>,
    %add3A_448 = arith.constant 16 : i32
    %add3A_449 = arith.addi %mul3A_425, %add3A_448 : i32
    %get3A_450 = arith.index_cast %shift_right_logical3A_420 : i32 to index
    %get3A_451 = arith.index_cast %add3A_449 : i32 to index
    %get3A_452 = tpu.vector_load %arg5[%get3A_450, %get3A_451] {strides = array<i32>} : memref<85x128xi32, #tpu.memory_space<vmem>>, vector<1x16xi32>,
    %get3A_453 = vector.shape_cast %get3A_452 : vector<1x16xi32> to vector<16xi32>
    %and3A_454 = arith.andi %get3A_453, %broadcast_in_dim3A_1 : vector<16xi32>
    %swap3A_455 = arith.constant 0 : i32
    %swap3A_456 = arith.index_cast %swap3A_455 : i32 to index
    %swap3A_457 = arith.constant 16 : index
    %swap3A_458 = tpu.vector_load %arg6[%swap3A_456, %swap3A_457] {strides = array<i32>} : memref<3x64xi32, #tpu.memory_space<vmem>>, vector<1x16xi32>,
    %swap3A_459 = vector.shape_cast %swap3A_458 : vector<1x16xi32> to vector<16xi32>
    %swap3A_460 = vector.shape_cast %and3A_454 : vector<16xi32> to vector<1x16xi32>
    tpu.vector_store %arg6[%swap3A_456, %swap3A_457], %swap3A_460 {strides = array<i32>} : memref<3x64xi32, #tpu.memory_space<vmem>>, vector<1x16xi32>,
    %shift_right_logical3A_461 = arith.constant 16 : i32
    %shift_right_logical3A_462 = vector.broadcast %shift_right_logical3A_461 : i32 to vector<16xi32>
    %shift_right_logical3A_463 = arith.shrui %get3A_453, %shift_right_logical3A_462 : vector<16xi32>
    %swap3A_464 = arith.constant 0 : i32
    %swap3A_465 = arith.index_cast %swap3A_464 : i32 to index
    %swap3A_466 = arith.constant 16 : index
    %swap3A_467 = tpu.vector_load %arg7[%swap3A_465, %swap3A_466] {strides = array<i32>} : memref<3x64xi32, #tpu.memory_space<vmem>>, vector<1x16xi32>,
    %swap3A_468 = vector.shape_cast %swap3A_467 : vector<1x16xi32> to vector<16xi32>
    %swap3A_469 = vector.shape_cast %shift_right_logical3A_463 : vector<16xi32> to vector<1x16xi32>
    tpu.vector_store %arg7[%swap3A_465, %swap3A_466], %swap3A_469 {strides = array<i32>} : memref<3x64xi32, #tpu.memory_space<vmem>>, vector<1x16xi32>,
    %add3A_470 = arith.constant 32 : i32
    %add3A_471 = arith.addi %mul3A_425, %add3A_470 : i32
    %get3A_472 = arith.index_cast %shift_right_logical3A_420 : i32 to index
    %get3A_473 = arith.index_cast %add3A_471 : i32 to index
    %get3A_474 = tpu.vector_load %arg5[%get3A_472, %get3A_473] {strides = array<i32>} : memref<85x128xi32, #tpu.memory_space<vmem>>, vector<1x16xi32>,
    %get3A_475 = vector.shape_cast %get3A_474 : vector<1x16xi32> to vector<16xi32>
    %and3A_476 = arith.andi %get3A_475, %broadcast_in_dim3A_1 : vector<16xi32>
    %swap3A_477 = arith.constant 0 : i32
    %swap3A_478 = arith.index_cast %swap3A_477 : i32 to index
    %swap3A_479 = arith.constant 32 : index
    %swap3A_480 = tpu.vector_load %arg6[%swap3A_478, %swap3A_479] {strides = array<i32>} : memref<3x64xi32, #tpu.memory_space<vmem>>, vector<1x16xi32>,
    %swap3A_481 = vector.shape_cast %swap3A_480 : vector<1x16xi32> to vector<16xi32>
    %swap3A_482 = vector.shape_cast %and3A_476 : vector<16xi32> to vector<1x16xi32>
    tpu.vector_store %arg6[%swap3A_478, %swap3A_479], %swap3A_482 {strides = array<i32>} : memref<3x64xi32, #tpu.memory_space<vmem>>, vector<1x16xi32>,
    %shift_right_logical3A_483 = arith.constant 16 : i32
    %shift_right_logical3A_484 = vector.broadcast %shift_right_logical3A_483 : i32 to vector<16xi32>
    %shift_right_logical3A_485 = arith.shrui %get3A_475, %shift_right_logical3A_484 : vector<16xi32>
    %swap3A_486 = arith.constant 0 : i32
    %swap3A_487 = arith.index_cast %swap3A_486 : i32 to index
    %swap3A_488 = arith.constant 32 : index
    %swap3A_489 = tpu.vector_load %arg7[%swap3A_487, %swap3A_488] {strides = array<i32>} : memref<3x64xi32, #tpu.memory_space<vmem>>, vector<1x16xi32>,
    %swap3A_490 = vector.shape_cast %swap3A_489 : vector<1x16xi32> to vector<16xi32>
    %swap3A_491 = vector.shape_cast %shift_right_logical3A_485 : vector<16xi32> to vector<1x16xi32>
    tpu.vector_store %arg7[%swap3A_487, %swap3A_488], %swap3A_491 {strides = array<i32>} : memref<3x64xi32, #tpu.memory_space<vmem>>, vector<1x16xi32>,
    %add3A_492 = arith.constant 48 : i32
    %add3A_493 = arith.addi %mul3A_425, %add3A_492 : i32
    %get3A_494 = arith.index_cast %shift_right_logical3A_420 : i32 to index
    %get3A_495 = arith.index_cast %add3A_493 : i32 to index
    %get3A_496 = tpu.vector_load %arg5[%get3A_494, %get3A_495] {strides = array<i32>} : memref<85x128xi32, #tpu.memory_space<vmem>>, vector<1x16xi32>,
    %get3A_497 = vector.shape_cast %get3A_496 : vector<1x16xi32> to vector<16xi32>
    %and3A_498 = arith.andi %get3A_497, %broadcast_in_dim3A_1 : vector<16xi32>
    %swap3A_499 = arith.constant 0 : i32
    %swap3A_500 = arith.index_cast %swap3A_499 : i32 to index
    %swap3A_501 = arith.constant 48 : index
    %swap3A_502 = tpu.vector_load %arg6[%swap3A_500, %swap3A_501] {strides = array<i32>} : memref<3x64xi32, #tpu.memory_space<vmem>>, vector<1x16xi32>,
    %swap3A_503 = vector.shape_cast %swap3A_502 : vector<1x16xi32> to vector<16xi32>
    %swap3A_504 = vector.shape_cast %and3A_498 : vector<16xi32> to vector<1x16xi32>
    tpu.vector_store %arg6[%swap3A_500, %swap3A_501], %swap3A_504 {strides = array<i32>} : memref<3x64xi32, #tpu.memory_space<vmem>>, vector<1x16xi32>,
    %shift_right_logical3A_505 = arith.constant 16 : i32
    %shift_right_logical3A_506 = vector.broadcast %shift_right_logical3A_505 : i32 to vector<16xi32>
    %shift_right_logical3A_507 = arith.shrui %get3A_497, %shift_right_logical3A_506 : vector<16xi32>
    %swap3A_508 = arith.constant 0 : i32
    %swap3A_509 = arith.index_cast %swap3A_508 : i32 to index
    %swap3A_510 = arith.constant 48 : index
    %swap3A_511 = tpu.vector_load %arg7[%swap3A_509, %swap3A_510] {strides = array<i32>} : memref<3x64xi32, #tpu.memory_space<vmem>>, vector<1x16xi32>,
    %swap3A_512 = vector.shape_cast %swap3A_511 : vector<1x16xi32> to vector<16xi32>
    %swap3A_513 = vector.shape_cast %shift_right_logical3A_507 : vector<16xi32> to vector<1x16xi32>
    tpu.vector_store %arg7[%swap3A_509, %swap3A_510], %swap3A_513 {strides = array<i32>} : memref<3x64xi32, #tpu.memory_space<vmem>>, vector<1x16xi32>,
    %dma_start3A_514 = arith.constant 0 : i32
    %dma_start3A_515 = arith.constant 0 : i32
    %dma_start3A_516 = arith.constant 0 : i32
    %dma_start3A_517 = arith.constant 0 : i32
    %dma_start3A_518 = tpu.memref_slice %arg8[%dma_start3A_515, %dma_start3A_516, %dma_start3A_517] : memref<3x64x128xf32, #tpu.memory_space<vmem>> -> memref<1x64x128xf32, #tpu.memory_space<vmem>>
    %dma_start3A_519 = tpu.memref_squeeze %dma_start3A_518 : memref<1x64x128xf32, #tpu.memory_space<vmem>> -> memref<64x128xf32, #tpu.memory_space<vmem>>
    %dma_start3A_520 = arith.constant 0 : i32
    %dma_start3A_521 = tpu.memref_slice %arg6[%dma_start3A_514, %dma_start3A_520] : memref<3x64xi32, #tpu.memory_space<vmem>> -> memref<1x64xi32, #tpu.memory_space<vmem>>
    %dma_start3A_522 = tpu.memref_squeeze %dma_start3A_521 : memref<1x64xi32, #tpu.memory_space<vmem>> -> memref<64xi32, #tpu.memory_space<vmem>>
    %dma_start3A_523 = arith.constant 0 : i32
    %dma_start3A_524 = arith.constant 0 : i32
    %dma_start3A_525 = tpu.memref_slice %arg2[%dma_start3A_523, %dma_start3A_524] : memref<10816x128xf32, #tpu.memory_space<hbm>> -> memref<10816x128xf32, #tpu.memory_space<hbm>>
    tpu.enqueue_indirect_dma source(%dma_start3A_525 : memref<10816x128xf32, #tpu.memory_space<hbm>>) target(%dma_start3A_519 : memref<64x128xf32, #tpu.memory_space<vmem>>) offsets(%dma_start3A_522 : memref<64xi32, #tpu.memory_space<vmem>>) semaphore(%arg10 : memref<!tpu.dma_semaphore, #tpu.memory_space<semaphore_mem>>)
    %dma_wait3A_526 = arith.constant 0 : i32
    %dma_wait3A_527 = arith.constant 0 : i32
    %dma_wait3A_528 = arith.constant 0 : i32
    %dma_wait3A_529 = arith.constant 0 : i32
    %dma_wait3A_530 = tpu.memref_slice %arg8[%dma_wait3A_527, %dma_wait3A_528, %dma_wait3A_529] : memref<3x64x128xf32, #tpu.memory_space<vmem>> -> memref<1x64x128xf32, #tpu.memory_space<vmem>>
    %dma_wait3A_531 = tpu.memref_squeeze %dma_wait3A_530 : memref<1x64x128xf32, #tpu.memory_space<vmem>> -> memref<64x128xf32, #tpu.memory_space<vmem>>
    %dma_wait3A_532 = arith.constant 0 : i32
    %dma_wait3A_533 = tpu.memref_slice %arg6[%dma_wait3A_526, %dma_wait3A_532] : memref<3x64xi32, #tpu.memory_space<vmem>> -> memref<1x64xi32, #tpu.memory_space<vmem>>
    %dma_wait3A_534 = tpu.memref_squeeze %dma_wait3A_533 : memref<1x64xi32, #tpu.memory_space<vmem>> -> memref<64xi32, #tpu.memory_space<vmem>>
    %dma_wait3A_535 = arith.constant 0 : i32
    %dma_wait3A_536 = arith.constant 0 : i32
    %dma_wait3A_537 = tpu.memref_slice %arg2[%dma_wait3A_535, %dma_wait3A_536] : memref<10816x128xf32, #tpu.memory_space<hbm>> -> memref<10816x128xf32, #tpu.memory_space<hbm>>
    tpu.wait_indirect_dma semaphore(%arg10 : memref<!tpu.dma_semaphore, #tpu.memory_space<semaphore_mem>>) src(%dma_wait3A_537 : memref<10816x128xf32, #tpu.memory_space<hbm>>) dst(%dma_wait3A_531 : memref<64x128xf32, #tpu.memory_space<vmem>>)
    %dma_start3A_538 = arith.constant 0 : i32
    %dma_start3A_539 = arith.constant 0 : i32
    %dma_start3A_540 = arith.constant 0 : i32
    %dma_start3A_541 = arith.constant 0 : i32
    %dma_start3A_542 = tpu.memref_slice %arg8[%dma_start3A_538, %dma_start3A_540, %dma_start3A_541] : memref<3x64x128xf32, #tpu.memory_space<vmem>> -> memref<1x64x128xf32, #tpu.memory_space<vmem>>
    %dma_start3A_543 = tpu.memref_squeeze %dma_start3A_542 : memref<1x64x128xf32, #tpu.memory_space<vmem>> -> memref<64x128xf32, #tpu.memory_space<vmem>>
    %dma_start3A_544 = arith.constant 0 : i32
    %dma_start3A_545 = tpu.memref_slice %arg7[%dma_start3A_539, %dma_start3A_544] : memref<3x64xi32, #tpu.memory_space<vmem>> -> memref<1x64xi32, #tpu.memory_space<vmem>>
    %dma_start3A_546 = tpu.memref_squeeze %dma_start3A_545 : memref<1x64xi32, #tpu.memory_space<vmem>> -> memref<64xi32, #tpu.memory_space<vmem>>
    %dma_start3A_547 = arith.constant 0 : i32
    %dma_start3A_548 = arith.constant 0 : i32
    %dma_start3A_549 = tpu.memref_slice %arg9[%dma_start3A_547, %dma_start3A_548] : memref<10816x128xf32, #tpu.memory_space<vmem_shared>> -> memref<10816x128xf32, #tpu.memory_space<vmem_shared>>
    tpu.enqueue_indirect_dma source(%dma_start3A_543 : memref<64x128xf32, #tpu.memory_space<vmem>>) target(%dma_start3A_549 : memref<10816x128xf32, #tpu.memory_space<vmem_shared>>) offsets(%dma_start3A_546 : memref<64xi32, #tpu.memory_space<vmem>>) semaphore(%arg13 : memref<!tpu.dma_semaphore, #tpu.memory_space<semaphore_mem>>) {add = true}
    %dma_wait3A_550 = arith.constant 0 : i32
    %dma_wait3A_551 = arith.constant 0 : i32
    %dma_wait3A_552 = arith.constant 0 : i32
    %dma_wait3A_553 = arith.constant 0 : i32
    %dma_wait3A_554 = tpu.memref_slice %arg8[%dma_wait3A_550, %dma_wait3A_552, %dma_wait3A_553] : memref<3x64x128xf32, #tpu.memory_space<vmem>> -> memref<1x64x128xf32, #tpu.memory_space<vmem>>
    %dma_wait3A_555 = tpu.memref_squeeze %dma_wait3A_554 : memref<1x64x128xf32, #tpu.memory_space<vmem>> -> memref<64x128xf32, #tpu.memory_space<vmem>>
    %dma_wait3A_556 = arith.constant 0 : i32
    %dma_wait3A_557 = tpu.memref_slice %arg7[%dma_wait3A_551, %dma_wait3A_556] : memref<3x64xi32, #tpu.memory_space<vmem>> -> memref<1x64xi32, #tpu.memory_space<vmem>>
    %dma_wait3A_558 = tpu.memref_squeeze %dma_wait3A_557 : memref<1x64xi32, #tpu.memory_space<vmem>> -> memref<64xi32, #tpu.memory_space<vmem>>
    %dma_wait3A_559 = arith.constant 0 : i32
    %dma_wait3A_560 = arith.constant 0 : i32
    %dma_wait3A_561 = tpu.memref_slice %arg9[%dma_wait3A_559, %dma_wait3A_560] : memref<10816x128xf32, #tpu.memory_space<vmem_shared>> -> memref<10816x128xf32, #tpu.memory_space<vmem_shared>>
    tpu.wait_indirect_dma semaphore(%arg13 : memref<!tpu.dma_semaphore, #tpu.memory_space<semaphore_mem>>) src(%dma_wait3A_555 : memref<64x128xf32, #tpu.memory_space<vmem>>) dst(%dma_wait3A_561 : memref<10816x128xf32, #tpu.memory_space<vmem_shared>>)
    %dma_wait3A_562 = arith.constant 1 : i32
    %dma_wait3A_563 = arith.constant 1 : i32
    %dma_wait3A_564 = arith.constant 0 : i32
    %dma_wait3A_565 = arith.constant 0 : i32
    %dma_wait3A_566 = tpu.memref_slice %arg8[%dma_wait3A_562, %dma_wait3A_564, %dma_wait3A_565] : memref<3x64x128xf32, #tpu.memory_space<vmem>> -> memref<1x64x128xf32, #tpu.memory_space<vmem>>
    %dma_wait3A_567 = tpu.memref_squeeze %dma_wait3A_566 : memref<1x64x128xf32, #tpu.memory_space<vmem>> -> memref<64x128xf32, #tpu.memory_space<vmem>>
    %dma_wait3A_568 = arith.constant 0 : i32
    %dma_wait3A_569 = tpu.memref_slice %arg7[%dma_wait3A_563, %dma_wait3A_568] : memref<3x64xi32, #tpu.memory_space<vmem>> -> memref<1x64xi32, #tpu.memory_space<vmem>>
    %dma_wait3A_570 = tpu.memref_squeeze %dma_wait3A_569 : memref<1x64xi32, #tpu.memory_space<vmem>> -> memref<64xi32, #tpu.memory_space<vmem>>
    %dma_wait3A_571 = arith.constant 0 : i32
    %dma_wait3A_572 = arith.constant 0 : i32
    %dma_wait3A_573 = tpu.memref_slice %arg9[%dma_wait3A_571, %dma_wait3A_572] : memref<10816x128xf32, #tpu.memory_space<vmem_shared>> -> memref<10816x128xf32, #tpu.memory_space<vmem_shared>>
    tpu.wait_indirect_dma semaphore(%arg14 : memref<!tpu.dma_semaphore, #tpu.memory_space<semaphore_mem>>) src(%dma_wait3A_567 : memref<64x128xf32, #tpu.memory_space<vmem>>) dst(%dma_wait3A_573 : memref<10816x128xf32, #tpu.memory_space<vmem_shared>>)
    %dma_wait3A_574 = arith.constant 2 : i32
    %dma_wait3A_575 = arith.constant 2 : i32
    %dma_wait3A_576 = arith.constant 0 : i32
    %dma_wait3A_577 = arith.constant 0 : i32
    %dma_wait3A_578 = tpu.memref_slice %arg8[%dma_wait3A_574, %dma_wait3A_576, %dma_wait3A_577] : memref<3x64x128xf32, #tpu.memory_space<vmem>> -> memref<1x64x128xf32, #tpu.memory_space<vmem>>
    %dma_wait3A_579 = tpu.memref_squeeze %dma_wait3A_578 : memref<1x64x128xf32, #tpu.memory_space<vmem>> -> memref<64x128xf32, #tpu.memory_space<vmem>>
    %dma_wait3A_580 = arith.constant 0 : i32
    %dma_wait3A_581 = tpu.memref_slice %arg7[%dma_wait3A_575, %dma_wait3A_580] : memref<3x64xi32, #tpu.memory_space<vmem>> -> memref<1x64xi32, #tpu.memory_space<vmem>>
    %dma_wait3A_582 = tpu.memref_squeeze %dma_wait3A_581 : memref<1x64xi32, #tpu.memory_space<vmem>> -> memref<64xi32, #tpu.memory_space<vmem>>
    %dma_wait3A_583 = arith.constant 0 : i32
    %dma_wait3A_584 = arith.constant 0 : i32
    %dma_wait3A_585 = tpu.memref_slice %arg9[%dma_wait3A_583, %dma_wait3A_584] : memref<10816x128xf32, #tpu.memory_space<vmem_shared>> -> memref<10816x128xf32, #tpu.memory_space<vmem_shared>>
    tpu.wait_indirect_dma semaphore(%arg15 : memref<!tpu.dma_semaphore, #tpu.memory_space<semaphore_mem>>) src(%dma_wait3A_579 : memref<64x128xf32, #tpu.memory_space<vmem>>) dst(%dma_wait3A_585 : memref<10816x128xf32, #tpu.memory_space<vmem_shared>>)
    %barrier3A_586 = arith.constant 0 : index
    tpu.barrier barrier_id(%barrier3A_586)
    %scan3A_587 = arith.constant 0 : i32
    %scan3A_588 = arith.constant 11 : i32
    %scan3A_589 = arith.addi %scan3A_587, %scan3A_588 : i32
    %scan3A_590 = arith.constant 1 : i32
    scf.for %scan3A_592 = %scan3A_587 to %scan3A_589 step %scan3A_590  : i32 {
      %mul3A_593 = arith.constant 1 : i32
      %mul3A_594 = arith.muli %scan3A_592, %mul3A_593 : i32
      %add3A_595 = arith.constant 0 : i32
      %add3A_596 = arith.addi %add3A_595, %mul3A_594 : i32
      %mul3A_597 = arith.constant 16 : i32
      %mul3A_598 = arith.muli %mul3A_597, %add3A_596 : i32
      %add3A_599 = arith.addi %arg1, %mul3A_598 : i32
      %lt3A = arith.constant 169 : i32
      %lt3A_600 = arith.cmpi slt, %add3A_599, %lt3A : i32
      %convert_element_type3A = arith.extui %lt3A_600 : i1 to i32
      %cond3A = arith.constant 0 : i32
      %cond3A_601 = arith.cmpi ne, %convert_element_type3A, %cond3A : i32
      scf.if %cond3A_601 {
        %mul3A_602 = arith.constant 64 : i32
        %mul3A_603 = arith.muli %add3A_599, %mul3A_602 : i32
        %mul3A_604 = arith.constant 64 : i32
        %mul3A_605 = arith.muli %add3A_599, %mul3A_604 : i32
        "tpu.region"() ({
          %run_scoped3A = tpu.sem_alloc : memref<!tpu.dma_semaphore, #tpu.memory_space<semaphore_mem>>
          %dma_start3A_606 = arith.constant 0 : i32
          %dma_start3A_607 = arith.constant 0 : i32
          %dma_start3A_608 = tpu.memref_slice %arg4[%arg0, %dma_start3A_606, %dma_start3A_607] : memref<2x10816x128xf32, #tpu.memory_space<hbm>> -> memref<1x10816x128xf32, #tpu.memory_space<hbm>>
          %dma_start3A_609 = tpu.memref_squeeze %dma_start3A_608 : memref<1x10816x128xf32, #tpu.memory_space<hbm>> -> memref<10816x128xf32, #tpu.memory_space<hbm>>
          %dma_start3A_610 = arith.constant 0 : i32
          %dma_start3A_611 = tpu.memref_slice %dma_start3A_609[%mul3A_605, %dma_start3A_610] : memref<10816x128xf32, #tpu.memory_space<hbm>> -> memref<64x128xf32, #tpu.memory_space<hbm>>
          %dma_start3A_612 = arith.constant 0 : i32
          %dma_start3A_613 = tpu.memref_slice %arg9[%mul3A_603, %dma_start3A_612] : memref<10816x128xf32, #tpu.memory_space<vmem_shared>> -> memref<64x128xf32, #tpu.memory_space<vmem_shared>>
          tpu.enqueue_dma source(%dma_start3A_613 : memref<64x128xf32, #tpu.memory_space<vmem_shared>>) target(%dma_start3A_611 : memref<64x128xf32, #tpu.memory_space<hbm>>) target_semaphore(%run_scoped3A : memref<!tpu.dma_semaphore, #tpu.memory_space<semaphore_mem>>)
          %dma_wait3A_614 = arith.constant 0 : i32
          %dma_wait3A_615 = arith.constant 0 : i32
          %dma_wait3A_616 = tpu.memref_slice %arg4[%arg0, %dma_wait3A_614, %dma_wait3A_615] : memref<2x10816x128xf32, #tpu.memory_space<hbm>> -> memref<1x10816x128xf32, #tpu.memory_space<hbm>>
          %dma_wait3A_617 = tpu.memref_squeeze %dma_wait3A_616 : memref<1x10816x128xf32, #tpu.memory_space<hbm>> -> memref<10816x128xf32, #tpu.memory_space<hbm>>
          %dma_wait3A_618 = arith.constant 0 : i32
          %dma_wait3A_619 = tpu.memref_slice %dma_wait3A_617[%mul3A_605, %dma_wait3A_618] : memref<10816x128xf32, #tpu.memory_space<hbm>> -> memref<64x128xf32, #tpu.memory_space<hbm>>
          %dma_wait3A_620 = arith.constant 0 : i32
          %dma_wait3A_621 = tpu.memref_slice %arg9[%mul3A_603, %dma_wait3A_620] : memref<10816x128xf32, #tpu.memory_space<vmem_shared>> -> memref<64x128xf32, #tpu.memory_space<vmem_shared>>
          tpu.wait_dma2 semaphore(%run_scoped3A : memref<!tpu.dma_semaphore, #tpu.memory_space<semaphore_mem>>) src(%dma_wait3A_621 : memref<64x128xf32, #tpu.memory_space<vmem_shared>>) dst(%dma_wait3A_619 : memref<64x128xf32, #tpu.memory_space<hbm>>)
          tpu.yield
        }) : () -> ()
      } else {
      }
    }
    %scan3A_591 = arith.constant 11 : i32
    return
  }
}

#map = affine_map<(d0, d1) -> (0, 0)>
#map1 = affine_map<(d0, d1) -> (0, 0, 0)>
module attributes {stable_mosaic.version = 14 : i64} {
  func.func @k(%arg0: i32, %arg1: i32, %arg2: memref<10816x128xf32, #tpu.memory_space<hbm>>, %arg3: memref<32x85x128xi32, #tpu.memory_space<hbm>>, %arg4: memref<2x10816x128xf32, #tpu.memory_space<hbm>>, %arg5: memref<85x128xi32, #tpu.memory_space<vmem>>, %arg6: memref<3x64xi32, #tpu.memory_space<vmem>>, %arg7: memref<3x64xi32, #tpu.memory_space<vmem>>, %arg8: memref<3x64x128xf32, #tpu.memory_space<vmem>>, %arg9: memref<10816x128xf32, #tpu.memory_space<vmem_shared>>, %arg10: memref<!tpu.dma_semaphore, #tpu.memory_space<semaphore_mem>>, %arg11: memref<!tpu.dma_semaphore, #tpu.memory_space<semaphore_mem>>, %arg12: memref<!tpu.dma_semaphore, #tpu.memory_space<semaphore_mem>>, %arg13: memref<!tpu.dma_semaphore, #tpu.memory_space<semaphore_mem>>, %arg14: memref<!tpu.dma_semaphore, #tpu.memory_space<semaphore_mem>>, %arg15: memref<!tpu.dma_semaphore, #tpu.memory_space<semaphore_mem>>) attributes {dimension_semantics = [#tpu.dimension_semantics<core_parallel>, #tpu.dimension_semantics<subcore_parallel>], iteration_bounds = array<i64: 2, 16>, scalar_prefetch = 0 : i64, scratch_operands = 11 : i64, tpu.core_type = #tpu.core_type<sc_vector_subcore>, window_params = [{transform_indices = #map}, {transform_indices = #map1}, {transform_indices = #map1}]} {
    %mul3A = arith.constant 16 : i32
    %mul3A_0 = arith.muli %arg0, %mul3A : i32
    %add3A = arith.addi %mul3A_0, %arg1 : i32
    "tpu.region"() ({
      %run_scoped3A = tpu.sem_alloc : memref<!tpu.dma_semaphore, #tpu.memory_space<semaphore_mem>>
      %dma_start3A_592 = arith.constant 0 : i32
      %dma_start3A_593 = arith.constant 0 : i32
      %dma_start3A_594 = tpu.memref_slice %arg3[%add3A, %dma_start3A_592, %dma_start3A_593] : memref<32x85x128xi32, #tpu.memory_space<hbm>> -> memref<1x85x128xi32, #tpu.memory_space<hbm>>
      %dma_start3A_595 = tpu.memref_squeeze %dma_start3A_594 : memref<1x85x128xi32, #tpu.memory_space<hbm>> -> memref<85x128xi32, #tpu.memory_space<hbm>>
      %dma_start3A_596 = arith.constant 0 : i32
      %dma_start3A_597 = arith.constant 0 : i32
      %dma_start3A_598 = tpu.memref_slice %arg3[%add3A, %dma_start3A_596, %dma_start3A_597] : memref<32x85x128xi32, #tpu.memory_space<hbm>> -> memref<1x85x128xi32, #tpu.memory_space<hbm>>
      %dma_start3A_599 = tpu.memref_squeeze %dma_start3A_598 : memref<1x85x128xi32, #tpu.memory_space<hbm>> -> memref<85x128xi32, #tpu.memory_space<hbm>>
      tpu.enqueue_dma source(%dma_start3A_599 : memref<85x128xi32, #tpu.memory_space<hbm>>) target(%arg5 : memref<85x128xi32, #tpu.memory_space<vmem>>) target_semaphore(%run_scoped3A : memref<!tpu.dma_semaphore, #tpu.memory_space<semaphore_mem>>)
      %dma_wait3A_600 = arith.constant 0 : i32
      %dma_wait3A_601 = arith.constant 0 : i32
      %dma_wait3A_602 = tpu.memref_slice %arg3[%add3A, %dma_wait3A_600, %dma_wait3A_601] : memref<32x85x128xi32, #tpu.memory_space<hbm>> -> memref<1x85x128xi32, #tpu.memory_space<hbm>>
      %dma_wait3A_603 = tpu.memref_squeeze %dma_wait3A_602 : memref<1x85x128xi32, #tpu.memory_space<hbm>> -> memref<85x128xi32, #tpu.memory_space<hbm>>
      %dma_wait3A_604 = arith.constant 0 : i32
      %dma_wait3A_605 = arith.constant 0 : i32
      %dma_wait3A_606 = tpu.memref_slice %arg3[%add3A, %dma_wait3A_604, %dma_wait3A_605] : memref<32x85x128xi32, #tpu.memory_space<hbm>> -> memref<1x85x128xi32, #tpu.memory_space<hbm>>
      %dma_wait3A_607 = tpu.memref_squeeze %dma_wait3A_606 : memref<1x85x128xi32, #tpu.memory_space<hbm>> -> memref<85x128xi32, #tpu.memory_space<hbm>>
      tpu.wait_dma2 semaphore(%run_scoped3A : memref<!tpu.dma_semaphore, #tpu.memory_space<semaphore_mem>>) src(%dma_wait3A_607 : memref<85x128xi32, #tpu.memory_space<hbm>>) dst(%arg5 : memref<85x128xi32, #tpu.memory_space<vmem>>)
      tpu.yield
    }) : () -> ()
    %broadcast_in_dim3A = arith.constant 65535 : i32
    %broadcast_in_dim3A_1 = vector.broadcast %broadcast_in_dim3A : i32 to vector<16xi32>
    %scan3A = arith.constant 0 : i32
    %scan3A_2 = arith.constant 64 : i32
    %scan3A_3 = arith.addi %scan3A, %scan3A_2 : i32
    %scan3A_4 = arith.constant 1 : i32
    scf.for %scan3A_592 = %scan3A to %scan3A_3 step %scan3A_4  : i32 {
      %mul3A_593 = arith.constant 1 : i32
      %mul3A_594 = arith.muli %scan3A_592, %mul3A_593 : i32
      %add3A_595 = arith.constant 0 : i32
      %add3A_596 = arith.addi %add3A_595, %mul3A_594 : i32
      %broadcast_in_dim3A_597 = arith.constant 0.000000e+00 : f32
      %broadcast_in_dim3A_598 = vector.broadcast %broadcast_in_dim3A_597 : f32 to vector<16xf32>
      %swap3A_599 = arith.constant 0 : i32
      %swap3A_600 = arith.index_cast %swap3A_599 : i32 to index
      %swap3A_601 = arith.index_cast %add3A_596 : i32 to index
      %swap3A_602 = arith.constant 0 : index
      %swap3A_603 = tpu.vector_load %arg8[%swap3A_600, %swap3A_601, %swap3A_602] {strides = array<i32>} : memref<3x64x128xf32, #tpu.memory_space<vmem>>, vector<1x1x16xf32>,
      %swap3A_604 = vector.shape_cast %swap3A_603 : vector<1x1x16xf32> to vector<16xf32>
      %swap3A_605 = vector.shape_cast %broadcast_in_dim3A_598 : vector<16xf32> to vector<1x1x16xf32>
      tpu.vector_store %arg8[%swap3A_600, %swap3A_601, %swap3A_602], %swap3A_605 {strides = array<i32>} : memref<3x64x128xf32, #tpu.memory_space<vmem>>, vector<1x1x16xf32>,
      %broadcast_in_dim3A_606 = arith.constant 0.000000e+00 : f32
      %broadcast_in_dim3A_607 = vector.broadcast %broadcast_in_dim3A_606 : f32 to vector<16xf32>
      %swap3A_608 = arith.constant 0 : i32
      %swap3A_609 = arith.index_cast %swap3A_608 : i32 to index
      %swap3A_610 = arith.index_cast %add3A_596 : i32 to index
      %swap3A_611 = arith.constant 16 : index
      %swap3A_612 = tpu.vector_load %arg8[%swap3A_609, %swap3A_610, %swap3A_611] {strides = array<i32>} : memref<3x64x128xf32, #tpu.memory_space<vmem>>, vector<1x1x16xf32>,
      %swap3A_613 = vector.shape_cast %swap3A_612 : vector<1x1x16xf32> to vector<16xf32>
      %swap3A_614 = vector.shape_cast %broadcast_in_dim3A_607 : vector<16xf32> to vector<1x1x16xf32>
      tpu.vector_store %arg8[%swap3A_609, %swap3A_610, %swap3A_611], %swap3A_614 {strides = array<i32>} : memref<3x64x128xf32, #tpu.memory_space<vmem>>, vector<1x1x16xf32>,
      %broadcast_in_dim3A_615 = arith.constant 0.000000e+00 : f32
      %broadcast_in_dim3A_616 = vector.broadcast %broadcast_in_dim3A_615 : f32 to vector<16xf32>
      %swap3A_617 = arith.constant 0 : i32
      %swap3A_618 = arith.index_cast %swap3A_617 : i32 to index
      %swap3A_619 = arith.index_cast %add3A_596 : i32 to index
      %swap3A_620 = arith.constant 32 : index
      %swap3A_621 = tpu.vector_load %arg8[%swap3A_618, %swap3A_619, %swap3A_620] {strides = array<i32>} : memref<3x64x128xf32, #tpu.memory_space<vmem>>, vector<1x1x16xf32>,
      %swap3A_622 = vector.shape_cast %swap3A_621 : vector<1x1x16xf32> to vector<16xf32>
      %swap3A_623 = vector.shape_cast %broadcast_in_dim3A_616 : vector<16xf32> to vector<1x1x16xf32>
      tpu.vector_store %arg8[%swap3A_618, %swap3A_619, %swap3A_620], %swap3A_623 {strides = array<i32>} : memref<3x64x128xf32, #tpu.memory_space<vmem>>, vector<1x1x16xf32>,
      %broadcast_in_dim3A_624 = arith.constant 0.000000e+00 : f32
      %broadcast_in_dim3A_625 = vector.broadcast %broadcast_in_dim3A_624 : f32 to vector<16xf32>
      %swap3A_626 = arith.constant 0 : i32
      %swap3A_627 = arith.index_cast %swap3A_626 : i32 to index
      %swap3A_628 = arith.index_cast %add3A_596 : i32 to index
      %swap3A_629 = arith.constant 48 : index
      %swap3A_630 = tpu.vector_load %arg8[%swap3A_627, %swap3A_628, %swap3A_629] {strides = array<i32>} : memref<3x64x128xf32, #tpu.memory_space<vmem>>, vector<1x1x16xf32>,
      %swap3A_631 = vector.shape_cast %swap3A_630 : vector<1x1x16xf32> to vector<16xf32>
      %swap3A_632 = vector.shape_cast %broadcast_in_dim3A_625 : vector<16xf32> to vector<1x1x16xf32>
      tpu.vector_store %arg8[%swap3A_627, %swap3A_628, %swap3A_629], %swap3A_632 {strides = array<i32>} : memref<3x64x128xf32, #tpu.memory_space<vmem>>, vector<1x1x16xf32>,
      %broadcast_in_dim3A_633 = arith.constant 0.000000e+00 : f32
      %broadcast_in_dim3A_634 = vector.broadcast %broadcast_in_dim3A_633 : f32 to vector<16xf32>
      %swap3A_635 = arith.constant 0 : i32
      %swap3A_636 = arith.index_cast %swap3A_635 : i32 to index
      %swap3A_637 = arith.index_cast %add3A_596 : i32 to index
      %swap3A_638 = arith.constant 64 : index
      %swap3A_639 = tpu.vector_load %arg8[%swap3A_636, %swap3A_637, %swap3A_638] {strides = array<i32>} : memref<3x64x128xf32, #tpu.memory_space<vmem>>, vector<1x1x16xf32>,
      %swap3A_640 = vector.shape_cast %swap3A_639 : vector<1x1x16xf32> to vector<16xf32>
      %swap3A_641 = vector.shape_cast %broadcast_in_dim3A_634 : vector<16xf32> to vector<1x1x16xf32>
      tpu.vector_store %arg8[%swap3A_636, %swap3A_637, %swap3A_638], %swap3A_641 {strides = array<i32>} : memref<3x64x128xf32, #tpu.memory_space<vmem>>, vector<1x1x16xf32>,
      %broadcast_in_dim3A_642 = arith.constant 0.000000e+00 : f32
      %broadcast_in_dim3A_643 = vector.broadcast %broadcast_in_dim3A_642 : f32 to vector<16xf32>
      %swap3A_644 = arith.constant 0 : i32
      %swap3A_645 = arith.index_cast %swap3A_644 : i32 to index
      %swap3A_646 = arith.index_cast %add3A_596 : i32 to index
      %swap3A_647 = arith.constant 80 : index
      %swap3A_648 = tpu.vector_load %arg8[%swap3A_645, %swap3A_646, %swap3A_647] {strides = array<i32>} : memref<3x64x128xf32, #tpu.memory_space<vmem>>, vector<1x1x16xf32>,
      %swap3A_649 = vector.shape_cast %swap3A_648 : vector<1x1x16xf32> to vector<16xf32>
      %swap3A_650 = vector.shape_cast %broadcast_in_dim3A_643 : vector<16xf32> to vector<1x1x16xf32>
      tpu.vector_store %arg8[%swap3A_645, %swap3A_646, %swap3A_647], %swap3A_650 {strides = array<i32>} : memref<3x64x128xf32, #tpu.memory_space<vmem>>, vector<1x1x16xf32>,
      %broadcast_in_dim3A_651 = arith.constant 0.000000e+00 : f32
      %broadcast_in_dim3A_652 = vector.broadcast %broadcast_in_dim3A_651 : f32 to vector<16xf32>
      %swap3A_653 = arith.constant 0 : i32
      %swap3A_654 = arith.index_cast %swap3A_653 : i32 to index
      %swap3A_655 = arith.index_cast %add3A_596 : i32 to index
      %swap3A_656 = arith.constant 96 : index
      %swap3A_657 = tpu.vector_load %arg8[%swap3A_654, %swap3A_655, %swap3A_656] {strides = array<i32>} : memref<3x64x128xf32, #tpu.memory_space<vmem>>, vector<1x1x16xf32>,
      %swap3A_658 = vector.shape_cast %swap3A_657 : vector<1x1x16xf32> to vector<16xf32>
      %swap3A_659 = vector.shape_cast %broadcast_in_dim3A_652 : vector<16xf32> to vector<1x1x16xf32>
      tpu.vector_store %arg8[%swap3A_654, %swap3A_655, %swap3A_656], %swap3A_659 {strides = array<i32>} : memref<3x64x128xf32, #tpu.memory_space<vmem>>, vector<1x1x16xf32>,
      %broadcast_in_dim3A_660 = arith.constant 0.000000e+00 : f32
      %broadcast_in_dim3A_661 = vector.broadcast %broadcast_in_dim3A_660 : f32 to vector<16xf32>
      %swap3A_662 = arith.constant 0 : i32
      %swap3A_663 = arith.index_cast %swap3A_662 : i32 to index
      %swap3A_664 = arith.index_cast %add3A_596 : i32 to index
      %swap3A_665 = arith.constant 112 : index
      %swap3A_666 = tpu.vector_load %arg8[%swap3A_663, %swap3A_664, %swap3A_665] {strides = array<i32>} : memref<3x64x128xf32, #tpu.memory_space<vmem>>, vector<1x1x16xf32>,
      %swap3A_667 = vector.shape_cast %swap3A_666 : vector<1x1x16xf32> to vector<16xf32>
      %swap3A_668 = vector.shape_cast %broadcast_in_dim3A_661 : vector<16xf32> to vector<1x1x16xf32>
      tpu.vector_store %arg8[%swap3A_663, %swap3A_664, %swap3A_665], %swap3A_668 {strides = array<i32>} : memref<3x64x128xf32, #tpu.memory_space<vmem>>, vector<1x1x16xf32>,
    }
    %scan3A_5 = arith.constant 64 : i32
    %scan3A_6 = arith.constant 0 : i32
    %scan3A_7 = arith.constant 11 : i32
    %scan3A_8 = arith.addi %scan3A_6, %scan3A_7 : i32
    %scan3A_9 = arith.constant 1 : i32
    scf.for %scan3A_592 = %scan3A_6 to %scan3A_8 step %scan3A_9  : i32 {
      %mul3A_593 = arith.constant 1 : i32
      %mul3A_594 = arith.muli %scan3A_592, %mul3A_593 : i32
      %add3A_595 = arith.constant 0 : i32
      %add3A_596 = arith.addi %add3A_595, %mul3A_594 : i32
      %mul3A_597 = arith.constant 16 : i32
      %mul3A_598 = arith.muli %mul3A_597, %add3A_596 : i32
      %add3A_599 = arith.addi %arg1, %mul3A_598 : i32
      %lt3A = arith.constant 169 : i32
      %lt3A_600 = arith.cmpi slt, %add3A_599, %lt3A : i32
      %convert_element_type3A = arith.extui %lt3A_600 : i1 to i32
      %cond3A = arith.constant 0 : i32
      %cond3A_601 = arith.cmpi ne, %convert_element_type3A, %cond3A : i32
      scf.if %cond3A_601 {
        %mul3A_602 = arith.constant 64 : i32
        %mul3A_603 = arith.muli %add3A_599, %mul3A_602 : i32
        %run_scoped3A = arith.constant 0 : i32
        "tpu.region"() ({
          %run_scoped3A_604 = tpu.sem_alloc : memref<!tpu.dma_semaphore, #tpu.memory_space<semaphore_mem>>
          %dma_start3A_605 = arith.constant 0 : i32
          %dma_start3A_606 = arith.constant 0 : i32
          %dma_start3A_607 = tpu.memref_slice %arg8[%run_scoped3A, %dma_start3A_605, %dma_start3A_606] : memref<3x64x128xf32, #tpu.memory_space<vmem>> -> memref<1x64x128xf32, #tpu.memory_space<vmem>>
          %dma_start3A_608 = tpu.memref_squeeze %dma_start3A_607 : memref<1x64x128xf32, #tpu.memory_space<vmem>> -> memref<64x128xf32, #tpu.memory_space<vmem>>
          %dma_start3A_609 = arith.constant 0 : i32
          %dma_start3A_610 = tpu.memref_slice %arg9[%mul3A_603, %dma_start3A_609] : memref<10816x128xf32, #tpu.memory_space<vmem_shared>> -> memref<64x128xf32, #tpu.memory_space<vmem_shared>>
          %dma_start3A_611 = arith.constant 0 : i32
          %dma_start3A_612 = tpu.memref_slice %arg9[%mul3A_603, %dma_start3A_611] : memref<10816x128xf32, #tpu.memory_space<vmem_shared>> -> memref<64x128xf32, #tpu.memory_space<vmem_shared>>
          %dma_start3A_613 = arith.constant 0 : i32
          %dma_start3A_614 = arith.constant 0 : i32
          %dma_start3A_615 = tpu.memref_slice %arg8[%run_scoped3A, %dma_start3A_613, %dma_start3A_614] : memref<3x64x128xf32, #tpu.memory_space<vmem>> -> memref<1x64x128xf32, #tpu.memory_space<vmem>>
          %dma_start3A_616 = tpu.memref_squeeze %dma_start3A_615 : memref<1x64x128xf32, #tpu.memory_space<vmem>> -> memref<64x128xf32, #tpu.memory_space<vmem>>
          tpu.enqueue_dma source(%dma_start3A_616 : memref<64x128xf32, #tpu.memory_space<vmem>>) target(%dma_start3A_612 : memref<64x128xf32, #tpu.memory_space<vmem_shared>>) target_semaphore(%run_scoped3A_604 : memref<!tpu.dma_semaphore, #tpu.memory_space<semaphore_mem>>)
          %dma_wait3A_617 = arith.constant 0 : i32
          %dma_wait3A_618 = arith.constant 0 : i32
          %dma_wait3A_619 = tpu.memref_slice %arg8[%run_scoped3A, %dma_wait3A_617, %dma_wait3A_618] : memref<3x64x128xf32, #tpu.memory_space<vmem>> -> memref<1x64x128xf32, #tpu.memory_space<vmem>>
          %dma_wait3A_620 = tpu.memref_squeeze %dma_wait3A_619 : memref<1x64x128xf32, #tpu.memory_space<vmem>> -> memref<64x128xf32, #tpu.memory_space<vmem>>
          %dma_wait3A_621 = arith.constant 0 : i32
          %dma_wait3A_622 = tpu.memref_slice %arg9[%mul3A_603, %dma_wait3A_621] : memref<10816x128xf32, #tpu.memory_space<vmem_shared>> -> memref<64x128xf32, #tpu.memory_space<vmem_shared>>
          %dma_wait3A_623 = arith.constant 0 : i32
          %dma_wait3A_624 = tpu.memref_slice %arg9[%mul3A_603, %dma_wait3A_623] : memref<10816x128xf32, #tpu.memory_space<vmem_shared>> -> memref<64x128xf32, #tpu.memory_space<vmem_shared>>
          %dma_wait3A_625 = arith.constant 0 : i32
          %dma_wait3A_626 = arith.constant 0 : i32
          %dma_wait3A_627 = tpu.memref_slice %arg8[%run_scoped3A, %dma_wait3A_625, %dma_wait3A_626] : memref<3x64x128xf32, #tpu.memory_space<vmem>> -> memref<1x64x128xf32, #tpu.memory_space<vmem>>
          %dma_wait3A_628 = tpu.memref_squeeze %dma_wait3A_627 : memref<1x64x128xf32, #tpu.memory_space<vmem>> -> memref<64x128xf32, #tpu.memory_space<vmem>>
          tpu.wait_dma2 semaphore(%run_scoped3A_604 : memref<!tpu.dma_semaphore, #tpu.memory_space<semaphore_mem>>) src(%dma_wait3A_628 : memref<64x128xf32, #tpu.memory_space<vmem>>) dst(%dma_wait3A_624 : memref<64x128xf32, #tpu.memory_space<vmem_shared>>)
          tpu.yield
        }) : () -> ()
      } else {
      }
    }
    %scan3A_10 = arith.constant 11 : i32
    %barrier3A = arith.constant 0 : index
    tpu.barrier barrier_id(%barrier3A)
    %shift_right_logical3A = arith.constant 0 : i32
    %shift_right_logical3A_11 = arith.constant 1 : i32
    %shift_right_logical3A_12 = arith.shrui %shift_right_logical3A, %shift_right_logical3A_11 : i32
    %and3A = arith.constant 0 : i32
    %and3A_13 = arith.constant 1 : i32
    %and3A_14 = arith.andi %and3A, %and3A_13 : i32
    %mul3A_15 = arith.constant 64 : i32
    %mul3A_16 = arith.muli %and3A_14, %mul3A_15 : i32
    %add3A_17 = arith.constant 0 : i32
    %add3A_18 = arith.addi %mul3A_16, %add3A_17 : i32
    %get3A = arith.index_cast %shift_right_logical3A_12 : i32 to index
    %get3A_19 = arith.index_cast %add3A_18 : i32 to index
    %get3A_20 = tpu.vector_load %arg5[%get3A, %get3A_19] {strides = array<i32>} : memref<85x128xi32, #tpu.memory_space<vmem>>, vector<1x16xi32>,
    %get3A_21 = vector.shape_cast %get3A_20 : vector<1x16xi32> to vector<16xi32>
    %and3A_22 = arith.andi %get3A_21, %broadcast_in_dim3A_1 : vector<16xi32>
    %swap3A = arith.constant 0 : i32
    %swap3A_23 = arith.index_cast %swap3A : i32 to index
    %swap3A_24 = arith.constant 0 : index
    %swap3A_25 = tpu.vector_load %arg6[%swap3A_23, %swap3A_24] {strides = array<i32>} : memref<3x64xi32, #tpu.memory_space<vmem>>, vector<1x16xi32>,
    %swap3A_26 = vector.shape_cast %swap3A_25 : vector<1x16xi32> to vector<16xi32>
    %swap3A_27 = vector.shape_cast %and3A_22 : vector<16xi32> to vector<1x16xi32>
    tpu.vector_store %arg6[%swap3A_23, %swap3A_24], %swap3A_27 {strides = array<i32>} : memref<3x64xi32, #tpu.memory_space<vmem>>, vector<1x16xi32>,
    %shift_right_logical3A_28 = arith.constant 16 : i32
    %shift_right_logical3A_29 = vector.broadcast %shift_right_logical3A_28 : i32 to vector<16xi32>
    %shift_right_logical3A_30 = arith.shrui %get3A_21, %shift_right_logical3A_29 : vector<16xi32>
    %swap3A_31 = arith.constant 0 : i32
    %swap3A_32 = arith.index_cast %swap3A_31 : i32 to index
    %swap3A_33 = arith.constant 0 : index
    %swap3A_34 = tpu.vector_load %arg7[%swap3A_32, %swap3A_33] {strides = array<i32>} : memref<3x64xi32, #tpu.memory_space<vmem>>, vector<1x16xi32>,
    %swap3A_35 = vector.shape_cast %swap3A_34 : vector<1x16xi32> to vector<16xi32>
    %swap3A_36 = vector.shape_cast %shift_right_logical3A_30 : vector<16xi32> to vector<1x16xi32>
    tpu.vector_store %arg7[%swap3A_32, %swap3A_33], %swap3A_36 {strides = array<i32>} : memref<3x64xi32, #tpu.memory_space<vmem>>, vector<1x16xi32>,
    %add3A_37 = arith.constant 16 : i32
    %add3A_38 = arith.addi %mul3A_16, %add3A_37 : i32
    %get3A_39 = arith.index_cast %shift_right_logical3A_12 : i32 to index
    %get3A_40 = arith.index_cast %add3A_38 : i32 to index
    %get3A_41 = tpu.vector_load %arg5[%get3A_39, %get3A_40] {strides = array<i32>} : memref<85x128xi32, #tpu.memory_space<vmem>>, vector<1x16xi32>,
    %get3A_42 = vector.shape_cast %get3A_41 : vector<1x16xi32> to vector<16xi32>
    %and3A_43 = arith.andi %get3A_42, %broadcast_in_dim3A_1 : vector<16xi32>
    %swap3A_44 = arith.constant 0 : i32
    %swap3A_45 = arith.index_cast %swap3A_44 : i32 to index
    %swap3A_46 = arith.constant 16 : index
    %swap3A_47 = tpu.vector_load %arg6[%swap3A_45, %swap3A_46] {strides = array<i32>} : memref<3x64xi32, #tpu.memory_space<vmem>>, vector<1x16xi32>,
    %swap3A_48 = vector.shape_cast %swap3A_47 : vector<1x16xi32> to vector<16xi32>
    %swap3A_49 = vector.shape_cast %and3A_43 : vector<16xi32> to vector<1x16xi32>
    tpu.vector_store %arg6[%swap3A_45, %swap3A_46], %swap3A_49 {strides = array<i32>} : memref<3x64xi32, #tpu.memory_space<vmem>>, vector<1x16xi32>,
    %shift_right_logical3A_50 = arith.constant 16 : i32
    %shift_right_logical3A_51 = vector.broadcast %shift_right_logical3A_50 : i32 to vector<16xi32>
    %shift_right_logical3A_52 = arith.shrui %get3A_42, %shift_right_logical3A_51 : vector<16xi32>
    %swap3A_53 = arith.constant 0 : i32
    %swap3A_54 = arith.index_cast %swap3A_53 : i32 to index
    %swap3A_55 = arith.constant 16 : index
    %swap3A_56 = tpu.vector_load %arg7[%swap3A_54, %swap3A_55] {strides = array<i32>} : memref<3x64xi32, #tpu.memory_space<vmem>>, vector<1x16xi32>,
    %swap3A_57 = vector.shape_cast %swap3A_56 : vector<1x16xi32> to vector<16xi32>
    %swap3A_58 = vector.shape_cast %shift_right_logical3A_52 : vector<16xi32> to vector<1x16xi32>
    tpu.vector_store %arg7[%swap3A_54, %swap3A_55], %swap3A_58 {strides = array<i32>} : memref<3x64xi32, #tpu.memory_space<vmem>>, vector<1x16xi32>,
    %add3A_59 = arith.constant 32 : i32
    %add3A_60 = arith.addi %mul3A_16, %add3A_59 : i32
    %get3A_61 = arith.index_cast %shift_right_logical3A_12 : i32 to index
    %get3A_62 = arith.index_cast %add3A_60 : i32 to index
    %get3A_63 = tpu.vector_load %arg5[%get3A_61, %get3A_62] {strides = array<i32>} : memref<85x128xi32, #tpu.memory_space<vmem>>, vector<1x16xi32>,
    %get3A_64 = vector.shape_cast %get3A_63 : vector<1x16xi32> to vector<16xi32>
    %and3A_65 = arith.andi %get3A_64, %broadcast_in_dim3A_1 : vector<16xi32>
    %swap3A_66 = arith.constant 0 : i32
    %swap3A_67 = arith.index_cast %swap3A_66 : i32 to index
    %swap3A_68 = arith.constant 32 : index
    %swap3A_69 = tpu.vector_load %arg6[%swap3A_67, %swap3A_68] {strides = array<i32>} : memref<3x64xi32, #tpu.memory_space<vmem>>, vector<1x16xi32>,
    %swap3A_70 = vector.shape_cast %swap3A_69 : vector<1x16xi32> to vector<16xi32>
    %swap3A_71 = vector.shape_cast %and3A_65 : vector<16xi32> to vector<1x16xi32>
    tpu.vector_store %arg6[%swap3A_67, %swap3A_68], %swap3A_71 {strides = array<i32>} : memref<3x64xi32, #tpu.memory_space<vmem>>, vector<1x16xi32>,
    %shift_right_logical3A_72 = arith.constant 16 : i32
    %shift_right_logical3A_73 = vector.broadcast %shift_right_logical3A_72 : i32 to vector<16xi32>
    %shift_right_logical3A_74 = arith.shrui %get3A_64, %shift_right_logical3A_73 : vector<16xi32>
    %swap3A_75 = arith.constant 0 : i32
    %swap3A_76 = arith.index_cast %swap3A_75 : i32 to index
    %swap3A_77 = arith.constant 32 : index
    %swap3A_78 = tpu.vector_load %arg7[%swap3A_76, %swap3A_77] {strides = array<i32>} : memref<3x64xi32, #tpu.memory_space<vmem>>, vector<1x16xi32>,
    %swap3A_79 = vector.shape_cast %swap3A_78 : vector<1x16xi32> to vector<16xi32>
    %swap3A_80 = vector.shape_cast %shift_right_logical3A_74 : vector<16xi32> to vector<1x16xi32>
    tpu.vector_store %arg7[%swap3A_76, %swap3A_77], %swap3A_80 {strides = array<i32>} : memref<3x64xi32, #tpu.memory_space<vmem>>, vector<1x16xi32>,
    %add3A_81 = arith.constant 48 : i32
    %add3A_82 = arith.addi %mul3A_16, %add3A_81 : i32
    %get3A_83 = arith.index_cast %shift_right_logical3A_12 : i32 to index
    %get3A_84 = arith.index_cast %add3A_82 : i32 to index
    %get3A_85 = tpu.vector_load %arg5[%get3A_83, %get3A_84] {strides = array<i32>} : memref<85x128xi32, #tpu.memory_space<vmem>>, vector<1x16xi32>,
    %get3A_86 = vector.shape_cast %get3A_85 : vector<1x16xi32> to vector<16xi32>
    %and3A_87 = arith.andi %get3A_86, %broadcast_in_dim3A_1 : vector<16xi32>
    %swap3A_88 = arith.constant 0 : i32
    %swap3A_89 = arith.index_cast %swap3A_88 : i32 to index
    %swap3A_90 = arith.constant 48 : index
    %swap3A_91 = tpu.vector_load %arg6[%swap3A_89, %swap3A_90] {strides = array<i32>} : memref<3x64xi32, #tpu.memory_space<vmem>>, vector<1x16xi32>,
    %swap3A_92 = vector.shape_cast %swap3A_91 : vector<1x16xi32> to vector<16xi32>
    %swap3A_93 = vector.shape_cast %and3A_87 : vector<16xi32> to vector<1x16xi32>
    tpu.vector_store %arg6[%swap3A_89, %swap3A_90], %swap3A_93 {strides = array<i32>} : memref<3x64xi32, #tpu.memory_space<vmem>>, vector<1x16xi32>,
    %shift_right_logical3A_94 = arith.constant 16 : i32
    %shift_right_logical3A_95 = vector.broadcast %shift_right_logical3A_94 : i32 to vector<16xi32>
    %shift_right_logical3A_96 = arith.shrui %get3A_86, %shift_right_logical3A_95 : vector<16xi32>
    %swap3A_97 = arith.constant 0 : i32
    %swap3A_98 = arith.index_cast %swap3A_97 : i32 to index
    %swap3A_99 = arith.constant 48 : index
    %swap3A_100 = tpu.vector_load %arg7[%swap3A_98, %swap3A_99] {strides = array<i32>} : memref<3x64xi32, #tpu.memory_space<vmem>>, vector<1x16xi32>,
    %swap3A_101 = vector.shape_cast %swap3A_100 : vector<1x16xi32> to vector<16xi32>
    %swap3A_102 = vector.shape_cast %shift_right_logical3A_96 : vector<16xi32> to vector<1x16xi32>
    tpu.vector_store %arg7[%swap3A_98, %swap3A_99], %swap3A_102 {strides = array<i32>} : memref<3x64xi32, #tpu.memory_space<vmem>>, vector<1x16xi32>,
    %dma_start3A = arith.constant 0 : i32
    %dma_start3A_103 = arith.constant 0 : i32
    %dma_start3A_104 = arith.constant 0 : i32
    %dma_start3A_105 = arith.constant 0 : i32
    %dma_start3A_106 = tpu.memref_slice %arg8[%dma_start3A_103, %dma_start3A_104, %dma_start3A_105] : memref<3x64x128xf32, #tpu.memory_space<vmem>> -> memref<1x64x128xf32, #tpu.memory_space<vmem>>
    %dma_start3A_107 = tpu.memref_squeeze %dma_start3A_106 : memref<1x64x128xf32, #tpu.memory_space<vmem>> -> memref<64x128xf32, #tpu.memory_space<vmem>>
    %dma_start3A_108 = arith.constant 0 : i32
    %dma_start3A_109 = tpu.memref_slice %arg6[%dma_start3A, %dma_start3A_108] : memref<3x64xi32, #tpu.memory_space<vmem>> -> memref<1x64xi32, #tpu.memory_space<vmem>>
    %dma_start3A_110 = tpu.memref_squeeze %dma_start3A_109 : memref<1x64xi32, #tpu.memory_space<vmem>> -> memref<64xi32, #tpu.memory_space<vmem>>
    %dma_start3A_111 = arith.constant 0 : i32
    %dma_start3A_112 = arith.constant 0 : i32
    %dma_start3A_113 = tpu.memref_slice %arg2[%dma_start3A_111, %dma_start3A_112] : memref<10816x128xf32, #tpu.memory_space<hbm>> -> memref<10816x128xf32, #tpu.memory_space<hbm>>
    tpu.enqueue_indirect_dma source(%dma_start3A_113 : memref<10816x128xf32, #tpu.memory_space<hbm>>) target(%dma_start3A_107 : memref<64x128xf32, #tpu.memory_space<vmem>>) offsets(%dma_start3A_110 : memref<64xi32, #tpu.memory_space<vmem>>) semaphore(%arg10 : memref<!tpu.dma_semaphore, #tpu.memory_space<semaphore_mem>>)
    %shift_right_logical3A_114 = arith.constant 1 : i32
    %shift_right_logical3A_115 = arith.constant 1 : i32
    %shift_right_logical3A_116 = arith.shrui %shift_right_logical3A_114, %shift_right_logical3A_115 : i32
    %and3A_117 = arith.constant 1 : i32
    %and3A_118 = arith.constant 1 : i32
    %and3A_119 = arith.andi %and3A_117, %and3A_118 : i32
    %mul3A_120 = arith.constant 64 : i32
    %mul3A_121 = arith.muli %and3A_119, %mul3A_120 : i32
    %add3A_122 = arith.constant 0 : i32
    %add3A_123 = arith.addi %mul3A_121, %add3A_122 : i32
    %get3A_124 = arith.index_cast %shift_right_logical3A_116 : i32 to index
    %get3A_125 = arith.index_cast %add3A_123 : i32 to index
    %get3A_126 = tpu.vector_load %arg5[%get3A_124, %get3A_125] {strides = array<i32>} : memref<85x128xi32, #tpu.memory_space<vmem>>, vector<1x16xi32>,
    %get3A_127 = vector.shape_cast %get3A_126 : vector<1x16xi32> to vector<16xi32>
    %and3A_128 = arith.andi %get3A_127, %broadcast_in_dim3A_1 : vector<16xi32>
    %swap3A_129 = arith.constant 1 : i32
    %swap3A_130 = arith.index_cast %swap3A_129 : i32 to index
    %swap3A_131 = arith.constant 0 : index
    %swap3A_132 = tpu.vector_load %arg6[%swap3A_130, %swap3A_131] {strides = array<i32>} : memref<3x64xi32, #tpu.memory_space<vmem>>, vector<1x16xi32>,
    %swap3A_133 = vector.shape_cast %swap3A_132 : vector<1x16xi32> to vector<16xi32>
    %swap3A_134 = vector.shape_cast %and3A_128 : vector<16xi32> to vector<1x16xi32>
    tpu.vector_store %arg6[%swap3A_130, %swap3A_131], %swap3A_134 {strides = array<i32>} : memref<3x64xi32, #tpu.memory_space<vmem>>, vector<1x16xi32>,
    %shift_right_logical3A_135 = arith.constant 16 : i32
    %shift_right_logical3A_136 = vector.broadcast %shift_right_logical3A_135 : i32 to vector<16xi32>
    %shift_right_logical3A_137 = arith.shrui %get3A_127, %shift_right_logical3A_136 : vector<16xi32>
    %swap3A_138 = arith.constant 1 : i32
    %swap3A_139 = arith.index_cast %swap3A_138 : i32 to index
    %swap3A_140 = arith.constant 0 : index
    %swap3A_141 = tpu.vector_load %arg7[%swap3A_139, %swap3A_140] {strides = array<i32>} : memref<3x64xi32, #tpu.memory_space<vmem>>, vector<1x16xi32>,
    %swap3A_142 = vector.shape_cast %swap3A_141 : vector<1x16xi32> to vector<16xi32>
    %swap3A_143 = vector.shape_cast %shift_right_logical3A_137 : vector<16xi32> to vector<1x16xi32>
    tpu.vector_store %arg7[%swap3A_139, %swap3A_140], %swap3A_143 {strides = array<i32>} : memref<3x64xi32, #tpu.memory_space<vmem>>, vector<1x16xi32>,
    %add3A_144 = arith.constant 16 : i32
    %add3A_145 = arith.addi %mul3A_121, %add3A_144 : i32
    %get3A_146 = arith.index_cast %shift_right_logical3A_116 : i32 to index
    %get3A_147 = arith.index_cast %add3A_145 : i32 to index
    %get3A_148 = tpu.vector_load %arg5[%get3A_146, %get3A_147] {strides = array<i32>} : memref<85x128xi32, #tpu.memory_space<vmem>>, vector<1x16xi32>,
    %get3A_149 = vector.shape_cast %get3A_148 : vector<1x16xi32> to vector<16xi32>
    %and3A_150 = arith.andi %get3A_149, %broadcast_in_dim3A_1 : vector<16xi32>
    %swap3A_151 = arith.constant 1 : i32
    %swap3A_152 = arith.index_cast %swap3A_151 : i32 to index
    %swap3A_153 = arith.constant 16 : index
    %swap3A_154 = tpu.vector_load %arg6[%swap3A_152, %swap3A_153] {strides = array<i32>} : memref<3x64xi32, #tpu.memory_space<vmem>>, vector<1x16xi32>,
    %swap3A_155 = vector.shape_cast %swap3A_154 : vector<1x16xi32> to vector<16xi32>
    %swap3A_156 = vector.shape_cast %and3A_150 : vector<16xi32> to vector<1x16xi32>
    tpu.vector_store %arg6[%swap3A_152, %swap3A_153], %swap3A_156 {strides = array<i32>} : memref<3x64xi32, #tpu.memory_space<vmem>>, vector<1x16xi32>,
    %shift_right_logical3A_157 = arith.constant 16 : i32
    %shift_right_logical3A_158 = vector.broadcast %shift_right_logical3A_157 : i32 to vector<16xi32>
    %shift_right_logical3A_159 = arith.shrui %get3A_149, %shift_right_logical3A_158 : vector<16xi32>
    %swap3A_160 = arith.constant 1 : i32
    %swap3A_161 = arith.index_cast %swap3A_160 : i32 to index
    %swap3A_162 = arith.constant 16 : index
    %swap3A_163 = tpu.vector_load %arg7[%swap3A_161, %swap3A_162] {strides = array<i32>} : memref<3x64xi32, #tpu.memory_space<vmem>>, vector<1x16xi32>,
    %swap3A_164 = vector.shape_cast %swap3A_163 : vector<1x16xi32> to vector<16xi32>
    %swap3A_165 = vector.shape_cast %shift_right_logical3A_159 : vector<16xi32> to vector<1x16xi32>
    tpu.vector_store %arg7[%swap3A_161, %swap3A_162], %swap3A_165 {strides = array<i32>} : memref<3x64xi32, #tpu.memory_space<vmem>>, vector<1x16xi32>,
    %add3A_166 = arith.constant 32 : i32
    %add3A_167 = arith.addi %mul3A_121, %add3A_166 : i32
    %get3A_168 = arith.index_cast %shift_right_logical3A_116 : i32 to index
    %get3A_169 = arith.index_cast %add3A_167 : i32 to index
    %get3A_170 = tpu.vector_load %arg5[%get3A_168, %get3A_169] {strides = array<i32>} : memref<85x128xi32, #tpu.memory_space<vmem>>, vector<1x16xi32>,
    %get3A_171 = vector.shape_cast %get3A_170 : vector<1x16xi32> to vector<16xi32>
    %and3A_172 = arith.andi %get3A_171, %broadcast_in_dim3A_1 : vector<16xi32>
    %swap3A_173 = arith.constant 1 : i32
    %swap3A_174 = arith.index_cast %swap3A_173 : i32 to index
    %swap3A_175 = arith.constant 32 : index
    %swap3A_176 = tpu.vector_load %arg6[%swap3A_174, %swap3A_175] {strides = array<i32>} : memref<3x64xi32, #tpu.memory_space<vmem>>, vector<1x16xi32>,
    %swap3A_177 = vector.shape_cast %swap3A_176 : vector<1x16xi32> to vector<16xi32>
    %swap3A_178 = vector.shape_cast %and3A_172 : vector<16xi32> to vector<1x16xi32>
    tpu.vector_store %arg6[%swap3A_174, %swap3A_175], %swap3A_178 {strides = array<i32>} : memref<3x64xi32, #tpu.memory_space<vmem>>, vector<1x16xi32>,
    %shift_right_logical3A_179 = arith.constant 16 : i32
    %shift_right_logical3A_180 = vector.broadcast %shift_right_logical3A_179 : i32 to vector<16xi32>
    %shift_right_logical3A_181 = arith.shrui %get3A_171, %shift_right_logical3A_180 : vector<16xi32>
    %swap3A_182 = arith.constant 1 : i32
    %swap3A_183 = arith.index_cast %swap3A_182 : i32 to index
    %swap3A_184 = arith.constant 32 : index
    %swap3A_185 = tpu.vector_load %arg7[%swap3A_183, %swap3A_184] {strides = array<i32>} : memref<3x64xi32, #tpu.memory_space<vmem>>, vector<1x16xi32>,
    %swap3A_186 = vector.shape_cast %swap3A_185 : vector<1x16xi32> to vector<16xi32>
    %swap3A_187 = vector.shape_cast %shift_right_logical3A_181 : vector<16xi32> to vector<1x16xi32>
    tpu.vector_store %arg7[%swap3A_183, %swap3A_184], %swap3A_187 {strides = array<i32>} : memref<3x64xi32, #tpu.memory_space<vmem>>, vector<1x16xi32>,
    %add3A_188 = arith.constant 48 : i32
    %add3A_189 = arith.addi %mul3A_121, %add3A_188 : i32
    %get3A_190 = arith.index_cast %shift_right_logical3A_116 : i32 to index
    %get3A_191 = arith.index_cast %add3A_189 : i32 to index
    %get3A_192 = tpu.vector_load %arg5[%get3A_190, %get3A_191] {strides = array<i32>} : memref<85x128xi32, #tpu.memory_space<vmem>>, vector<1x16xi32>,
    %get3A_193 = vector.shape_cast %get3A_192 : vector<1x16xi32> to vector<16xi32>
    %and3A_194 = arith.andi %get3A_193, %broadcast_in_dim3A_1 : vector<16xi32>
    %swap3A_195 = arith.constant 1 : i32
    %swap3A_196 = arith.index_cast %swap3A_195 : i32 to index
    %swap3A_197 = arith.constant 48 : index
    %swap3A_198 = tpu.vector_load %arg6[%swap3A_196, %swap3A_197] {strides = array<i32>} : memref<3x64xi32, #tpu.memory_space<vmem>>, vector<1x16xi32>,
    %swap3A_199 = vector.shape_cast %swap3A_198 : vector<1x16xi32> to vector<16xi32>
    %swap3A_200 = vector.shape_cast %and3A_194 : vector<16xi32> to vector<1x16xi32>
    tpu.vector_store %arg6[%swap3A_196, %swap3A_197], %swap3A_200 {strides = array<i32>} : memref<3x64xi32, #tpu.memory_space<vmem>>, vector<1x16xi32>,
    %shift_right_logical3A_201 = arith.constant 16 : i32
    %shift_right_logical3A_202 = vector.broadcast %shift_right_logical3A_201 : i32 to vector<16xi32>
    %shift_right_logical3A_203 = arith.shrui %get3A_193, %shift_right_logical3A_202 : vector<16xi32>
    %swap3A_204 = arith.constant 1 : i32
    %swap3A_205 = arith.index_cast %swap3A_204 : i32 to index
    %swap3A_206 = arith.constant 48 : index
    %swap3A_207 = tpu.vector_load %arg7[%swap3A_205, %swap3A_206] {strides = array<i32>} : memref<3x64xi32, #tpu.memory_space<vmem>>, vector<1x16xi32>,
    %swap3A_208 = vector.shape_cast %swap3A_207 : vector<1x16xi32> to vector<16xi32>
    %swap3A_209 = vector.shape_cast %shift_right_logical3A_203 : vector<16xi32> to vector<1x16xi32>
    tpu.vector_store %arg7[%swap3A_205, %swap3A_206], %swap3A_209 {strides = array<i32>} : memref<3x64xi32, #tpu.memory_space<vmem>>, vector<1x16xi32>,
    %dma_start3A_210 = arith.constant 1 : i32
    %dma_start3A_211 = arith.constant 1 : i32
    %dma_start3A_212 = arith.constant 0 : i32
    %dma_start3A_213 = arith.constant 0 : i32
    %dma_start3A_214 = tpu.memref_slice %arg8[%dma_start3A_211, %dma_start3A_212, %dma_start3A_213] : memref<3x64x128xf32, #tpu.memory_space<vmem>> -> memref<1x64x128xf32, #tpu.memory_space<vmem>>
    %dma_start3A_215 = tpu.memref_squeeze %dma_start3A_214 : memref<1x64x128xf32, #tpu.memory_space<vmem>> -> memref<64x128xf32, #tpu.memory_space<vmem>>
    %dma_start3A_216 = arith.constant 0 : i32
    %dma_start3A_217 = tpu.memref_slice %arg6[%dma_start3A_210, %dma_start3A_216] : memref<3x64xi32, #tpu.memory_space<vmem>> -> memref<1x64xi32, #tpu.memory_space<vmem>>
    %dma_start3A_218 = tpu.memref_squeeze %dma_start3A_217 : memref<1x64xi32, #tpu.memory_space<vmem>> -> memref<64xi32, #tpu.memory_space<vmem>>
    %dma_start3A_219 = arith.constant 0 : i32
    %dma_start3A_220 = arith.constant 0 : i32
    %dma_start3A_221 = tpu.memref_slice %arg2[%dma_start3A_219, %dma_start3A_220] : memref<10816x128xf32, #tpu.memory_space<hbm>> -> memref<10816x128xf32, #tpu.memory_space<hbm>>
    tpu.enqueue_indirect_dma source(%dma_start3A_221 : memref<10816x128xf32, #tpu.memory_space<hbm>>) target(%dma_start3A_215 : memref<64x128xf32, #tpu.memory_space<vmem>>) offsets(%dma_start3A_218 : memref<64xi32, #tpu.memory_space<vmem>>) semaphore(%arg11 : memref<!tpu.dma_semaphore, #tpu.memory_space<semaphore_mem>>)
    %shift_right_logical3A_222 = arith.constant 2 : i32
    %shift_right_logical3A_223 = arith.constant 1 : i32
    %shift_right_logical3A_224 = arith.shrui %shift_right_logical3A_222, %shift_right_logical3A_223 : i32
    %and3A_225 = arith.constant 2 : i32
    %and3A_226 = arith.constant 1 : i32
    %and3A_227 = arith.andi %and3A_225, %and3A_226 : i32
    %mul3A_228 = arith.constant 64 : i32
    %mul3A_229 = arith.muli %and3A_227, %mul3A_228 : i32
    %add3A_230 = arith.constant 0 : i32
    %add3A_231 = arith.addi %mul3A_229, %add3A_230 : i32
    %get3A_232 = arith.index_cast %shift_right_logical3A_224 : i32 to index
    %get3A_233 = arith.index_cast %add3A_231 : i32 to index
    %get3A_234 = tpu.vector_load %arg5[%get3A_232, %get3A_233] {strides = array<i32>} : memref<85x128xi32, #tpu.memory_space<vmem>>, vector<1x16xi32>,
    %get3A_235 = vector.shape_cast %get3A_234 : vector<1x16xi32> to vector<16xi32>
    %and3A_236 = arith.andi %get3A_235, %broadcast_in_dim3A_1 : vector<16xi32>
    %swap3A_237 = arith.constant 2 : i32
    %swap3A_238 = arith.index_cast %swap3A_237 : i32 to index
    %swap3A_239 = arith.constant 0 : index
    %swap3A_240 = tpu.vector_load %arg6[%swap3A_238, %swap3A_239] {strides = array<i32>} : memref<3x64xi32, #tpu.memory_space<vmem>>, vector<1x16xi32>,
    %swap3A_241 = vector.shape_cast %swap3A_240 : vector<1x16xi32> to vector<16xi32>
    %swap3A_242 = vector.shape_cast %and3A_236 : vector<16xi32> to vector<1x16xi32>
    tpu.vector_store %arg6[%swap3A_238, %swap3A_239], %swap3A_242 {strides = array<i32>} : memref<3x64xi32, #tpu.memory_space<vmem>>, vector<1x16xi32>,
    %shift_right_logical3A_243 = arith.constant 16 : i32
    %shift_right_logical3A_244 = vector.broadcast %shift_right_logical3A_243 : i32 to vector<16xi32>
    %shift_right_logical3A_245 = arith.shrui %get3A_235, %shift_right_logical3A_244 : vector<16xi32>
    %swap3A_246 = arith.constant 2 : i32
    %swap3A_247 = arith.index_cast %swap3A_246 : i32 to index
    %swap3A_248 = arith.constant 0 : index
    %swap3A_249 = tpu.vector_load %arg7[%swap3A_247, %swap3A_248] {strides = array<i32>} : memref<3x64xi32, #tpu.memory_space<vmem>>, vector<1x16xi32>,
    %swap3A_250 = vector.shape_cast %swap3A_249 : vector<1x16xi32> to vector<16xi32>
    %swap3A_251 = vector.shape_cast %shift_right_logical3A_245 : vector<16xi32> to vector<1x16xi32>
    tpu.vector_store %arg7[%swap3A_247, %swap3A_248], %swap3A_251 {strides = array<i32>} : memref<3x64xi32, #tpu.memory_space<vmem>>, vector<1x16xi32>,
    %add3A_252 = arith.constant 16 : i32
    %add3A_253 = arith.addi %mul3A_229, %add3A_252 : i32
    %get3A_254 = arith.index_cast %shift_right_logical3A_224 : i32 to index
    %get3A_255 = arith.index_cast %add3A_253 : i32 to index
    %get3A_256 = tpu.vector_load %arg5[%get3A_254, %get3A_255] {strides = array<i32>} : memref<85x128xi32, #tpu.memory_space<vmem>>, vector<1x16xi32>,
    %get3A_257 = vector.shape_cast %get3A_256 : vector<1x16xi32> to vector<16xi32>
    %and3A_258 = arith.andi %get3A_257, %broadcast_in_dim3A_1 : vector<16xi32>
    %swap3A_259 = arith.constant 2 : i32
    %swap3A_260 = arith.index_cast %swap3A_259 : i32 to index
    %swap3A_261 = arith.constant 16 : index
    %swap3A_262 = tpu.vector_load %arg6[%swap3A_260, %swap3A_261] {strides = array<i32>} : memref<3x64xi32, #tpu.memory_space<vmem>>, vector<1x16xi32>,
    %swap3A_263 = vector.shape_cast %swap3A_262 : vector<1x16xi32> to vector<16xi32>
    %swap3A_264 = vector.shape_cast %and3A_258 : vector<16xi32> to vector<1x16xi32>
    tpu.vector_store %arg6[%swap3A_260, %swap3A_261], %swap3A_264 {strides = array<i32>} : memref<3x64xi32, #tpu.memory_space<vmem>>, vector<1x16xi32>,
    %shift_right_logical3A_265 = arith.constant 16 : i32
    %shift_right_logical3A_266 = vector.broadcast %shift_right_logical3A_265 : i32 to vector<16xi32>
    %shift_right_logical3A_267 = arith.shrui %get3A_257, %shift_right_logical3A_266 : vector<16xi32>
    %swap3A_268 = arith.constant 2 : i32
    %swap3A_269 = arith.index_cast %swap3A_268 : i32 to index
    %swap3A_270 = arith.constant 16 : index
    %swap3A_271 = tpu.vector_load %arg7[%swap3A_269, %swap3A_270] {strides = array<i32>} : memref<3x64xi32, #tpu.memory_space<vmem>>, vector<1x16xi32>,
    %swap3A_272 = vector.shape_cast %swap3A_271 : vector<1x16xi32> to vector<16xi32>
    %swap3A_273 = vector.shape_cast %shift_right_logical3A_267 : vector<16xi32> to vector<1x16xi32>
    tpu.vector_store %arg7[%swap3A_269, %swap3A_270], %swap3A_273 {strides = array<i32>} : memref<3x64xi32, #tpu.memory_space<vmem>>, vector<1x16xi32>,
    %add3A_274 = arith.constant 32 : i32
    %add3A_275 = arith.addi %mul3A_229, %add3A_274 : i32
    %get3A_276 = arith.index_cast %shift_right_logical3A_224 : i32 to index
    %get3A_277 = arith.index_cast %add3A_275 : i32 to index
    %get3A_278 = tpu.vector_load %arg5[%get3A_276, %get3A_277] {strides = array<i32>} : memref<85x128xi32, #tpu.memory_space<vmem>>, vector<1x16xi32>,
    %get3A_279 = vector.shape_cast %get3A_278 : vector<1x16xi32> to vector<16xi32>
    %and3A_280 = arith.andi %get3A_279, %broadcast_in_dim3A_1 : vector<16xi32>
    %swap3A_281 = arith.constant 2 : i32
    %swap3A_282 = arith.index_cast %swap3A_281 : i32 to index
    %swap3A_283 = arith.constant 32 : index
    %swap3A_284 = tpu.vector_load %arg6[%swap3A_282, %swap3A_283] {strides = array<i32>} : memref<3x64xi32, #tpu.memory_space<vmem>>, vector<1x16xi32>,
    %swap3A_285 = vector.shape_cast %swap3A_284 : vector<1x16xi32> to vector<16xi32>
    %swap3A_286 = vector.shape_cast %and3A_280 : vector<16xi32> to vector<1x16xi32>
    tpu.vector_store %arg6[%swap3A_282, %swap3A_283], %swap3A_286 {strides = array<i32>} : memref<3x64xi32, #tpu.memory_space<vmem>>, vector<1x16xi32>,
    %shift_right_logical3A_287 = arith.constant 16 : i32
    %shift_right_logical3A_288 = vector.broadcast %shift_right_logical3A_287 : i32 to vector<16xi32>
    %shift_right_logical3A_289 = arith.shrui %get3A_279, %shift_right_logical3A_288 : vector<16xi32>
    %swap3A_290 = arith.constant 2 : i32
    %swap3A_291 = arith.index_cast %swap3A_290 : i32 to index
    %swap3A_292 = arith.constant 32 : index
    %swap3A_293 = tpu.vector_load %arg7[%swap3A_291, %swap3A_292] {strides = array<i32>} : memref<3x64xi32, #tpu.memory_space<vmem>>, vector<1x16xi32>,
    %swap3A_294 = vector.shape_cast %swap3A_293 : vector<1x16xi32> to vector<16xi32>
    %swap3A_295 = vector.shape_cast %shift_right_logical3A_289 : vector<16xi32> to vector<1x16xi32>
    tpu.vector_store %arg7[%swap3A_291, %swap3A_292], %swap3A_295 {strides = array<i32>} : memref<3x64xi32, #tpu.memory_space<vmem>>, vector<1x16xi32>,
    %add3A_296 = arith.constant 48 : i32
    %add3A_297 = arith.addi %mul3A_229, %add3A_296 : i32
    %get3A_298 = arith.index_cast %shift_right_logical3A_224 : i32 to index
    %get3A_299 = arith.index_cast %add3A_297 : i32 to index
    %get3A_300 = tpu.vector_load %arg5[%get3A_298, %get3A_299] {strides = array<i32>} : memref<85x128xi32, #tpu.memory_space<vmem>>, vector<1x16xi32>,
    %get3A_301 = vector.shape_cast %get3A_300 : vector<1x16xi32> to vector<16xi32>
    %and3A_302 = arith.andi %get3A_301, %broadcast_in_dim3A_1 : vector<16xi32>
    %swap3A_303 = arith.constant 2 : i32
    %swap3A_304 = arith.index_cast %swap3A_303 : i32 to index
    %swap3A_305 = arith.constant 48 : index
    %swap3A_306 = tpu.vector_load %arg6[%swap3A_304, %swap3A_305] {strides = array<i32>} : memref<3x64xi32, #tpu.memory_space<vmem>>, vector<1x16xi32>,
    %swap3A_307 = vector.shape_cast %swap3A_306 : vector<1x16xi32> to vector<16xi32>
    %swap3A_308 = vector.shape_cast %and3A_302 : vector<16xi32> to vector<1x16xi32>
    tpu.vector_store %arg6[%swap3A_304, %swap3A_305], %swap3A_308 {strides = array<i32>} : memref<3x64xi32, #tpu.memory_space<vmem>>, vector<1x16xi32>,
    %shift_right_logical3A_309 = arith.constant 16 : i32
    %shift_right_logical3A_310 = vector.broadcast %shift_right_logical3A_309 : i32 to vector<16xi32>
    %shift_right_logical3A_311 = arith.shrui %get3A_301, %shift_right_logical3A_310 : vector<16xi32>
    %swap3A_312 = arith.constant 2 : i32
    %swap3A_313 = arith.index_cast %swap3A_312 : i32 to index
    %swap3A_314 = arith.constant 48 : index
    %swap3A_315 = tpu.vector_load %arg7[%swap3A_313, %swap3A_314] {strides = array<i32>} : memref<3x64xi32, #tpu.memory_space<vmem>>, vector<1x16xi32>,
    %swap3A_316 = vector.shape_cast %swap3A_315 : vector<1x16xi32> to vector<16xi32>
    %swap3A_317 = vector.shape_cast %shift_right_logical3A_311 : vector<16xi32> to vector<1x16xi32>
    tpu.vector_store %arg7[%swap3A_313, %swap3A_314], %swap3A_317 {strides = array<i32>} : memref<3x64xi32, #tpu.memory_space<vmem>>, vector<1x16xi32>,
    %dma_start3A_318 = arith.constant 2 : i32
    %dma_start3A_319 = arith.constant 2 : i32
    %dma_start3A_320 = arith.constant 0 : i32
    %dma_start3A_321 = arith.constant 0 : i32
    %dma_start3A_322 = tpu.memref_slice %arg8[%dma_start3A_319, %dma_start3A_320, %dma_start3A_321] : memref<3x64x128xf32, #tpu.memory_space<vmem>> -> memref<1x64x128xf32, #tpu.memory_space<vmem>>
    %dma_start3A_323 = tpu.memref_squeeze %dma_start3A_322 : memref<1x64x128xf32, #tpu.memory_space<vmem>> -> memref<64x128xf32, #tpu.memory_space<vmem>>
    %dma_start3A_324 = arith.constant 0 : i32
    %dma_start3A_325 = tpu.memref_slice %arg6[%dma_start3A_318, %dma_start3A_324] : memref<3x64xi32, #tpu.memory_space<vmem>> -> memref<1x64xi32, #tpu.memory_space<vmem>>
    %dma_start3A_326 = tpu.memref_squeeze %dma_start3A_325 : memref<1x64xi32, #tpu.memory_space<vmem>> -> memref<64xi32, #tpu.memory_space<vmem>>
    %dma_start3A_327 = arith.constant 0 : i32
    %dma_start3A_328 = arith.constant 0 : i32
    %dma_start3A_329 = tpu.memref_slice %arg2[%dma_start3A_327, %dma_start3A_328] : memref<10816x128xf32, #tpu.memory_space<hbm>> -> memref<10816x128xf32, #tpu.memory_space<hbm>>
    tpu.enqueue_indirect_dma source(%dma_start3A_329 : memref<10816x128xf32, #tpu.memory_space<hbm>>) target(%dma_start3A_323 : memref<64x128xf32, #tpu.memory_space<vmem>>) offsets(%dma_start3A_326 : memref<64xi32, #tpu.memory_space<vmem>>) semaphore(%arg12 : memref<!tpu.dma_semaphore, #tpu.memory_space<semaphore_mem>>)
    %scan3A_330 = arith.constant 0 : i32
    %scan3A_331 = arith.constant 55 : i32
    %scan3A_332 = arith.addi %scan3A_330, %scan3A_331 : i32
    %scan3A_333 = arith.constant 1 : i32
    scf.for %scan3A_592 = %scan3A_330 to %scan3A_332 step %scan3A_333  : i32 {
      %mul3A_593 = arith.constant 1 : i32
      %mul3A_594 = arith.muli %scan3A_592, %mul3A_593 : i32
      %add3A_595 = arith.constant 0 : i32
      %add3A_596 = arith.addi %add3A_595, %mul3A_594 : i32
      %mul3A_597 = arith.constant 3 : i32
      %mul3A_598 = arith.muli %mul3A_597, %add3A_596 : i32
      %dma_wait3A_599 = arith.constant 0 : i32
      %dma_wait3A_600 = arith.constant 0 : i32
      %dma_wait3A_601 = arith.constant 0 : i32
      %dma_wait3A_602 = arith.constant 0 : i32
      %dma_wait3A_603 = tpu.memref_slice %arg8[%dma_wait3A_600, %dma_wait3A_601, %dma_wait3A_602] : memref<3x64x128xf32, #tpu.memory_space<vmem>> -> memref<1x64x128xf32, #tpu.memory_space<vmem>>
      %dma_wait3A_604 = tpu.memref_squeeze %dma_wait3A_603 : memref<1x64x128xf32, #tpu.memory_space<vmem>> -> memref<64x128xf32, #tpu.memory_space<vmem>>
      %dma_wait3A_605 = arith.constant 0 : i32
      %dma_wait3A_606 = tpu.memref_slice %arg6[%dma_wait3A_599, %dma_wait3A_605] : memref<3x64xi32, #tpu.memory_space<vmem>> -> memref<1x64xi32, #tpu.memory_space<vmem>>
      %dma_wait3A_607 = tpu.memref_squeeze %dma_wait3A_606 : memref<1x64xi32, #tpu.memory_space<vmem>> -> memref<64xi32, #tpu.memory_space<vmem>>
      %dma_wait3A_608 = arith.constant 0 : i32
      %dma_wait3A_609 = arith.constant 0 : i32
      %dma_wait3A_610 = tpu.memref_slice %arg2[%dma_wait3A_608, %dma_wait3A_609] : memref<10816x128xf32, #tpu.memory_space<hbm>> -> memref<10816x128xf32, #tpu.memory_space<hbm>>
      tpu.wait_indirect_dma semaphore(%arg10 : memref<!tpu.dma_semaphore, #tpu.memory_space<semaphore_mem>>) src(%dma_wait3A_610 : memref<10816x128xf32, #tpu.memory_space<hbm>>) dst(%dma_wait3A_604 : memref<64x128xf32, #tpu.memory_space<vmem>>)
      %dma_start3A_611 = arith.constant 0 : i32
      %dma_start3A_612 = arith.constant 0 : i32
      %dma_start3A_613 = arith.constant 0 : i32
      %dma_start3A_614 = arith.constant 0 : i32
      %dma_start3A_615 = tpu.memref_slice %arg8[%dma_start3A_611, %dma_start3A_613, %dma_start3A_614] : memref<3x64x128xf32, #tpu.memory_space<vmem>> -> memref<1x64x128xf32, #tpu.memory_space<vmem>>
      %dma_start3A_616 = tpu.memref_squeeze %dma_start3A_615 : memref<1x64x128xf32, #tpu.memory_space<vmem>> -> memref<64x128xf32, #tpu.memory_space<vmem>>
      %dma_start3A_617 = arith.constant 0 : i32
      %dma_start3A_618 = tpu.memref_slice %arg7[%dma_start3A_612, %dma_start3A_617] : memref<3x64xi32, #tpu.memory_space<vmem>> -> memref<1x64xi32, #tpu.memory_space<vmem>>
      %dma_start3A_619 = tpu.memref_squeeze %dma_start3A_618 : memref<1x64xi32, #tpu.memory_space<vmem>> -> memref<64xi32, #tpu.memory_space<vmem>>
      %dma_start3A_620 = arith.constant 0 : i32
      %dma_start3A_621 = arith.constant 0 : i32
      %dma_start3A_622 = tpu.memref_slice %arg9[%dma_start3A_620, %dma_start3A_621] : memref<10816x128xf32, #tpu.memory_space<vmem_shared>> -> memref<10816x128xf32, #tpu.memory_space<vmem_shared>>
      tpu.enqueue_indirect_dma source(%dma_start3A_616 : memref<64x128xf32, #tpu.memory_space<vmem>>) target(%dma_start3A_622 : memref<10816x128xf32, #tpu.memory_space<vmem_shared>>) offsets(%dma_start3A_619 : memref<64xi32, #tpu.memory_space<vmem>>) semaphore(%arg13 : memref<!tpu.dma_semaphore, #tpu.memory_space<semaphore_mem>>) {add = true}
      %dma_wait3A_623 = arith.constant 1 : i32
      %dma_wait3A_624 = arith.constant 1 : i32
      %dma_wait3A_625 = arith.constant 0 : i32
      %dma_wait3A_626 = arith.constant 0 : i32
      %dma_wait3A_627 = tpu.memref_slice %arg8[%dma_wait3A_624, %dma_wait3A_625, %dma_wait3A_626] : memref<3x64x128xf32, #tpu.memory_space<vmem>> -> memref<1x64x128xf32, #tpu.memory_space<vmem>>
      %dma_wait3A_628 = tpu.memref_squeeze %dma_wait3A_627 : memref<1x64x128xf32, #tpu.memory_space<vmem>> -> memref<64x128xf32, #tpu.memory_space<vmem>>
      %dma_wait3A_629 = arith.constant 0 : i32
      %dma_wait3A_630 = tpu.memref_slice %arg6[%dma_wait3A_623, %dma_wait3A_629] : memref<3x64xi32, #tpu.memory_space<vmem>> -> memref<1x64xi32, #tpu.memory_space<vmem>>
      %dma_wait3A_631 = tpu.memref_squeeze %dma_wait3A_630 : memref<1x64xi32, #tpu.memory_space<vmem>> -> memref<64xi32, #tpu.memory_space<vmem>>
      %dma_wait3A_632 = arith.constant 0 : i32
      %dma_wait3A_633 = arith.constant 0 : i32
      %dma_wait3A_634 = tpu.memref_slice %arg2[%dma_wait3A_632, %dma_wait3A_633] : memref<10816x128xf32, #tpu.memory_space<hbm>> -> memref<10816x128xf32, #tpu.memory_space<hbm>>
      tpu.wait_indirect_dma semaphore(%arg11 : memref<!tpu.dma_semaphore, #tpu.memory_space<semaphore_mem>>) src(%dma_wait3A_634 : memref<10816x128xf32, #tpu.memory_space<hbm>>) dst(%dma_wait3A_628 : memref<64x128xf32, #tpu.memory_space<vmem>>)
      %dma_start3A_635 = arith.constant 1 : i32
      %dma_start3A_636 = arith.constant 1 : i32
      %dma_start3A_637 = arith.constant 0 : i32
      %dma_start3A_638 = arith.constant 0 : i32
      %dma_start3A_639 = tpu.memref_slice %arg8[%dma_start3A_635, %dma_start3A_637, %dma_start3A_638] : memref<3x64x128xf32, #tpu.memory_space<vmem>> -> memref<1x64x128xf32, #tpu.memory_space<vmem>>
      %dma_start3A_640 = tpu.memref_squeeze %dma_start3A_639 : memref<1x64x128xf32, #tpu.memory_space<vmem>> -> memref<64x128xf32, #tpu.memory_space<vmem>>
      %dma_start3A_641 = arith.constant 0 : i32
      %dma_start3A_642 = tpu.memref_slice %arg7[%dma_start3A_636, %dma_start3A_641] : memref<3x64xi32, #tpu.memory_space<vmem>> -> memref<1x64xi32, #tpu.memory_space<vmem>>
      %dma_start3A_643 = tpu.memref_squeeze %dma_start3A_642 : memref<1x64xi32, #tpu.memory_space<vmem>> -> memref<64xi32, #tpu.memory_space<vmem>>
      %dma_start3A_644 = arith.constant 0 : i32
      %dma_start3A_645 = arith.constant 0 : i32
      %dma_start3A_646 = tpu.memref_slice %arg9[%dma_start3A_644, %dma_start3A_645] : memref<10816x128xf32, #tpu.memory_space<vmem_shared>> -> memref<10816x128xf32, #tpu.memory_space<vmem_shared>>
      tpu.enqueue_indirect_dma source(%dma_start3A_640 : memref<64x128xf32, #tpu.memory_space<vmem>>) target(%dma_start3A_646 : memref<10816x128xf32, #tpu.memory_space<vmem_shared>>) offsets(%dma_start3A_643 : memref<64xi32, #tpu.memory_space<vmem>>) semaphore(%arg14 : memref<!tpu.dma_semaphore, #tpu.memory_space<semaphore_mem>>) {add = true}
      %dma_wait3A_647 = arith.constant 2 : i32
      %dma_wait3A_648 = arith.constant 2 : i32
      %dma_wait3A_649 = arith.constant 0 : i32
      %dma_wait3A_650 = arith.constant 0 : i32
      %dma_wait3A_651 = tpu.memref_slice %arg8[%dma_wait3A_648, %dma_wait3A_649, %dma_wait3A_650] : memref<3x64x128xf32, #tpu.memory_space<vmem>> -> memref<1x64x128xf32, #tpu.memory_space<vmem>>
      %dma_wait3A_652 = tpu.memref_squeeze %dma_wait3A_651 : memref<1x64x128xf32, #tpu.memory_space<vmem>> -> memref<64x128xf32, #tpu.memory_space<vmem>>
      %dma_wait3A_653 = arith.constant 0 : i32
      %dma_wait3A_654 = tpu.memref_slice %arg6[%dma_wait3A_647, %dma_wait3A_653] : memref<3x64xi32, #tpu.memory_space<vmem>> -> memref<1x64xi32, #tpu.memory_space<vmem>>
      %dma_wait3A_655 = tpu.memref_squeeze %dma_wait3A_654 : memref<1x64xi32, #tpu.memory_space<vmem>> -> memref<64xi32, #tpu.memory_space<vmem>>
      %dma_wait3A_656 = arith.constant 0 : i32
      %dma_wait3A_657 = arith.constant 0 : i32
      %dma_wait3A_658 = tpu.memref_slice %arg2[%dma_wait3A_656, %dma_wait3A_657] : memref<10816x128xf32, #tpu.memory_space<hbm>> -> memref<10816x128xf32, #tpu.memory_space<hbm>>
      tpu.wait_indirect_dma semaphore(%arg12 : memref<!tpu.dma_semaphore, #tpu.memory_space<semaphore_mem>>) src(%dma_wait3A_658 : memref<10816x128xf32, #tpu.memory_space<hbm>>) dst(%dma_wait3A_652 : memref<64x128xf32, #tpu.memory_space<vmem>>)
      %dma_start3A_659 = arith.constant 2 : i32
      %dma_start3A_660 = arith.constant 2 : i32
      %dma_start3A_661 = arith.constant 0 : i32
      %dma_start3A_662 = arith.constant 0 : i32
      %dma_start3A_663 = tpu.memref_slice %arg8[%dma_start3A_659, %dma_start3A_661, %dma_start3A_662] : memref<3x64x128xf32, #tpu.memory_space<vmem>> -> memref<1x64x128xf32, #tpu.memory_space<vmem>>
      %dma_start3A_664 = tpu.memref_squeeze %dma_start3A_663 : memref<1x64x128xf32, #tpu.memory_space<vmem>> -> memref<64x128xf32, #tpu.memory_space<vmem>>
      %dma_start3A_665 = arith.constant 0 : i32
      %dma_start3A_666 = tpu.memref_slice %arg7[%dma_start3A_660, %dma_start3A_665] : memref<3x64xi32, #tpu.memory_space<vmem>> -> memref<1x64xi32, #tpu.memory_space<vmem>>
      %dma_start3A_667 = tpu.memref_squeeze %dma_start3A_666 : memref<1x64xi32, #tpu.memory_space<vmem>> -> memref<64xi32, #tpu.memory_space<vmem>>
      %dma_start3A_668 = arith.constant 0 : i32
      %dma_start3A_669 = arith.constant 0 : i32
      %dma_start3A_670 = tpu.memref_slice %arg9[%dma_start3A_668, %dma_start3A_669] : memref<10816x128xf32, #tpu.memory_space<vmem_shared>> -> memref<10816x128xf32, #tpu.memory_space<vmem_shared>>
      tpu.enqueue_indirect_dma source(%dma_start3A_664 : memref<64x128xf32, #tpu.memory_space<vmem>>) target(%dma_start3A_670 : memref<10816x128xf32, #tpu.memory_space<vmem_shared>>) offsets(%dma_start3A_667 : memref<64xi32, #tpu.memory_space<vmem>>) semaphore(%arg15 : memref<!tpu.dma_semaphore, #tpu.memory_space<semaphore_mem>>) {add = true}
      %dma_wait3A_671 = arith.constant 0 : i32
      %dma_wait3A_672 = arith.constant 0 : i32
      %dma_wait3A_673 = arith.constant 0 : i32
      %dma_wait3A_674 = arith.constant 0 : i32
      %dma_wait3A_675 = tpu.memref_slice %arg8[%dma_wait3A_671, %dma_wait3A_673, %dma_wait3A_674] : memref<3x64x128xf32, #tpu.memory_space<vmem>> -> memref<1x64x128xf32, #tpu.memory_space<vmem>>
      %dma_wait3A_676 = tpu.memref_squeeze %dma_wait3A_675 : memref<1x64x128xf32, #tpu.memory_space<vmem>> -> memref<64x128xf32, #tpu.memory_space<vmem>>
      %dma_wait3A_677 = arith.constant 0 : i32
      %dma_wait3A_678 = tpu.memref_slice %arg7[%dma_wait3A_672, %dma_wait3A_677] : memref<3x64xi32, #tpu.memory_space<vmem>> -> memref<1x64xi32, #tpu.memory_space<vmem>>
      %dma_wait3A_679 = tpu.memref_squeeze %dma_wait3A_678 : memref<1x64xi32, #tpu.memory_space<vmem>> -> memref<64xi32, #tpu.memory_space<vmem>>
      %dma_wait3A_680 = arith.constant 0 : i32
      %dma_wait3A_681 = arith.constant 0 : i32
      %dma_wait3A_682 = tpu.memref_slice %arg9[%dma_wait3A_680, %dma_wait3A_681] : memref<10816x128xf32, #tpu.memory_space<vmem_shared>> -> memref<10816x128xf32, #tpu.memory_space<vmem_shared>>
      tpu.wait_indirect_dma semaphore(%arg13 : memref<!tpu.dma_semaphore, #tpu.memory_space<semaphore_mem>>) src(%dma_wait3A_676 : memref<64x128xf32, #tpu.memory_space<vmem>>) dst(%dma_wait3A_682 : memref<10816x128xf32, #tpu.memory_space<vmem_shared>>)
      %add3A_683 = arith.constant 3 : i32
      %add3A_684 = arith.addi %mul3A_598, %add3A_683 : i32
      %add3A_685 = arith.constant 0 : i32
      %add3A_686 = arith.addi %add3A_684, %add3A_685 : i32
      %shift_right_logical3A_687 = arith.constant 1 : i32
      %shift_right_logical3A_688 = arith.shrui %add3A_686, %shift_right_logical3A_687 : i32
      %and3A_689 = arith.constant 1 : i32
      %and3A_690 = arith.andi %add3A_686, %and3A_689 : i32
      %mul3A_691 = arith.constant 64 : i32
      %mul3A_692 = arith.muli %and3A_690, %mul3A_691 : i32
      %add3A_693 = arith.constant 0 : i32
      %add3A_694 = arith.addi %mul3A_692, %add3A_693 : i32
      %get3A_695 = arith.index_cast %shift_right_logical3A_688 : i32 to index
      %get3A_696 = arith.index_cast %add3A_694 : i32 to index
      %get3A_697 = tpu.vector_load %arg5[%get3A_695, %get3A_696] {strides = array<i32>} : memref<85x128xi32, #tpu.memory_space<vmem>>, vector<1x16xi32>,
      %get3A_698 = vector.shape_cast %get3A_697 : vector<1x16xi32> to vector<16xi32>
      %and3A_699 = arith.andi %get3A_698, %broadcast_in_dim3A_1 : vector<16xi32>
      %swap3A_700 = arith.constant 0 : i32
      %swap3A_701 = arith.index_cast %swap3A_700 : i32 to index
      %swap3A_702 = arith.constant 0 : index
      %swap3A_703 = tpu.vector_load %arg6[%swap3A_701, %swap3A_702] {strides = array<i32>} : memref<3x64xi32, #tpu.memory_space<vmem>>, vector<1x16xi32>,
      %swap3A_704 = vector.shape_cast %swap3A_703 : vector<1x16xi32> to vector<16xi32>
      %swap3A_705 = vector.shape_cast %and3A_699 : vector<16xi32> to vector<1x16xi32>
      tpu.vector_store %arg6[%swap3A_701, %swap3A_702], %swap3A_705 {strides = array<i32>} : memref<3x64xi32, #tpu.memory_space<vmem>>, vector<1x16xi32>,
      %shift_right_logical3A_706 = arith.constant 16 : i32
      %shift_right_logical3A_707 = vector.broadcast %shift_right_logical3A_706 : i32 to vector<16xi32>
      %shift_right_logical3A_708 = arith.shrui %get3A_698, %shift_right_logical3A_707 : vector<16xi32>
      %swap3A_709 = arith.constant 0 : i32
      %swap3A_710 = arith.index_cast %swap3A_709 : i32 to index
      %swap3A_711 = arith.constant 0 : index
      %swap3A_712 = tpu.vector_load %arg7[%swap3A_710, %swap3A_711] {strides = array<i32>} : memref<3x64xi32, #tpu.memory_space<vmem>>, vector<1x16xi32>,
      %swap3A_713 = vector.shape_cast %swap3A_712 : vector<1x16xi32> to vector<16xi32>
      %swap3A_714 = vector.shape_cast %shift_right_logical3A_708 : vector<16xi32> to vector<1x16xi32>
      tpu.vector_store %arg7[%swap3A_710, %swap3A_711], %swap3A_714 {strides = array<i32>} : memref<3x64xi32, #tpu.memory_space<vmem>>, vector<1x16xi32>,
      %add3A_715 = arith.constant 16 : i32
      %add3A_716 = arith.addi %mul3A_692, %add3A_715 : i32
      %get3A_717 = arith.index_cast %shift_right_logical3A_688 : i32 to index
      %get3A_718 = arith.index_cast %add3A_716 : i32 to index
      %get3A_719 = tpu.vector_load %arg5[%get3A_717, %get3A_718] {strides = array<i32>} : memref<85x128xi32, #tpu.memory_space<vmem>>, vector<1x16xi32>,
      %get3A_720 = vector.shape_cast %get3A_719 : vector<1x16xi32> to vector<16xi32>
      %and3A_721 = arith.andi %get3A_720, %broadcast_in_dim3A_1 : vector<16xi32>
      %swap3A_722 = arith.constant 0 : i32
      %swap3A_723 = arith.index_cast %swap3A_722 : i32 to index
      %swap3A_724 = arith.constant 16 : index
      %swap3A_725 = tpu.vector_load %arg6[%swap3A_723, %swap3A_724] {strides = array<i32>} : memref<3x64xi32, #tpu.memory_space<vmem>>, vector<1x16xi32>,
      %swap3A_726 = vector.shape_cast %swap3A_725 : vector<1x16xi32> to vector<16xi32>
      %swap3A_727 = vector.shape_cast %and3A_721 : vector<16xi32> to vector<1x16xi32>
      tpu.vector_store %arg6[%swap3A_723, %swap3A_724], %swap3A_727 {strides = array<i32>} : memref<3x64xi32, #tpu.memory_space<vmem>>, vector<1x16xi32>,
      %shift_right_logical3A_728 = arith.constant 16 : i32
      %shift_right_logical3A_729 = vector.broadcast %shift_right_logical3A_728 : i32 to vector<16xi32>
      %shift_right_logical3A_730 = arith.shrui %get3A_720, %shift_right_logical3A_729 : vector<16xi32>
      %swap3A_731 = arith.constant 0 : i32
      %swap3A_732 = arith.index_cast %swap3A_731 : i32 to index
      %swap3A_733 = arith.constant 16 : index
      %swap3A_734 = tpu.vector_load %arg7[%swap3A_732, %swap3A_733] {strides = array<i32>} : memref<3x64xi32, #tpu.memory_space<vmem>>, vector<1x16xi32>,
      %swap3A_735 = vector.shape_cast %swap3A_734 : vector<1x16xi32> to vector<16xi32>
      %swap3A_736 = vector.shape_cast %shift_right_logical3A_730 : vector<16xi32> to vector<1x16xi32>
      tpu.vector_store %arg7[%swap3A_732, %swap3A_733], %swap3A_736 {strides = array<i32>} : memref<3x64xi32, #tpu.memory_space<vmem>>, vector<1x16xi32>,
      %add3A_737 = arith.constant 32 : i32
      %add3A_738 = arith.addi %mul3A_692, %add3A_737 : i32
      %get3A_739 = arith.index_cast %shift_right_logical3A_688 : i32 to index
      %get3A_740 = arith.index_cast %add3A_738 : i32 to index
      %get3A_741 = tpu.vector_load %arg5[%get3A_739, %get3A_740] {strides = array<i32>} : memref<85x128xi32, #tpu.memory_space<vmem>>, vector<1x16xi32>,
      %get3A_742 = vector.shape_cast %get3A_741 : vector<1x16xi32> to vector<16xi32>
      %and3A_743 = arith.andi %get3A_742, %broadcast_in_dim3A_1 : vector<16xi32>
      %swap3A_744 = arith.constant 0 : i32
      %swap3A_745 = arith.index_cast %swap3A_744 : i32 to index
      %swap3A_746 = arith.constant 32 : index
      %swap3A_747 = tpu.vector_load %arg6[%swap3A_745, %swap3A_746] {strides = array<i32>} : memref<3x64xi32, #tpu.memory_space<vmem>>, vector<1x16xi32>,
      %swap3A_748 = vector.shape_cast %swap3A_747 : vector<1x16xi32> to vector<16xi32>
      %swap3A_749 = vector.shape_cast %and3A_743 : vector<16xi32> to vector<1x16xi32>
      tpu.vector_store %arg6[%swap3A_745, %swap3A_746], %swap3A_749 {strides = array<i32>} : memref<3x64xi32, #tpu.memory_space<vmem>>, vector<1x16xi32>,
      %shift_right_logical3A_750 = arith.constant 16 : i32
      %shift_right_logical3A_751 = vector.broadcast %shift_right_logical3A_750 : i32 to vector<16xi32>
      %shift_right_logical3A_752 = arith.shrui %get3A_742, %shift_right_logical3A_751 : vector<16xi32>
      %swap3A_753 = arith.constant 0 : i32
      %swap3A_754 = arith.index_cast %swap3A_753 : i32 to index
      %swap3A_755 = arith.constant 32 : index
      %swap3A_756 = tpu.vector_load %arg7[%swap3A_754, %swap3A_755] {strides = array<i32>} : memref<3x64xi32, #tpu.memory_space<vmem>>, vector<1x16xi32>,
      %swap3A_757 = vector.shape_cast %swap3A_756 : vector<1x16xi32> to vector<16xi32>
      %swap3A_758 = vector.shape_cast %shift_right_logical3A_752 : vector<16xi32> to vector<1x16xi32>
      tpu.vector_store %arg7[%swap3A_754, %swap3A_755], %swap3A_758 {strides = array<i32>} : memref<3x64xi32, #tpu.memory_space<vmem>>, vector<1x16xi32>,
      %add3A_759 = arith.constant 48 : i32
      %add3A_760 = arith.addi %mul3A_692, %add3A_759 : i32
      %get3A_761 = arith.index_cast %shift_right_logical3A_688 : i32 to index
      %get3A_762 = arith.index_cast %add3A_760 : i32 to index
      %get3A_763 = tpu.vector_load %arg5[%get3A_761, %get3A_762] {strides = array<i32>} : memref<85x128xi32, #tpu.memory_space<vmem>>, vector<1x16xi32>,
      %get3A_764 = vector.shape_cast %get3A_763 : vector<1x16xi32> to vector<16xi32>
      %and3A_765 = arith.andi %get3A_764, %broadcast_in_dim3A_1 : vector<16xi32>
      %swap3A_766 = arith.constant 0 : i32
      %swap3A_767 = arith.index_cast %swap3A_766 : i32 to index
      %swap3A_768 = arith.constant 48 : index
      %swap3A_769 = tpu.vector_load %arg6[%swap3A_767, %swap3A_768] {strides = array<i32>} : memref<3x64xi32, #tpu.memory_space<vmem>>, vector<1x16xi32>,
      %swap3A_770 = vector.shape_cast %swap3A_769 : vector<1x16xi32> to vector<16xi32>
      %swap3A_771 = vector.shape_cast %and3A_765 : vector<16xi32> to vector<1x16xi32>
      tpu.vector_store %arg6[%swap3A_767, %swap3A_768], %swap3A_771 {strides = array<i32>} : memref<3x64xi32, #tpu.memory_space<vmem>>, vector<1x16xi32>,
      %shift_right_logical3A_772 = arith.constant 16 : i32
      %shift_right_logical3A_773 = vector.broadcast %shift_right_logical3A_772 : i32 to vector<16xi32>
      %shift_right_logical3A_774 = arith.shrui %get3A_764, %shift_right_logical3A_773 : vector<16xi32>
      %swap3A_775 = arith.constant 0 : i32
      %swap3A_776 = arith.index_cast %swap3A_775 : i32 to index
      %swap3A_777 = arith.constant 48 : index
      %swap3A_778 = tpu.vector_load %arg7[%swap3A_776, %swap3A_777] {strides = array<i32>} : memref<3x64xi32, #tpu.memory_space<vmem>>, vector<1x16xi32>,
      %swap3A_779 = vector.shape_cast %swap3A_778 : vector<1x16xi32> to vector<16xi32>
      %swap3A_780 = vector.shape_cast %shift_right_logical3A_774 : vector<16xi32> to vector<1x16xi32>
      tpu.vector_store %arg7[%swap3A_776, %swap3A_777], %swap3A_780 {strides = array<i32>} : memref<3x64xi32, #tpu.memory_space<vmem>>, vector<1x16xi32>,
      %dma_start3A_781 = arith.constant 0 : i32
      %dma_start3A_782 = arith.constant 0 : i32
      %dma_start3A_783 = arith.constant 0 : i32
      %dma_start3A_784 = arith.constant 0 : i32
      %dma_start3A_785 = tpu.memref_slice %arg8[%dma_start3A_782, %dma_start3A_783, %dma_start3A_784] : memref<3x64x128xf32, #tpu.memory_space<vmem>> -> memref<1x64x128xf32, #tpu.memory_space<vmem>>
      %dma_start3A_786 = tpu.memref_squeeze %dma_start3A_785 : memref<1x64x128xf32, #tpu.memory_space<vmem>> -> memref<64x128xf32, #tpu.memory_space<vmem>>
      %dma_start3A_787 = arith.constant 0 : i32
      %dma_start3A_788 = tpu.memref_slice %arg6[%dma_start3A_781, %dma_start3A_787] : memref<3x64xi32, #tpu.memory_space<vmem>> -> memref<1x64xi32, #tpu.memory_space<vmem>>
      %dma_start3A_789 = tpu.memref_squeeze %dma_start3A_788 : memref<1x64xi32, #tpu.memory_space<vmem>> -> memref<64xi32, #tpu.memory_space<vmem>>
      %dma_start3A_790 = arith.constant 0 : i32
      %dma_start3A_791 = arith.constant 0 : i32
      %dma_start3A_792 = tpu.memref_slice %arg2[%dma_start3A_790, %dma_start3A_791] : memref<10816x128xf32, #tpu.memory_space<hbm>> -> memref<10816x128xf32, #tpu.memory_space<hbm>>
      tpu.enqueue_indirect_dma source(%dma_start3A_792 : memref<10816x128xf32, #tpu.memory_space<hbm>>) target(%dma_start3A_786 : memref<64x128xf32, #tpu.memory_space<vmem>>) offsets(%dma_start3A_789 : memref<64xi32, #tpu.memory_space<vmem>>) semaphore(%arg10 : memref<!tpu.dma_semaphore, #tpu.memory_space<semaphore_mem>>)
      %dma_wait3A_793 = arith.constant 1 : i32
      %dma_wait3A_794 = arith.constant 1 : i32
      %dma_wait3A_795 = arith.constant 0 : i32
      %dma_wait3A_796 = arith.constant 0 : i32
      %dma_wait3A_797 = tpu.memref_slice %arg8[%dma_wait3A_793, %dma_wait3A_795, %dma_wait3A_796] : memref<3x64x128xf32, #tpu.memory_space<vmem>> -> memref<1x64x128xf32, #tpu.memory_space<vmem>>
      %dma_wait3A_798 = tpu.memref_squeeze %dma_wait3A_797 : memref<1x64x128xf32, #tpu.memory_space<vmem>> -> memref<64x128xf32, #tpu.memory_space<vmem>>
      %dma_wait3A_799 = arith.constant 0 : i32
      %dma_wait3A_800 = tpu.memref_slice %arg7[%dma_wait3A_794, %dma_wait3A_799] : memref<3x64xi32, #tpu.memory_space<vmem>> -> memref<1x64xi32, #tpu.memory_space<vmem>>
      %dma_wait3A_801 = tpu.memref_squeeze %dma_wait3A_800 : memref<1x64xi32, #tpu.memory_space<vmem>> -> memref<64xi32, #tpu.memory_space<vmem>>
      %dma_wait3A_802 = arith.constant 0 : i32
      %dma_wait3A_803 = arith.constant 0 : i32
      %dma_wait3A_804 = tpu.memref_slice %arg9[%dma_wait3A_802, %dma_wait3A_803] : memref<10816x128xf32, #tpu.memory_space<vmem_shared>> -> memref<10816x128xf32, #tpu.memory_space<vmem_shared>>
      tpu.wait_indirect_dma semaphore(%arg14 : memref<!tpu.dma_semaphore, #tpu.memory_space<semaphore_mem>>) src(%dma_wait3A_798 : memref<64x128xf32, #tpu.memory_space<vmem>>) dst(%dma_wait3A_804 : memref<10816x128xf32, #tpu.memory_space<vmem_shared>>)
      %add3A_805 = arith.constant 3 : i32
      %add3A_806 = arith.addi %mul3A_598, %add3A_805 : i32
      %add3A_807 = arith.constant 1 : i32
      %add3A_808 = arith.addi %add3A_806, %add3A_807 : i32
      %shift_right_logical3A_809 = arith.constant 1 : i32
      %shift_right_logical3A_810 = arith.shrui %add3A_808, %shift_right_logical3A_809 : i32
      %and3A_811 = arith.constant 1 : i32
      %and3A_812 = arith.andi %add3A_808, %and3A_811 : i32
      %mul3A_813 = arith.constant 64 : i32
      %mul3A_814 = arith.muli %and3A_812, %mul3A_813 : i32
      %add3A_815 = arith.constant 0 : i32
      %add3A_816 = arith.addi %mul3A_814, %add3A_815 : i32
      %get3A_817 = arith.index_cast %shift_right_logical3A_810 : i32 to index
      %get3A_818 = arith.index_cast %add3A_816 : i32 to index
      %get3A_819 = tpu.vector_load %arg5[%get3A_817, %get3A_818] {strides = array<i32>} : memref<85x128xi32, #tpu.memory_space<vmem>>, vector<1x16xi32>,
      %get3A_820 = vector.shape_cast %get3A_819 : vector<1x16xi32> to vector<16xi32>
      %and3A_821 = arith.andi %get3A_820, %broadcast_in_dim3A_1 : vector<16xi32>
      %swap3A_822 = arith.constant 1 : i32
      %swap3A_823 = arith.index_cast %swap3A_822 : i32 to index
      %swap3A_824 = arith.constant 0 : index
      %swap3A_825 = tpu.vector_load %arg6[%swap3A_823, %swap3A_824] {strides = array<i32>} : memref<3x64xi32, #tpu.memory_space<vmem>>, vector<1x16xi32>,
      %swap3A_826 = vector.shape_cast %swap3A_825 : vector<1x16xi32> to vector<16xi32>
      %swap3A_827 = vector.shape_cast %and3A_821 : vector<16xi32> to vector<1x16xi32>
      tpu.vector_store %arg6[%swap3A_823, %swap3A_824], %swap3A_827 {strides = array<i32>} : memref<3x64xi32, #tpu.memory_space<vmem>>, vector<1x16xi32>,
      %shift_right_logical3A_828 = arith.constant 16 : i32
      %shift_right_logical3A_829 = vector.broadcast %shift_right_logical3A_828 : i32 to vector<16xi32>
      %shift_right_logical3A_830 = arith.shrui %get3A_820, %shift_right_logical3A_829 : vector<16xi32>
      %swap3A_831 = arith.constant 1 : i32
      %swap3A_832 = arith.index_cast %swap3A_831 : i32 to index
      %swap3A_833 = arith.constant 0 : index
      %swap3A_834 = tpu.vector_load %arg7[%swap3A_832, %swap3A_833] {strides = array<i32>} : memref<3x64xi32, #tpu.memory_space<vmem>>, vector<1x16xi32>,
      %swap3A_835 = vector.shape_cast %swap3A_834 : vector<1x16xi32> to vector<16xi32>
      %swap3A_836 = vector.shape_cast %shift_right_logical3A_830 : vector<16xi32> to vector<1x16xi32>
      tpu.vector_store %arg7[%swap3A_832, %swap3A_833], %swap3A_836 {strides = array<i32>} : memref<3x64xi32, #tpu.memory_space<vmem>>, vector<1x16xi32>,
      %add3A_837 = arith.constant 16 : i32
      %add3A_838 = arith.addi %mul3A_814, %add3A_837 : i32
      %get3A_839 = arith.index_cast %shift_right_logical3A_810 : i32 to index
      %get3A_840 = arith.index_cast %add3A_838 : i32 to index
      %get3A_841 = tpu.vector_load %arg5[%get3A_839, %get3A_840] {strides = array<i32>} : memref<85x128xi32, #tpu.memory_space<vmem>>, vector<1x16xi32>,
      %get3A_842 = vector.shape_cast %get3A_841 : vector<1x16xi32> to vector<16xi32>
      %and3A_843 = arith.andi %get3A_842, %broadcast_in_dim3A_1 : vector<16xi32>
      %swap3A_844 = arith.constant 1 : i32
      %swap3A_845 = arith.index_cast %swap3A_844 : i32 to index
      %swap3A_846 = arith.constant 16 : index
      %swap3A_847 = tpu.vector_load %arg6[%swap3A_845, %swap3A_846] {strides = array<i32>} : memref<3x64xi32, #tpu.memory_space<vmem>>, vector<1x16xi32>,
      %swap3A_848 = vector.shape_cast %swap3A_847 : vector<1x16xi32> to vector<16xi32>
      %swap3A_849 = vector.shape_cast %and3A_843 : vector<16xi32> to vector<1x16xi32>
      tpu.vector_store %arg6[%swap3A_845, %swap3A_846], %swap3A_849 {strides = array<i32>} : memref<3x64xi32, #tpu.memory_space<vmem>>, vector<1x16xi32>,
      %shift_right_logical3A_850 = arith.constant 16 : i32
      %shift_right_logical3A_851 = vector.broadcast %shift_right_logical3A_850 : i32 to vector<16xi32>
      %shift_right_logical3A_852 = arith.shrui %get3A_842, %shift_right_logical3A_851 : vector<16xi32>
      %swap3A_853 = arith.constant 1 : i32
      %swap3A_854 = arith.index_cast %swap3A_853 : i32 to index
      %swap3A_855 = arith.constant 16 : index
      %swap3A_856 = tpu.vector_load %arg7[%swap3A_854, %swap3A_855] {strides = array<i32>} : memref<3x64xi32, #tpu.memory_space<vmem>>, vector<1x16xi32>,
      %swap3A_857 = vector.shape_cast %swap3A_856 : vector<1x16xi32> to vector<16xi32>
      %swap3A_858 = vector.shape_cast %shift_right_logical3A_852 : vector<16xi32> to vector<1x16xi32>
      tpu.vector_store %arg7[%swap3A_854, %swap3A_855], %swap3A_858 {strides = array<i32>} : memref<3x64xi32, #tpu.memory_space<vmem>>, vector<1x16xi32>,
      %add3A_859 = arith.constant 32 : i32
      %add3A_860 = arith.addi %mul3A_814, %add3A_859 : i32
      %get3A_861 = arith.index_cast %shift_right_logical3A_810 : i32 to index
      %get3A_862 = arith.index_cast %add3A_860 : i32 to index
      %get3A_863 = tpu.vector_load %arg5[%get3A_861, %get3A_862] {strides = array<i32>} : memref<85x128xi32, #tpu.memory_space<vmem>>, vector<1x16xi32>,
      %get3A_864 = vector.shape_cast %get3A_863 : vector<1x16xi32> to vector<16xi32>
      %and3A_865 = arith.andi %get3A_864, %broadcast_in_dim3A_1 : vector<16xi32>
      %swap3A_866 = arith.constant 1 : i32
      %swap3A_867 = arith.index_cast %swap3A_866 : i32 to index
      %swap3A_868 = arith.constant 32 : index
      %swap3A_869 = tpu.vector_load %arg6[%swap3A_867, %swap3A_868] {strides = array<i32>} : memref<3x64xi32, #tpu.memory_space<vmem>>, vector<1x16xi32>,
      %swap3A_870 = vector.shape_cast %swap3A_869 : vector<1x16xi32> to vector<16xi32>
      %swap3A_871 = vector.shape_cast %and3A_865 : vector<16xi32> to vector<1x16xi32>
      tpu.vector_store %arg6[%swap3A_867, %swap3A_868], %swap3A_871 {strides = array<i32>} : memref<3x64xi32, #tpu.memory_space<vmem>>, vector<1x16xi32>,
      %shift_right_logical3A_872 = arith.constant 16 : i32
      %shift_right_logical3A_873 = vector.broadcast %shift_right_logical3A_872 : i32 to vector<16xi32>
      %shift_right_logical3A_874 = arith.shrui %get3A_864, %shift_right_logical3A_873 : vector<16xi32>
      %swap3A_875 = arith.constant 1 : i32
      %swap3A_876 = arith.index_cast %swap3A_875 : i32 to index
      %swap3A_877 = arith.constant 32 : index
      %swap3A_878 = tpu.vector_load %arg7[%swap3A_876, %swap3A_877] {strides = array<i32>} : memref<3x64xi32, #tpu.memory_space<vmem>>, vector<1x16xi32>,
      %swap3A_879 = vector.shape_cast %swap3A_878 : vector<1x16xi32> to vector<16xi32>
      %swap3A_880 = vector.shape_cast %shift_right_logical3A_874 : vector<16xi32> to vector<1x16xi32>
      tpu.vector_store %arg7[%swap3A_876, %swap3A_877], %swap3A_880 {strides = array<i32>} : memref<3x64xi32, #tpu.memory_space<vmem>>, vector<1x16xi32>,
      %add3A_881 = arith.constant 48 : i32
      %add3A_882 = arith.addi %mul3A_814, %add3A_881 : i32
      %get3A_883 = arith.index_cast %shift_right_logical3A_810 : i32 to index
      %get3A_884 = arith.index_cast %add3A_882 : i32 to index
      %get3A_885 = tpu.vector_load %arg5[%get3A_883, %get3A_884] {strides = array<i32>} : memref<85x128xi32, #tpu.memory_space<vmem>>, vector<1x16xi32>,
      %get3A_886 = vector.shape_cast %get3A_885 : vector<1x16xi32> to vector<16xi32>
      %and3A_887 = arith.andi %get3A_886, %broadcast_in_dim3A_1 : vector<16xi32>
      %swap3A_888 = arith.constant 1 : i32
      %swap3A_889 = arith.index_cast %swap3A_888 : i32 to index
      %swap3A_890 = arith.constant 48 : index
      %swap3A_891 = tpu.vector_load %arg6[%swap3A_889, %swap3A_890] {strides = array<i32>} : memref<3x64xi32, #tpu.memory_space<vmem>>, vector<1x16xi32>,
      %swap3A_892 = vector.shape_cast %swap3A_891 : vector<1x16xi32> to vector<16xi32>
      %swap3A_893 = vector.shape_cast %and3A_887 : vector<16xi32> to vector<1x16xi32>
      tpu.vector_store %arg6[%swap3A_889, %swap3A_890], %swap3A_893 {strides = array<i32>} : memref<3x64xi32, #tpu.memory_space<vmem>>, vector<1x16xi32>,
      %shift_right_logical3A_894 = arith.constant 16 : i32
      %shift_right_logical3A_895 = vector.broadcast %shift_right_logical3A_894 : i32 to vector<16xi32>
      %shift_right_logical3A_896 = arith.shrui %get3A_886, %shift_right_logical3A_895 : vector<16xi32>
      %swap3A_897 = arith.constant 1 : i32
      %swap3A_898 = arith.index_cast %swap3A_897 : i32 to index
      %swap3A_899 = arith.constant 48 : index
      %swap3A_900 = tpu.vector_load %arg7[%swap3A_898, %swap3A_899] {strides = array<i32>} : memref<3x64xi32, #tpu.memory_space<vmem>>, vector<1x16xi32>,
      %swap3A_901 = vector.shape_cast %swap3A_900 : vector<1x16xi32> to vector<16xi32>
      %swap3A_902 = vector.shape_cast %shift_right_logical3A_896 : vector<16xi32> to vector<1x16xi32>
      tpu.vector_store %arg7[%swap3A_898, %swap3A_899], %swap3A_902 {strides = array<i32>} : memref<3x64xi32, #tpu.memory_space<vmem>>, vector<1x16xi32>,
      %dma_start3A_903 = arith.constant 1 : i32
      %dma_start3A_904 = arith.constant 1 : i32
      %dma_start3A_905 = arith.constant 0 : i32
      %dma_start3A_906 = arith.constant 0 : i32
      %dma_start3A_907 = tpu.memref_slice %arg8[%dma_start3A_904, %dma_start3A_905, %dma_start3A_906] : memref<3x64x128xf32, #tpu.memory_space<vmem>> -> memref<1x64x128xf32, #tpu.memory_space<vmem>>
      %dma_start3A_908 = tpu.memref_squeeze %dma_start3A_907 : memref<1x64x128xf32, #tpu.memory_space<vmem>> -> memref<64x128xf32, #tpu.memory_space<vmem>>
      %dma_start3A_909 = arith.constant 0 : i32
      %dma_start3A_910 = tpu.memref_slice %arg6[%dma_start3A_903, %dma_start3A_909] : memref<3x64xi32, #tpu.memory_space<vmem>> -> memref<1x64xi32, #tpu.memory_space<vmem>>
      %dma_start3A_911 = tpu.memref_squeeze %dma_start3A_910 : memref<1x64xi32, #tpu.memory_space<vmem>> -> memref<64xi32, #tpu.memory_space<vmem>>
      %dma_start3A_912 = arith.constant 0 : i32
      %dma_start3A_913 = arith.constant 0 : i32
      %dma_start3A_914 = tpu.memref_slice %arg2[%dma_start3A_912, %dma_start3A_913] : memref<10816x128xf32, #tpu.memory_space<hbm>> -> memref<10816x128xf32, #tpu.memory_space<hbm>>
      tpu.enqueue_indirect_dma source(%dma_start3A_914 : memref<10816x128xf32, #tpu.memory_space<hbm>>) target(%dma_start3A_908 : memref<64x128xf32, #tpu.memory_space<vmem>>) offsets(%dma_start3A_911 : memref<64xi32, #tpu.memory_space<vmem>>) semaphore(%arg11 : memref<!tpu.dma_semaphore, #tpu.memory_space<semaphore_mem>>)
      %dma_wait3A_915 = arith.constant 2 : i32
      %dma_wait3A_916 = arith.constant 2 : i32
      %dma_wait3A_917 = arith.constant 0 : i32
      %dma_wait3A_918 = arith.constant 0 : i32
      %dma_wait3A_919 = tpu.memref_slice %arg8[%dma_wait3A_915, %dma_wait3A_917, %dma_wait3A_918] : memref<3x64x128xf32, #tpu.memory_space<vmem>> -> memref<1x64x128xf32, #tpu.memory_space<vmem>>
      %dma_wait3A_920 = tpu.memref_squeeze %dma_wait3A_919 : memref<1x64x128xf32, #tpu.memory_space<vmem>> -> memref<64x128xf32, #tpu.memory_space<vmem>>
      %dma_wait3A_921 = arith.constant 0 : i32
      %dma_wait3A_922 = tpu.memref_slice %arg7[%dma_wait3A_916, %dma_wait3A_921] : memref<3x64xi32, #tpu.memory_space<vmem>> -> memref<1x64xi32, #tpu.memory_space<vmem>>
      %dma_wait3A_923 = tpu.memref_squeeze %dma_wait3A_922 : memref<1x64xi32, #tpu.memory_space<vmem>> -> memref<64xi32, #tpu.memory_space<vmem>>
      %dma_wait3A_924 = arith.constant 0 : i32
      %dma_wait3A_925 = arith.constant 0 : i32
      %dma_wait3A_926 = tpu.memref_slice %arg9[%dma_wait3A_924, %dma_wait3A_925] : memref<10816x128xf32, #tpu.memory_space<vmem_shared>> -> memref<10816x128xf32, #tpu.memory_space<vmem_shared>>
      tpu.wait_indirect_dma semaphore(%arg15 : memref<!tpu.dma_semaphore, #tpu.memory_space<semaphore_mem>>) src(%dma_wait3A_920 : memref<64x128xf32, #tpu.memory_space<vmem>>) dst(%dma_wait3A_926 : memref<10816x128xf32, #tpu.memory_space<vmem_shared>>)
      %add3A_927 = arith.constant 3 : i32
      %add3A_928 = arith.addi %mul3A_598, %add3A_927 : i32
      %add3A_929 = arith.constant 2 : i32
      %add3A_930 = arith.addi %add3A_928, %add3A_929 : i32
      %shift_right_logical3A_931 = arith.constant 1 : i32
      %shift_right_logical3A_932 = arith.shrui %add3A_930, %shift_right_logical3A_931 : i32
      %and3A_933 = arith.constant 1 : i32
      %and3A_934 = arith.andi %add3A_930, %and3A_933 : i32
      %mul3A_935 = arith.constant 64 : i32
      %mul3A_936 = arith.muli %and3A_934, %mul3A_935 : i32
      %add3A_937 = arith.constant 0 : i32
      %add3A_938 = arith.addi %mul3A_936, %add3A_937 : i32
      %get3A_939 = arith.index_cast %shift_right_logical3A_932 : i32 to index
      %get3A_940 = arith.index_cast %add3A_938 : i32 to index
      %get3A_941 = tpu.vector_load %arg5[%get3A_939, %get3A_940] {strides = array<i32>} : memref<85x128xi32, #tpu.memory_space<vmem>>, vector<1x16xi32>,
      %get3A_942 = vector.shape_cast %get3A_941 : vector<1x16xi32> to vector<16xi32>
      %and3A_943 = arith.andi %get3A_942, %broadcast_in_dim3A_1 : vector<16xi32>
      %swap3A_944 = arith.constant 2 : i32
      %swap3A_945 = arith.index_cast %swap3A_944 : i32 to index
      %swap3A_946 = arith.constant 0 : index
      %swap3A_947 = tpu.vector_load %arg6[%swap3A_945, %swap3A_946] {strides = array<i32>} : memref<3x64xi32, #tpu.memory_space<vmem>>, vector<1x16xi32>,
      %swap3A_948 = vector.shape_cast %swap3A_947 : vector<1x16xi32> to vector<16xi32>
      %swap3A_949 = vector.shape_cast %and3A_943 : vector<16xi32> to vector<1x16xi32>
      tpu.vector_store %arg6[%swap3A_945, %swap3A_946], %swap3A_949 {strides = array<i32>} : memref<3x64xi32, #tpu.memory_space<vmem>>, vector<1x16xi32>,
      %shift_right_logical3A_950 = arith.constant 16 : i32
      %shift_right_logical3A_951 = vector.broadcast %shift_right_logical3A_950 : i32 to vector<16xi32>
      %shift_right_logical3A_952 = arith.shrui %get3A_942, %shift_right_logical3A_951 : vector<16xi32>
      %swap3A_953 = arith.constant 2 : i32
      %swap3A_954 = arith.index_cast %swap3A_953 : i32 to index
      %swap3A_955 = arith.constant 0 : index
      %swap3A_956 = tpu.vector_load %arg7[%swap3A_954, %swap3A_955] {strides = array<i32>} : memref<3x64xi32, #tpu.memory_space<vmem>>, vector<1x16xi32>,
      %swap3A_957 = vector.shape_cast %swap3A_956 : vector<1x16xi32> to vector<16xi32>
      %swap3A_958 = vector.shape_cast %shift_right_logical3A_952 : vector<16xi32> to vector<1x16xi32>
      tpu.vector_store %arg7[%swap3A_954, %swap3A_955], %swap3A_958 {strides = array<i32>} : memref<3x64xi32, #tpu.memory_space<vmem>>, vector<1x16xi32>,
      %add3A_959 = arith.constant 16 : i32
      %add3A_960 = arith.addi %mul3A_936, %add3A_959 : i32
      %get3A_961 = arith.index_cast %shift_right_logical3A_932 : i32 to index
      %get3A_962 = arith.index_cast %add3A_960 : i32 to index
      %get3A_963 = tpu.vector_load %arg5[%get3A_961, %get3A_962] {strides = array<i32>} : memref<85x128xi32, #tpu.memory_space<vmem>>, vector<1x16xi32>,
      %get3A_964 = vector.shape_cast %get3A_963 : vector<1x16xi32> to vector<16xi32>
      %and3A_965 = arith.andi %get3A_964, %broadcast_in_dim3A_1 : vector<16xi32>
      %swap3A_966 = arith.constant 2 : i32
      %swap3A_967 = arith.index_cast %swap3A_966 : i32 to index
      %swap3A_968 = arith.constant 16 : index
      %swap3A_969 = tpu.vector_load %arg6[%swap3A_967, %swap3A_968] {strides = array<i32>} : memref<3x64xi32, #tpu.memory_space<vmem>>, vector<1x16xi32>,
      %swap3A_970 = vector.shape_cast %swap3A_969 : vector<1x16xi32> to vector<16xi32>
      %swap3A_971 = vector.shape_cast %and3A_965 : vector<16xi32> to vector<1x16xi32>
      tpu.vector_store %arg6[%swap3A_967, %swap3A_968], %swap3A_971 {strides = array<i32>} : memref<3x64xi32, #tpu.memory_space<vmem>>, vector<1x16xi32>,
      %shift_right_logical3A_972 = arith.constant 16 : i32
      %shift_right_logical3A_973 = vector.broadcast %shift_right_logical3A_972 : i32 to vector<16xi32>
      %shift_right_logical3A_974 = arith.shrui %get3A_964, %shift_right_logical3A_973 : vector<16xi32>
      %swap3A_975 = arith.constant 2 : i32
      %swap3A_976 = arith.index_cast %swap3A_975 : i32 to index
      %swap3A_977 = arith.constant 16 : index
      %swap3A_978 = tpu.vector_load %arg7[%swap3A_976, %swap3A_977] {strides = array<i32>} : memref<3x64xi32, #tpu.memory_space<vmem>>, vector<1x16xi32>,
      %swap3A_979 = vector.shape_cast %swap3A_978 : vector<1x16xi32> to vector<16xi32>
      %swap3A_980 = vector.shape_cast %shift_right_logical3A_974 : vector<16xi32> to vector<1x16xi32>
      tpu.vector_store %arg7[%swap3A_976, %swap3A_977], %swap3A_980 {strides = array<i32>} : memref<3x64xi32, #tpu.memory_space<vmem>>, vector<1x16xi32>,
      %add3A_981 = arith.constant 32 : i32
      %add3A_982 = arith.addi %mul3A_936, %add3A_981 : i32
      %get3A_983 = arith.index_cast %shift_right_logical3A_932 : i32 to index
      %get3A_984 = arith.index_cast %add3A_982 : i32 to index
      %get3A_985 = tpu.vector_load %arg5[%get3A_983, %get3A_984] {strides = array<i32>} : memref<85x128xi32, #tpu.memory_space<vmem>>, vector<1x16xi32>,
      %get3A_986 = vector.shape_cast %get3A_985 : vector<1x16xi32> to vector<16xi32>
      %and3A_987 = arith.andi %get3A_986, %broadcast_in_dim3A_1 : vector<16xi32>
      %swap3A_988 = arith.constant 2 : i32
      %swap3A_989 = arith.index_cast %swap3A_988 : i32 to index
      %swap3A_990 = arith.constant 32 : index
      %swap3A_991 = tpu.vector_load %arg6[%swap3A_989, %swap3A_990] {strides = array<i32>} : memref<3x64xi32, #tpu.memory_space<vmem>>, vector<1x16xi32>,
      %swap3A_992 = vector.shape_cast %swap3A_991 : vector<1x16xi32> to vector<16xi32>
      %swap3A_993 = vector.shape_cast %and3A_987 : vector<16xi32> to vector<1x16xi32>
      tpu.vector_store %arg6[%swap3A_989, %swap3A_990], %swap3A_993 {strides = array<i32>} : memref<3x64xi32, #tpu.memory_space<vmem>>, vector<1x16xi32>,
      %shift_right_logical3A_994 = arith.constant 16 : i32
      %shift_right_logical3A_995 = vector.broadcast %shift_right_logical3A_994 : i32 to vector<16xi32>
      %shift_right_logical3A_996 = arith.shrui %get3A_986, %shift_right_logical3A_995 : vector<16xi32>
      %swap3A_997 = arith.constant 2 : i32
      %swap3A_998 = arith.index_cast %swap3A_997 : i32 to index
      %swap3A_999 = arith.constant 32 : index
      %swap3A_1000 = tpu.vector_load %arg7[%swap3A_998, %swap3A_999] {strides = array<i32>} : memref<3x64xi32, #tpu.memory_space<vmem>>, vector<1x16xi32>,
      %swap3A_1001 = vector.shape_cast %swap3A_1000 : vector<1x16xi32> to vector<16xi32>
      %swap3A_1002 = vector.shape_cast %shift_right_logical3A_996 : vector<16xi32> to vector<1x16xi32>
      tpu.vector_store %arg7[%swap3A_998, %swap3A_999], %swap3A_1002 {strides = array<i32>} : memref<3x64xi32, #tpu.memory_space<vmem>>, vector<1x16xi32>,
      %add3A_1003 = arith.constant 48 : i32
      %add3A_1004 = arith.addi %mul3A_936, %add3A_1003 : i32
      %get3A_1005 = arith.index_cast %shift_right_logical3A_932 : i32 to index
      %get3A_1006 = arith.index_cast %add3A_1004 : i32 to index
      %get3A_1007 = tpu.vector_load %arg5[%get3A_1005, %get3A_1006] {strides = array<i32>} : memref<85x128xi32, #tpu.memory_space<vmem>>, vector<1x16xi32>,
      %get3A_1008 = vector.shape_cast %get3A_1007 : vector<1x16xi32> to vector<16xi32>
      %and3A_1009 = arith.andi %get3A_1008, %broadcast_in_dim3A_1 : vector<16xi32>
      %swap3A_1010 = arith.constant 2 : i32
      %swap3A_1011 = arith.index_cast %swap3A_1010 : i32 to index
      %swap3A_1012 = arith.constant 48 : index
      %swap3A_1013 = tpu.vector_load %arg6[%swap3A_1011, %swap3A_1012] {strides = array<i32>} : memref<3x64xi32, #tpu.memory_space<vmem>>, vector<1x16xi32>,
      %swap3A_1014 = vector.shape_cast %swap3A_1013 : vector<1x16xi32> to vector<16xi32>
      %swap3A_1015 = vector.shape_cast %and3A_1009 : vector<16xi32> to vector<1x16xi32>
      tpu.vector_store %arg6[%swap3A_1011, %swap3A_1012], %swap3A_1015 {strides = array<i32>} : memref<3x64xi32, #tpu.memory_space<vmem>>, vector<1x16xi32>,
      %shift_right_logical3A_1016 = arith.constant 16 : i32
      %shift_right_logical3A_1017 = vector.broadcast %shift_right_logical3A_1016 : i32 to vector<16xi32>
      %shift_right_logical3A_1018 = arith.shrui %get3A_1008, %shift_right_logical3A_1017 : vector<16xi32>
      %swap3A_1019 = arith.constant 2 : i32
      %swap3A_1020 = arith.index_cast %swap3A_1019 : i32 to index
      %swap3A_1021 = arith.constant 48 : index
      %swap3A_1022 = tpu.vector_load %arg7[%swap3A_1020, %swap3A_1021] {strides = array<i32>} : memref<3x64xi32, #tpu.memory_space<vmem>>, vector<1x16xi32>,
      %swap3A_1023 = vector.shape_cast %swap3A_1022 : vector<1x16xi32> to vector<16xi32>
      %swap3A_1024 = vector.shape_cast %shift_right_logical3A_1018 : vector<16xi32> to vector<1x16xi32>
      tpu.vector_store %arg7[%swap3A_1020, %swap3A_1021], %swap3A_1024 {strides = array<i32>} : memref<3x64xi32, #tpu.memory_space<vmem>>, vector<1x16xi32>,
      %dma_start3A_1025 = arith.constant 2 : i32
      %dma_start3A_1026 = arith.constant 2 : i32
      %dma_start3A_1027 = arith.constant 0 : i32
      %dma_start3A_1028 = arith.constant 0 : i32
      %dma_start3A_1029 = tpu.memref_slice %arg8[%dma_start3A_1026, %dma_start3A_1027, %dma_start3A_1028] : memref<3x64x128xf32, #tpu.memory_space<vmem>> -> memref<1x64x128xf32, #tpu.memory_space<vmem>>
      %dma_start3A_1030 = tpu.memref_squeeze %dma_start3A_1029 : memref<1x64x128xf32, #tpu.memory_space<vmem>> -> memref<64x128xf32, #tpu.memory_space<vmem>>
      %dma_start3A_1031 = arith.constant 0 : i32
      %dma_start3A_1032 = tpu.memref_slice %arg6[%dma_start3A_1025, %dma_start3A_1031] : memref<3x64xi32, #tpu.memory_space<vmem>> -> memref<1x64xi32, #tpu.memory_space<vmem>>
      %dma_start3A_1033 = tpu.memref_squeeze %dma_start3A_1032 : memref<1x64xi32, #tpu.memory_space<vmem>> -> memref<64xi32, #tpu.memory_space<vmem>>
      %dma_start3A_1034 = arith.constant 0 : i32
      %dma_start3A_1035 = arith.constant 0 : i32
      %dma_start3A_1036 = tpu.memref_slice %arg2[%dma_start3A_1034, %dma_start3A_1035] : memref<10816x128xf32, #tpu.memory_space<hbm>> -> memref<10816x128xf32, #tpu.memory_space<hbm>>
      tpu.enqueue_indirect_dma source(%dma_start3A_1036 : memref<10816x128xf32, #tpu.memory_space<hbm>>) target(%dma_start3A_1030 : memref<64x128xf32, #tpu.memory_space<vmem>>) offsets(%dma_start3A_1033 : memref<64xi32, #tpu.memory_space<vmem>>) semaphore(%arg12 : memref<!tpu.dma_semaphore, #tpu.memory_space<semaphore_mem>>)
    }
    %scan3A_334 = arith.constant 55 : i32
    %dma_wait3A = arith.constant 0 : i32
    %dma_wait3A_335 = arith.constant 0 : i32
    %dma_wait3A_336 = arith.constant 0 : i32
    %dma_wait3A_337 = arith.constant 0 : i32
    %dma_wait3A_338 = tpu.memref_slice %arg8[%dma_wait3A_335, %dma_wait3A_336, %dma_wait3A_337] : memref<3x64x128xf32, #tpu.memory_space<vmem>> -> memref<1x64x128xf32, #tpu.memory_space<vmem>>
    %dma_wait3A_339 = tpu.memref_squeeze %dma_wait3A_338 : memref<1x64x128xf32, #tpu.memory_space<vmem>> -> memref<64x128xf32, #tpu.memory_space<vmem>>
    %dma_wait3A_340 = arith.constant 0 : i32
    %dma_wait3A_341 = tpu.memref_slice %arg6[%dma_wait3A, %dma_wait3A_340] : memref<3x64xi32, #tpu.memory_space<vmem>> -> memref<1x64xi32, #tpu.memory_space<vmem>>
    %dma_wait3A_342 = tpu.memref_squeeze %dma_wait3A_341 : memref<1x64xi32, #tpu.memory_space<vmem>> -> memref<64xi32, #tpu.memory_space<vmem>>
    %dma_wait3A_343 = arith.constant 0 : i32
    %dma_wait3A_344 = arith.constant 0 : i32
    %dma_wait3A_345 = tpu.memref_slice %arg2[%dma_wait3A_343, %dma_wait3A_344] : memref<10816x128xf32, #tpu.memory_space<hbm>> -> memref<10816x128xf32, #tpu.memory_space<hbm>>
    tpu.wait_indirect_dma semaphore(%arg10 : memref<!tpu.dma_semaphore, #tpu.memory_space<semaphore_mem>>) src(%dma_wait3A_345 : memref<10816x128xf32, #tpu.memory_space<hbm>>) dst(%dma_wait3A_339 : memref<64x128xf32, #tpu.memory_space<vmem>>)
    %dma_start3A_346 = arith.constant 0 : i32
    %dma_start3A_347 = arith.constant 0 : i32
    %dma_start3A_348 = arith.constant 0 : i32
    %dma_start3A_349 = arith.constant 0 : i32
    %dma_start3A_350 = tpu.memref_slice %arg8[%dma_start3A_346, %dma_start3A_348, %dma_start3A_349] : memref<3x64x128xf32, #tpu.memory_space<vmem>> -> memref<1x64x128xf32, #tpu.memory_space<vmem>>
    %dma_start3A_351 = tpu.memref_squeeze %dma_start3A_350 : memref<1x64x128xf32, #tpu.memory_space<vmem>> -> memref<64x128xf32, #tpu.memory_space<vmem>>
    %dma_start3A_352 = arith.constant 0 : i32
    %dma_start3A_353 = tpu.memref_slice %arg7[%dma_start3A_347, %dma_start3A_352] : memref<3x64xi32, #tpu.memory_space<vmem>> -> memref<1x64xi32, #tpu.memory_space<vmem>>
    %dma_start3A_354 = tpu.memref_squeeze %dma_start3A_353 : memref<1x64xi32, #tpu.memory_space<vmem>> -> memref<64xi32, #tpu.memory_space<vmem>>
    %dma_start3A_355 = arith.constant 0 : i32
    %dma_start3A_356 = arith.constant 0 : i32
    %dma_start3A_357 = tpu.memref_slice %arg9[%dma_start3A_355, %dma_start3A_356] : memref<10816x128xf32, #tpu.memory_space<vmem_shared>> -> memref<10816x128xf32, #tpu.memory_space<vmem_shared>>
    tpu.enqueue_indirect_dma source(%dma_start3A_351 : memref<64x128xf32, #tpu.memory_space<vmem>>) target(%dma_start3A_357 : memref<10816x128xf32, #tpu.memory_space<vmem_shared>>) offsets(%dma_start3A_354 : memref<64xi32, #tpu.memory_space<vmem>>) semaphore(%arg13 : memref<!tpu.dma_semaphore, #tpu.memory_space<semaphore_mem>>) {add = true}
    %dma_wait3A_358 = arith.constant 1 : i32
    %dma_wait3A_359 = arith.constant 1 : i32
    %dma_wait3A_360 = arith.constant 0 : i32
    %dma_wait3A_361 = arith.constant 0 : i32
    %dma_wait3A_362 = tpu.memref_slice %arg8[%dma_wait3A_359, %dma_wait3A_360, %dma_wait3A_361] : memref<3x64x128xf32, #tpu.memory_space<vmem>> -> memref<1x64x128xf32, #tpu.memory_space<vmem>>
    %dma_wait3A_363 = tpu.memref_squeeze %dma_wait3A_362 : memref<1x64x128xf32, #tpu.memory_space<vmem>> -> memref<64x128xf32, #tpu.memory_space<vmem>>
    %dma_wait3A_364 = arith.constant 0 : i32
    %dma_wait3A_365 = tpu.memref_slice %arg6[%dma_wait3A_358, %dma_wait3A_364] : memref<3x64xi32, #tpu.memory_space<vmem>> -> memref<1x64xi32, #tpu.memory_space<vmem>>
    %dma_wait3A_366 = tpu.memref_squeeze %dma_wait3A_365 : memref<1x64xi32, #tpu.memory_space<vmem>> -> memref<64xi32, #tpu.memory_space<vmem>>
    %dma_wait3A_367 = arith.constant 0 : i32
    %dma_wait3A_368 = arith.constant 0 : i32
    %dma_wait3A_369 = tpu.memref_slice %arg2[%dma_wait3A_367, %dma_wait3A_368] : memref<10816x128xf32, #tpu.memory_space<hbm>> -> memref<10816x128xf32, #tpu.memory_space<hbm>>
    tpu.wait_indirect_dma semaphore(%arg11 : memref<!tpu.dma_semaphore, #tpu.memory_space<semaphore_mem>>) src(%dma_wait3A_369 : memref<10816x128xf32, #tpu.memory_space<hbm>>) dst(%dma_wait3A_363 : memref<64x128xf32, #tpu.memory_space<vmem>>)
    %dma_start3A_370 = arith.constant 1 : i32
    %dma_start3A_371 = arith.constant 1 : i32
    %dma_start3A_372 = arith.constant 0 : i32
    %dma_start3A_373 = arith.constant 0 : i32
    %dma_start3A_374 = tpu.memref_slice %arg8[%dma_start3A_370, %dma_start3A_372, %dma_start3A_373] : memref<3x64x128xf32, #tpu.memory_space<vmem>> -> memref<1x64x128xf32, #tpu.memory_space<vmem>>
    %dma_start3A_375 = tpu.memref_squeeze %dma_start3A_374 : memref<1x64x128xf32, #tpu.memory_space<vmem>> -> memref<64x128xf32, #tpu.memory_space<vmem>>
    %dma_start3A_376 = arith.constant 0 : i32
    %dma_start3A_377 = tpu.memref_slice %arg7[%dma_start3A_371, %dma_start3A_376] : memref<3x64xi32, #tpu.memory_space<vmem>> -> memref<1x64xi32, #tpu.memory_space<vmem>>
    %dma_start3A_378 = tpu.memref_squeeze %dma_start3A_377 : memref<1x64xi32, #tpu.memory_space<vmem>> -> memref<64xi32, #tpu.memory_space<vmem>>
    %dma_start3A_379 = arith.constant 0 : i32
    %dma_start3A_380 = arith.constant 0 : i32
    %dma_start3A_381 = tpu.memref_slice %arg9[%dma_start3A_379, %dma_start3A_380] : memref<10816x128xf32, #tpu.memory_space<vmem_shared>> -> memref<10816x128xf32, #tpu.memory_space<vmem_shared>>
    tpu.enqueue_indirect_dma source(%dma_start3A_375 : memref<64x128xf32, #tpu.memory_space<vmem>>) target(%dma_start3A_381 : memref<10816x128xf32, #tpu.memory_space<vmem_shared>>) offsets(%dma_start3A_378 : memref<64xi32, #tpu.memory_space<vmem>>) semaphore(%arg14 : memref<!tpu.dma_semaphore, #tpu.memory_space<semaphore_mem>>) {add = true}
    %dma_wait3A_382 = arith.constant 2 : i32
    %dma_wait3A_383 = arith.constant 2 : i32
    %dma_wait3A_384 = arith.constant 0 : i32
    %dma_wait3A_385 = arith.constant 0 : i32
    %dma_wait3A_386 = tpu.memref_slice %arg8[%dma_wait3A_383, %dma_wait3A_384, %dma_wait3A_385] : memref<3x64x128xf32, #tpu.memory_space<vmem>> -> memref<1x64x128xf32, #tpu.memory_space<vmem>>
    %dma_wait3A_387 = tpu.memref_squeeze %dma_wait3A_386 : memref<1x64x128xf32, #tpu.memory_space<vmem>> -> memref<64x128xf32, #tpu.memory_space<vmem>>
    %dma_wait3A_388 = arith.constant 0 : i32
    %dma_wait3A_389 = tpu.memref_slice %arg6[%dma_wait3A_382, %dma_wait3A_388] : memref<3x64xi32, #tpu.memory_space<vmem>> -> memref<1x64xi32, #tpu.memory_space<vmem>>
    %dma_wait3A_390 = tpu.memref_squeeze %dma_wait3A_389 : memref<1x64xi32, #tpu.memory_space<vmem>> -> memref<64xi32, #tpu.memory_space<vmem>>
    %dma_wait3A_391 = arith.constant 0 : i32
    %dma_wait3A_392 = arith.constant 0 : i32
    %dma_wait3A_393 = tpu.memref_slice %arg2[%dma_wait3A_391, %dma_wait3A_392] : memref<10816x128xf32, #tpu.memory_space<hbm>> -> memref<10816x128xf32, #tpu.memory_space<hbm>>
    tpu.wait_indirect_dma semaphore(%arg12 : memref<!tpu.dma_semaphore, #tpu.memory_space<semaphore_mem>>) src(%dma_wait3A_393 : memref<10816x128xf32, #tpu.memory_space<hbm>>) dst(%dma_wait3A_387 : memref<64x128xf32, #tpu.memory_space<vmem>>)
    %dma_start3A_394 = arith.constant 2 : i32
    %dma_start3A_395 = arith.constant 2 : i32
    %dma_start3A_396 = arith.constant 0 : i32
    %dma_start3A_397 = arith.constant 0 : i32
    %dma_start3A_398 = tpu.memref_slice %arg8[%dma_start3A_394, %dma_start3A_396, %dma_start3A_397] : memref<3x64x128xf32, #tpu.memory_space<vmem>> -> memref<1x64x128xf32, #tpu.memory_space<vmem>>
    %dma_start3A_399 = tpu.memref_squeeze %dma_start3A_398 : memref<1x64x128xf32, #tpu.memory_space<vmem>> -> memref<64x128xf32, #tpu.memory_space<vmem>>
    %dma_start3A_400 = arith.constant 0 : i32
    %dma_start3A_401 = tpu.memref_slice %arg7[%dma_start3A_395, %dma_start3A_400] : memref<3x64xi32, #tpu.memory_space<vmem>> -> memref<1x64xi32, #tpu.memory_space<vmem>>
    %dma_start3A_402 = tpu.memref_squeeze %dma_start3A_401 : memref<1x64xi32, #tpu.memory_space<vmem>> -> memref<64xi32, #tpu.memory_space<vmem>>
    %dma_start3A_403 = arith.constant 0 : i32
    %dma_start3A_404 = arith.constant 0 : i32
    %dma_start3A_405 = tpu.memref_slice %arg9[%dma_start3A_403, %dma_start3A_404] : memref<10816x128xf32, #tpu.memory_space<vmem_shared>> -> memref<10816x128xf32, #tpu.memory_space<vmem_shared>>
    tpu.enqueue_indirect_dma source(%dma_start3A_399 : memref<64x128xf32, #tpu.memory_space<vmem>>) target(%dma_start3A_405 : memref<10816x128xf32, #tpu.memory_space<vmem_shared>>) offsets(%dma_start3A_402 : memref<64xi32, #tpu.memory_space<vmem>>) semaphore(%arg15 : memref<!tpu.dma_semaphore, #tpu.memory_space<semaphore_mem>>) {add = true}
    %dma_wait3A_406 = arith.constant 0 : i32
    %dma_wait3A_407 = arith.constant 0 : i32
    %dma_wait3A_408 = arith.constant 0 : i32
    %dma_wait3A_409 = arith.constant 0 : i32
    %dma_wait3A_410 = tpu.memref_slice %arg8[%dma_wait3A_406, %dma_wait3A_408, %dma_wait3A_409] : memref<3x64x128xf32, #tpu.memory_space<vmem>> -> memref<1x64x128xf32, #tpu.memory_space<vmem>>
    %dma_wait3A_411 = tpu.memref_squeeze %dma_wait3A_410 : memref<1x64x128xf32, #tpu.memory_space<vmem>> -> memref<64x128xf32, #tpu.memory_space<vmem>>
    %dma_wait3A_412 = arith.constant 0 : i32
    %dma_wait3A_413 = tpu.memref_slice %arg7[%dma_wait3A_407, %dma_wait3A_412] : memref<3x64xi32, #tpu.memory_space<vmem>> -> memref<1x64xi32, #tpu.memory_space<vmem>>
    %dma_wait3A_414 = tpu.memref_squeeze %dma_wait3A_413 : memref<1x64xi32, #tpu.memory_space<vmem>> -> memref<64xi32, #tpu.memory_space<vmem>>
    %dma_wait3A_415 = arith.constant 0 : i32
    %dma_wait3A_416 = arith.constant 0 : i32
    %dma_wait3A_417 = tpu.memref_slice %arg9[%dma_wait3A_415, %dma_wait3A_416] : memref<10816x128xf32, #tpu.memory_space<vmem_shared>> -> memref<10816x128xf32, #tpu.memory_space<vmem_shared>>
    tpu.wait_indirect_dma semaphore(%arg13 : memref<!tpu.dma_semaphore, #tpu.memory_space<semaphore_mem>>) src(%dma_wait3A_411 : memref<64x128xf32, #tpu.memory_space<vmem>>) dst(%dma_wait3A_417 : memref<10816x128xf32, #tpu.memory_space<vmem_shared>>)
    %shift_right_logical3A_418 = arith.constant 168 : i32
    %shift_right_logical3A_419 = arith.constant 1 : i32
    %shift_right_logical3A_420 = arith.shrui %shift_right_logical3A_418, %shift_right_logical3A_419 : i32
    %and3A_421 = arith.constant 168 : i32
    %and3A_422 = arith.constant 1 : i32
    %and3A_423 = arith.andi %and3A_421, %and3A_422 : i32
    %mul3A_424 = arith.constant 64 : i32
    %mul3A_425 = arith.muli %and3A_423, %mul3A_424 : i32
    %add3A_426 = arith.constant 0 : i32
    %add3A_427 = arith.addi %mul3A_425, %add3A_426 : i32
    %get3A_428 = arith.index_cast %shift_right_logical3A_420 : i32 to index
    %get3A_429 = arith.index_cast %add3A_427 : i32 to index
    %get3A_430 = tpu.vector_load %arg5[%get3A_428, %get3A_429] {strides = array<i32>} : memref<85x128xi32, #tpu.memory_space<vmem>>, vector<1x16xi32>,
    %get3A_431 = vector.shape_cast %get3A_430 : vector<1x16xi32> to vector<16xi32>
    %and3A_432 = arith.andi %get3A_431, %broadcast_in_dim3A_1 : vector<16xi32>
    %swap3A_433 = arith.constant 0 : i32
    %swap3A_434 = arith.index_cast %swap3A_433 : i32 to index
    %swap3A_435 = arith.constant 0 : index
    %swap3A_436 = tpu.vector_load %arg6[%swap3A_434, %swap3A_435] {strides = array<i32>} : memref<3x64xi32, #tpu.memory_space<vmem>>, vector<1x16xi32>,
    %swap3A_437 = vector.shape_cast %swap3A_436 : vector<1x16xi32> to vector<16xi32>
    %swap3A_438 = vector.shape_cast %and3A_432 : vector<16xi32> to vector<1x16xi32>
    tpu.vector_store %arg6[%swap3A_434, %swap3A_435], %swap3A_438 {strides = array<i32>} : memref<3x64xi32, #tpu.memory_space<vmem>>, vector<1x16xi32>,
    %shift_right_logical3A_439 = arith.constant 16 : i32
    %shift_right_logical3A_440 = vector.broadcast %shift_right_logical3A_439 : i32 to vector<16xi32>
    %shift_right_logical3A_441 = arith.shrui %get3A_431, %shift_right_logical3A_440 : vector<16xi32>
    %swap3A_442 = arith.constant 0 : i32
    %swap3A_443 = arith.index_cast %swap3A_442 : i32 to index
    %swap3A_444 = arith.constant 0 : index
    %swap3A_445 = tpu.vector_load %arg7[%swap3A_443, %swap3A_444] {strides = array<i32>} : memref<3x64xi32, #tpu.memory_space<vmem>>, vector<1x16xi32>,
    %swap3A_446 = vector.shape_cast %swap3A_445 : vector<1x16xi32> to vector<16xi32>
    %swap3A_447 = vector.shape_cast %shift_right_logical3A_441 : vector<16xi32> to vector<1x16xi32>
    tpu.vector_store %arg7[%swap3A_443, %swap3A_444], %swap3A_447 {strides = array<i32>} : memref<3x64xi32, #tpu.memory_space<vmem>>, vector<1x16xi32>,
    %add3A_448 = arith.constant 16 : i32
    %add3A_449 = arith.addi %mul3A_425, %add3A_448 : i32
    %get3A_450 = arith.index_cast %shift_right_logical3A_420 : i32 to index
    %get3A_451 = arith.index_cast %add3A_449 : i32 to index
    %get3A_452 = tpu.vector_load %arg5[%get3A_450, %get3A_451] {strides = array<i32>} : memref<85x128xi32, #tpu.memory_space<vmem>>, vector<1x16xi32>,
    %get3A_453 = vector.shape_cast %get3A_452 : vector<1x16xi32> to vector<16xi32>
    %and3A_454 = arith.andi %get3A_453, %broadcast_in_dim3A_1 : vector<16xi32>
    %swap3A_455 = arith.constant 0 : i32
    %swap3A_456 = arith.index_cast %swap3A_455 : i32 to index
    %swap3A_457 = arith.constant 16 : index
    %swap3A_458 = tpu.vector_load %arg6[%swap3A_456, %swap3A_457] {strides = array<i32>} : memref<3x64xi32, #tpu.memory_space<vmem>>, vector<1x16xi32>,
    %swap3A_459 = vector.shape_cast %swap3A_458 : vector<1x16xi32> to vector<16xi32>
    %swap3A_460 = vector.shape_cast %and3A_454 : vector<16xi32> to vector<1x16xi32>
    tpu.vector_store %arg6[%swap3A_456, %swap3A_457], %swap3A_460 {strides = array<i32>} : memref<3x64xi32, #tpu.memory_space<vmem>>, vector<1x16xi32>,
    %shift_right_logical3A_461 = arith.constant 16 : i32
    %shift_right_logical3A_462 = vector.broadcast %shift_right_logical3A_461 : i32 to vector<16xi32>
    %shift_right_logical3A_463 = arith.shrui %get3A_453, %shift_right_logical3A_462 : vector<16xi32>
    %swap3A_464 = arith.constant 0 : i32
    %swap3A_465 = arith.index_cast %swap3A_464 : i32 to index
    %swap3A_466 = arith.constant 16 : index
    %swap3A_467 = tpu.vector_load %arg7[%swap3A_465, %swap3A_466] {strides = array<i32>} : memref<3x64xi32, #tpu.memory_space<vmem>>, vector<1x16xi32>,
    %swap3A_468 = vector.shape_cast %swap3A_467 : vector<1x16xi32> to vector<16xi32>
    %swap3A_469 = vector.shape_cast %shift_right_logical3A_463 : vector<16xi32> to vector<1x16xi32>
    tpu.vector_store %arg7[%swap3A_465, %swap3A_466], %swap3A_469 {strides = array<i32>} : memref<3x64xi32, #tpu.memory_space<vmem>>, vector<1x16xi32>,
    %add3A_470 = arith.constant 32 : i32
    %add3A_471 = arith.addi %mul3A_425, %add3A_470 : i32
    %get3A_472 = arith.index_cast %shift_right_logical3A_420 : i32 to index
    %get3A_473 = arith.index_cast %add3A_471 : i32 to index
    %get3A_474 = tpu.vector_load %arg5[%get3A_472, %get3A_473] {strides = array<i32>} : memref<85x128xi32, #tpu.memory_space<vmem>>, vector<1x16xi32>,
    %get3A_475 = vector.shape_cast %get3A_474 : vector<1x16xi32> to vector<16xi32>
    %and3A_476 = arith.andi %get3A_475, %broadcast_in_dim3A_1 : vector<16xi32>
    %swap3A_477 = arith.constant 0 : i32
    %swap3A_478 = arith.index_cast %swap3A_477 : i32 to index
    %swap3A_479 = arith.constant 32 : index
    %swap3A_480 = tpu.vector_load %arg6[%swap3A_478, %swap3A_479] {strides = array<i32>} : memref<3x64xi32, #tpu.memory_space<vmem>>, vector<1x16xi32>,
    %swap3A_481 = vector.shape_cast %swap3A_480 : vector<1x16xi32> to vector<16xi32>
    %swap3A_482 = vector.shape_cast %and3A_476 : vector<16xi32> to vector<1x16xi32>
    tpu.vector_store %arg6[%swap3A_478, %swap3A_479], %swap3A_482 {strides = array<i32>} : memref<3x64xi32, #tpu.memory_space<vmem>>, vector<1x16xi32>,
    %shift_right_logical3A_483 = arith.constant 16 : i32
    %shift_right_logical3A_484 = vector.broadcast %shift_right_logical3A_483 : i32 to vector<16xi32>
    %shift_right_logical3A_485 = arith.shrui %get3A_475, %shift_right_logical3A_484 : vector<16xi32>
    %swap3A_486 = arith.constant 0 : i32
    %swap3A_487 = arith.index_cast %swap3A_486 : i32 to index
    %swap3A_488 = arith.constant 32 : index
    %swap3A_489 = tpu.vector_load %arg7[%swap3A_487, %swap3A_488] {strides = array<i32>} : memref<3x64xi32, #tpu.memory_space<vmem>>, vector<1x16xi32>,
    %swap3A_490 = vector.shape_cast %swap3A_489 : vector<1x16xi32> to vector<16xi32>
    %swap3A_491 = vector.shape_cast %shift_right_logical3A_485 : vector<16xi32> to vector<1x16xi32>
    tpu.vector_store %arg7[%swap3A_487, %swap3A_488], %swap3A_491 {strides = array<i32>} : memref<3x64xi32, #tpu.memory_space<vmem>>, vector<1x16xi32>,
    %add3A_492 = arith.constant 48 : i32
    %add3A_493 = arith.addi %mul3A_425, %add3A_492 : i32
    %get3A_494 = arith.index_cast %shift_right_logical3A_420 : i32 to index
    %get3A_495 = arith.index_cast %add3A_493 : i32 to index
    %get3A_496 = tpu.vector_load %arg5[%get3A_494, %get3A_495] {strides = array<i32>} : memref<85x128xi32, #tpu.memory_space<vmem>>, vector<1x16xi32>,
    %get3A_497 = vector.shape_cast %get3A_496 : vector<1x16xi32> to vector<16xi32>
    %and3A_498 = arith.andi %get3A_497, %broadcast_in_dim3A_1 : vector<16xi32>
    %swap3A_499 = arith.constant 0 : i32
    %swap3A_500 = arith.index_cast %swap3A_499 : i32 to index
    %swap3A_501 = arith.constant 48 : index
    %swap3A_502 = tpu.vector_load %arg6[%swap3A_500, %swap3A_501] {strides = array<i32>} : memref<3x64xi32, #tpu.memory_space<vmem>>, vector<1x16xi32>,
    %swap3A_503 = vector.shape_cast %swap3A_502 : vector<1x16xi32> to vector<16xi32>
    %swap3A_504 = vector.shape_cast %and3A_498 : vector<16xi32> to vector<1x16xi32>
    tpu.vector_store %arg6[%swap3A_500, %swap3A_501], %swap3A_504 {strides = array<i32>} : memref<3x64xi32, #tpu.memory_space<vmem>>, vector<1x16xi32>,
    %shift_right_logical3A_505 = arith.constant 16 : i32
    %shift_right_logical3A_506 = vector.broadcast %shift_right_logical3A_505 : i32 to vector<16xi32>
    %shift_right_logical3A_507 = arith.shrui %get3A_497, %shift_right_logical3A_506 : vector<16xi32>
    %swap3A_508 = arith.constant 0 : i32
    %swap3A_509 = arith.index_cast %swap3A_508 : i32 to index
    %swap3A_510 = arith.constant 48 : index
    %swap3A_511 = tpu.vector_load %arg7[%swap3A_509, %swap3A_510] {strides = array<i32>} : memref<3x64xi32, #tpu.memory_space<vmem>>, vector<1x16xi32>,
    %swap3A_512 = vector.shape_cast %swap3A_511 : vector<1x16xi32> to vector<16xi32>
    %swap3A_513 = vector.shape_cast %shift_right_logical3A_507 : vector<16xi32> to vector<1x16xi32>
    tpu.vector_store %arg7[%swap3A_509, %swap3A_510], %swap3A_513 {strides = array<i32>} : memref<3x64xi32, #tpu.memory_space<vmem>>, vector<1x16xi32>,
    %dma_start3A_514 = arith.constant 0 : i32
    %dma_start3A_515 = arith.constant 0 : i32
    %dma_start3A_516 = arith.constant 0 : i32
    %dma_start3A_517 = arith.constant 0 : i32
    %dma_start3A_518 = tpu.memref_slice %arg8[%dma_start3A_515, %dma_start3A_516, %dma_start3A_517] : memref<3x64x128xf32, #tpu.memory_space<vmem>> -> memref<1x64x128xf32, #tpu.memory_space<vmem>>
    %dma_start3A_519 = tpu.memref_squeeze %dma_start3A_518 : memref<1x64x128xf32, #tpu.memory_space<vmem>> -> memref<64x128xf32, #tpu.memory_space<vmem>>
    %dma_start3A_520 = arith.constant 0 : i32
    %dma_start3A_521 = tpu.memref_slice %arg6[%dma_start3A_514, %dma_start3A_520] : memref<3x64xi32, #tpu.memory_space<vmem>> -> memref<1x64xi32, #tpu.memory_space<vmem>>
    %dma_start3A_522 = tpu.memref_squeeze %dma_start3A_521 : memref<1x64xi32, #tpu.memory_space<vmem>> -> memref<64xi32, #tpu.memory_space<vmem>>
    %dma_start3A_523 = arith.constant 0 : i32
    %dma_start3A_524 = arith.constant 0 : i32
    %dma_start3A_525 = tpu.memref_slice %arg2[%dma_start3A_523, %dma_start3A_524] : memref<10816x128xf32, #tpu.memory_space<hbm>> -> memref<10816x128xf32, #tpu.memory_space<hbm>>
    tpu.enqueue_indirect_dma source(%dma_start3A_525 : memref<10816x128xf32, #tpu.memory_space<hbm>>) target(%dma_start3A_519 : memref<64x128xf32, #tpu.memory_space<vmem>>) offsets(%dma_start3A_522 : memref<64xi32, #tpu.memory_space<vmem>>) semaphore(%arg10 : memref<!tpu.dma_semaphore, #tpu.memory_space<semaphore_mem>>)
    %dma_wait3A_526 = arith.constant 0 : i32
    %dma_wait3A_527 = arith.constant 0 : i32
    %dma_wait3A_528 = arith.constant 0 : i32
    %dma_wait3A_529 = arith.constant 0 : i32
    %dma_wait3A_530 = tpu.memref_slice %arg8[%dma_wait3A_527, %dma_wait3A_528, %dma_wait3A_529] : memref<3x64x128xf32, #tpu.memory_space<vmem>> -> memref<1x64x128xf32, #tpu.memory_space<vmem>>
    %dma_wait3A_531 = tpu.memref_squeeze %dma_wait3A_530 : memref<1x64x128xf32, #tpu.memory_space<vmem>> -> memref<64x128xf32, #tpu.memory_space<vmem>>
    %dma_wait3A_532 = arith.constant 0 : i32
    %dma_wait3A_533 = tpu.memref_slice %arg6[%dma_wait3A_526, %dma_wait3A_532] : memref<3x64xi32, #tpu.memory_space<vmem>> -> memref<1x64xi32, #tpu.memory_space<vmem>>
    %dma_wait3A_534 = tpu.memref_squeeze %dma_wait3A_533 : memref<1x64xi32, #tpu.memory_space<vmem>> -> memref<64xi32, #tpu.memory_space<vmem>>
    %dma_wait3A_535 = arith.constant 0 : i32
    %dma_wait3A_536 = arith.constant 0 : i32
    %dma_wait3A_537 = tpu.memref_slice %arg2[%dma_wait3A_535, %dma_wait3A_536] : memref<10816x128xf32, #tpu.memory_space<hbm>> -> memref<10816x128xf32, #tpu.memory_space<hbm>>
    tpu.wait_indirect_dma semaphore(%arg10 : memref<!tpu.dma_semaphore, #tpu.memory_space<semaphore_mem>>) src(%dma_wait3A_537 : memref<10816x128xf32, #tpu.memory_space<hbm>>) dst(%dma_wait3A_531 : memref<64x128xf32, #tpu.memory_space<vmem>>)
    %dma_start3A_538 = arith.constant 0 : i32
    %dma_start3A_539 = arith.constant 0 : i32
    %dma_start3A_540 = arith.constant 0 : i32
    %dma_start3A_541 = arith.constant 0 : i32
    %dma_start3A_542 = tpu.memref_slice %arg8[%dma_start3A_538, %dma_start3A_540, %dma_start3A_541] : memref<3x64x128xf32, #tpu.memory_space<vmem>> -> memref<1x64x128xf32, #tpu.memory_space<vmem>>
    %dma_start3A_543 = tpu.memref_squeeze %dma_start3A_542 : memref<1x64x128xf32, #tpu.memory_space<vmem>> -> memref<64x128xf32, #tpu.memory_space<vmem>>
    %dma_start3A_544 = arith.constant 0 : i32
    %dma_start3A_545 = tpu.memref_slice %arg7[%dma_start3A_539, %dma_start3A_544] : memref<3x64xi32, #tpu.memory_space<vmem>> -> memref<1x64xi32, #tpu.memory_space<vmem>>
    %dma_start3A_546 = tpu.memref_squeeze %dma_start3A_545 : memref<1x64xi32, #tpu.memory_space<vmem>> -> memref<64xi32, #tpu.memory_space<vmem>>
    %dma_start3A_547 = arith.constant 0 : i32
    %dma_start3A_548 = arith.constant 0 : i32
    %dma_start3A_549 = tpu.memref_slice %arg9[%dma_start3A_547, %dma_start3A_548] : memref<10816x128xf32, #tpu.memory_space<vmem_shared>> -> memref<10816x128xf32, #tpu.memory_space<vmem_shared>>
    tpu.enqueue_indirect_dma source(%dma_start3A_543 : memref<64x128xf32, #tpu.memory_space<vmem>>) target(%dma_start3A_549 : memref<10816x128xf32, #tpu.memory_space<vmem_shared>>) offsets(%dma_start3A_546 : memref<64xi32, #tpu.memory_space<vmem>>) semaphore(%arg13 : memref<!tpu.dma_semaphore, #tpu.memory_space<semaphore_mem>>) {add = true}
    %dma_wait3A_550 = arith.constant 0 : i32
    %dma_wait3A_551 = arith.constant 0 : i32
    %dma_wait3A_552 = arith.constant 0 : i32
    %dma_wait3A_553 = arith.constant 0 : i32
    %dma_wait3A_554 = tpu.memref_slice %arg8[%dma_wait3A_550, %dma_wait3A_552, %dma_wait3A_553] : memref<3x64x128xf32, #tpu.memory_space<vmem>> -> memref<1x64x128xf32, #tpu.memory_space<vmem>>
    %dma_wait3A_555 = tpu.memref_squeeze %dma_wait3A_554 : memref<1x64x128xf32, #tpu.memory_space<vmem>> -> memref<64x128xf32, #tpu.memory_space<vmem>>
    %dma_wait3A_556 = arith.constant 0 : i32
    %dma_wait3A_557 = tpu.memref_slice %arg7[%dma_wait3A_551, %dma_wait3A_556] : memref<3x64xi32, #tpu.memory_space<vmem>> -> memref<1x64xi32, #tpu.memory_space<vmem>>
    %dma_wait3A_558 = tpu.memref_squeeze %dma_wait3A_557 : memref<1x64xi32, #tpu.memory_space<vmem>> -> memref<64xi32, #tpu.memory_space<vmem>>
    %dma_wait3A_559 = arith.constant 0 : i32
    %dma_wait3A_560 = arith.constant 0 : i32
    %dma_wait3A_561 = tpu.memref_slice %arg9[%dma_wait3A_559, %dma_wait3A_560] : memref<10816x128xf32, #tpu.memory_space<vmem_shared>> -> memref<10816x128xf32, #tpu.memory_space<vmem_shared>>
    tpu.wait_indirect_dma semaphore(%arg13 : memref<!tpu.dma_semaphore, #tpu.memory_space<semaphore_mem>>) src(%dma_wait3A_555 : memref<64x128xf32, #tpu.memory_space<vmem>>) dst(%dma_wait3A_561 : memref<10816x128xf32, #tpu.memory_space<vmem_shared>>)
    %dma_wait3A_562 = arith.constant 1 : i32
    %dma_wait3A_563 = arith.constant 1 : i32
    %dma_wait3A_564 = arith.constant 0 : i32
    %dma_wait3A_565 = arith.constant 0 : i32
    %dma_wait3A_566 = tpu.memref_slice %arg8[%dma_wait3A_562, %dma_wait3A_564, %dma_wait3A_565] : memref<3x64x128xf32, #tpu.memory_space<vmem>> -> memref<1x64x128xf32, #tpu.memory_space<vmem>>
    %dma_wait3A_567 = tpu.memref_squeeze %dma_wait3A_566 : memref<1x64x128xf32, #tpu.memory_space<vmem>> -> memref<64x128xf32, #tpu.memory_space<vmem>>
    %dma_wait3A_568 = arith.constant 0 : i32
    %dma_wait3A_569 = tpu.memref_slice %arg7[%dma_wait3A_563, %dma_wait3A_568] : memref<3x64xi32, #tpu.memory_space<vmem>> -> memref<1x64xi32, #tpu.memory_space<vmem>>
    %dma_wait3A_570 = tpu.memref_squeeze %dma_wait3A_569 : memref<1x64xi32, #tpu.memory_space<vmem>> -> memref<64xi32, #tpu.memory_space<vmem>>
    %dma_wait3A_571 = arith.constant 0 : i32
    %dma_wait3A_572 = arith.constant 0 : i32
    %dma_wait3A_573 = tpu.memref_slice %arg9[%dma_wait3A_571, %dma_wait3A_572] : memref<10816x128xf32, #tpu.memory_space<vmem_shared>> -> memref<10816x128xf32, #tpu.memory_space<vmem_shared>>
    tpu.wait_indirect_dma semaphore(%arg14 : memref<!tpu.dma_semaphore, #tpu.memory_space<semaphore_mem>>) src(%dma_wait3A_567 : memref<64x128xf32, #tpu.memory_space<vmem>>) dst(%dma_wait3A_573 : memref<10816x128xf32, #tpu.memory_space<vmem_shared>>)
    %dma_wait3A_574 = arith.constant 2 : i32
    %dma_wait3A_575 = arith.constant 2 : i32
    %dma_wait3A_576 = arith.constant 0 : i32
    %dma_wait3A_577 = arith.constant 0 : i32
    %dma_wait3A_578 = tpu.memref_slice %arg8[%dma_wait3A_574, %dma_wait3A_576, %dma_wait3A_577] : memref<3x64x128xf32, #tpu.memory_space<vmem>> -> memref<1x64x128xf32, #tpu.memory_space<vmem>>
    %dma_wait3A_579 = tpu.memref_squeeze %dma_wait3A_578 : memref<1x64x128xf32, #tpu.memory_space<vmem>> -> memref<64x128xf32, #tpu.memory_space<vmem>>
    %dma_wait3A_580 = arith.constant 0 : i32
    %dma_wait3A_581 = tpu.memref_slice %arg7[%dma_wait3A_575, %dma_wait3A_580] : memref<3x64xi32, #tpu.memory_space<vmem>> -> memref<1x64xi32, #tpu.memory_space<vmem>>
    %dma_wait3A_582 = tpu.memref_squeeze %dma_wait3A_581 : memref<1x64xi32, #tpu.memory_space<vmem>> -> memref<64xi32, #tpu.memory_space<vmem>>
    %dma_wait3A_583 = arith.constant 0 : i32
    %dma_wait3A_584 = arith.constant 0 : i32
    %dma_wait3A_585 = tpu.memref_slice %arg9[%dma_wait3A_583, %dma_wait3A_584] : memref<10816x128xf32, #tpu.memory_space<vmem_shared>> -> memref<10816x128xf32, #tpu.memory_space<vmem_shared>>
    tpu.wait_indirect_dma semaphore(%arg15 : memref<!tpu.dma_semaphore, #tpu.memory_space<semaphore_mem>>) src(%dma_wait3A_579 : memref<64x128xf32, #tpu.memory_space<vmem>>) dst(%dma_wait3A_585 : memref<10816x128xf32, #tpu.memory_space<vmem_shared>>)
    %barrier3A_586 = arith.constant 0 : index
    tpu.barrier barrier_id(%barrier3A_586)
    %scan3A_587 = arith.constant 0 : i32
    %scan3A_588 = arith.constant 11 : i32
    %scan3A_589 = arith.addi %scan3A_587, %scan3A_588 : i32
    %scan3A_590 = arith.constant 1 : i32
    scf.for %scan3A_592 = %scan3A_587 to %scan3A_589 step %scan3A_590  : i32 {
      %mul3A_593 = arith.constant 1 : i32
      %mul3A_594 = arith.muli %scan3A_592, %mul3A_593 : i32
      %add3A_595 = arith.constant 0 : i32
      %add3A_596 = arith.addi %add3A_595, %mul3A_594 : i32
      %mul3A_597 = arith.constant 16 : i32
      %mul3A_598 = arith.muli %mul3A_597, %add3A_596 : i32
      %add3A_599 = arith.addi %arg1, %mul3A_598 : i32
      %lt3A = arith.constant 169 : i32
      %lt3A_600 = arith.cmpi slt, %add3A_599, %lt3A : i32
      %convert_element_type3A = arith.extui %lt3A_600 : i1 to i32
      %cond3A = arith.constant 0 : i32
      %cond3A_601 = arith.cmpi ne, %convert_element_type3A, %cond3A : i32
      scf.if %cond3A_601 {
        %mul3A_602 = arith.constant 64 : i32
        %mul3A_603 = arith.muli %add3A_599, %mul3A_602 : i32
        %mul3A_604 = arith.constant 64 : i32
        %mul3A_605 = arith.muli %add3A_599, %mul3A_604 : i32
        "tpu.region"() ({
          %run_scoped3A = tpu.sem_alloc : memref<!tpu.dma_semaphore, #tpu.memory_space<semaphore_mem>>
          %dma_start3A_606 = arith.constant 0 : i32
          %dma_start3A_607 = arith.constant 0 : i32
          %dma_start3A_608 = tpu.memref_slice %arg4[%arg0, %dma_start3A_606, %dma_start3A_607] : memref<2x10816x128xf32, #tpu.memory_space<hbm>> -> memref<1x10816x128xf32, #tpu.memory_space<hbm>>
          %dma_start3A_609 = tpu.memref_squeeze %dma_start3A_608 : memref<1x10816x128xf32, #tpu.memory_space<hbm>> -> memref<10816x128xf32, #tpu.memory_space<hbm>>
          %dma_start3A_610 = arith.constant 0 : i32
          %dma_start3A_611 = tpu.memref_slice %dma_start3A_609[%mul3A_605, %dma_start3A_610] : memref<10816x128xf32, #tpu.memory_space<hbm>> -> memref<64x128xf32, #tpu.memory_space<hbm>>
          %dma_start3A_612 = arith.constant 0 : i32
          %dma_start3A_613 = tpu.memref_slice %arg9[%mul3A_603, %dma_start3A_612] : memref<10816x128xf32, #tpu.memory_space<vmem_shared>> -> memref<64x128xf32, #tpu.memory_space<vmem_shared>>
          tpu.enqueue_dma source(%dma_start3A_613 : memref<64x128xf32, #tpu.memory_space<vmem_shared>>) target(%dma_start3A_611 : memref<64x128xf32, #tpu.memory_space<hbm>>) target_semaphore(%run_scoped3A : memref<!tpu.dma_semaphore, #tpu.memory_space<semaphore_mem>>)
          %dma_wait3A_614 = arith.constant 0 : i32
          %dma_wait3A_615 = arith.constant 0 : i32
          %dma_wait3A_616 = tpu.memref_slice %arg4[%arg0, %dma_wait3A_614, %dma_wait3A_615] : memref<2x10816x128xf32, #tpu.memory_space<hbm>> -> memref<1x10816x128xf32, #tpu.memory_space<hbm>>
          %dma_wait3A_617 = tpu.memref_squeeze %dma_wait3A_616 : memref<1x10816x128xf32, #tpu.memory_space<hbm>> -> memref<10816x128xf32, #tpu.memory_space<hbm>>
          %dma_wait3A_618 = arith.constant 0 : i32
          %dma_wait3A_619 = tpu.memref_slice %dma_wait3A_617[%mul3A_605, %dma_wait3A_618] : memref<10816x128xf32, #tpu.memory_space<hbm>> -> memref<64x128xf32, #tpu.memory_space<hbm>>
          %dma_wait3A_620 = arith.constant 0 : i32
          %dma_wait3A_621 = tpu.memref_slice %arg9[%mul3A_603, %dma_wait3A_620] : memref<10816x128xf32, #tpu.memory_space<vmem_shared>> -> memref<64x128xf32, #tpu.memory_space<vmem_shared>>
          tpu.wait_dma2 semaphore(%run_scoped3A : memref<!tpu.dma_semaphore, #tpu.memory_space<semaphore_mem>>) src(%dma_wait3A_621 : memref<64x128xf32, #tpu.memory_space<vmem_shared>>) dst(%dma_wait3A_619 : memref<64x128xf32, #tpu.memory_space<hbm>>)
          tpu.yield
        }) : () -> ()
      } else {
      }
    }
    %scan3A_591 = arith.constant 11 : i32
    return
  }
}

module attributes {stable_mosaic.version = 14 : i64} {
  func.func @body(%arg0: i32, %arg1: memref<2x1352x128xf32, #tpu.memory_space<vmem>>, %arg2: memref<1352x128xf32, #tpu.memory_space<vmem>>, %arg3: memref<128x128xf32, #tpu.memory_space<vmem>>, %arg4: memref<1x128xf32, #tpu.memory_space<vmem>>, %arg5: memref<128x128xf32, #tpu.memory_space<vmem>>, %arg6: memref<1x128xf32, #tpu.memory_space<vmem>>, %arg7: memref<1352x128xf32, #tpu.memory_space<vmem>>) attributes {dimension_semantics = [#tpu.dimension_semantics<arbitrary>], iteration_bounds = array<i64: 8>, scalar_prefetch = 0 : i64, scratch_operands = 0 : i64, tpu.core_type = #tpu.core_type<tc>, window_params = [{transform_indices = @transform_0, window_bounds = array<i64: 2, 1352, 128>}, {transform_indices = @transform_1, window_bounds = array<i64: 1352, 128>}, {pipeline_mode = #tpu.pipeline_mode<synchronous>, transform_indices = @transform_2, window_bounds = array<i64: 128, 128>}, {pipeline_mode = #tpu.pipeline_mode<synchronous>, transform_indices = @transform_3, window_bounds = array<i64: 1, 128>}, {pipeline_mode = #tpu.pipeline_mode<synchronous>, transform_indices = @transform_4, window_bounds = array<i64: 128, 128>}, {pipeline_mode = #tpu.pipeline_mode<synchronous>, transform_indices = @transform_5, window_bounds = array<i64: 1, 128>}, {transform_indices = @transform_6, window_bounds = array<i64: 1352, 128>}]} {
    %get3A = arith.constant 0 : index
    %get3A_0 = arith.constant 0 : index
    %get3A_1 = arith.constant 0 : index
    %get3A_2 = vector.load %arg1[%get3A, %get3A_0, %get3A_1] : memref<2x1352x128xf32, #tpu.memory_space<vmem>>, vector<1x1352x128xf32>
    %get3A_3 = vector.shape_cast %get3A_2 : vector<1x1352x128xf32> to vector<1352x128xf32>
    %get3A_4 = arith.constant 1 : index
    %get3A_5 = arith.constant 0 : index
    %get3A_6 = arith.constant 0 : index
    %get3A_7 = vector.load %arg1[%get3A_4, %get3A_5, %get3A_6] : memref<2x1352x128xf32, #tpu.memory_space<vmem>>, vector<1x1352x128xf32>
    %get3A_8 = vector.shape_cast %get3A_7 : vector<1x1352x128xf32> to vector<1352x128xf32>
    %add3A = arith.addf %get3A_3, %get3A_8 : vector<1352x128xf32>
    %get3A_9 = arith.constant 0 : index
    %get3A_10 = arith.constant 0 : index
    %get3A_11 = vector.load %arg2[%get3A_9, %get3A_10] : memref<1352x128xf32, #tpu.memory_space<vmem>>, vector<1352x128xf32>
    %add3A_12 = arith.addf %add3A, %get3A_11 : vector<1352x128xf32>
    %get3A_13 = arith.constant 0 : index
    %get3A_14 = arith.constant 0 : index
    %get3A_15 = vector.load %arg3[%get3A_13, %get3A_14] : memref<128x128xf32, #tpu.memory_space<vmem>>, vector<128x128xf32>
    %dot_general3A = arith.constant dense<0.000000e+00> : vector<1352x128xf32>
    %dot_general3A_16 = tpu.matmul %add3A_12, %get3A_15, %dot_general3A {dimension_numbers = #tpu.dot_dimension_numbers<[1], [0], [0], [1], [0, 0, 1, 1], [], []>, precision = #tpu.contract_precision<fp32>, transpose_lhs_hint = false} : vector<1352x128xf32>, vector<128x128xf32>, vector<1352x128xf32> -> vector<1352x128xf32>
    %get3A_17 = arith.constant 0 : index
    %get3A_18 = arith.constant 0 : index
    %get3A_19 = vector.load %arg4[%get3A_17, %get3A_18] : memref<1x128xf32, #tpu.memory_space<vmem>>, vector<1x128xf32>
    %add3A_20 = vector.broadcast %get3A_19 : vector<1x128xf32> to vector<1352x128xf32>
    %add3A_21 = arith.addf %dot_general3A_16, %add3A_20 : vector<1352x128xf32>
    %max3A = arith.constant 0.000000e+00 : f32
    %max3A_22 = vector.broadcast %max3A : f32 to vector<1352x128xf32>
    %max3A_23 = arith.maximumf %add3A_21, %max3A_22 : vector<1352x128xf32>
    %get3A_24 = arith.constant 0 : index
    %get3A_25 = arith.constant 0 : index
    %get3A_26 = vector.load %arg5[%get3A_24, %get3A_25] : memref<128x128xf32, #tpu.memory_space<vmem>>, vector<128x128xf32>
    %dot_general3A_27 = arith.constant dense<0.000000e+00> : vector<1352x128xf32>
    %dot_general3A_28 = tpu.matmul %max3A_23, %get3A_26, %dot_general3A_27 {dimension_numbers = #tpu.dot_dimension_numbers<[1], [0], [0], [1], [0, 0, 1, 1], [], []>, precision = #tpu.contract_precision<fp32>, transpose_lhs_hint = false} : vector<1352x128xf32>, vector<128x128xf32>, vector<1352x128xf32> -> vector<1352x128xf32>
    %get3A_29 = arith.constant 0 : index
    %get3A_30 = arith.constant 0 : index
    %get3A_31 = vector.load %arg6[%get3A_29, %get3A_30] : memref<1x128xf32, #tpu.memory_space<vmem>>, vector<1x128xf32>
    %add3A_32 = vector.broadcast %get3A_31 : vector<1x128xf32> to vector<1352x128xf32>
    %add3A_33 = arith.addf %dot_general3A_28, %add3A_32 : vector<1352x128xf32>
    %max3A_34 = arith.constant 0.000000e+00 : f32
    %max3A_35 = vector.broadcast %max3A_34 : f32 to vector<1352x128xf32>
    %max3A_36 = arith.maximumf %add3A_33, %max3A_35 : vector<1352x128xf32>
    %swap3A = arith.constant 0 : index
    %swap3A_37 = arith.constant 0 : index
    %swap3A_38 = vector.load %arg7[%swap3A, %swap3A_37] : memref<1352x128xf32, #tpu.memory_space<vmem>>, vector<1352x128xf32>
    tpu.vector_store %arg7[%swap3A, %swap3A_37], %max3A_36 {strides = array<i32>} : memref<1352x128xf32, #tpu.memory_space<vmem>>, vector<1352x128xf32>,
    return
  }
  func.func @transform_0(%arg0: i32) -> (i32, i32, i32) {
    %c0_i32 = arith.constant 0 : i32
    %c0_i32_0 = arith.constant 0 : i32
    %c0_i32_1 = arith.constant 0 : i32
    return %c0_i32, %arg0, %c0_i32_0 : i32, i32, i32
  }
  func.func @transform_1(%arg0: i32) -> (i32, i32) {
    %c0_i32 = arith.constant 0 : i32
    %c0_i32_0 = arith.constant 0 : i32
    return %arg0, %c0_i32 : i32, i32
  }
  func.func @transform_2(%arg0: i32) -> (i32, i32) {
    %c0_i32 = arith.constant 0 : i32
    %c0_i32_0 = arith.constant 0 : i32
    %c0_i32_1 = arith.constant 0 : i32
    return %c0_i32, %c0_i32_0 : i32, i32
  }
  func.func @transform_3(%arg0: i32) -> (i32, i32) {
    %c0_i32 = arith.constant 0 : i32
    %c0_i32_0 = arith.constant 0 : i32
    %c0_i32_1 = arith.constant 0 : i32
    return %c0_i32, %c0_i32_0 : i32, i32
  }
  func.func @transform_4(%arg0: i32) -> (i32, i32) {
    %c0_i32 = arith.constant 0 : i32
    %c0_i32_0 = arith.constant 0 : i32
    %c0_i32_1 = arith.constant 0 : i32
    return %c0_i32, %c0_i32_0 : i32, i32
  }
  func.func @transform_5(%arg0: i32) -> (i32, i32) {
    %c0_i32 = arith.constant 0 : i32
    %c0_i32_0 = arith.constant 0 : i32
    %c0_i32_1 = arith.constant 0 : i32
    return %c0_i32, %c0_i32_0 : i32, i32
  }
  func.func @transform_6(%arg0: i32) -> (i32, i32) {
    %c0_i32 = arith.constant 0 : i32
    %c0_i32_0 = arith.constant 0 : i32
    return %arg0, %c0_i32 : i32, i32
  }
}

module attributes {stable_mosaic.version = 14 : i64} {
  func.func @body(%arg0: memref<10816x128xf32, #tpu.memory_space<vmem>>, %arg1: memref<128x64xf32, #tpu.memory_space<vmem>>, %arg2: memref<1x64xf32, #tpu.memory_space<vmem>>, %arg3: memref<64x32xf32, #tpu.memory_space<vmem>>, %arg4: memref<1x32xf32, #tpu.memory_space<vmem>>, %arg5: memref<64x32xf32, #tpu.memory_space<vmem>>, %arg6: memref<1x32xf32, #tpu.memory_space<vmem>>, %arg7: memref<64x32xf32, #tpu.memory_space<vmem>>, %arg8: memref<64x32xf32, #tpu.memory_space<vmem>>) attributes {dimension_semantics = [], scalar_prefetch = 0 : i64, scratch_operands = 0 : i64, tpu.core_type = #tpu.core_type<tc>} {
    %iota3A = tpu.iota {dimensions = array<i32: 1>} : vector<64x10816xi32>
    %iota3A_0 = tpu.iota {dimensions = array<i32: 0>} : vector<64x10816xi32>
    %jit3A = arith.constant 169 : i32
    %div3A = vector.broadcast %jit3A : i32 to vector<64x10816xi32>
    %div3A_1 = arith.divsi %iota3A, %div3A : vector<64x10816xi32>
    %sign3A = arith.constant 0 : i32
    %sign3A_2 = vector.broadcast %sign3A : i32 to vector<64x10816xi32>
    %sign3A_3 = arith.cmpi sgt, %iota3A, %sign3A_2 : vector<64x10816xi32>
    %sign3A_4 = arith.extui %sign3A_3 : vector<64x10816xi1> to vector<64x10816xi32>
    %sign3A_5 = arith.constant 0 : i32
    %sign3A_6 = vector.broadcast %sign3A_5 : i32 to vector<64x10816xi32>
    %sign3A_7 = arith.cmpi slt, %iota3A, %sign3A_6 : vector<64x10816xi32>
    %sign3A_8 = arith.extui %sign3A_7 : vector<64x10816xi1> to vector<64x10816xi32>
    %sign3A_9 = arith.subi %sign3A_4, %sign3A_8 : vector<64x10816xi32>
    %sign3A_10 = arith.constant 0 : i32
    %sign3A_11 = arith.cmpi sgt, %jit3A, %sign3A_10 : i32
    %sign3A_12 = arith.extui %sign3A_11 : i1 to i32
    %sign3A_13 = arith.constant 0 : i32
    %sign3A_14 = arith.cmpi slt, %jit3A, %sign3A_13 : i32
    %sign3A_15 = arith.extui %sign3A_14 : i1 to i32
    %sign3A_16 = arith.subi %sign3A_12, %sign3A_15 : i32
    %ne3A = vector.broadcast %sign3A_16 : i32 to vector<64x10816xi32>
    %ne3A_17 = arith.cmpi ne, %sign3A_9, %ne3A : vector<64x10816xi32>
    %rem3A = vector.broadcast %jit3A : i32 to vector<64x10816xi32>
    %rem3A_18 = arith.remsi %iota3A, %rem3A : vector<64x10816xi32>
    %ne3A_19 = arith.constant 0 : i32
    %ne3A_20 = vector.broadcast %ne3A_19 : i32 to vector<64x10816xi32>
    %ne3A_21 = arith.cmpi ne, %rem3A_18, %ne3A_20 : vector<64x10816xi32>
    %and3A = arith.andi %ne3A_17, %ne3A_21 : vector<64x10816xi1>
    %sub3A = arith.constant 1 : i32
    %sub3A_22 = vector.broadcast %sub3A : i32 to vector<64x10816xi32>
    %sub3A_23 = arith.subi %div3A_1, %sub3A_22 : vector<64x10816xi32>
    %select_n3A = arith.select %and3A, %sub3A_23, %div3A_1 : vector<64x10816xi1>, vector<64x10816xi32>
    %eq3A = arith.cmpi eq, %select_n3A, %iota3A_0 : vector<64x10816xi32>
    %jit3A_24 = arith.constant 1.000000e+00 : f32
    %jit3A_25 = arith.constant 0.000000e+00 : f32
    %broadcast_in_dim3A = vector.broadcast %jit3A_24 : f32 to vector<64x10816xf32>
    %broadcast_in_dim3A_26 = vector.broadcast %jit3A_25 : f32 to vector<64x10816xf32>
    %select_n3A_27 = arith.select %eq3A, %broadcast_in_dim3A, %broadcast_in_dim3A_26 : vector<64x10816xi1>, vector<64x10816xf32>
    %get3A = arith.constant 0 : index
    %get3A_28 = arith.constant 0 : index
    %get3A_29 = vector.load %arg0[%get3A, %get3A_28] : memref<10816x128xf32, #tpu.memory_space<vmem>>, vector<10816x128xf32>
    %dot_general3A = arith.constant dense<0.000000e+00> : vector<64x128xf32>
    %dot_general3A_30 = tpu.matmul %select_n3A_27, %get3A_29, %dot_general3A {dimension_numbers = #tpu.dot_dimension_numbers<[1], [0], [0], [1], [0, 0, 1, 1], [], []>, precision = #tpu.contract_precision<fp32>, transpose_lhs_hint = false} : vector<64x10816xf32>, vector<10816x128xf32>, vector<64x128xf32> -> vector<64x128xf32>
    %mul3A = arith.constant 5.917160e-03 : f32
    %mul3A_31 = vector.broadcast %mul3A : f32 to vector<64x128xf32>
    %mul3A_32 = arith.mulf %dot_general3A_30, %mul3A_31 : vector<64x128xf32>
    %get3A_33 = arith.constant 0 : index
    %get3A_34 = arith.constant 0 : index
    %get3A_35 = vector.load %arg1[%get3A_33, %get3A_34] : memref<128x64xf32, #tpu.memory_space<vmem>>, vector<128x64xf32>
    %dot_general3A_36 = arith.constant dense<0.000000e+00> : vector<64x64xf32>
    %dot_general3A_37 = tpu.matmul %mul3A_32, %get3A_35, %dot_general3A_36 {dimension_numbers = #tpu.dot_dimension_numbers<[1], [0], [0], [1], [0, 0, 1, 1], [], []>, precision = #tpu.contract_precision<fp32>, transpose_lhs_hint = false} : vector<64x128xf32>, vector<128x64xf32>, vector<64x64xf32> -> vector<64x64xf32>
    %get3A_38 = arith.constant 0 : index
    %get3A_39 = arith.constant 0 : index
    %get3A_40 = vector.load %arg2[%get3A_38, %get3A_39] : memref<1x64xf32, #tpu.memory_space<vmem>>, vector<1x64xf32>
    %add3A = vector.broadcast %get3A_40 : vector<1x64xf32> to vector<64x64xf32>
    %add3A_41 = arith.addf %dot_general3A_37, %add3A : vector<64x64xf32>
    %max3A = arith.constant 0.000000e+00 : f32
    %max3A_42 = vector.broadcast %max3A : f32 to vector<64x64xf32>
    %max3A_43 = arith.maximumf %add3A_41, %max3A_42 : vector<64x64xf32>
    %get3A_44 = arith.constant 0 : index
    %get3A_45 = arith.constant 0 : index
    %get3A_46 = vector.load %arg3[%get3A_44, %get3A_45] : memref<64x32xf32, #tpu.memory_space<vmem>>, vector<64x32xf32>
    %dot_general3A_47 = arith.constant dense<0.000000e+00> : vector<64x32xf32>
    %dot_general3A_48 = tpu.matmul %max3A_43, %get3A_46, %dot_general3A_47 {dimension_numbers = #tpu.dot_dimension_numbers<[1], [0], [0], [1], [0, 0, 1, 1], [], []>, precision = #tpu.contract_precision<fp32>, transpose_lhs_hint = false} : vector<64x64xf32>, vector<64x32xf32>, vector<64x32xf32> -> vector<64x32xf32>
    %get3A_49 = arith.constant 0 : index
    %get3A_50 = arith.constant 0 : index
    %get3A_51 = vector.load %arg4[%get3A_49, %get3A_50] : memref<1x32xf32, #tpu.memory_space<vmem>>, vector<1x32xf32>
    %add3A_52 = vector.broadcast %get3A_51 : vector<1x32xf32> to vector<64x32xf32>
    %add3A_53 = arith.addf %dot_general3A_48, %add3A_52 : vector<64x32xf32>
    %swap3A = arith.constant 0 : index
    %swap3A_54 = arith.constant 0 : index
    %swap3A_55 = vector.load %arg7[%swap3A, %swap3A_54] : memref<64x32xf32, #tpu.memory_space<vmem>>, vector<64x32xf32>
    tpu.vector_store %arg7[%swap3A, %swap3A_54], %add3A_53 {strides = array<i32>} : memref<64x32xf32, #tpu.memory_space<vmem>>, vector<64x32xf32>,
    %get3A_56 = arith.constant 0 : index
    %get3A_57 = arith.constant 0 : index
    %get3A_58 = vector.load %arg5[%get3A_56, %get3A_57] : memref<64x32xf32, #tpu.memory_space<vmem>>, vector<64x32xf32>
    %dot_general3A_59 = arith.constant dense<0.000000e+00> : vector<64x32xf32>
    %dot_general3A_60 = tpu.matmul %max3A_43, %get3A_58, %dot_general3A_59 {dimension_numbers = #tpu.dot_dimension_numbers<[1], [0], [0], [1], [0, 0, 1, 1], [], []>, precision = #tpu.contract_precision<fp32>, transpose_lhs_hint = false} : vector<64x64xf32>, vector<64x32xf32>, vector<64x32xf32> -> vector<64x32xf32>
    %get3A_61 = arith.constant 0 : index
    %get3A_62 = arith.constant 0 : index
    %get3A_63 = vector.load %arg6[%get3A_61, %get3A_62] : memref<1x32xf32, #tpu.memory_space<vmem>>, vector<1x32xf32>
    %add3A_64 = vector.broadcast %get3A_63 : vector<1x32xf32> to vector<64x32xf32>
    %add3A_65 = arith.addf %dot_general3A_60, %add3A_64 : vector<64x32xf32>
    %custom_jvp_call3A = arith.constant 0.000000e+00 : f32
    %max3A_66 = vector.broadcast %custom_jvp_call3A : f32 to vector<64x32xf32>
    %max3A_67 = arith.maximumf %add3A_65, %max3A_66 : vector<64x32xf32>
    %sub3A_68 = vector.broadcast %custom_jvp_call3A : f32 to vector<64x32xf32>
    %sub3A_69 = arith.subf %add3A_65, %sub3A_68 : vector<64x32xf32>
    %ne3A_70 = arith.cmpf one, %sub3A_69, %sub3A_69 : vector<64x32xf32>
    %add3A_71 = vector.broadcast %custom_jvp_call3A : f32 to vector<64x32xf32>
    %add3A_72 = arith.addf %add3A_65, %add3A_71 : vector<64x32xf32>
    %abs3A = math.absf %sub3A_69 : vector<64x32xf32>
    %neg3A = arith.constant 0.000000e+00 : f32
    %neg3A_73 = vector.broadcast %neg3A : f32 to vector<64x32xf32>
    %neg3A_74 = arith.subf %neg3A_73, %abs3A : vector<64x32xf32>
    %exp3A = math.exp %neg3A_74 : vector<64x32xf32>
    %log1p3A = math.log1p %exp3A : vector<64x32xf32>
    %add3A_75 = arith.addf %max3A_67, %log1p3A : vector<64x32xf32>
    %select_n3A_76 = arith.select %ne3A_70, %add3A_72, %add3A_75 : vector<64x32xi1>, vector<64x32xf32>
    %swap3A_77 = arith.constant 0 : index
    %swap3A_78 = arith.constant 0 : index
    %swap3A_79 = vector.load %arg8[%swap3A_77, %swap3A_78] : memref<64x32xf32, #tpu.memory_space<vmem>>, vector<64x32xf32>
    tpu.vector_store %arg8[%swap3A_77, %swap3A_78], %select_n3A_76 {strides = array<i32>} : memref<64x32xf32, #tpu.memory_space<vmem>>, vector<64x32xf32>,
    return
  }
}

</mosaic_0001>

<sc_bundles>
// kernel: kernel.12.cloned.1.call-start
scs
__scs_entry_jumppad:
0x0: {  	(pc) =	sbr.rel $0x88, $3  }
0x1: {  	(tag) =	ssettag $0x0;
	lr =	simm.s32 $0x1  }
0x2: {  	[smem:$0x3F95] =	sst lr;
	_ =	strace $0xD0000000  }
0x3: {  	_ = 	snop  }
0x4: {  	_ = 	snop  }
0x5: {  	_ = 	snop  }
0x6: {  	_ = 	snop  }
0x7: {  	_ = 	snop  }
__scs_overlays_trampoline_lowered:
0x8: {  	[smem:$0x3FA4] =	sst s0  }
0x9: {  	[smem:$0x3FA5] =	sst s1  }
0xa: {  	[smem:$0x3FA6] =	sst s2  }
0xb: {  	[smem:$0x3FA7] =	sst s3  }
0xc: {  	[smem:$0x3FA8] =	sst s4  }
0xd: {  	[smem:$0x3FA9] =	sst s5  }
0xe: {  	[smem:$0x3FAA] =	sst s6  }
0xf: {  	[smem:$0x3FAB] =	sst s7  }
0x10: {  	[smem:$0x3FAC] =	sst s8  }
0x11: {  	[smem:$0x3FAD] =	sst s9;
	s0 =	simm.s32 @!p0 $0x0  }
0x12: {  	s1 =	sld [smem:$0x3F93];
	s0 =	simm.s32 @p0 $0x1  }
0x13: {  	[smem:$0x3FAE] =	sst s0;
	s0 =	simm.s32 @!p1 $0x0  }
0x14: {  	s2 =	sld [smem:$0x3F92];
	s0 =	simm.s32 @p1 $0x1  }
0x15: {  	[smem:$0x3FAF] =	sst s0;
	s0 =	simm.s32 @!p2 $0x0  }
0x16: {  	s3 =	sld [smem:$0x3FDB];
	s0 =	simm.s32 @p2 $0x1  }
0x17: {  	s4 =	simm.s32 $0x1BF5;
	[smem:$0x3FB1] =	sst s0  }
0x18: {  	s0 =	sld [smem:$0x3F94];
	_ =	swait.ge [sflag:s4], $0x0  }
0x19: {  	s7 =	sld [smem:$0x3F95]  }
0x1a: {  	s8 =	sadd.s32 $0xFFFFE003, lr  }
0x1b: {  	s9 =	sadd.s32 $0xFFFFFEF7, lr;
	s5 =	simm.s32 $0xFFFFFFFF;
	p2 =	slt.u32 s8, $0xFFFFF086  }
0x1c: {  	p1 =	slt.u32 s9, $0xF7A;
	s5 =	simm.s32 @!p2 $0x0  }
0x1d: {  	s5 =	simm.s32 @p1 $0x1;
	p0 =	seq.s32 s7, s2  }
0x1e: {  	s7 =	smul.u32 @!p0 $0xF7A, s2;
	p2 =	seq.s32 @!p0 s5, $0x0  }
0x1f: {  	s9 =	smul.u32 $0xF7A, s1;
	s8 =	simm.s32 @!p0 $0x1BF5;
	p2 =	por !p2, p0  }
0x20: {  	[sflag:s8] =	ssyncset.s32 @!p0 $0xFFFFF086;
	s6 =	sadd.s32 @!p0 s3, s7;
	s7 =	simm.s32 @!p0 $0x108  }
0x21: {  	s3 =	sadd.s32 s3, s9;
	s6 =	sadd.s32 @!p0 $0x88, s6;
	s7 =	simm.s32 @p2 $0x1082  }
0x22: {  	[simem:s7], [sflag:s8] =	dma.local @!p0 [hbm:s6], $0xF7A  }
0x23: {  	s9 =	sor.u32 $0xD0000000, s2;
	s6 =	simm.s32 $0x108;
	_ =	swait.ge @!p0 [sflag:s8], $0x0  }
0x24: {  	s3 =	sadd.s32 $0x88, s3;
	s6 =	simm.s32 @!p1 $0x1082;
	[sflag:s4] =	ssyncset.s32 $0xFFFFF086  }
0x25: {  	[simem:s6], [sflag:s4] =	dma.local [hbm:s3], $0xF7A  }
0x26: {  	[smem:$0x3F95] =	sst s1;
	(tag) =	ssettag s2;
	_ =	strace s9  }
0x27: {  	s1 =	sld [smem:$0x3FA5]  }
0x28: {  	s2 =	sld [smem:$0x3FA6]  }
0x29: {  	s4 =	sld [smem:$0x3FA8]  }
0x2a: {  	p0 =	seq.s32 s5, $0x0;
	s5 =	sld [smem:$0x3FA9]  }
0x2b: {  	s6 =	sld [smem:$0x3FAA]  }
0x2c: {  	s7 =	sld [smem:$0x3FAB]  }
0x2d: {  	s3 =	simm.s32 $0x108;
	s8 =	sld [smem:$0x3FAC]  }
0x2e: {  	s3 =	simm.s32 @!p0 $0x1082;
	s9 =	sld [smem:$0x3FAD]  }
0x2f: {  	lr =	sadd.s32 s0, s3;
	s0 =	sld [smem:$0x3FA4]  }
0x30: {  	s3 =	sld [smem:$0x3FA7]  }
0x31: {  	[smem:$0x3FB0] =	sst s10  }
0x32: {  	s10 =	sld [smem:$0x3FAE];
	_ =	sdelay $0x3  }
0x33: {  	p0 =	seq.s32 s10, $0x1;
	s10 =	sld [smem:$0x3FB0];
	_ =	sdelay $0x3  }
0x34: {  	[smem:$0x3FB0] =	sst s10  }
0x35: {  	s10 =	sld [smem:$0x3FAF];
	_ =	sdelay $0x3  }
0x36: {  	p1 =	seq.s32 s10, $0x1;
	s10 =	sld [smem:$0x3FB0];
	_ =	sdelay $0x3  }
0x37: {  	[smem:$0x3FB0] =	sst s10  }
0x38: {  	s10 =	sld [smem:$0x3FB1]  }
0x39: {  	_ = 	snop;
	(pc) =	sbr.ind lr, $3  }
0x3a: {  	_ = 	snop  }
0x3b: {  	_ = 	snop  }
0x3c: {  	p2 =	seq.s32 s10, $0x1;
	s10 =	sld [smem:$0x3FB0]  }
0x3d: {  	_ =	shalt  }
0x3e: {  	_ =	shalt  }
0x3f: {  	_ =	shalt  }
0x40: {  	_ =	shalt  }
0x41: {  	_ =	shalt  }
0x42: {  	_ =	shalt  }
0x43: {  	_ =	shalt  }
0x44: {  	_ =	shalt  }
0x45: {  	_ =	shalt  }
0x46: {  	_ =	shalt  }
0x47: {  	_ =	shalt  }
0x48: {  	_ =	shalt  }
0x49: {  	_ =	shalt  }
0x4a: {  	_ =	shalt  }
0x4b: {  	_ =	shalt  }
0x4c: {  	_ =	shalt  }
0x4d: {  	_ =	shalt  }
0x4e: {  	_ =	shalt  }
0x4f: {  	_ =	shalt  }
0x50: {  	_ =	shalt  }
0x51: {  	_ =	shalt  }
0x52: {  	_ =	shalt  }
0x53: {  	_ =	shalt  }
0x54: {  	_ =	shalt  }
0x55: {  	_ =	shalt  }
0x56: {  	_ =	shalt  }
0x57: {  	_ =	shalt  }
0x58: {  	_ =	shalt  }
0x59: {  	_ =	shalt  }
0x5a: {  	_ =	shalt  }
0x5b: {  	_ =	shalt  }
0x5c: {  	_ =	shalt  }
0x5d: {  	_ =	shalt  }
0x5e: {  	_ =	shalt  }
0x5f: {  	_ =	shalt  }
0x60: {  	_ =	shalt  }
0x61: {  	_ =	shalt  }
0x62: {  	_ =	shalt  }
0x63: {  	_ =	shalt  }
0x64: {  	_ =	shalt  }
0x65: {  	_ =	shalt  }
0x66: {  	_ =	shalt  }
0x67: {  	_ =	shalt  }
0x68: {  	_ =	shalt  }
0x69: {  	_ =	shalt  }
0x6a: {  	_ =	shalt  }
0x6b: {  	_ =	shalt  }
0x6c: {  	_ =	shalt  }
0x6d: {  	_ =	shalt  }
0x6e: {  	_ =	shalt  }
0x6f: {  	_ =	shalt  }
0x70: {  	_ =	shalt  }
0x71: {  	_ =	shalt  }
0x72: {  	_ =	shalt  }
0x73: {  	_ =	shalt  }
0x74: {  	_ =	shalt  }
0x75: {  	_ =	shalt  }
0x76: {  	_ =	shalt  }
0x77: {  	_ =	shalt  }
0x78: {  	_ =	shalt  }
0x79: {  	_ =	shalt  }
0x7a: {  	_ =	shalt  }
0x7b: {  	_ =	shalt  }
0x7c: {  	_ =	shalt  }
0x7d: {  	_ =	shalt  }
0x7e: {  	_ =	shalt  }
0x7f: {  	_ =	shalt  }
0x80: {  	_ =	shalt  }
0x81: {  	_ =	shalt  }
0x82: {  	_ =	shalt  }
0x83: {  	_ =	shalt  }
0x84: {  	_ =	shalt  }
0x85: {  	_ =	shalt  }
0x86: {  	_ =	shalt  }
0x87: {  	_ =	shalt  }
.Lfunc_end0:
.L_simem_size_0:
called_computation.1_lowered:
.L_overlay_start_0:
0x88: {  	s2 =	sld [smem:$0x3FD9]  }
0x89: {  	s3 =	sld [smem:$0x3FFE];
	_ =	sdelay $0x1  }
0x8a: {  	s1 =	srdreg.scid  }
0x8b: {  	s0 =	sand.u32 $0x1, s1  }
0x8c: {  	s16 =	sshll.u32 s0, $0xA;
	s2 =	sadd.s32 s3, s2  }
0x8d: {  	s2 =	sadd.s32 s2, s16  }
0x8e: {  	[smem:$0x3FBC] =	sst s2  }
0x8f: {  	_ = 	snop  }
0x90: {  	(tm) =	ssettm $0x1  }
0x91: {  	s17 =	sld [smem:$0x3FFB];
	_ =	sdelay $0x3  }
0x92: {  	_ =	strace s17  }
0x93: {  	s2 =	sld [smem:$0x3FFC];
	_ =	sdelay $0x3  }
0x94: {  	_ =	strace s2  }
0x95: {  	s2 =	sld [smem:$0x3FFD];
	_ =	sdelay $0x3  }
0x96: {  	_ =	strace s2  }
0x97: {  	_ =	strace $0x8FFFFFFF  }
0x98: {  	s18 =	sld [smem:$0x3FDB];
	_ =	sdelay $0x1  }
0x99: {  	s19 =	simm.s32 $_scs_section_size  }
0x9a: {  	s4 =	simm.s32 $_size__tile_overlayer_lowered;
	s5 =	simm.s32 $_tile_overlayer_lowered  }
0x9b: {  	s22 =	simm.s32 $0x1BFF;
	s21 =	sshll.u32 s5, $0x1;
	s2 =	sadd.s32 s19, s18  }
0x9c: {  	s6 =	simm.s32 $0x0;
	s20 =	sshll.u32 s4, $0x1;
	s4 =	sadd.s32 s21, s2  }
0x9d: {  	[timem:s6], [sflag:s22] =	dma.local [hbm:s4], s20  }
0x9e: {  	_ =	swait.ge [sflag:s22], s20  }
0x9f: {  	s3 =	ssub.s32 $0x0, s20;
	[sflag:s22] =	ssyncset.done $0x0  }
0xa0: {  	[sflag:s22] =	ssyncadd.s32 s3;
	_ =	sdelay $0x1  }
0xa1: {  	s23 =	simm.s32 $0x1B8B  }
0xa2: {  	_ =	swait.ge [sflag:s23], $0x1  }
0xa3: {  	[sflag:s23] =	ssyncset.done $0x0  }
0xa4: {  	s25 =	simm.s32 $0x1B8E;
	s24 =	sld [smem:$0x3FFE];
	[sflag:s23] =	ssyncadd.s32 $0xFFFFFFFF  }
0xa5: {  	s26 =	simm.s32 $execute0_lowered;
	[smem:$0x3FD2] =	sst s25  }
0xa6: {  	s4 =	sshll.u32 s26, $0x1;
	_ =	strace $0x80000049;
	[dreg:$0x1] =	wrdreg $0xFFFFFFFF  }
0xa7: {  	s28 =	simm.s32 $_size_execute0_lowered;
	s2 =	sadd.s32 s2, s4;
	[dreg:$0x0] =	wrdreg $0x0  }
0xa8: {  	s4 =	sshll.u32 s28, $0x1;
	[dreg:$0x2] =	wrdreg s2  }
0xa9: {  	[dreg:$0x3] =	wrdreg s4  }
0xaa: {  	[dreg:$0x4] =	wrdreg $0xC0  }
0xab: {  	_ =	task [dreg:s6], $0x5FFFF  }
0xac: {  	[dreg:$0x1] =	wrdreg $0xFFFFFFFF  }
0xad: {  	[dreg:$0x0] =	wrdreg $0x60  }
0xae: {  	[dreg:$0x2] =	wrdreg s24  }
0xaf: {  	[dreg:$0x3] =	wrdreg $0x90000  }
0xb0: {  	[dreg:$0x4] =	wrdreg $0x9  }
0xb1: {  	_ =	task.clear_ibuf [dreg:s6], $0x5FFFF;
	_ =	strace $0x90000049  }
0xb2: {  	s29 =	simm.s32 $0x9;
	_ =	strace $0x8000004B  }
0xb3: {  	_ =	swait.ge [sflag:s29], $0x1  }
0xb4: {  	[sflag:s29] =	ssyncadd.s32 $0xFFFFFFFF  }
0xb5: {  	_ =	strace $0x9000004B  }
0xb6: {  	_ =	sfence  }
0xb7: {  	s30 =	sld [smem:$0x0];
	_ =	sdelay $0x2  }
0xb8: {  	s31 =	sshll.u32 s1, $0xD;
	s1 =	sshrl.u32 s1, $0x2  }
0xb9: {  	s3 =	sand.u32 $0x4000, s31;
	s1 =	sadd.s32 s1, s30  }
0xba: {  	s0 =	sor.u32 s3, s0;
	s1 =	sshll.u32 s1, $0x11  }
0xbb: {  	s0 =	sor.u32 s1, s0  }
0xbc: {  	s0 =	sadd.s32 $0x8F2B, s0  }
0xbd: {  	[sflag:s0] =	ssyncadd.remote.s32 $0x1  }
0xbe: {  	_ =	sfence.sel $0xFFFF  }
0xbf: {  	[dreg:$0x0] =	wrdreg $0xFFFFFFFF;
	(pc) =	sbr.abs _section_cstart, $3  }
0xc0: {  	[dreg:$0x1] =	wrdreg $0xFFFFFFFF  }
0xc1: {  	_ =	task.clear_ibuf [dreg:s6], $0x2FFFF;
	_ =	strace $0x9FFFFFFF  }
0xc2: {  	(tm) =	ssettm $0x7FFFFFFF  }
0xc3: {  	_ =	shalt  }
tec
execute0_lowered:
.L_overlay_start_1:
0x0: {  	(tag) =	ssettag $0x1  }
0x1: {  	s0 =	srdreg.scid;
	s3 =	rddreg [dreg:$0x0]  }
0x2: {  	s2 =	rddreg [dreg:$0x1];
	s1 =	stileid.u32  }
0x3: {  	s5 =	simm.s32 $0x0;
	s28 =	simm.s32 $0x7000;
	s29 =	simm.s32 $0x1  }
0x4: {  	s30 =	simm.s32 $0x2E00;
	s31 =	simm.s32 $0x2;
	s8 =	simm.s32 $0x4  }
0x5: {  	s10 =	simm.s32 $0x5;
	s11 =	simm.s32 $0x6;
	s0 =	sand.u32 $0x1, s0  }
0x6: {  	[smem:$0x7FF] =	sst s5;
	s14 =	sshll.u32 s1, $0xD;
	s22 =	sor.u32 $0xA0, s1  }
0x7: {  	s4 =	sshll.u32 s0, $0x4;
	s6 =	smul.u32 $0x2A400, s0;
	s0 =	ssub.s32 $0x2, s0  }
0x8: {  	s26 =	sshll.u32 s1, $0xA;
	_ =	strace $0x8000004A;
	s7 =	sshrl.u32 s0, $0x1  }
0x9: {  	s25 =	sshll.u32 s22, $0xD;
	[dreg:$0xe] =	wrdreg s26;
	s0 =	ssub.s32 s0, s7  }
0xa: {  	p0 =	sgt.u32 s22, $0xA8;
	s7 =	sadd.s32 s14, s2;
	s0 =	smax.u32 s0, $0x1  }
0xb: {  	s22 =	simm.s32 $0x40;
	s15 =	sadd.s32 $0x40000, s7;
	[dreg:$0x4] =	wrdreg s0  }
0xc: {  	s26 =	simm.s32 $0x2D00;
	s16 =	sadd.s32 $0x60000, s7;
	[dreg:$0x5] =	wrdreg s15  }
0xd: {  	s4 =	sor.u32 s1, s4;
	s17 =	sadd.s32 $0x80000, s7;
	[dreg:$0x6] =	wrdreg s16  }
0xe: {  	s13 =	smul.u32 $0x580, s4;
	s19 =	sadd.s32 $0xA0000, s7;
	[dreg:$0x7] =	wrdreg s17  }
0xf: {  	s4 =	sadd.s32 $0xE800, s3;
	s20 =	sadd.s32 $0xC0000, s7;
	[dreg:$0x8] =	wrdreg s19  }
0x10: {  	s18 =	sadd.s32 $0x20000, s7;
	s21 =	sadd.s32 $0xE0000, s7;
	[dreg:$0x9] =	wrdreg s20  }
0x11: {  	s23 =	sadd.s32 $0x100000, s7;
	s24 =	sadd.s32 $0x120000, s7;
	[dreg:$0xa] =	wrdreg s21  }
0x12: {  	s5 =	sadd.s32 s13, s3;
	s3 =	sadd.s32 s6, s3;
	[dreg:$0xb] =	wrdreg s23  }
0x13: {  	[dreg:$0xc] =	wrdreg s24;
	s20 =	simm.s32 $0x7;
	s21 =	simm.s32 $0x3000  }
0x14: {  	s23 =	simm.s32 $0x2C00;
	s24 =	simm.s32 $0x2C80;
	s0 =	simm.s32 $0x2E80  }
0x15: {  	s13 =	simm.s32 $0x0;
	s5 =	sadd.s32 $0x3800, s5;
	s6 =	sadd.s32 $0x38C00, s3  }
0x16: {  	s3 =	sadd.s32 s25, s2;
	s25 =	simm.s32 $0x5000;
	[dreg:$0x3] =	wrdreg s5  }
0x17: {  	v0 =	vimm.f32 $0.0e+00;
	[dreg:$0xd] =	wrdreg s3;
	s3 =	simm.s32 $0x3;
	s5 =	simm.s32 $0x2F00  }
.LBB2_1:
0x18: {  	[dreg:$0xf] =	wrdreg s13  }
0x19: {  	s9 =	simm.s32 $0x0;
	s19 =	rddreg [dreg:$0x3]  }
0x1a: {  	[tilespmem:s9], [sflag:$0x7] =	stream.linear.gather [hbm4b:s19+s9], $0x2A80, $0x38;
	[tilespmem:$0x1E200] =	vst v63  }
0x1b: {  	_ =	swait.ge [sflag:s20], $0x2A80  }
0x1c: {  	[sflag:s20] =	ssyncset.done $0x0  }
0x1d: {  	s13 =	simm.s32 $0x0;
	s14 =	simm.s32 $0x200;
	[sflag:s20] =	ssyncadd.s32 $0xFFFFD580  }
.LBB2_2:
0x1e: {  	p1 =	sne.s32 s14, $0x7E00;
	[tilespmem:s13+$0x3070] =	vst v0  }
0x1f: {  	[tilespmem:s13+$0x3000] =	vst v0  }
0x20: {  	[tilespmem:s13+$0x3010] =	vst v0  }
.Ltmp0:
0x21: {  	[tilespmem:s13+$0x3020] =	vst v0;
	(pc) =	sbr.rel @p1 .LBB2_2-.Ltmp0, $4  }
0x22: {  	[tilespmem:s13+$0x3030] =	vst v0  }
0x23: {  	[tilespmem:s13+$0x3040] =	vst v0  }
0x24: {  	[tilespmem:s13+$0x3050] =	vst v0  }
0x25: {  	[tilespmem:s13+$0x3060] =	vst v0;
	s13 =	sshra.s32 s14, $0x2;
	s14 =	sadd.s32 $0x200, s14  }
0x26: {  	[tilespmem:s13+$0x3070] =	vst v0  }
0x27: {  	[tilespmem:s13+$0x3000] =	vst v0  }
0x28: {  	[tilespmem:s13+$0x3010] =	vst v0  }
0x29: {  	[tilespmem:s13+$0x3020] =	vst v0  }
0x2a: {  	[tilespmem:s13+$0x3030] =	vst v0  }
0x2b: {  	[tilespmem:s13+$0x3040] =	vst v0  }
0x2c: {  	[tilespmem:s13+$0x3050] =	vst v0  }
0x2d: {  	[tilespmem:s13+$0x3060] =	vst v0  }
0x2e: {  	[spmem:s7] =	stream.linear.scatter [tilespmem:s21], [sflag:$0x7], $0x2000, $0x38;
	[tilespmem:$0x1E200] =	vst v63  }
0x2f: {  	_ =	swait.ge [sflag:s20], $0x2000  }
0x30: {  	[sflag:s20] =	ssyncset.done $0x0  }
0x31: {  	[sflag:s20] =	ssyncadd.s32 $0xFFFFE000  }
0x32: {  	[spmem:s18] =	stream.linear.scatter [tilespmem:s21], [sflag:$0x7], $0x2000, $0x38;
	[tilespmem:$0x1E200] =	vst v63  }
0x33: {  	_ =	swait.ge [sflag:s20], $0x2000  }
0x34: {  	[sflag:s20] =	ssyncset.done $0x0  }
0x35: {  	s9 =	rddreg [dreg:$0x5];
	[sflag:s20] =	ssyncadd.s32 $0xFFFFE000  }
0x36: {  	[spmem:s9] =	stream.linear.scatter [tilespmem:s21], [sflag:$0x7], $0x2000, $0x38;
	[tilespmem:$0x1E200] =	vst v63  }
0x37: {  	_ =	swait.ge [sflag:s20], $0x2000  }
0x38: {  	[sflag:s20] =	ssyncset.done $0x0  }
0x39: {  	s17 =	rddreg [dreg:$0x6];
	[sflag:s20] =	ssyncadd.s32 $0xFFFFE000  }
0x3a: {  	[spmem:s17] =	stream.linear.scatter [tilespmem:s21], [sflag:$0x7], $0x2000, $0x38;
	[tilespmem:$0x1E200] =	vst v63  }
0x3b: {  	_ =	swait.ge [sflag:s20], $0x2000  }
0x3c: {  	[sflag:s20] =	ssyncset.done $0x0  }
0x3d: {  	s19 =	rddreg [dreg:$0x7];
	[sflag:s20] =	ssyncadd.s32 $0xFFFFE000  }
0x3e: {  	[spmem:s19] =	stream.linear.scatter [tilespmem:s21], [sflag:$0x7], $0x2000, $0x38;
	[tilespmem:$0x1E200] =	vst v63  }
0x3f: {  	_ =	swait.ge [sflag:s20], $0x2000  }
0x40: {  	[sflag:s20] =	ssyncset.done $0x0  }
0x41: {  	s12 =	rddreg [dreg:$0x8];
	[sflag:s20] =	ssyncadd.s32 $0xFFFFE000  }
0x42: {  	[spmem:s12] =	stream.linear.scatter [tilespmem:s21], [sflag:$0x7], $0x2000, $0x38;
	[tilespmem:$0x1E200] =	vst v63  }
0x43: {  	_ =	swait.ge [sflag:s20], $0x2000  }
0x44: {  	[sflag:s20] =	ssyncset.done $0x0  }
0x45: {  	s13 =	rddreg [dreg:$0x9];
	[sflag:s20] =	ssyncadd.s32 $0xFFFFE000  }
0x46: {  	[spmem:s13] =	stream.linear.scatter [tilespmem:s21], [sflag:$0x7], $0x2000, $0x38;
	[tilespmem:$0x1E200] =	vst v63  }
0x47: {  	_ =	swait.ge [sflag:s20], $0x2000  }
0x48: {  	[sflag:s20] =	ssyncset.done $0x0  }
0x49: {  	s14 =	rddreg [dreg:$0xa];
	[sflag:s20] =	ssyncadd.s32 $0xFFFFE000  }
0x4a: {  	[spmem:s14] =	stream.linear.scatter [tilespmem:s21], [sflag:$0x7], $0x2000, $0x38;
	[tilespmem:$0x1E200] =	vst v63  }
0x4b: {  	_ =	swait.ge [sflag:s20], $0x2000  }
0x4c: {  	[sflag:s20] =	ssyncset.done $0x0  }
0x4d: {  	s15 =	rddreg [dreg:$0xb];
	[sflag:s20] =	ssyncadd.s32 $0xFFFFE000  }
0x4e: {  	[spmem:s15] =	stream.linear.scatter [tilespmem:s21], [sflag:$0x7], $0x2000, $0x38;
	[tilespmem:$0x1E200] =	vst v63  }
0x4f: {  	_ =	swait.ge [sflag:s20], $0x2000  }
0x50: {  	[sflag:s20] =	ssyncset.done $0x0  }
0x51: {  	s16 =	rddreg [dreg:$0xc];
	[sflag:s20] =	ssyncadd.s32 $0xFFFFE000  }
0x52: {  	[spmem:s16] =	stream.linear.scatter [tilespmem:s21], [sflag:$0x7], $0x2000, $0x38;
	[tilespmem:$0x1E200] =	vst v63  }
0x53: {  	_ =	swait.ge [sflag:s20], $0x2000  }
0x54: {  	[sflag:s20] =	ssyncset.done $0x0  }
0x55: {  	s13 =	simm.s32 @!p0 $0x3000;
	s9 =	rddreg [dreg:$0xd];
	[sflag:s20] =	ssyncadd.s32 $0xFFFFE000  }
0x56: {  	[spmem:s9] =	stream.linear.scatter @!p0 [tilespmem:s13], [sflag:$0x7], $0x2000, $0x38;
	[tilespmem:$0x1E200] =	vst v63  }
0x57: {  	s13 =	simm.s32 @!p0 $0x7  }
0x58: {  	_ =	swait.ge @!p0 [sflag:s13], $0x2000  }
0x59: {  	[sflag:s13] =	ssyncset.done @!p0 $0x0  }
0x5a: {  	[sflag:s13] =	ssyncadd.s32 @!p0 $0xFFFFE000  }
0x5b: {  	[bflag:$0x0] =	sbarrier.arrive $0xFFFF  }
0x5c: {  	v1 =	vld [tilespmem:$0x0];
	_ =	sdelay $0x1  }
0x5d: {  	v2 =	vld [tilespmem:$0x10];
	_ =	sdelay $0x1  }
0x5e: {  	v3 =	vld [tilespmem:$0x20]  }
0x5f: {  	v4 =	vand.u32 $0xFFFF, v1  }
0x60: {  	v59 =	vld [tilespmem:$0x30];
	v1 =	vshrl.u32 v1, $0x10;
	[tilespmem:$0x2C00] =	vst v4  }
0x61: {  	[tilespmem:$0x2E00] =	vst v1;
	v1 =	vand.u32 $0xFFFF, v2  }
0x62: {  	[tilespmem:$0x2C10] =	vst v1;
	v1 =	vshrl.u32 v2, $0x10  }
0x63: {  	[tilespmem:$0x2E10] =	vst v1;
	v1 =	vand.u32 $0xFFFF, v3  }
0x64: {  	[tilespmem:$0x2C20] =	vst v1;
	v1 =	vshrl.u32 v3, $0x10  }
0x65: {  	[tilespmem:$0x2E20] =	vst v1;
	v1 =	vand.u32 $0xFFFF, v59  }
0x66: {  	[tilespmem:$0x2C30] =	vst v1;
	v1 =	vshrl.u32 v59, $0x10  }
0x67: {  	[tilespmem:$0x2E30] =	vst v1  }
0x68: {  	[tilespmem:s21], [sflag:$0x1] =	stream.indirect.gather [hbm4b:s4+s22], $0x80, s23, s22, $0xb8;
	[tilespmem:$0x1E200] =	vst v63  }
0x69: {  	v1 =	vld [tilespmem:$0x40];
	_ =	sdelay $0x1  }
0x6a: {  	v2 =	vld [tilespmem:$0x50];
	_ =	sdelay $0x1  }
0x6b: {  	v3 =	vld [tilespmem:$0x60]  }
0x6c: {  	v60 =	vand.u32 $0xFFFF, v1  }
0x6d: {  	v61 =	vld [tilespmem:$0x70];
	v1 =	vshrl.u32 v1, $0x10;
	[tilespmem:$0x2C80] =	vst v60  }
0x6e: {  	[tilespmem:$0x2E80] =	vst v1;
	v1 =	vand.u32 $0xFFFF, v2  }
0x6f: {  	[tilespmem:$0x2C90] =	vst v1;
	v1 =	vshrl.u32 v2, $0x10  }
0x70: {  	[tilespmem:$0x2E90] =	vst v1;
	v1 =	vand.u32 $0xFFFF, v3  }
0x71: {  	[tilespmem:$0x2CA0] =	vst v1;
	v1 =	vshrl.u32 v3, $0x10  }
0x72: {  	[tilespmem:$0x2EA0] =	vst v1;
	v1 =	vand.u32 $0xFFFF, v61  }
0x73: {  	[tilespmem:$0x2CB0] =	vst v1;
	v1 =	vshrl.u32 v61, $0x10  }
0x74: {  	[tilespmem:$0x2EB0] =	vst v1  }
0x75: {  	[tilespmem:s25], [sflag:$0x2] =	stream.indirect.gather [hbm4b:s4+s22], $0x80, s24, s22, $0xb8;
	[tilespmem:$0x1E200] =	vst v63  }
0x76: {  	v1 =	vld [tilespmem:$0x80];
	_ =	sdelay $0x1  }
0x77: {  	v2 =	vld [tilespmem:$0x90];
	_ =	sdelay $0x1  }
0x78: {  	v3 =	vld [tilespmem:$0xA0]  }
0x79: {  	v62 =	vand.u32 $0xFFFF, v1  }
0x7a: {  	v63 =	vld [tilespmem:$0xB0];
	v1 =	vshrl.u32 v1, $0x10;
	[tilespmem:$0x2D00] =	vst v62  }
0x7b: {  	[tilespmem:$0x2F00] =	vst v1;
	v1 =	vand.u32 $0xFFFF, v2  }
0x7c: {  	[tilespmem:$0x2D10] =	vst v1;
	v1 =	vshrl.u32 v2, $0x10  }
0x7d: {  	[tilespmem:$0x2F10] =	vst v1;
	v1 =	vand.u32 $0xFFFF, v3  }
0x7e: {  	[tilespmem:$0x2D20] =	vst v1;
	v1 =	vshrl.u32 v3, $0x10  }
0x7f: {  	[tilespmem:$0x2F20] =	vst v1;
	v1 =	vand.u32 $0xFFFF, v63  }
0x80: {  	[tilespmem:$0x2D30] =	vst v1;
	v1 =	vshrl.u32 v63, $0x10  }
0x81: {  	[tilespmem:$0x2F30] =	vst v1  }
0x82: {  	[tilespmem:s28], [sflag:$0x3] =	stream.indirect.gather [hbm4b:s4+s22], $0x80, s26, s22, $0xb8;
	[tilespmem:$0x1E200] =	vst v63  }
0x83: {  	_ =	swait.ge [sflag:s29], $0x2000  }
0x84: {  	[sflag:s29] =	ssyncset.done $0x0  }
0x85: {  	[sflag:s29] =	ssyncadd.s32 $0xFFFFE000  }
0x86: {  	[spmem:s2] =	stream.indirect.scatter.add.f32 [tilespmem:s21], [sflag:$0x4], $0x80, s30, s22, $0xb8;
	[tilespmem:$0x1E200] =	vst v63  }
0x87: {  	_ =	swait.ge [sflag:s31], $0x2000  }
0x88: {  	[sflag:s31] =	ssyncset.done $0x0  }
0x89: {  	[sflag:s31] =	ssyncadd.s32 $0xFFFFE000  }
0x8a: {  	[spmem:s2] =	stream.indirect.scatter.add.f32 [tilespmem:s25], [sflag:$0x5], $0x80, s0, s22, $0xb8;
	[tilespmem:$0x1E200] =	vst v63  }
0x8b: {  	_ =	swait.ge [sflag:s3], $0x2000  }
0x8c: {  	[sflag:s3] =	ssyncset.done $0x0  }
0x8d: {  	[sflag:s3] =	ssyncadd.s32 $0xFFFFE000  }
0x8e: {  	[spmem:s2] =	stream.indirect.scatter.add.f32 [tilespmem:s28], [sflag:$0x6], $0x80, s5, s22, $0xb8;
	[tilespmem:$0x1E200] =	vst v63  }
0x8f: {  	_ =	swait.ge [sflag:s8], $0x2000  }
0x90: {  	s17 =	simm.s32 $0xC0;
	[sflag:s8] =	ssyncset.done $0x0  }
0x91: {  	s13 =	sand.u32 $0x7FC0, s17;
	[sflag:s8] =	ssyncadd.s32 $0xFFFFE000  }
0x92: {  	v1 =	vld [tilespmem:s13+$0x0];
	_ =	sdelay $0x4  }
0x93: {  	v2 =	vand.u32 $0xFFFF, v1  }
0x94: {  	v1 =	vshrl.u32 v1, $0x10;
	[tilespmem:$0x2C00] =	vst v2  }
0x95: {  	[tilespmem:$0x2E00] =	vst v1  }
0x96: {  	v1 =	vld [tilespmem:s13+$0x10];
	_ =	sdelay $0x4  }
0x97: {  	v2 =	vand.u32 $0xFFFF, v1  }
0x98: {  	v1 =	vshrl.u32 v1, $0x10;
	[tilespmem:$0x2C10] =	vst v2  }
0x99: {  	[tilespmem:$0x2E10] =	vst v1  }
0x9a: {  	v1 =	vld [tilespmem:s13+$0x20];
	_ =	sdelay $0x4  }
0x9b: {  	v2 =	vand.u32 $0xFFFF, v1  }
0x9c: {  	v1 =	vshrl.u32 v1, $0x10;
	[tilespmem:$0x2C20] =	vst v2  }
0x9d: {  	[tilespmem:$0x2E20] =	vst v1  }
0x9e: {  	v1 =	vld [tilespmem:s13+$0x30];
	_ =	sdelay $0x4  }
0x9f: {  	v2 =	vand.u32 $0xFFFF, v1  }
0xa0: {  	v1 =	vshrl.u32 v1, $0x10;
	[tilespmem:$0x2C30] =	vst v2  }
0xa1: {  	[tilespmem:$0x2E30] =	vst v1  }
0xa2: {  	[tilespmem:s21], [sflag:$0x1] =	stream.indirect.gather [hbm4b:s4+s22], $0x80, s23, s22, $0xb8;
	[tilespmem:$0x1E200] =	vst v63  }
0xa3: {  	s14 =	simm.s32 $0x0;
	s13 =	simm.s32 $0x0;
	_ =	swait.ge [sflag:s10], $0x2000  }
0xa4: {  	s14 =	sand.u32 $0x3F80, s14;
	s15 =	sand.u32 $0x40, s13;
	[sflag:s10] =	ssyncset.done $0x0  }
0xa5: {  	s14 =	sor.u32 s15, s14;
	[sflag:s10] =	ssyncadd.s32 $0xFFFFE000  }
0xa6: {  	v1 =	vld [tilespmem:s14+$0x100];
	_ =	sdelay $0x4  }
0xa7: {  	v2 =	vand.u32 $0xFFFF, v1  }
0xa8: {  	v1 =	vshrl.u32 v1, $0x10;
	[tilespmem:$0x2C80] =	vst v2  }
0xa9: {  	[tilespmem:$0x2E80] =	vst v1  }
0xaa: {  	v1 =	vld [tilespmem:s14+$0x110];
	_ =	sdelay $0x4  }
0xab: {  	v2 =	vand.u32 $0xFFFF, v1  }
0xac: {  	v1 =	vshrl.u32 v1, $0x10;
	[tilespmem:$0x2C90] =	vst v2  }
0xad: {  	[tilespmem:$0x2E90] =	vst v1  }
0xae: {  	v1 =	vld [tilespmem:s14+$0x120];
	_ =	sdelay $0x4  }
0xaf: {  	v2 =	vand.u32 $0xFFFF, v1  }
0xb0: {  	v1 =	vshrl.u32 v1, $0x10;
	[tilespmem:$0x2CA0] =	vst v2  }
0xb1: {  	[tilespmem:$0x2EA0] =	vst v1  }
0xb2: {  	v1 =	vld [tilespmem:s14+$0x130];
	_ =	sdelay $0x4  }
0xb3: {  	v2 =	vand.u32 $0xFFFF, v1  }
0xb4: {  	v1 =	vshrl.u32 v1, $0x10;
	[tilespmem:$0x2CB0] =	vst v2  }
0xb5: {  	[tilespmem:$0x2EB0] =	vst v1  }
0xb6: {  	[tilespmem:s25], [sflag:$0x2] =	stream.indirect.gather [hbm4b:s4+s22], $0x80, s24, s22, $0xb8;
	[tilespmem:$0x1E200] =	vst v63  }
0xb7: {  	_ =	swait.ge [sflag:s11], $0x2000  }
0xb8: {  	s19 =	simm.s32 $0x140;
	[sflag:s11] =	ssyncset.done $0x0  }
0xb9: {  	s16 =	sand.u32 $0x7FC0, s19;
	[sflag:s11] =	ssyncadd.s32 $0xFFFFE000  }
0xba: {  	v1 =	vld [tilespmem:s16+$0x0];
	_ =	sdelay $0x4  }
0xbb: {  	v2 =	vand.u32 $0xFFFF, v1  }
0xbc: {  	v1 =	vshrl.u32 v1, $0x10;
	[tilespmem:$0x2D00] =	vst v2  }
0xbd: {  	[tilespmem:$0x2F00] =	vst v1  }
0xbe: {  	v1 =	vld [tilespmem:s16+$0x10];
	_ =	sdelay $0x4  }
0xbf: {  	v2 =	vand.u32 $0xFFFF, v1  }
0xc0: {  	v1 =	vshrl.u32 v1, $0x10;
	[tilespmem:$0x2D10] =	vst v2  }
0xc1: {  	[tilespmem:$0x2F10] =	vst v1  }
0xc2: {  	s14 =	simm.s32 $0x200;
	v1 =	vld [tilespmem:s16+$0x20]  }
.LBB2_4:
0xc3: {  	_ =	sdelay $0x1  }
0xc4: {  	p1 =	sne.s32 s14, $0x29C0  }
0xc5: {  	s13 =	sadd.s32 $0x40, s13;
	s15 =	smov.u32 s14;
	s14 =	sadd.s32 $0xC0, s14  }
0xc6: {  	v2 =	vand.u32 $0xFFFF, v1;
	v1 =	vshrl.u32 v1, $0x10  }
0xc7: {  	[tilespmem:$0x2D20] =	vst v2  }
0xc8: {  	[tilespmem:$0x2F20] =	vst v1  }
0xc9: {  	v1 =	vld [tilespmem:s16+$0x30];
	_ =	sdelay $0x4  }
0xca: {  	v2 =	vand.u32 $0xFFFF, v1;
	v1 =	vshrl.u32 v1, $0x10  }
0xcb: {  	[tilespmem:$0x2D30] =	vst v2  }
0xcc: {  	[tilespmem:$0x2F30] =	vst v1  }
0xcd: {  	[tilespmem:s28], [sflag:$0x3] =	stream.indirect.gather [hbm4b:s4+s22], $0x80, s26, s22, $0xb8;
	[tilespmem:$0x1E200] =	vst v63  }
0xce: {  	_ =	swait.ge [sflag:s29], $0x2000  }
0xcf: {  	[sflag:s29] =	ssyncset.done $0x0  }
0xd0: {  	[sflag:s29] =	ssyncadd.s32 $0xFFFFE000  }
0xd1: {  	[spmem:s2] =	stream.indirect.scatter.add.f32 [tilespmem:s21], [sflag:$0x4], $0x80, s30, s22, $0xb8;
	[tilespmem:$0x1E200] =	vst v63  }
0xd2: {  	_ =	swait.ge [sflag:s31], $0x2000  }
0xd3: {  	[sflag:s31] =	ssyncset.done $0x0  }
0xd4: {  	[sflag:s31] =	ssyncadd.s32 $0xFFFFE000  }
0xd5: {  	[spmem:s2] =	stream.indirect.scatter.add.f32 [tilespmem:s25], [sflag:$0x5], $0x80, s0, s22, $0xb8;
	[tilespmem:$0x1E200] =	vst v63  }
0xd6: {  	_ =	swait.ge [sflag:s3], $0x2000  }
0xd7: {  	[sflag:s3] =	ssyncset.done $0x0  }
0xd8: {  	[sflag:s3] =	ssyncadd.s32 $0xFFFFE000  }
0xd9: {  	[spmem:s2] =	stream.indirect.scatter.add.f32 [tilespmem:s28], [sflag:$0x6], $0x80, s5, s22, $0xb8;
	[tilespmem:$0x1E200] =	vst v63  }
0xda: {  	_ =	swait.ge [sflag:s8], $0x2000  }
0xdb: {  	s16 =	sadd.s32 $0xFFFFFF80, s15;
	[sflag:s8] =	ssyncset.done $0x0  }
0xdc: {  	s16 =	sand.u32 $0x7FC0, s16;
	[sflag:s8] =	ssyncadd.s32 $0xFFFFE000  }
0xdd: {  	v1 =	vld [tilespmem:s16+$0x0];
	_ =	sdelay $0x4  }
0xde: {  	v2 =	vand.u32 $0xFFFF, v1;
	v1 =	vshrl.u32 v1, $0x10  }
0xdf: {  	[tilespmem:$0x2C00] =	vst v2  }
0xe0: {  	[tilespmem:$0x2E00] =	vst v1  }
0xe1: {  	v1 =	vld [tilespmem:s16+$0x10];
	_ =	sdelay $0x4  }
0xe2: {  	v2 =	vand.u32 $0xFFFF, v1;
	v1 =	vshrl.u32 v1, $0x10  }
0xe3: {  	[tilespmem:$0x2C10] =	vst v2  }
0xe4: {  	[tilespmem:$0x2E10] =	vst v1  }
0xe5: {  	v1 =	vld [tilespmem:s16+$0x20];
	_ =	sdelay $0x4  }
0xe6: {  	v2 =	vand.u32 $0xFFFF, v1;
	v1 =	vshrl.u32 v1, $0x10  }
0xe7: {  	[tilespmem:$0x2C20] =	vst v2  }
0xe8: {  	[tilespmem:$0x2E20] =	vst v1  }
0xe9: {  	v1 =	vld [tilespmem:s16+$0x30];
	_ =	sdelay $0x4  }
0xea: {  	s16 =	sadd.s32 $0xFFFFFEC0, s15;
	v2 =	vand.u32 $0xFFFF, v1;
	v1 =	vshrl.u32 v1, $0x10  }
0xeb: {  	s17 =	sand.u32 $0x40, s13;
	s16 =	sand.u32 $0x3F80, s16;
	[tilespmem:$0x2C30] =	vst v2  }
0xec: {  	s16 =	sor.u32 s17, s16;
	[tilespmem:$0x2E30] =	vst v1  }
0xed: {  	[tilespmem:s21], [sflag:$0x1] =	stream.indirect.gather [hbm4b:s4+s22], $0x80, s23, s22, $0xb8;
	[tilespmem:$0x1E200] =	vst v63  }
0xee: {  	_ =	swait.ge [sflag:s10], $0x2000  }
0xef: {  	[sflag:s10] =	ssyncset.done $0x0  }
0xf0: {  	[sflag:s10] =	ssyncadd.s32 $0xFFFFE000  }
0xf1: {  	v1 =	vld [tilespmem:s16+$0x100];
	_ =	sdelay $0x4  }
0xf2: {  	v2 =	vand.u32 $0xFFFF, v1;
	v1 =	vshrl.u32 v1, $0x10  }
0xf3: {  	[tilespmem:$0x2C80] =	vst v2  }
0xf4: {  	[tilespmem:$0x2E80] =	vst v1  }
0xf5: {  	v1 =	vld [tilespmem:s16+$0x110];
	_ =	sdelay $0x4  }
0xf6: {  	v2 =	vand.u32 $0xFFFF, v1;
	v1 =	vshrl.u32 v1, $0x10  }
0xf7: {  	[tilespmem:$0x2C90] =	vst v2  }
0xf8: {  	[tilespmem:$0x2E90] =	vst v1  }
0xf9: {  	v1 =	vld [tilespmem:s16+$0x120];
	_ =	sdelay $0x4  }
0xfa: {  	v2 =	vand.u32 $0xFFFF, v1;
	v1 =	vshrl.u32 v1, $0x10  }
0xfb: {  	[tilespmem:$0x2CA0] =	vst v2  }
0xfc: {  	[tilespmem:$0x2EA0] =	vst v1  }
0xfd: {  	v1 =	vld [tilespmem:s16+$0x130];
	_ =	sdelay $0x2  }
0xfe: {  	s16 =	sand.u32 $0x7FC0, s15;
	_ =	sdelay $0x1  }
0xff: {  	v2 =	vand.u32 $0xFFFF, v1;
	v1 =	vshrl.u32 v1, $0x10  }
0x100: {  	[tilespmem:$0x2CB0] =	vst v2  }
0x101: {  	[tilespmem:$0x2EB0] =	vst v1  }
0x102: {  	[tilespmem:s25], [sflag:$0x2] =	stream.indirect.gather [hbm4b:s4+s22], $0x80, s24, s22, $0xb8;
	[tilespmem:$0x1E200] =	vst v63  }
0x103: {  	_ =	swait.ge [sflag:s11], $0x2000  }
0x104: {  	[sflag:s11] =	ssyncset.done $0x0  }
0x105: {  	[sflag:s11] =	ssyncadd.s32 $0xFFFFE000  }
0x106: {  	v1 =	vld [tilespmem:s16+$0x0];
	_ =	sdelay $0x4  }
0x107: {  	v2 =	vand.u32 $0xFFFF, v1;
	v1 =	vshrl.u32 v1, $0x10  }
0x108: {  	[tilespmem:$0x2D00] =	vst v2  }
0x109: {  	[tilespmem:$0x2F00] =	vst v1  }
0x10a: {  	v1 =	vld [tilespmem:s16+$0x10];
	_ =	sdelay $0x3  }
.Ltmp1:
0x10b: {  	(pc) =	sbr.rel @p1 .LBB2_4-.Ltmp1, $4  }
0x10c: {  	v2 =	vand.u32 $0xFFFF, v1;
	v1 =	vshrl.u32 v1, $0x10  }
0x10d: {  	[tilespmem:$0x2D10] =	vst v2  }
0x10e: {  	[tilespmem:$0x2F10] =	vst v1  }
0x10f: {  	v1 =	vld [tilespmem:s16+$0x20]  }
0x110: {  	_ =	sdelay $0x3  }
0x111: {  	v2 =	vand.u32 $0xFFFF, v1  }
0x112: {  	v1 =	vshrl.u32 v1, $0x10;
	[tilespmem:$0x2D20] =	vst v2  }
0x113: {  	[tilespmem:$0x2F20] =	vst v1  }
0x114: {  	v1 =	vld [tilespmem:s16+$0x30];
	_ =	sdelay $0x4  }
0x115: {  	v2 =	vand.u32 $0xFFFF, v1  }
0x116: {  	v1 =	vshrl.u32 v1, $0x10;
	[tilespmem:$0x2D30] =	vst v2  }
0x117: {  	[tilespmem:$0x2F30] =	vst v1  }
0x118: {  	[tilespmem:s28], [sflag:$0x3] =	stream.indirect.gather [hbm4b:s4+s22], $0x80, s26, s22, $0xb8;
	[tilespmem:$0x1E200] =	vst v63  }
0x119: {  	_ =	swait.ge [sflag:s29], $0x2000  }
0x11a: {  	[sflag:s29] =	ssyncset.done $0x0  }
0x11b: {  	[sflag:s29] =	ssyncadd.s32 $0xFFFFE000  }
0x11c: {  	[spmem:s2] =	stream.indirect.scatter.add.f32 [tilespmem:s21], [sflag:$0x4], $0x80, s30, s22, $0xb8;
	[tilespmem:$0x1E200] =	vst v63  }
0x11d: {  	_ =	swait.ge [sflag:s31], $0x2000  }
0x11e: {  	[sflag:s31] =	ssyncset.done $0x0  }
0x11f: {  	[sflag:s31] =	ssyncadd.s32 $0xFFFFE000  }
0x120: {  	[spmem:s2] =	stream.indirect.scatter.add.f32 [tilespmem:s25], [sflag:$0x5], $0x80, s0, s22, $0xb8;
	[tilespmem:$0x1E200] =	vst v63  }
0x121: {  	_ =	swait.ge [sflag:s3], $0x2000  }
0x122: {  	[sflag:s3] =	ssyncset.done $0x0  }
0x123: {  	[sflag:s3] =	ssyncadd.s32 $0xFFFFE000  }
0x124: {  	[spmem:s2] =	stream.indirect.scatter.add.f32 [tilespmem:s28], [sflag:$0x6], $0x80, s5, s22, $0xb8;
	[tilespmem:$0x1E200] =	vst v63  }
0x125: {  	_ =	swait.ge [sflag:s8], $0x2000  }
0x126: {  	[sflag:s8] =	ssyncset.done $0x0  }
0x127: {  	[sflag:s8] =	ssyncadd.s32 $0xFFFFE000  }
0x128: {  	v1 =	vld [tilespmem:$0x2A00];
	_ =	sdelay $0x1  }
0x129: {  	v2 =	vld [tilespmem:$0x2A10];
	_ =	sdelay $0x1  }
0x12a: {  	v3 =	vld [tilespmem:$0x2A20]  }
0x12b: {  	v4 =	vand.u32 $0xFFFF, v1  }
0x12c: {  	v63 =	vld [tilespmem:$0x2A30];
	v1 =	vshrl.u32 v1, $0x10;
	[tilespmem:$0x2C00] =	vst v4  }
0x12d: {  	[tilespmem:$0x2E00] =	vst v1;
	v1 =	vand.u32 $0xFFFF, v2  }
0x12e: {  	[tilespmem:$0x2C10] =	vst v1;
	v1 =	vshrl.u32 v2, $0x10  }
0x12f: {  	[tilespmem:$0x2E10] =	vst v1;
	v1 =	vand.u32 $0xFFFF, v3  }
0x130: {  	[tilespmem:$0x2C20] =	vst v1;
	v1 =	vshrl.u32 v3, $0x10  }
0x131: {  	[tilespmem:$0x2E20] =	vst v1;
	v1 =	vand.u32 $0xFFFF, v63  }
0x132: {  	[tilespmem:$0x2C30] =	vst v1;
	v1 =	vshrl.u32 v63, $0x10  }
0x133: {  	[tilespmem:$0x2E30] =	vst v1  }
0x134: {  	[tilespmem:s21], [sflag:$0x1] =	stream.indirect.gather [hbm4b:s4+s22], $0x80, s23, s22, $0xb8;
	[tilespmem:$0x1E200] =	vst v63  }
0x135: {  	_ =	swait.ge [sflag:s29], $0x2000  }
0x136: {  	[sflag:s29] =	ssyncset.done $0x0  }
0x137: {  	[sflag:s29] =	ssyncadd.s32 $0xFFFFE000  }
0x138: {  	[spmem:s2] =	stream.indirect.scatter.add.f32 [tilespmem:s21], [sflag:$0x4], $0x80, s30, s22, $0xb8;
	[tilespmem:$0x1E200] =	vst v63  }
0x139: {  	_ =	swait.ge [sflag:s8], $0x2000  }
0x13a: {  	[sflag:s8] =	ssyncset.done $0x0  }
0x13b: {  	[sflag:s8] =	ssyncadd.s32 $0xFFFFE000  }
0x13c: {  	_ =	swait.ge [sflag:s10], $0x2000  }
0x13d: {  	[sflag:s10] =	ssyncset.done $0x0  }
0x13e: {  	[sflag:s10] =	ssyncadd.s32 $0xFFFFE000  }
0x13f: {  	_ =	swait.ge [sflag:s11], $0x2000  }
0x140: {  	[sflag:s11] =	ssyncset.done $0x0  }
0x141: {  	s13 =	sadd.s32 $0x0, s1;
	s12 =	smov.u32 s7;
	[sflag:s11] =	ssyncadd.s32 $0xFFFFE000  }
0x142: {  	s17 =	sadd.s32 $0x10, s1;
	p1 =	sgt.u32 s13, $0xA8;
	[bflag:$0x0] =	sbarrier.arrive $0xFFFF  }
0x143: {  	s13 =	sshll.u32 @!p1 s1, $0x6;
	s15 =	simm.s32 @!p1 $0x7;
	s9 =	rddreg [dreg:$0xe]  }
0x144: {  	s13 =	sor.u32 @!p1 $0x1C07, s13;
	s16 =	sshrl.u32 @!p1 s7, $0x3;
	s14 =	sadd.s32 @!p1 s9, s6  }
0x145: {  	[hbm:s14], [sflag:s13] =	dma.local @!p1 [spmem:s16], $0x400  }
0x146: {  	s7 =	smov.u32 s18;
	s16 =	simm.s32 $0x20;
	_ =	swait.ge @!p1 [sflag:s15], $0x400  }
0x147: {  	s13 =	sadd.s32 $0x4000, s9;
	s14 =	smov.u32 s18;
	[sflag:s15] =	ssyncset.done @!p1 $0x0  }
.LBB2_6:
0x148: {  	[sflag:s15] =	ssyncadd.s32 @!p1 $0xFFFFFC00  }
0x149: {  	p1 =	sgt.u32 s17, $0xA8;
	s17 =	smov.u32 s16;
	s16 =	sadd.s32 $0x10, s16  }
0x14a: {  	p2 =	sne.s32 s16, $0xB0  }
.Ltmp2:
0x14b: {  	s18 =	sshll.u32 @!p1 s1, $0x6;
	s15 =	simm.s32 @!p1 $0x7;
	(pc) =	sbr.rel @p2 .LBB2_6-.Ltmp2, $4  }
0x14c: {  	s9 =	sadd.s32 @!p1 s13, s6;
	s19 =	sshrl.u32 @!p1 s14, $0x3;
	s18 =	sor.u32 @!p1 $0x1C07, s18  }
0x14d: {  	[hbm:s9], [sflag:s18] =	dma.local @!p1 [spmem:s19], $0x400  }
0x14e: {  	s13 =	sadd.s32 $0x4000, s13;
	_ =	swait.ge @!p1 [sflag:s15], $0x400  }
0x14f: {  	s17 =	sadd.s32 s17, s1;
	s14 =	sadd.s32 $0x20000, s14;
	[sflag:s15] =	ssyncset.done @!p1 $0x0  }
0x150: {  	p2 =	sgt.u32 s17, $0xA8  }
0x151: {  	[sflag:s15] =	ssyncadd.s32 @!p1 $0xFFFFFC00;
	s9 =	sshll.u32 @!p2 s1, $0x6;
	s15 =	simm.s32 @!p2 $0x7  }
0x152: {  	s13 =	sadd.s32 @!p2 s13, s6;
	s14 =	sshrl.u32 @!p2 s14, $0x3;
	s9 =	sor.u32 @!p2 $0x1C07, s9  }
0x153: {  	[hbm:s13], [sflag:s9] =	dma.local @!p2 [spmem:s14], $0x400  }
0x154: {  	_ =	swait.ge @!p2 [sflag:s15], $0x400  }
0x155: {  	s18 =	rddreg [dreg:$0xf]  }
0x156: {  	s19 =	rddreg [dreg:$0x4];
	s13 =	sadd.s32 $0x1, s18  }
0x157: {  	p1 =	sne.s32 s13, s19  }
.Ltmp3:
0x158: {  	_ = 	snop;
	(pc) =	sbr.rel @p1 .LBB2_1-.Ltmp3, $3  }
0x159: {  	_ =	sdelay $0x1  }
0x15a: {  	[sflag:s15] =	ssyncset.done @!p2 $0x0  }
0x15b: {  	[sflag:s15] =	ssyncadd.s32 @!p2 $0xFFFFFC00;
	s18 =	smov.u32 s7;
	s7 =	smov.u32 s12  }
0x15c: {  	_ =	sfence.sel $0x180000  }
0x15d: {  	[bflag:$0x0] =	sbarrier.arrive $0xFFFF  }
0x15e: {  	_ =	strace $0x9000004A  }
0x15f: {  	[bflag:$0x2] =	sbarrier.arrive $0xFFFF  }
0x160: {  	p0 =	sne.s32 s1, $0x0;
	s0 =	rddreg [dreg:$0x2]  }
0x161: {  	s0 =	sadd.s32 @!p0 $0x100000, s0  }
0x162: {  	[sflag:s0] =	ssyncadd.tile.s32 @!p0 $0x1;
	_ =	shalt  }
.Lfunc_end2:
_tile_overlayer_lowered:
.L_overlay_start_2:
0x163: {  	(tag) =	ssettag $0x2  }
0x164: {  	s0 =	rddreg [dreg:$0x0];
	s2 =	stileid.u32  }
0x165: {  	s1 =	rddreg [dreg:$0x1];
	p0 =	sne.s32 s2, $0x0  }
0x166: {  	s3 =	rddreg [dreg:$0x2];
	[bflag:$0x3] =	sbarrier.arrive $0xFFFF;
	s2 =	simm.s32 @!p0 $0x1C07  }
0x167: {  	[timem:s3], [sflag:s2] =	dma.local @!p0 [hbm:s0], s1  }
0x168: {  	s0 =	simm.s32 @!p0 $0x7  }
0x169: {  	_ =	swait.ge @!p0 [sflag:s0], s1  }
0x16a: {  	s1 =	ssub.s32 @!p0 $0x0, s1;
	[sflag:s0] =	ssyncset.done @!p0 $0x0  }
0x16b: {  	[sflag:s0] =	ssyncadd.s32 @!p0 s1  }
0x16c: {  	[bflag:$0x3] =	sbarrier.arrive $0xFFFF  }
0x16d: {  	_ =	shalt  }

// kernel: kernel.15.cloned.1.call-start
scs
__scs_entry_jumppad:
0x0: {  	(pc) =	sbr.rel $0x88, $3  }
0x1: {  	(tag) =	ssettag $0x0;
	lr =	simm.s32 $0x1  }
0x2: {  	[smem:$0x3F95] =	sst lr;
	_ =	strace $0xD0000000  }
0x3: {  	_ = 	snop  }
0x4: {  	_ = 	snop  }
0x5: {  	_ = 	snop  }
0x6: {  	_ = 	snop  }
0x7: {  	_ = 	snop  }
__scs_overlays_trampoline_lowered:
0x8: {  	[smem:$0x3FA4] =	sst s0  }
0x9: {  	[smem:$0x3FA5] =	sst s1  }
0xa: {  	[smem:$0x3FA6] =	sst s2  }
0xb: {  	[smem:$0x3FA7] =	sst s3  }
0xc: {  	[smem:$0x3FA8] =	sst s4  }
0xd: {  	[smem:$0x3FA9] =	sst s5  }
0xe: {  	[smem:$0x3FAA] =	sst s6  }
0xf: {  	[smem:$0x3FAB] =	sst s7  }
0x10: {  	[smem:$0x3FAC] =	sst s8  }
0x11: {  	[smem:$0x3FAD] =	sst s9;
	s0 =	simm.s32 @!p0 $0x0  }
0x12: {  	s1 =	sld [smem:$0x3F93];
	s0 =	simm.s32 @p0 $0x1  }
0x13: {  	[smem:$0x3FAE] =	sst s0;
	s0 =	simm.s32 @!p1 $0x0  }
0x14: {  	s2 =	sld [smem:$0x3F92];
	s0 =	simm.s32 @p1 $0x1  }
0x15: {  	[smem:$0x3FAF] =	sst s0;
	s0 =	simm.s32 @!p2 $0x0  }
0x16: {  	s3 =	sld [smem:$0x3FDB];
	s0 =	simm.s32 @p2 $0x1  }
0x17: {  	s4 =	simm.s32 $0x1BF5;
	[smem:$0x3FB1] =	sst s0  }
0x18: {  	s0 =	sld [smem:$0x3F94];
	_ =	swait.ge [sflag:s4], $0x0  }
0x19: {  	s7 =	sld [smem:$0x3F95]  }
0x1a: {  	s8 =	sadd.s32 $0xFFFFE003, lr  }
0x1b: {  	s9 =	sadd.s32 $0xFFFFFEF7, lr;
	s5 =	simm.s32 $0xFFFFFFFF;
	p2 =	slt.u32 s8, $0xFFFFF086  }
0x1c: {  	p1 =	slt.u32 s9, $0xF7A;
	s5 =	simm.s32 @!p2 $0x0  }
0x1d: {  	s5 =	simm.s32 @p1 $0x1;
	p0 =	seq.s32 s7, s2  }
0x1e: {  	s7 =	smul.u32 @!p0 $0xF7A, s2;
	p2 =	seq.s32 @!p0 s5, $0x0  }
0x1f: {  	s9 =	smul.u32 $0xF7A, s1;
	s8 =	simm.s32 @!p0 $0x1BF5;
	p2 =	por !p2, p0  }
0x20: {  	[sflag:s8] =	ssyncset.s32 @!p0 $0xFFFFF086;
	s6 =	sadd.s32 @!p0 s3, s7;
	s7 =	simm.s32 @!p0 $0x108  }
0x21: {  	s3 =	sadd.s32 s3, s9;
	s6 =	sadd.s32 @!p0 $0x88, s6;
	s7 =	simm.s32 @p2 $0x1082  }
0x22: {  	[simem:s7], [sflag:s8] =	dma.local @!p0 [hbm:s6], $0xF7A  }
0x23: {  	s9 =	sor.u32 $0xD0000000, s2;
	s6 =	simm.s32 $0x108;
	_ =	swait.ge @!p0 [sflag:s8], $0x0  }
0x24: {  	s3 =	sadd.s32 $0x88, s3;
	s6 =	simm.s32 @!p1 $0x1082;
	[sflag:s4] =	ssyncset.s32 $0xFFFFF086  }
0x25: {  	[simem:s6], [sflag:s4] =	dma.local [hbm:s3], $0xF7A  }
0x26: {  	[smem:$0x3F95] =	sst s1;
	(tag) =	ssettag s2;
	_ =	strace s9  }
0x27: {  	s1 =	sld [smem:$0x3FA5]  }
0x28: {  	s2 =	sld [smem:$0x3FA6]  }
0x29: {  	s4 =	sld [smem:$0x3FA8]  }
0x2a: {  	p0 =	seq.s32 s5, $0x0;
	s5 =	sld [smem:$0x3FA9]  }
0x2b: {  	s6 =	sld [smem:$0x3FAA]  }
0x2c: {  	s7 =	sld [smem:$0x3FAB]  }
0x2d: {  	s3 =	simm.s32 $0x108;
	s8 =	sld [smem:$0x3FAC]  }
0x2e: {  	s3 =	simm.s32 @!p0 $0x1082;
	s9 =	sld [smem:$0x3FAD]  }
0x2f: {  	lr =	sadd.s32 s0, s3;
	s0 =	sld [smem:$0x3FA4]  }
0x30: {  	s3 =	sld [smem:$0x3FA7]  }
0x31: {  	[smem:$0x3FB0] =	sst s10  }
0x32: {  	s10 =	sld [smem:$0x3FAE];
	_ =	sdelay $0x3  }
0x33: {  	p0 =	seq.s32 s10, $0x1;
	s10 =	sld [smem:$0x3FB0];
	_ =	sdelay $0x3  }
0x34: {  	[smem:$0x3FB0] =	sst s10  }
0x35: {  	s10 =	sld [smem:$0x3FAF];
	_ =	sdelay $0x3  }
0x36: {  	p1 =	seq.s32 s10, $0x1;
	s10 =	sld [smem:$0x3FB0];
	_ =	sdelay $0x3  }
0x37: {  	[smem:$0x3FB0] =	sst s10  }
0x38: {  	s10 =	sld [smem:$0x3FB1]  }
0x39: {  	_ = 	snop;
	(pc) =	sbr.ind lr, $3  }
0x3a: {  	_ = 	snop  }
0x3b: {  	_ = 	snop  }
0x3c: {  	p2 =	seq.s32 s10, $0x1;
	s10 =	sld [smem:$0x3FB0]  }
0x3d: {  	_ =	shalt  }
0x3e: {  	_ =	shalt  }
0x3f: {  	_ =	shalt  }
0x40: {  	_ =	shalt  }
0x41: {  	_ =	shalt  }
0x42: {  	_ =	shalt  }
0x43: {  	_ =	shalt  }
0x44: {  	_ =	shalt  }
0x45: {  	_ =	shalt  }
0x46: {  	_ =	shalt  }
0x47: {  	_ =	shalt  }
0x48: {  	_ =	shalt  }
0x49: {  	_ =	shalt  }
0x4a: {  	_ =	shalt  }
0x4b: {  	_ =	shalt  }
0x4c: {  	_ =	shalt  }
0x4d: {  	_ =	shalt  }
0x4e: {  	_ =	shalt  }
0x4f: {  	_ =	shalt  }
0x50: {  	_ =	shalt  }
0x51: {  	_ =	shalt  }
0x52: {  	_ =	shalt  }
0x53: {  	_ =	shalt  }
0x54: {  	_ =	shalt  }
0x55: {  	_ =	shalt  }
0x56: {  	_ =	shalt  }
0x57: {  	_ =	shalt  }
0x58: {  	_ =	shalt  }
0x59: {  	_ =	shalt  }
0x5a: {  	_ =	shalt  }
0x5b: {  	_ =	shalt  }
0x5c: {  	_ =	shalt  }
0x5d: {  	_ =	shalt  }
0x5e: {  	_ =	shalt  }
0x5f: {  	_ =	shalt  }
0x60: {  	_ =	shalt  }
0x61: {  	_ =	shalt  }
0x62: {  	_ =	shalt  }
0x63: {  	_ =	shalt  }
0x64: {  	_ =	shalt  }
0x65: {  	_ =	shalt  }
0x66: {  	_ =	shalt  }
0x67: {  	_ =	shalt  }
0x68: {  	_ =	shalt  }
0x69: {  	_ =	shalt  }
0x6a: {  	_ =	shalt  }
0x6b: {  	_ =	shalt  }
0x6c: {  	_ =	shalt  }
0x6d: {  	_ =	shalt  }
0x6e: {  	_ =	shalt  }
0x6f: {  	_ =	shalt  }
0x70: {  	_ =	shalt  }
0x71: {  	_ =	shalt  }
0x72: {  	_ =	shalt  }
0x73: {  	_ =	shalt  }
0x74: {  	_ =	shalt  }
0x75: {  	_ =	shalt  }
0x76: {  	_ =	shalt  }
0x77: {  	_ =	shalt  }
0x78: {  	_ =	shalt  }
0x79: {  	_ =	shalt  }
0x7a: {  	_ =	shalt  }
0x7b: {  	_ =	shalt  }
0x7c: {  	_ =	shalt  }
0x7d: {  	_ =	shalt  }
0x7e: {  	_ =	shalt  }
0x7f: {  	_ =	shalt  }
0x80: {  	_ =	shalt  }
0x81: {  	_ =	shalt  }
0x82: {  	_ =	shalt  }
0x83: {  	_ =	shalt  }
0x84: {  	_ =	shalt  }
0x85: {  	_ =	shalt  }
0x86: {  	_ =	shalt  }
0x87: {  	_ =	shalt  }
.Lfunc_end0:
.L_simem_size_0:
called_computation.2_lowered:
.L_overlay_start_0:
0x88: {  	s2 =	sld [smem:$0x3FD9]  }
0x89: {  	s3 =	sld [smem:$0x3FFE];
	_ =	sdelay $0x1  }
0x8a: {  	s1 =	srdreg.scid  }
0x8b: {  	s0 =	sand.u32 $0x1, s1  }
0x8c: {  	s16 =	sshll.u32 s0, $0xA;
	s2 =	sadd.s32 s3, s2  }
0x8d: {  	s2 =	sadd.s32 s2, s16  }
0x8e: {  	[smem:$0x3FBC] =	sst s2  }
0x8f: {  	_ = 	snop  }
0x90: {  	(tm) =	ssettm $0x1  }
0x91: {  	s17 =	sld [smem:$0x3FFB];
	_ =	sdelay $0x3  }
0x92: {  	_ =	strace s17  }
0x93: {  	s2 =	sld [smem:$0x3FFC];
	_ =	sdelay $0x3  }
0x94: {  	_ =	strace s2  }
0x95: {  	s2 =	sld [smem:$0x3FFD];
	_ =	sdelay $0x3  }
0x96: {  	_ =	strace s2  }
0x97: {  	_ =	strace $0x8FFFFFFF  }
0x98: {  	s18 =	sld [smem:$0x3FDB];
	_ =	sdelay $0x1  }
0x99: {  	s19 =	simm.s32 $_scs_section_size  }
0x9a: {  	s4 =	simm.s32 $_size__tile_overlayer_lowered;
	s5 =	simm.s32 $_tile_overlayer_lowered  }
0x9b: {  	s22 =	simm.s32 $0x1BFF;
	s21 =	sshll.u32 s5, $0x1;
	s2 =	sadd.s32 s19, s18  }
0x9c: {  	s6 =	simm.s32 $0x0;
	s20 =	sshll.u32 s4, $0x1;
	s4 =	sadd.s32 s21, s2  }
0x9d: {  	[timem:s6], [sflag:s22] =	dma.local [hbm:s4], s20  }
0x9e: {  	_ =	swait.ge [sflag:s22], s20  }
0x9f: {  	s3 =	ssub.s32 $0x0, s20;
	[sflag:s22] =	ssyncset.done $0x0  }
0xa0: {  	[sflag:s22] =	ssyncadd.s32 s3;
	_ =	sdelay $0x1  }
0xa1: {  	s23 =	simm.s32 $0x1B8B  }
0xa2: {  	_ =	swait.ge [sflag:s23], $0x1  }
0xa3: {  	[sflag:s23] =	ssyncset.done $0x0  }
0xa4: {  	s25 =	simm.s32 $0x1B8E;
	s24 =	sld [smem:$0x3FFE];
	[sflag:s23] =	ssyncadd.s32 $0xFFFFFFFF  }
0xa5: {  	s26 =	simm.s32 $execute0_lowered;
	[smem:$0x3FD2] =	sst s25  }
0xa6: {  	s4 =	sshll.u32 s26, $0x1;
	_ =	strace $0x8000004C;
	[dreg:$0x1] =	wrdreg $0xFFFFFFFF  }
0xa7: {  	s28 =	simm.s32 $_size_execute0_lowered;
	s2 =	sadd.s32 s2, s4;
	[dreg:$0x0] =	wrdreg $0x0  }
0xa8: {  	s4 =	sshll.u32 s28, $0x1;
	[dreg:$0x2] =	wrdreg s2  }
0xa9: {  	[dreg:$0x3] =	wrdreg s4  }
0xaa: {  	[dreg:$0x4] =	wrdreg $0xC0  }
0xab: {  	_ =	task [dreg:s6], $0x5FFFF  }
0xac: {  	[dreg:$0x1] =	wrdreg $0xFFFFFFFF  }
0xad: {  	[dreg:$0x0] =	wrdreg $0x60  }
0xae: {  	[dreg:$0x2] =	wrdreg s24  }
0xaf: {  	[dreg:$0x3] =	wrdreg $0x90000  }
0xb0: {  	[dreg:$0x4] =	wrdreg $0x9  }
0xb1: {  	_ =	task.clear_ibuf [dreg:s6], $0x5FFFF;
	_ =	strace $0x9000004C  }
0xb2: {  	s29 =	simm.s32 $0x9;
	_ =	strace $0x8000004E  }
0xb3: {  	_ =	swait.ge [sflag:s29], $0x1  }
0xb4: {  	[sflag:s29] =	ssyncadd.s32 $0xFFFFFFFF  }
0xb5: {  	_ =	strace $0x9000004E  }
0xb6: {  	_ =	sfence  }
0xb7: {  	s30 =	sld [smem:$0x0];
	_ =	sdelay $0x2  }
0xb8: {  	s31 =	sshll.u32 s1, $0xD;
	s1 =	sshrl.u32 s1, $0x2  }
0xb9: {  	s3 =	sand.u32 $0x4000, s31;
	s1 =	sadd.s32 s1, s30  }
0xba: {  	s0 =	sor.u32 s3, s0;
	s1 =	sshll.u32 s1, $0x11  }
0xbb: {  	s0 =	sor.u32 s1, s0  }
0xbc: {  	s0 =	sadd.s32 $0x8F2B, s0  }
0xbd: {  	[sflag:s0] =	ssyncadd.remote.s32 $0x1  }
0xbe: {  	_ =	sfence.sel $0xFFFF  }
0xbf: {  	[dreg:$0x0] =	wrdreg $0xFFFFFFFF;
	(pc) =	sbr.abs _section_cstart, $3  }
0xc0: {  	[dreg:$0x1] =	wrdreg $0xFFFFFFFF  }
0xc1: {  	_ =	task.clear_ibuf [dreg:s6], $0x2FFFF;
	_ =	strace $0x9FFFFFFF  }
0xc2: {  	(tm) =	ssettm $0x7FFFFFFF  }
0xc3: {  	_ =	shalt  }
tec
execute0_lowered:
.L_overlay_start_1:
0x0: {  	(tag) =	ssettag $0x1  }
0x1: {  	s0 =	srdreg.scid;
	s3 =	rddreg [dreg:$0x0]  }
0x2: {  	s2 =	rddreg [dreg:$0x1];
	s1 =	stileid.u32  }
0x3: {  	s5 =	simm.s32 $0x0;
	s28 =	simm.s32 $0x7000;
	s29 =	simm.s32 $0x1  }
0x4: {  	s30 =	simm.s32 $0x2E00;
	s31 =	simm.s32 $0x2;
	s8 =	simm.s32 $0x4  }
0x5: {  	s10 =	simm.s32 $0x5;
	s11 =	simm.s32 $0x6;
	s0 =	sand.u32 $0x1, s0  }
0x6: {  	[smem:$0x7FF] =	sst s5;
	s14 =	sshll.u32 s1, $0xD;
	s22 =	sor.u32 $0xA0, s1  }
0x7: {  	s4 =	sshll.u32 s0, $0x4;
	s6 =	smul.u32 $0x2A400, s0;
	s0 =	ssub.s32 $0x2, s0  }
0x8: {  	s26 =	sshll.u32 s1, $0xA;
	_ =	strace $0x8000004D;
	s7 =	sshrl.u32 s0, $0x1  }
0x9: {  	s25 =	sshll.u32 s22, $0xD;
	[dreg:$0xe] =	wrdreg s26;
	s0 =	ssub.s32 s0, s7  }
0xa: {  	p0 =	sgt.u32 s22, $0xA8;
	s7 =	sadd.s32 s14, s2;
	s0 =	smax.u32 s0, $0x1  }
0xb: {  	s22 =	simm.s32 $0x40;
	s15 =	sadd.s32 $0x40000, s7;
	[dreg:$0x4] =	wrdreg s0  }
0xc: {  	s26 =	simm.s32 $0x2D00;
	s16 =	sadd.s32 $0x60000, s7;
	[dreg:$0x5] =	wrdreg s15  }
0xd: {  	s4 =	sor.u32 s1, s4;
	s17 =	sadd.s32 $0x80000, s7;
	[dreg:$0x6] =	wrdreg s16  }
0xe: {  	s13 =	smul.u32 $0x580, s4;
	s19 =	sadd.s32 $0xA0000, s7;
	[dreg:$0x7] =	wrdreg s17  }
0xf: {  	s4 =	sadd.s32 $0xE800, s3;
	s20 =	sadd.s32 $0xC0000, s7;
	[dreg:$0x8] =	wrdreg s19  }
0x10: {  	s18 =	sadd.s32 $0x20000, s7;
	s21 =	sadd.s32 $0xE0000, s7;
	[dreg:$0x9] =	wrdreg s20  }
0x11: {  	s23 =	sadd.s32 $0x100000, s7;
	s24 =	sadd.s32 $0x120000, s7;
	[dreg:$0xa] =	wrdreg s21  }
0x12: {  	s5 =	sadd.s32 s13, s3;
	s3 =	sadd.s32 s6, s3;
	[dreg:$0xb] =	wrdreg s23  }
0x13: {  	[dreg:$0xc] =	wrdreg s24;
	s20 =	simm.s32 $0x7;
	s21 =	simm.s32 $0x3000  }
0x14: {  	s23 =	simm.s32 $0x2C00;
	s24 =	simm.s32 $0x2C80;
	s0 =	simm.s32 $0x2E80  }
0x15: {  	s13 =	simm.s32 $0x0;
	s5 =	sadd.s32 $0x3800, s5;
	s6 =	sadd.s32 $0x38C00, s3  }
0x16: {  	s3 =	sadd.s32 s25, s2;
	s25 =	simm.s32 $0x5000;
	[dreg:$0x3] =	wrdreg s5  }
0x17: {  	v0 =	vimm.f32 $0.0e+00;
	[dreg:$0xd] =	wrdreg s3;
	s3 =	simm.s32 $0x3;
	s5 =	simm.s32 $0x2F00  }
.LBB2_1:
0x18: {  	[dreg:$0xf] =	wrdreg s13  }
0x19: {  	s9 =	simm.s32 $0x0;
	s19 =	rddreg [dreg:$0x3]  }
0x1a: {  	[tilespmem:s9], [sflag:$0x7] =	stream.linear.gather [hbm4b:s19+s9], $0x2A80, $0x38;
	[tilespmem:$0x1E200] =	vst v63  }
0x1b: {  	_ =	swait.ge [sflag:s20], $0x2A80  }
0x1c: {  	[sflag:s20] =	ssyncset.done $0x0  }
0x1d: {  	s13 =	simm.s32 $0x0;
	s14 =	simm.s32 $0x200;
	[sflag:s20] =	ssyncadd.s32 $0xFFFFD580  }
.LBB2_2:
0x1e: {  	p1 =	sne.s32 s14, $0x7E00;
	[tilespmem:s13+$0x3070] =	vst v0  }
0x1f: {  	[tilespmem:s13+$0x3000] =	vst v0  }
0x20: {  	[tilespmem:s13+$0x3010] =	vst v0  }
.Ltmp0:
0x21: {  	[tilespmem:s13+$0x3020] =	vst v0;
	(pc) =	sbr.rel @p1 .LBB2_2-.Ltmp0, $4  }
0x22: {  	[tilespmem:s13+$0x3030] =	vst v0  }
0x23: {  	[tilespmem:s13+$0x3040] =	vst v0  }
0x24: {  	[tilespmem:s13+$0x3050] =	vst v0  }
0x25: {  	[tilespmem:s13+$0x3060] =	vst v0;
	s13 =	sshra.s32 s14, $0x2;
	s14 =	sadd.s32 $0x200, s14  }
0x26: {  	[tilespmem:s13+$0x3070] =	vst v0  }
0x27: {  	[tilespmem:s13+$0x3000] =	vst v0  }
0x28: {  	[tilespmem:s13+$0x3010] =	vst v0  }
0x29: {  	[tilespmem:s13+$0x3020] =	vst v0  }
0x2a: {  	[tilespmem:s13+$0x3030] =	vst v0  }
0x2b: {  	[tilespmem:s13+$0x3040] =	vst v0  }
0x2c: {  	[tilespmem:s13+$0x3050] =	vst v0  }
0x2d: {  	[tilespmem:s13+$0x3060] =	vst v0  }
0x2e: {  	[spmem:s7] =	stream.linear.scatter [tilespmem:s21], [sflag:$0x7], $0x2000, $0x38;
	[tilespmem:$0x1E200] =	vst v63  }
0x2f: {  	_ =	swait.ge [sflag:s20], $0x2000  }
0x30: {  	[sflag:s20] =	ssyncset.done $0x0  }
0x31: {  	[sflag:s20] =	ssyncadd.s32 $0xFFFFE000  }
0x32: {  	[spmem:s18] =	stream.linear.scatter [tilespmem:s21], [sflag:$0x7], $0x2000, $0x38;
	[tilespmem:$0x1E200] =	vst v63  }
0x33: {  	_ =	swait.ge [sflag:s20], $0x2000  }
0x34: {  	[sflag:s20] =	ssyncset.done $0x0  }
0x35: {  	s9 =	rddreg [dreg:$0x5];
	[sflag:s20] =	ssyncadd.s32 $0xFFFFE000  }
0x36: {  	[spmem:s9] =	stream.linear.scatter [tilespmem:s21], [sflag:$0x7], $0x2000, $0x38;
	[tilespmem:$0x1E200] =	vst v63  }
0x37: {  	_ =	swait.ge [sflag:s20], $0x2000  }
0x38: {  	[sflag:s20] =	ssyncset.done $0x0  }
0x39: {  	s17 =	rddreg [dreg:$0x6];
	[sflag:s20] =	ssyncadd.s32 $0xFFFFE000  }
0x3a: {  	[spmem:s17] =	stream.linear.scatter [tilespmem:s21], [sflag:$0x7], $0x2000, $0x38;
	[tilespmem:$0x1E200] =	vst v63  }
0x3b: {  	_ =	swait.ge [sflag:s20], $0x2000  }
0x3c: {  	[sflag:s20] =	ssyncset.done $0x0  }
0x3d: {  	s19 =	rddreg [dreg:$0x7];
	[sflag:s20] =	ssyncadd.s32 $0xFFFFE000  }
0x3e: {  	[spmem:s19] =	stream.linear.scatter [tilespmem:s21], [sflag:$0x7], $0x2000, $0x38;
	[tilespmem:$0x1E200] =	vst v63  }
0x3f: {  	_ =	swait.ge [sflag:s20], $0x2000  }
0x40: {  	[sflag:s20] =	ssyncset.done $0x0  }
0x41: {  	s12 =	rddreg [dreg:$0x8];
	[sflag:s20] =	ssyncadd.s32 $0xFFFFE000  }
0x42: {  	[spmem:s12] =	stream.linear.scatter [tilespmem:s21], [sflag:$0x7], $0x2000, $0x38;
	[tilespmem:$0x1E200] =	vst v63  }
0x43: {  	_ =	swait.ge [sflag:s20], $0x2000  }
0x44: {  	[sflag:s20] =	ssyncset.done $0x0  }
0x45: {  	s13 =	rddreg [dreg:$0x9];
	[sflag:s20] =	ssyncadd.s32 $0xFFFFE000  }
0x46: {  	[spmem:s13] =	stream.linear.scatter [tilespmem:s21], [sflag:$0x7], $0x2000, $0x38;
	[tilespmem:$0x1E200] =	vst v63  }
0x47: {  	_ =	swait.ge [sflag:s20], $0x2000  }
0x48: {  	[sflag:s20] =	ssyncset.done $0x0  }
0x49: {  	s14 =	rddreg [dreg:$0xa];
	[sflag:s20] =	ssyncadd.s32 $0xFFFFE000  }
0x4a: {  	[spmem:s14] =	stream.linear.scatter [tilespmem:s21], [sflag:$0x7], $0x2000, $0x38;
	[tilespmem:$0x1E200] =	vst v63  }
0x4b: {  	_ =	swait.ge [sflag:s20], $0x2000  }
0x4c: {  	[sflag:s20] =	ssyncset.done $0x0  }
0x4d: {  	s15 =	rddreg [dreg:$0xb];
	[sflag:s20] =	ssyncadd.s32 $0xFFFFE000  }
0x4e: {  	[spmem:s15] =	stream.linear.scatter [tilespmem:s21], [sflag:$0x7], $0x2000, $0x38;
	[tilespmem:$0x1E200] =	vst v63  }
0x4f: {  	_ =	swait.ge [sflag:s20], $0x2000  }
0x50: {  	[sflag:s20] =	ssyncset.done $0x0  }
0x51: {  	s16 =	rddreg [dreg:$0xc];
	[sflag:s20] =	ssyncadd.s32 $0xFFFFE000  }
0x52: {  	[spmem:s16] =	stream.linear.scatter [tilespmem:s21], [sflag:$0x7], $0x2000, $0x38;
	[tilespmem:$0x1E200] =	vst v63  }
0x53: {  	_ =	swait.ge [sflag:s20], $0x2000  }
0x54: {  	[sflag:s20] =	ssyncset.done $0x0  }
0x55: {  	s13 =	simm.s32 @!p0 $0x3000;
	s9 =	rddreg [dreg:$0xd];
	[sflag:s20] =	ssyncadd.s32 $0xFFFFE000  }
0x56: {  	[spmem:s9] =	stream.linear.scatter @!p0 [tilespmem:s13], [sflag:$0x7], $0x2000, $0x38;
	[tilespmem:$0x1E200] =	vst v63  }
0x57: {  	s13 =	simm.s32 @!p0 $0x7  }
0x58: {  	_ =	swait.ge @!p0 [sflag:s13], $0x2000  }
0x59: {  	[sflag:s13] =	ssyncset.done @!p0 $0x0  }
0x5a: {  	[sflag:s13] =	ssyncadd.s32 @!p0 $0xFFFFE000  }
0x5b: {  	[bflag:$0x0] =	sbarrier.arrive $0xFFFF  }
0x5c: {  	v1 =	vld [tilespmem:$0x0];
	_ =	sdelay $0x1  }
0x5d: {  	v2 =	vld [tilespmem:$0x10];
	_ =	sdelay $0x1  }
0x5e: {  	v3 =	vld [tilespmem:$0x20]  }
0x5f: {  	v4 =	vand.u32 $0xFFFF, v1  }
0x60: {  	v59 =	vld [tilespmem:$0x30];
	v1 =	vshrl.u32 v1, $0x10;
	[tilespmem:$0x2C00] =	vst v4  }
0x61: {  	[tilespmem:$0x2E00] =	vst v1;
	v1 =	vand.u32 $0xFFFF, v2  }
0x62: {  	[tilespmem:$0x2C10] =	vst v1;
	v1 =	vshrl.u32 v2, $0x10  }
0x63: {  	[tilespmem:$0x2E10] =	vst v1;
	v1 =	vand.u32 $0xFFFF, v3  }
0x64: {  	[tilespmem:$0x2C20] =	vst v1;
	v1 =	vshrl.u32 v3, $0x10  }
0x65: {  	[tilespmem:$0x2E20] =	vst v1;
	v1 =	vand.u32 $0xFFFF, v59  }
0x66: {  	[tilespmem:$0x2C30] =	vst v1;
	v1 =	vshrl.u32 v59, $0x10  }
0x67: {  	[tilespmem:$0x2E30] =	vst v1  }
0x68: {  	[tilespmem:s21], [sflag:$0x1] =	stream.indirect.gather [hbm4b:s4+s22], $0x80, s23, s22, $0xb8;
	[tilespmem:$0x1E200] =	vst v63  }
0x69: {  	v1 =	vld [tilespmem:$0x40];
	_ =	sdelay $0x1  }
0x6a: {  	v2 =	vld [tilespmem:$0x50];
	_ =	sdelay $0x1  }
0x6b: {  	v3 =	vld [tilespmem:$0x60]  }
0x6c: {  	v60 =	vand.u32 $0xFFFF, v1  }
0x6d: {  	v61 =	vld [tilespmem:$0x70];
	v1 =	vshrl.u32 v1, $0x10;
	[tilespmem:$0x2C80] =	vst v60  }
0x6e: {  	[tilespmem:$0x2E80] =	vst v1;
	v1 =	vand.u32 $0xFFFF, v2  }
0x6f: {  	[tilespmem:$0x2C90] =	vst v1;
	v1 =	vshrl.u32 v2, $0x10  }
0x70: {  	[tilespmem:$0x2E90] =	vst v1;
	v1 =	vand.u32 $0xFFFF, v3  }
0x71: {  	[tilespmem:$0x2CA0] =	vst v1;
	v1 =	vshrl.u32 v3, $0x10  }
0x72: {  	[tilespmem:$0x2EA0] =	vst v1;
	v1 =	vand.u32 $0xFFFF, v61  }
0x73: {  	[tilespmem:$0x2CB0] =	vst v1;
	v1 =	vshrl.u32 v61, $0x10  }
0x74: {  	[tilespmem:$0x2EB0] =	vst v1  }
0x75: {  	[tilespmem:s25], [sflag:$0x2] =	stream.indirect.gather [hbm4b:s4+s22], $0x80, s24, s22, $0xb8;
	[tilespmem:$0x1E200] =	vst v63  }
0x76: {  	v1 =	vld [tilespmem:$0x80];
	_ =	sdelay $0x1  }
0x77: {  	v2 =	vld [tilespmem:$0x90];
	_ =	sdelay $0x1  }
0x78: {  	v3 =	vld [tilespmem:$0xA0]  }
0x79: {  	v62 =	vand.u32 $0xFFFF, v1  }
0x7a: {  	v63 =	vld [tilespmem:$0xB0];
	v1 =	vshrl.u32 v1, $0x10;
	[tilespmem:$0x2D00] =	vst v62  }
0x7b: {  	[tilespmem:$0x2F00] =	vst v1;
	v1 =	vand.u32 $0xFFFF, v2  }
0x7c: {  	[tilespmem:$0x2D10] =	vst v1;
	v1 =	vshrl.u32 v2, $0x10  }
0x7d: {  	[tilespmem:$0x2F10] =	vst v1;
	v1 =	vand.u32 $0xFFFF, v3  }
0x7e: {  	[tilespmem:$0x2D20] =	vst v1;
	v1 =	vshrl.u32 v3, $0x10  }
0x7f: {  	[tilespmem:$0x2F20] =	vst v1;
	v1 =	vand.u32 $0xFFFF, v63  }
0x80: {  	[tilespmem:$0x2D30] =	vst v1;
	v1 =	vshrl.u32 v63, $0x10  }
0x81: {  	[tilespmem:$0x2F30] =	vst v1  }
0x82: {  	[tilespmem:s28], [sflag:$0x3] =	stream.indirect.gather [hbm4b:s4+s22], $0x80, s26, s22, $0xb8;
	[tilespmem:$0x1E200] =	vst v63  }
0x83: {  	_ =	swait.ge [sflag:s29], $0x2000  }
0x84: {  	[sflag:s29] =	ssyncset.done $0x0  }
0x85: {  	[sflag:s29] =	ssyncadd.s32 $0xFFFFE000  }
0x86: {  	[spmem:s2] =	stream.indirect.scatter.add.f32 [tilespmem:s21], [sflag:$0x4], $0x80, s30, s22, $0xb8;
	[tilespmem:$0x1E200] =	vst v63  }
0x87: {  	_ =	swait.ge [sflag:s31], $0x2000  }
0x88: {  	[sflag:s31] =	ssyncset.done $0x0  }
0x89: {  	[sflag:s31] =	ssyncadd.s32 $0xFFFFE000  }
0x8a: {  	[spmem:s2] =	stream.indirect.scatter.add.f32 [tilespmem:s25], [sflag:$0x5], $0x80, s0, s22, $0xb8;
	[tilespmem:$0x1E200] =	vst v63  }
0x8b: {  	_ =	swait.ge [sflag:s3], $0x2000  }
0x8c: {  	[sflag:s3] =	ssyncset.done $0x0  }
0x8d: {  	[sflag:s3] =	ssyncadd.s32 $0xFFFFE000  }
0x8e: {  	[spmem:s2] =	stream.indirect.scatter.add.f32 [tilespmem:s28], [sflag:$0x6], $0x80, s5, s22, $0xb8;
	[tilespmem:$0x1E200] =	vst v63  }
0x8f: {  	_ =	swait.ge [sflag:s8], $0x2000  }
0x90: {  	s17 =	simm.s32 $0xC0;
	[sflag:s8] =	ssyncset.done $0x0  }
0x91: {  	s13 =	sand.u32 $0x7FC0, s17;
	[sflag:s8] =	ssyncadd.s32 $0xFFFFE000  }
0x92: {  	v1 =	vld [tilespmem:s13+$0x0];
	_ =	sdelay $0x4  }
0x93: {  	v2 =	vand.u32 $0xFFFF, v1  }
0x94: {  	v1 =	vshrl.u32 v1, $0x10;
	[tilespmem:$0x2C00] =	vst v2  }
0x95: {  	[tilespmem:$0x2E00] =	vst v1  }
0x96: {  	v1 =	vld [tilespmem:s13+$0x10];
	_ =	sdelay $0x4  }
0x97: {  	v2 =	vand.u32 $0xFFFF, v1  }
0x98: {  	v1 =	vshrl.u32 v1, $0x10;
	[tilespmem:$0x2C10] =	vst v2  }
0x99: {  	[tilespmem:$0x2E10] =	vst v1  }
0x9a: {  	v1 =	vld [tilespmem:s13+$0x20];
	_ =	sdelay $0x4  }
0x9b: {  	v2 =	vand.u32 $0xFFFF, v1  }
0x9c: {  	v1 =	vshrl.u32 v1, $0x10;
	[tilespmem:$0x2C20] =	vst v2  }
0x9d: {  	[tilespmem:$0x2E20] =	vst v1  }
0x9e: {  	v1 =	vld [tilespmem:s13+$0x30];
	_ =	sdelay $0x4  }
0x9f: {  	v2 =	vand.u32 $0xFFFF, v1  }
0xa0: {  	v1 =	vshrl.u32 v1, $0x10;
	[tilespmem:$0x2C30] =	vst v2  }
0xa1: {  	[tilespmem:$0x2E30] =	vst v1  }
0xa2: {  	[tilespmem:s21], [sflag:$0x1] =	stream.indirect.gather [hbm4b:s4+s22], $0x80, s23, s22, $0xb8;
	[tilespmem:$0x1E200] =	vst v63  }
0xa3: {  	s14 =	simm.s32 $0x0;
	s13 =	simm.s32 $0x0;
	_ =	swait.ge [sflag:s10], $0x2000  }
0xa4: {  	s14 =	sand.u32 $0x3F80, s14;
	s15 =	sand.u32 $0x40, s13;
	[sflag:s10] =	ssyncset.done $0x0  }
0xa5: {  	s14 =	sor.u32 s15, s14;
	[sflag:s10] =	ssyncadd.s32 $0xFFFFE000  }
0xa6: {  	v1 =	vld [tilespmem:s14+$0x100];
	_ =	sdelay $0x4  }
0xa7: {  	v2 =	vand.u32 $0xFFFF, v1  }
0xa8: {  	v1 =	vshrl.u32 v1, $0x10;
	[tilespmem:$0x2C80] =	vst v2  }
0xa9: {  	[tilespmem:$0x2E80] =	vst v1  }
0xaa: {  	v1 =	vld [tilespmem:s14+$0x110];
	_ =	sdelay $0x4  }
0xab: {  	v2 =	vand.u32 $0xFFFF, v1  }
0xac: {  	v1 =	vshrl.u32 v1, $0x10;
	[tilespmem:$0x2C90] =	vst v2  }
0xad: {  	[tilespmem:$0x2E90] =	vst v1  }
0xae: {  	v1 =	vld [tilespmem:s14+$0x120];
	_ =	sdelay $0x4  }
0xaf: {  	v2 =	vand.u32 $0xFFFF, v1  }
0xb0: {  	v1 =	vshrl.u32 v1, $0x10;
	[tilespmem:$0x2CA0] =	vst v2  }
0xb1: {  	[tilespmem:$0x2EA0] =	vst v1  }
0xb2: {  	v1 =	vld [tilespmem:s14+$0x130];
	_ =	sdelay $0x4  }
0xb3: {  	v2 =	vand.u32 $0xFFFF, v1  }
0xb4: {  	v1 =	vshrl.u32 v1, $0x10;
	[tilespmem:$0x2CB0] =	vst v2  }
0xb5: {  	[tilespmem:$0x2EB0] =	vst v1  }
0xb6: {  	[tilespmem:s25], [sflag:$0x2] =	stream.indirect.gather [hbm4b:s4+s22], $0x80, s24, s22, $0xb8;
	[tilespmem:$0x1E200] =	vst v63  }
0xb7: {  	_ =	swait.ge [sflag:s11], $0x2000  }
0xb8: {  	s19 =	simm.s32 $0x140;
	[sflag:s11] =	ssyncset.done $0x0  }
0xb9: {  	s16 =	sand.u32 $0x7FC0, s19;
	[sflag:s11] =	ssyncadd.s32 $0xFFFFE000  }
0xba: {  	v1 =	vld [tilespmem:s16+$0x0];
	_ =	sdelay $0x4  }
0xbb: {  	v2 =	vand.u32 $0xFFFF, v1  }
0xbc: {  	v1 =	vshrl.u32 v1, $0x10;
	[tilespmem:$0x2D00] =	vst v2  }
0xbd: {  	[tilespmem:$0x2F00] =	vst v1  }
0xbe: {  	v1 =	vld [tilespmem:s16+$0x10];
	_ =	sdelay $0x4  }
0xbf: {  	v2 =	vand.u32 $0xFFFF, v1  }
0xc0: {  	v1 =	vshrl.u32 v1, $0x10;
	[tilespmem:$0x2D10] =	vst v2  }
0xc1: {  	[tilespmem:$0x2F10] =	vst v1  }
0xc2: {  	s14 =	simm.s32 $0x200;
	v1 =	vld [tilespmem:s16+$0x20]  }
.LBB2_4:
0xc3: {  	_ =	sdelay $0x1  }
0xc4: {  	p1 =	sne.s32 s14, $0x29C0  }
0xc5: {  	s13 =	sadd.s32 $0x40, s13;
	s15 =	smov.u32 s14;
	s14 =	sadd.s32 $0xC0, s14  }
0xc6: {  	v2 =	vand.u32 $0xFFFF, v1;
	v1 =	vshrl.u32 v1, $0x10  }
0xc7: {  	[tilespmem:$0x2D20] =	vst v2  }
0xc8: {  	[tilespmem:$0x2F20] =	vst v1  }
0xc9: {  	v1 =	vld [tilespmem:s16+$0x30];
	_ =	sdelay $0x4  }
0xca: {  	v2 =	vand.u32 $0xFFFF, v1;
	v1 =	vshrl.u32 v1, $0x10  }
0xcb: {  	[tilespmem:$0x2D30] =	vst v2  }
0xcc: {  	[tilespmem:$0x2F30] =	vst v1  }
0xcd: {  	[tilespmem:s28], [sflag:$0x3] =	stream.indirect.gather [hbm4b:s4+s22], $0x80, s26, s22, $0xb8;
	[tilespmem:$0x1E200] =	vst v63  }
0xce: {  	_ =	swait.ge [sflag:s29], $0x2000  }
0xcf: {  	[sflag:s29] =	ssyncset.done $0x0  }
0xd0: {  	[sflag:s29] =	ssyncadd.s32 $0xFFFFE000  }
0xd1: {  	[spmem:s2] =	stream.indirect.scatter.add.f32 [tilespmem:s21], [sflag:$0x4], $0x80, s30, s22, $0xb8;
	[tilespmem:$0x1E200] =	vst v63  }
0xd2: {  	_ =	swait.ge [sflag:s31], $0x2000  }
0xd3: {  	[sflag:s31] =	ssyncset.done $0x0  }
0xd4: {  	[sflag:s31] =	ssyncadd.s32 $0xFFFFE000  }
0xd5: {  	[spmem:s2] =	stream.indirect.scatter.add.f32 [tilespmem:s25], [sflag:$0x5], $0x80, s0, s22, $0xb8;
	[tilespmem:$0x1E200] =	vst v63  }
0xd6: {  	_ =	swait.ge [sflag:s3], $0x2000  }
0xd7: {  	[sflag:s3] =	ssyncset.done $0x0  }
0xd8: {  	[sflag:s3] =	ssyncadd.s32 $0xFFFFE000  }
0xd9: {  	[spmem:s2] =	stream.indirect.scatter.add.f32 [tilespmem:s28], [sflag:$0x6], $0x80, s5, s22, $0xb8;
	[tilespmem:$0x1E200] =	vst v63  }
0xda: {  	_ =	swait.ge [sflag:s8], $0x2000  }
0xdb: {  	s16 =	sadd.s32 $0xFFFFFF80, s15;
	[sflag:s8] =	ssyncset.done $0x0  }
0xdc: {  	s16 =	sand.u32 $0x7FC0, s16;
	[sflag:s8] =	ssyncadd.s32 $0xFFFFE000  }
0xdd: {  	v1 =	vld [tilespmem:s16+$0x0];
	_ =	sdelay $0x4  }
0xde: {  	v2 =	vand.u32 $0xFFFF, v1;
	v1 =	vshrl.u32 v1, $0x10  }
0xdf: {  	[tilespmem:$0x2C00] =	vst v2  }
0xe0: {  	[tilespmem:$0x2E00] =	vst v1  }
0xe1: {  	v1 =	vld [tilespmem:s16+$0x10];
	_ =	sdelay $0x4  }
0xe2: {  	v2 =	vand.u32 $0xFFFF, v1;
	v1 =	vshrl.u32 v1, $0x10  }
0xe3: {  	[tilespmem:$0x2C10] =	vst v2  }
0xe4: {  	[tilespmem:$0x2E10] =	vst v1  }
0xe5: {  	v1 =	vld [tilespmem:s16+$0x20];
	_ =	sdelay $0x4  }
0xe6: {  	v2 =	vand.u32 $0xFFFF, v1;
	v1 =	vshrl.u32 v1, $0x10  }
0xe7: {  	[tilespmem:$0x2C20] =	vst v2  }
0xe8: {  	[tilespmem:$0x2E20] =	vst v1  }
0xe9: {  	v1 =	vld [tilespmem:s16+$0x30];
	_ =	sdelay $0x4  }
0xea: {  	s16 =	sadd.s32 $0xFFFFFEC0, s15;
	v2 =	vand.u32 $0xFFFF, v1;
	v1 =	vshrl.u32 v1, $0x10  }
0xeb: {  	s17 =	sand.u32 $0x40, s13;
	s16 =	sand.u32 $0x3F80, s16;
	[tilespmem:$0x2C30] =	vst v2  }
0xec: {  	s16 =	sor.u32 s17, s16;
	[tilespmem:$0x2E30] =	vst v1  }
0xed: {  	[tilespmem:s21], [sflag:$0x1] =	stream.indirect.gather [hbm4b:s4+s22], $0x80, s23, s22, $0xb8;
	[tilespmem:$0x1E200] =	vst v63  }
0xee: {  	_ =	swait.ge [sflag:s10], $0x2000  }
0xef: {  	[sflag:s10] =	ssyncset.done $0x0  }
0xf0: {  	[sflag:s10] =	ssyncadd.s32 $0xFFFFE000  }
0xf1: {  	v1 =	vld [tilespmem:s16+$0x100];
	_ =	sdelay $0x4  }
0xf2: {  	v2 =	vand.u32 $0xFFFF, v1;
	v1 =	vshrl.u32 v1, $0x10  }
0xf3: {  	[tilespmem:$0x2C80] =	vst v2  }
0xf4: {  	[tilespmem:$0x2E80] =	vst v1  }
0xf5: {  	v1 =	vld [tilespmem:s16+$0x110];
	_ =	sdelay $0x4  }
0xf6: {  	v2 =	vand.u32 $0xFFFF, v1;
	v1 =	vshrl.u32 v1, $0x10  }
0xf7: {  	[tilespmem:$0x2C90] =	vst v2  }
0xf8: {  	[tilespmem:$0x2E90] =	vst v1  }
0xf9: {  	v1 =	vld [tilespmem:s16+$0x120];
	_ =	sdelay $0x4  }
0xfa: {  	v2 =	vand.u32 $0xFFFF, v1;
	v1 =	vshrl.u32 v1, $0x10  }
0xfb: {  	[tilespmem:$0x2CA0] =	vst v2  }
0xfc: {  	[tilespmem:$0x2EA0] =	vst v1  }
0xfd: {  	v1 =	vld [tilespmem:s16+$0x130];
	_ =	sdelay $0x2  }
0xfe: {  	s16 =	sand.u32 $0x7FC0, s15;
	_ =	sdelay $0x1  }
0xff: {  	v2 =	vand.u32 $0xFFFF, v1;
	v1 =	vshrl.u32 v1, $0x10  }
0x100: {  	[tilespmem:$0x2CB0] =	vst v2  }
0x101: {  	[tilespmem:$0x2EB0] =	vst v1  }
0x102: {  	[tilespmem:s25], [sflag:$0x2] =	stream.indirect.gather [hbm4b:s4+s22], $0x80, s24, s22, $0xb8;
	[tilespmem:$0x1E200] =	vst v63  }
0x103: {  	_ =	swait.ge [sflag:s11], $0x2000  }
0x104: {  	[sflag:s11] =	ssyncset.done $0x0  }
0x105: {  	[sflag:s11] =	ssyncadd.s32 $0xFFFFE000  }
0x106: {  	v1 =	vld [tilespmem:s16+$0x0];
	_ =	sdelay $0x4  }
0x107: {  	v2 =	vand.u32 $0xFFFF, v1;
	v1 =	vshrl.u32 v1, $0x10  }
0x108: {  	[tilespmem:$0x2D00] =	vst v2  }
0x109: {  	[tilespmem:$0x2F00] =	vst v1  }
0x10a: {  	v1 =	vld [tilespmem:s16+$0x10];
	_ =	sdelay $0x3  }
.Ltmp1:
0x10b: {  	(pc) =	sbr.rel @p1 .LBB2_4-.Ltmp1, $4  }
0x10c: {  	v2 =	vand.u32 $0xFFFF, v1;
	v1 =	vshrl.u32 v1, $0x10  }
0x10d: {  	[tilespmem:$0x2D10] =	vst v2  }
0x10e: {  	[tilespmem:$0x2F10] =	vst v1  }
0x10f: {  	v1 =	vld [tilespmem:s16+$0x20]  }
0x110: {  	_ =	sdelay $0x3  }
0x111: {  	v2 =	vand.u32 $0xFFFF, v1  }
0x112: {  	v1 =	vshrl.u32 v1, $0x10;
	[tilespmem:$0x2D20] =	vst v2  }
0x113: {  	[tilespmem:$0x2F20] =	vst v1  }
0x114: {  	v1 =	vld [tilespmem:s16+$0x30];
	_ =	sdelay $0x4  }
0x115: {  	v2 =	vand.u32 $0xFFFF, v1  }
0x116: {  	v1 =	vshrl.u32 v1, $0x10;
	[tilespmem:$0x2D30] =	vst v2  }
0x117: {  	[tilespmem:$0x2F30] =	vst v1  }
0x118: {  	[tilespmem:s28], [sflag:$0x3] =	stream.indirect.gather [hbm4b:s4+s22], $0x80, s26, s22, $0xb8;
	[tilespmem:$0x1E200] =	vst v63  }
0x119: {  	_ =	swait.ge [sflag:s29], $0x2000  }
0x11a: {  	[sflag:s29] =	ssyncset.done $0x0  }
0x11b: {  	[sflag:s29] =	ssyncadd.s32 $0xFFFFE000  }
0x11c: {  	[spmem:s2] =	stream.indirect.scatter.add.f32 [tilespmem:s21], [sflag:$0x4], $0x80, s30, s22, $0xb8;
	[tilespmem:$0x1E200] =	vst v63  }
0x11d: {  	_ =	swait.ge [sflag:s31], $0x2000  }
0x11e: {  	[sflag:s31] =	ssyncset.done $0x0  }
0x11f: {  	[sflag:s31] =	ssyncadd.s32 $0xFFFFE000  }
0x120: {  	[spmem:s2] =	stream.indirect.scatter.add.f32 [tilespmem:s25], [sflag:$0x5], $0x80, s0, s22, $0xb8;
	[tilespmem:$0x1E200] =	vst v63  }
0x121: {  	_ =	swait.ge [sflag:s3], $0x2000  }
0x122: {  	[sflag:s3] =	ssyncset.done $0x0  }
0x123: {  	[sflag:s3] =	ssyncadd.s32 $0xFFFFE000  }
0x124: {  	[spmem:s2] =	stream.indirect.scatter.add.f32 [tilespmem:s28], [sflag:$0x6], $0x80, s5, s22, $0xb8;
	[tilespmem:$0x1E200] =	vst v63  }
0x125: {  	_ =	swait.ge [sflag:s8], $0x2000  }
0x126: {  	[sflag:s8] =	ssyncset.done $0x0  }
0x127: {  	[sflag:s8] =	ssyncadd.s32 $0xFFFFE000  }
0x128: {  	v1 =	vld [tilespmem:$0x2A00];
	_ =	sdelay $0x1  }
0x129: {  	v2 =	vld [tilespmem:$0x2A10];
	_ =	sdelay $0x1  }
0x12a: {  	v3 =	vld [tilespmem:$0x2A20]  }
0x12b: {  	v4 =	vand.u32 $0xFFFF, v1  }
0x12c: {  	v63 =	vld [tilespmem:$0x2A30];
	v1 =	vshrl.u32 v1, $0x10;
	[tilespmem:$0x2C00] =	vst v4  }
0x12d: {  	[tilespmem:$0x2E00] =	vst v1;
	v1 =	vand.u32 $0xFFFF, v2  }
0x12e: {  	[tilespmem:$0x2C10] =	vst v1;
	v1 =	vshrl.u32 v2, $0x10  }
0x12f: {  	[tilespmem:$0x2E10] =	vst v1;
	v1 =	vand.u32 $0xFFFF, v3  }
0x130: {  	[tilespmem:$0x2C20] =	vst v1;
	v1 =	vshrl.u32 v3, $0x10  }
0x131: {  	[tilespmem:$0x2E20] =	vst v1;
	v1 =	vand.u32 $0xFFFF, v63  }
0x132: {  	[tilespmem:$0x2C30] =	vst v1;
	v1 =	vshrl.u32 v63, $0x10  }
0x133: {  	[tilespmem:$0x2E30] =	vst v1  }
0x134: {  	[tilespmem:s21], [sflag:$0x1] =	stream.indirect.gather [hbm4b:s4+s22], $0x80, s23, s22, $0xb8;
	[tilespmem:$0x1E200] =	vst v63  }
0x135: {  	_ =	swait.ge [sflag:s29], $0x2000  }
0x136: {  	[sflag:s29] =	ssyncset.done $0x0  }
0x137: {  	[sflag:s29] =	ssyncadd.s32 $0xFFFFE000  }
0x138: {  	[spmem:s2] =	stream.indirect.scatter.add.f32 [tilespmem:s21], [sflag:$0x4], $0x80, s30, s22, $0xb8;
	[tilespmem:$0x1E200] =	vst v63  }
0x139: {  	_ =	swait.ge [sflag:s8], $0x2000  }
0x13a: {  	[sflag:s8] =	ssyncset.done $0x0  }
0x13b: {  	[sflag:s8] =	ssyncadd.s32 $0xFFFFE000  }
0x13c: {  	_ =	swait.ge [sflag:s10], $0x2000  }
0x13d: {  	[sflag:s10] =	ssyncset.done $0x0  }
0x13e: {  	[sflag:s10] =	ssyncadd.s32 $0xFFFFE000  }
0x13f: {  	_ =	swait.ge [sflag:s11], $0x2000  }
0x140: {  	[sflag:s11] =	ssyncset.done $0x0  }
0x141: {  	s13 =	sadd.s32 $0x0, s1;
	s12 =	smov.u32 s7;
	[sflag:s11] =	ssyncadd.s32 $0xFFFFE000  }
0x142: {  	s17 =	sadd.s32 $0x10, s1;
	p1 =	sgt.u32 s13, $0xA8;
	[bflag:$0x0] =	sbarrier.arrive $0xFFFF  }
0x143: {  	s13 =	sshll.u32 @!p1 s1, $0x6;
	s15 =	simm.s32 @!p1 $0x7;
	s9 =	rddreg [dreg:$0xe]  }
0x144: {  	s13 =	sor.u32 @!p1 $0x1C07, s13;
	s16 =	sshrl.u32 @!p1 s7, $0x3;
	s14 =	sadd.s32 @!p1 s9, s6  }
0x145: {  	[hbm:s14], [sflag:s13] =	dma.local @!p1 [spmem:s16], $0x400  }
0x146: {  	s7 =	smov.u32 s18;
	s16 =	simm.s32 $0x20;
	_ =	swait.ge @!p1 [sflag:s15], $0x400  }
0x147: {  	s13 =	sadd.s32 $0x4000, s9;
	s14 =	smov.u32 s18;
	[sflag:s15] =	ssyncset.done @!p1 $0x0  }
.LBB2_6:
0x148: {  	[sflag:s15] =	ssyncadd.s32 @!p1 $0xFFFFFC00  }
0x149: {  	p1 =	sgt.u32 s17, $0xA8;
	s17 =	smov.u32 s16;
	s16 =	sadd.s32 $0x10, s16  }
0x14a: {  	p2 =	sne.s32 s16, $0xB0  }
.Ltmp2:
0x14b: {  	s18 =	sshll.u32 @!p1 s1, $0x6;
	s15 =	simm.s32 @!p1 $0x7;
	(pc) =	sbr.rel @p2 .LBB2_6-.Ltmp2, $4  }
0x14c: {  	s9 =	sadd.s32 @!p1 s13, s6;
	s19 =	sshrl.u32 @!p1 s14, $0x3;
	s18 =	sor.u32 @!p1 $0x1C07, s18  }
0x14d: {  	[hbm:s9], [sflag:s18] =	dma.local @!p1 [spmem:s19], $0x400  }
0x14e: {  	s13 =	sadd.s32 $0x4000, s13;
	_ =	swait.ge @!p1 [sflag:s15], $0x400  }
0x14f: {  	s17 =	sadd.s32 s17, s1;
	s14 =	sadd.s32 $0x20000, s14;
	[sflag:s15] =	ssyncset.done @!p1 $0x0  }
0x150: {  	p2 =	sgt.u32 s17, $0xA8  }
0x151: {  	[sflag:s15] =	ssyncadd.s32 @!p1 $0xFFFFFC00;
	s9 =	sshll.u32 @!p2 s1, $0x6;
	s15 =	simm.s32 @!p2 $0x7  }
0x152: {  	s13 =	sadd.s32 @!p2 s13, s6;
	s14 =	sshrl.u32 @!p2 s14, $0x3;
	s9 =	sor.u32 @!p2 $0x1C07, s9  }
0x153: {  	[hbm:s13], [sflag:s9] =	dma.local @!p2 [spmem:s14], $0x400  }
0x154: {  	_ =	swait.ge @!p2 [sflag:s15], $0x400  }
0x155: {  	s18 =	rddreg [dreg:$0xf]  }
0x156: {  	s19 =	rddreg [dreg:$0x4];
	s13 =	sadd.s32 $0x1, s18  }
0x157: {  	p1 =	sne.s32 s13, s19  }
.Ltmp3:
0x158: {  	_ = 	snop;
	(pc) =	sbr.rel @p1 .LBB2_1-.Ltmp3, $3  }
0x159: {  	_ =	sdelay $0x1  }
0x15a: {  	[sflag:s15] =	ssyncset.done @!p2 $0x0  }
0x15b: {  	[sflag:s15] =	ssyncadd.s32 @!p2 $0xFFFFFC00;
	s18 =	smov.u32 s7;
	s7 =	smov.u32 s12  }
0x15c: {  	_ =	sfence.sel $0x180000  }
0x15d: {  	[bflag:$0x0] =	sbarrier.arrive $0xFFFF  }
0x15e: {  	_ =	strace $0x9000004D  }
0x15f: {  	[bflag:$0x2] =	sbarrier.arrive $0xFFFF  }
0x160: {  	p0 =	sne.s32 s1, $0x0;
	s0 =	rddreg [dreg:$0x2]  }
0x161: {  	s0 =	sadd.s32 @!p0 $0x100000, s0  }
0x162: {  	[sflag:s0] =	ssyncadd.tile.s32 @!p0 $0x1;
	_ =	shalt  }
.Lfunc_end2:
_tile_overlayer_lowered:
.L_overlay_start_2:
0x163: {  	(tag) =	ssettag $0x2  }
0x164: {  	s0 =	rddreg [dreg:$0x0];
	s2 =	stileid.u32  }
0x165: {  	s1 =	rddreg [dreg:$0x1];
	p0 =	sne.s32 s2, $0x0  }
0x166: {  	s3 =	rddreg [dreg:$0x2];
	[bflag:$0x3] =	sbarrier.arrive $0xFFFF;
	s2 =	simm.s32 @!p0 $0x1C07  }
0x167: {  	[timem:s3], [sflag:s2] =	dma.local @!p0 [hbm:s0], s1  }
0x168: {  	s0 =	simm.s32 @!p0 $0x7  }
0x169: {  	_ =	swait.ge @!p0 [sflag:s0], s1  }
0x16a: {  	s1 =	ssub.s32 @!p0 $0x0, s1;
	[sflag:s0] =	ssyncset.done @!p0 $0x0  }
0x16b: {  	[sflag:s0] =	ssyncadd.s32 @!p0 s1  }
0x16c: {  	[bflag:$0x3] =	sbarrier.arrive $0xFFFF  }
0x16d: {  	_ =	shalt  }

// kernel: kernel.9.cloned.1.call-start
scs
__scs_entry_jumppad:
0x0: {  	(pc) =	sbr.rel $0x88, $3  }
0x1: {  	(tag) =	ssettag $0x0;
	lr =	simm.s32 $0x1  }
0x2: {  	[smem:$0x3F95] =	sst lr;
	_ =	strace $0xD0000000  }
0x3: {  	_ = 	snop  }
0x4: {  	_ = 	snop  }
0x5: {  	_ = 	snop  }
0x6: {  	_ = 	snop  }
0x7: {  	_ = 	snop  }
__scs_overlays_trampoline_lowered:
0x8: {  	[smem:$0x3FA4] =	sst s0  }
0x9: {  	[smem:$0x3FA5] =	sst s1  }
0xa: {  	[smem:$0x3FA6] =	sst s2  }
0xb: {  	[smem:$0x3FA7] =	sst s3  }
0xc: {  	[smem:$0x3FA8] =	sst s4  }
0xd: {  	[smem:$0x3FA9] =	sst s5  }
0xe: {  	[smem:$0x3FAA] =	sst s6  }
0xf: {  	[smem:$0x3FAB] =	sst s7  }
0x10: {  	[smem:$0x3FAC] =	sst s8  }
0x11: {  	[smem:$0x3FAD] =	sst s9;
	s0 =	simm.s32 @!p0 $0x0  }
0x12: {  	s1 =	sld [smem:$0x3F93];
	s0 =	simm.s32 @p0 $0x1  }
0x13: {  	[smem:$0x3FAE] =	sst s0;
	s0 =	simm.s32 @!p1 $0x0  }
0x14: {  	s2 =	sld [smem:$0x3F92];
	s0 =	simm.s32 @p1 $0x1  }
0x15: {  	[smem:$0x3FAF] =	sst s0;
	s0 =	simm.s32 @!p2 $0x0  }
0x16: {  	s3 =	sld [smem:$0x3FDB];
	s0 =	simm.s32 @p2 $0x1  }
0x17: {  	s4 =	simm.s32 $0x1BF5;
	[smem:$0x3FB1] =	sst s0  }
0x18: {  	s0 =	sld [smem:$0x3F94];
	_ =	swait.ge [sflag:s4], $0x0  }
0x19: {  	s7 =	sld [smem:$0x3F95]  }
0x1a: {  	s8 =	sadd.s32 $0xFFFFE003, lr  }
0x1b: {  	s9 =	sadd.s32 $0xFFFFFEF7, lr;
	s5 =	simm.s32 $0xFFFFFFFF;
	p2 =	slt.u32 s8, $0xFFFFF086  }
0x1c: {  	p1 =	slt.u32 s9, $0xF7A;
	s5 =	simm.s32 @!p2 $0x0  }
0x1d: {  	s5 =	simm.s32 @p1 $0x1;
	p0 =	seq.s32 s7, s2  }
0x1e: {  	s7 =	smul.u32 @!p0 $0xF7A, s2;
	p2 =	seq.s32 @!p0 s5, $0x0  }
0x1f: {  	s9 =	smul.u32 $0xF7A, s1;
	s8 =	simm.s32 @!p0 $0x1BF5;
	p2 =	por !p2, p0  }
0x20: {  	[sflag:s8] =	ssyncset.s32 @!p0 $0xFFFFF086;
	s6 =	sadd.s32 @!p0 s3, s7;
	s7 =	simm.s32 @!p0 $0x108  }
0x21: {  	s3 =	sadd.s32 s3, s9;
	s6 =	sadd.s32 @!p0 $0x88, s6;
	s7 =	simm.s32 @p2 $0x1082  }
0x22: {  	[simem:s7], [sflag:s8] =	dma.local @!p0 [hbm:s6], $0xF7A  }
0x23: {  	s9 =	sor.u32 $0xD0000000, s2;
	s6 =	simm.s32 $0x108;
	_ =	swait.ge @!p0 [sflag:s8], $0x0  }
0x24: {  	s3 =	sadd.s32 $0x88, s3;
	s6 =	simm.s32 @!p1 $0x1082;
	[sflag:s4] =	ssyncset.s32 $0xFFFFF086  }
0x25: {  	[simem:s6], [sflag:s4] =	dma.local [hbm:s3], $0xF7A  }
0x26: {  	[smem:$0x3F95] =	sst s1;
	(tag) =	ssettag s2;
	_ =	strace s9  }
0x27: {  	s1 =	sld [smem:$0x3FA5]  }
0x28: {  	s2 =	sld [smem:$0x3FA6]  }
0x29: {  	s4 =	sld [smem:$0x3FA8]  }
0x2a: {  	p0 =	seq.s32 s5, $0x0;
	s5 =	sld [smem:$0x3FA9]  }
0x2b: {  	s6 =	sld [smem:$0x3FAA]  }
0x2c: {  	s7 =	sld [smem:$0x3FAB]  }
0x2d: {  	s3 =	simm.s32 $0x108;
	s8 =	sld [smem:$0x3FAC]  }
0x2e: {  	s3 =	simm.s32 @!p0 $0x1082;
	s9 =	sld [smem:$0x3FAD]  }
0x2f: {  	lr =	sadd.s32 s0, s3;
	s0 =	sld [smem:$0x3FA4]  }
0x30: {  	s3 =	sld [smem:$0x3FA7]  }
0x31: {  	[smem:$0x3FB0] =	sst s10  }
0x32: {  	s10 =	sld [smem:$0x3FAE];
	_ =	sdelay $0x3  }
0x33: {  	p0 =	seq.s32 s10, $0x1;
	s10 =	sld [smem:$0x3FB0];
	_ =	sdelay $0x3  }
0x34: {  	[smem:$0x3FB0] =	sst s10  }
0x35: {  	s10 =	sld [smem:$0x3FAF];
	_ =	sdelay $0x3  }
0x36: {  	p1 =	seq.s32 s10, $0x1;
	s10 =	sld [smem:$0x3FB0];
	_ =	sdelay $0x3  }
0x37: {  	[smem:$0x3FB0] =	sst s10  }
0x38: {  	s10 =	sld [smem:$0x3FB1]  }
0x39: {  	_ = 	snop;
	(pc) =	sbr.ind lr, $3  }
0x3a: {  	_ = 	snop  }
0x3b: {  	_ = 	snop  }
0x3c: {  	p2 =	seq.s32 s10, $0x1;
	s10 =	sld [smem:$0x3FB0]  }
0x3d: {  	_ =	shalt  }
0x3e: {  	_ =	shalt  }
0x3f: {  	_ =	shalt  }
0x40: {  	_ =	shalt  }
0x41: {  	_ =	shalt  }
0x42: {  	_ =	shalt  }
0x43: {  	_ =	shalt  }
0x44: {  	_ =	shalt  }
0x45: {  	_ =	shalt  }
0x46: {  	_ =	shalt  }
0x47: {  	_ =	shalt  }
0x48: {  	_ =	shalt  }
0x49: {  	_ =	shalt  }
0x4a: {  	_ =	shalt  }
0x4b: {  	_ =	shalt  }
0x4c: {  	_ =	shalt  }
0x4d: {  	_ =	shalt  }
0x4e: {  	_ =	shalt  }
0x4f: {  	_ =	shalt  }
0x50: {  	_ =	shalt  }
0x51: {  	_ =	shalt  }
0x52: {  	_ =	shalt  }
0x53: {  	_ =	shalt  }
0x54: {  	_ =	shalt  }
0x55: {  	_ =	shalt  }
0x56: {  	_ =	shalt  }
0x57: {  	_ =	shalt  }
0x58: {  	_ =	shalt  }
0x59: {  	_ =	shalt  }
0x5a: {  	_ =	shalt  }
0x5b: {  	_ =	shalt  }
0x5c: {  	_ =	shalt  }
0x5d: {  	_ =	shalt  }
0x5e: {  	_ =	shalt  }
0x5f: {  	_ =	shalt  }
0x60: {  	_ =	shalt  }
0x61: {  	_ =	shalt  }
0x62: {  	_ =	shalt  }
0x63: {  	_ =	shalt  }
0x64: {  	_ =	shalt  }
0x65: {  	_ =	shalt  }
0x66: {  	_ =	shalt  }
0x67: {  	_ =	shalt  }
0x68: {  	_ =	shalt  }
0x69: {  	_ =	shalt  }
0x6a: {  	_ =	shalt  }
0x6b: {  	_ =	shalt  }
0x6c: {  	_ =	shalt  }
0x6d: {  	_ =	shalt  }
0x6e: {  	_ =	shalt  }
0x6f: {  	_ =	shalt  }
0x70: {  	_ =	shalt  }
0x71: {  	_ =	shalt  }
0x72: {  	_ =	shalt  }
0x73: {  	_ =	shalt  }
0x74: {  	_ =	shalt  }
0x75: {  	_ =	shalt  }
0x76: {  	_ =	shalt  }
0x77: {  	_ =	shalt  }
0x78: {  	_ =	shalt  }
0x79: {  	_ =	shalt  }
0x7a: {  	_ =	shalt  }
0x7b: {  	_ =	shalt  }
0x7c: {  	_ =	shalt  }
0x7d: {  	_ =	shalt  }
0x7e: {  	_ =	shalt  }
0x7f: {  	_ =	shalt  }
0x80: {  	_ =	shalt  }
0x81: {  	_ =	shalt  }
0x82: {  	_ =	shalt  }
0x83: {  	_ =	shalt  }
0x84: {  	_ =	shalt  }
0x85: {  	_ =	shalt  }
0x86: {  	_ =	shalt  }
0x87: {  	_ =	shalt  }
.Lfunc_end0:
.L_simem_size_0:
called_computation_lowered:
.L_overlay_start_0:
0x88: {  	s2 =	sld [smem:$0x3FD9]  }
0x89: {  	s3 =	sld [smem:$0x3FFE];
	_ =	sdelay $0x1  }
0x8a: {  	s1 =	srdreg.scid  }
0x8b: {  	s0 =	sand.u32 $0x1, s1  }
0x8c: {  	s17 =	sshll.u32 s0, $0xA;
	s2 =	sadd.s32 s3, s2  }
0x8d: {  	s2 =	sadd.s32 s2, s17  }
0x8e: {  	[smem:$0x3FBC] =	sst s2  }
0x8f: {  	_ = 	snop  }
0x90: {  	s2 =	sld [smem:$0x3FC9];
	(tm) =	ssettm $0x1  }
0x91: {  	s18 =	sld [smem:$0x3FFB];
	_ =	sdelay $0x3  }
0x92: {  	_ =	strace s18  }
0x93: {  	s3 =	sld [smem:$0x3FFC];
	_ =	sdelay $0x3  }
0x94: {  	_ =	strace s3  }
0x95: {  	s3 =	sld [smem:$0x3FFD];
	_ =	sdelay $0x3  }
0x96: {  	_ =	strace s3  }
0x97: {  	_ =	strace $0x8FFFFFFF  }
0x98: {  	s19 =	sld [smem:$0x3FDB];
	_ =	sdelay $0x1  }
0x99: {  	s4 =	simm.s32 $_scs_section_size  }
0x9a: {  	s5 =	simm.s32 $_size__tile_overlayer_lowered;
	s6 =	simm.s32 $_tile_overlayer_lowered  }
0x9b: {  	s22 =	simm.s32 $0x1BFF;
	s21 =	sshll.u32 s6, $0x1;
	s3 =	sadd.s32 s4, s19  }
0x9c: {  	s7 =	simm.s32 $0x0;
	s20 =	sshll.u32 s5, $0x1;
	s5 =	sadd.s32 s21, s3  }
0x9d: {  	[timem:s7], [sflag:s22] =	dma.local [hbm:s5], s20  }
0x9e: {  	_ =	swait.ge [sflag:s22], s20  }
0x9f: {  	s4 =	ssub.s32 $0x0, s20;
	[sflag:s22] =	ssyncset.done $0x0  }
0xa0: {  	[sflag:s22] =	ssyncadd.s32 s4;
	_ =	sdelay $0x1  }
0xa1: {  	s23 =	simm.s32 $0x1B8B  }
0xa2: {  	_ =	swait.ge [sflag:s23], $0x1  }
0xa3: {  	[sflag:s23] =	ssyncset.done $0x0  }
0xa4: {  	s25 =	simm.s32 $0x1B8E;
	s24 =	sld [smem:$0x3FFE];
	[sflag:s23] =	ssyncadd.s32 $0xFFFFFFFF  }
0xa5: {  	s26 =	simm.s32 $execute0_lowered;
	[smem:$0x3FD2] =	sst s25  }
0xa6: {  	s5 =	sshll.u32 s26, $0x1;
	_ =	strace $0x80000046;
	[dreg:$0x1] =	wrdreg $0xFFFFFFFF  }
0xa7: {  	s28 =	simm.s32 $_size_execute0_lowered;
	s3 =	sadd.s32 s3, s5;
	[dreg:$0x0] =	wrdreg $0x0  }
0xa8: {  	s5 =	sshll.u32 s28, $0x1;
	[dreg:$0x2] =	wrdreg s3  }
0xa9: {  	[dreg:$0x3] =	wrdreg s5  }
0xaa: {  	[dreg:$0x4] =	wrdreg $0xC0  }
0xab: {  	_ =	task [dreg:s7], $0x5FFFF  }
0xac: {  	[dreg:$0x1] =	wrdreg $0xFFFFFFFF  }
0xad: {  	[dreg:$0x0] =	wrdreg $0x60  }
0xae: {  	[dreg:$0x2] =	wrdreg s2  }
0xaf: {  	[dreg:$0x3] =	wrdreg s24  }
0xb0: {  	[dreg:$0x4] =	wrdreg $0x90000  }
0xb1: {  	[dreg:$0x5] =	wrdreg $0x9  }
0xb2: {  	_ =	task.clear_ibuf [dreg:s7], $0x6FFFF;
	_ =	strace $0x90000046  }
0xb3: {  	s29 =	simm.s32 $0x9;
	_ =	strace $0x80000048  }
0xb4: {  	_ =	swait.ge [sflag:s29], $0x1  }
0xb5: {  	[sflag:s29] =	ssyncadd.s32 $0xFFFFFFFF  }
0xb6: {  	_ =	strace $0x90000048  }
0xb7: {  	_ =	sfence  }
0xb8: {  	s30 =	sld [smem:$0x0];
	_ =	sdelay $0x2  }
0xb9: {  	s31 =	sshll.u32 s1, $0xD;
	s1 =	sshrl.u32 s1, $0x2  }
0xba: {  	s3 =	sand.u32 $0x4000, s31;
	s1 =	sadd.s32 s1, s30  }
0xbb: {  	s0 =	sor.u32 s3, s0;
	s1 =	sshll.u32 s1, $0x11  }
0xbc: {  	s0 =	sor.u32 s1, s0  }
0xbd: {  	s0 =	sadd.s32 $0x8F2B, s0  }
0xbe: {  	[sflag:s0] =	ssyncadd.remote.s32 $0x1  }
0xbf: {  	_ =	sfence.sel $0xFFFF  }
0xc0: {  	[dreg:$0x0] =	wrdreg $0xFFFFFFFF;
	(pc) =	sbr.abs _section_cstart, $3  }
0xc1: {  	[dreg:$0x1] =	wrdreg $0xFFFFFFFF  }
0xc2: {  	_ =	task.clear_ibuf [dreg:s7], $0x2FFFF;
	_ =	strace $0x9FFFFFFF  }
0xc3: {  	(tm) =	ssettm $0x7FFFFFFF  }
tec
execute0_lowered:
.L_overlay_start_1:
0x0: {  	(tag) =	ssettag $0x1  }
0x1: {  	s1 =	rddreg [dreg:$0x0]  }
0x2: {  	s4 =	rddreg [dreg:$0x1]  }
0x3: {  	s0 =	srdreg.scid;
	s3 =	rddreg [dreg:$0x2]  }
0x4: {  	s6 =	simm.s32 $0x0;
	s28 =	simm.s32 $0x7000;
	s29 =	simm.s32 $0x1  }
0x5: {  	s30 =	simm.s32 $0x2E00;
	s31 =	simm.s32 $0x2;
	s8 =	simm.s32 $0x4  }
0x6: {  	s10 =	simm.s32 $0x5;
	s11 =	simm.s32 $0x6;
	s2 =	sand.u32 $0x1, s0  }
0x7: {  	s0 =	stileid.u32;
	[smem:$0x7FF] =	sst s6;
	s5 =	sshll.u32 s2, $0x4  }
0x8: {  	s13 =	smul.u32 $0x2A400, s2;
	s2 =	ssub.s32 $0x2, s2;
	_ =	strace $0x80000047  }
0x9: {  	s14 =	sshll.u32 s0, $0xD;
	s22 =	sor.u32 $0xA0, s0;
	s7 =	sshrl.u32 s2, $0x1  }
0xa: {  	s26 =	sshll.u32 s0, $0xA;
	s5 =	sor.u32 s0, s5;
	s2 =	ssub.s32 s2, s7  }
0xb: {  	[dreg:$0xf] =	wrdreg s26;
	s7 =	sadd.s32 s14, s3;
	s2 =	smax.u32 s2, $0x1  }
0xc: {  	s25 =	sshll.u32 s22, $0xD;
	s15 =	sadd.s32 $0x40000, s7;
	[dreg:$0x5] =	wrdreg s2  }
0xd: {  	p0 =	sgt.u32 s22, $0xA8;
	s16 =	sadd.s32 $0x60000, s7;
	[dreg:$0x6] =	wrdreg s15  }
0xe: {  	s22 =	simm.s32 $0x40;
	s17 =	sadd.s32 $0x80000, s7;
	[dreg:$0x7] =	wrdreg s16  }
0xf: {  	s26 =	simm.s32 $0x2D00;
	s19 =	sadd.s32 $0xA0000, s7;
	[dreg:$0x8] =	wrdreg s17  }
0x10: {  	s5 =	smul.u32 $0x580, s5;
	s20 =	sadd.s32 $0xC0000, s7;
	[dreg:$0x9] =	wrdreg s19  }
0x11: {  	s18 =	sadd.s32 $0x20000, s7;
	s21 =	sadd.s32 $0xE0000, s7;
	[dreg:$0xa] =	wrdreg s20  }
0x12: {  	s23 =	sadd.s32 $0x100000, s7;
	s24 =	sadd.s32 $0x120000, s7;
	[dreg:$0xb] =	wrdreg s21  }
0x13: {  	s5 =	sadd.s32 s5, s4;
	s4 =	sadd.s32 s13, s4;
	[dreg:$0xc] =	wrdreg s23  }
0x14: {  	[dreg:$0xd] =	wrdreg s24;
	s20 =	simm.s32 $0x7;
	s21 =	simm.s32 $0x3000  }
0x15: {  	s23 =	simm.s32 $0x2C00;
	s24 =	simm.s32 $0x2C80;
	s2 =	simm.s32 $0x2E80  }
0x16: {  	s13 =	simm.s32 $0x0;
	s5 =	sadd.s32 $0x3800, s5;
	s6 =	sadd.s32 $0xE800, s4  }
0x17: {  	s4 =	sadd.s32 s25, s3;
	s25 =	simm.s32 $0x5000;
	[dreg:$0x4] =	wrdreg s5  }
0x18: {  	v0 =	vimm.f32 $0.0e+00;
	[dreg:$0xe] =	wrdreg s4;
	s4 =	simm.s32 $0x3;
	s5 =	simm.s32 $0x2F00  }
.LBB2_1:
0x19: {  	[dreg:$0x10] =	wrdreg s13  }
0x1a: {  	s9 =	simm.s32 $0x0;
	s19 =	rddreg [dreg:$0x4]  }
0x1b: {  	[tilespmem:s9], [sflag:$0x7] =	stream.linear.gather [hbm4b:s19+s9], $0x2A80, $0x38;
	[tilespmem:$0x1E200] =	vst v63  }
0x1c: {  	_ =	swait.ge [sflag:s20], $0x2A80  }
0x1d: {  	[sflag:s20] =	ssyncset.done $0x0  }
0x1e: {  	s13 =	simm.s32 $0x0;
	s14 =	simm.s32 $0x200;
	[sflag:s20] =	ssyncadd.s32 $0xFFFFD580  }
.LBB2_2:
0x1f: {  	p1 =	sne.s32 s14, $0x7E00;
	[tilespmem:s13+$0x3070] =	vst v0  }
0x20: {  	[tilespmem:s13+$0x3000] =	vst v0  }
0x21: {  	[tilespmem:s13+$0x3010] =	vst v0  }
.Ltmp0:
0x22: {  	[tilespmem:s13+$0x3020] =	vst v0;
	(pc) =	sbr.rel @p1 .LBB2_2-.Ltmp0, $4  }
0x23: {  	[tilespmem:s13+$0x3030] =	vst v0  }
0x24: {  	[tilespmem:s13+$0x3040] =	vst v0  }
0x25: {  	[tilespmem:s13+$0x3050] =	vst v0  }
0x26: {  	[tilespmem:s13+$0x3060] =	vst v0;
	s13 =	sshra.s32 s14, $0x2;
	s14 =	sadd.s32 $0x200, s14  }
0x27: {  	[tilespmem:s13+$0x3070] =	vst v0  }
0x28: {  	[tilespmem:s13+$0x3000] =	vst v0  }
0x29: {  	[tilespmem:s13+$0x3010] =	vst v0  }
0x2a: {  	[tilespmem:s13+$0x3020] =	vst v0  }
0x2b: {  	[tilespmem:s13+$0x3030] =	vst v0  }
0x2c: {  	[tilespmem:s13+$0x3040] =	vst v0  }
0x2d: {  	[tilespmem:s13+$0x3050] =	vst v0  }
0x2e: {  	[tilespmem:s13+$0x3060] =	vst v0  }
0x2f: {  	[spmem:s7] =	stream.linear.scatter [tilespmem:s21], [sflag:$0x7], $0x2000, $0x38;
	[tilespmem:$0x1E200] =	vst v63  }
0x30: {  	_ =	swait.ge [sflag:s20], $0x2000  }
0x31: {  	[sflag:s20] =	ssyncset.done $0x0  }
0x32: {  	[sflag:s20] =	ssyncadd.s32 $0xFFFFE000  }
0x33: {  	[spmem:s18] =	stream.linear.scatter [tilespmem:s21], [sflag:$0x7], $0x2000, $0x38;
	[tilespmem:$0x1E200] =	vst v63  }
0x34: {  	_ =	swait.ge [sflag:s20], $0x2000  }
0x35: {  	[sflag:s20] =	ssyncset.done $0x0  }
0x36: {  	s9 =	rddreg [dreg:$0x6];
	[sflag:s20] =	ssyncadd.s32 $0xFFFFE000  }
0x37: {  	[spmem:s9] =	stream.linear.scatter [tilespmem:s21], [sflag:$0x7], $0x2000, $0x38;
	[tilespmem:$0x1E200] =	vst v63  }
0x38: {  	_ =	swait.ge [sflag:s20], $0x2000  }
0x39: {  	[sflag:s20] =	ssyncset.done $0x0  }
0x3a: {  	s17 =	rddreg [dreg:$0x7];
	[sflag:s20] =	ssyncadd.s32 $0xFFFFE000  }
0x3b: {  	[spmem:s17] =	stream.linear.scatter [tilespmem:s21], [sflag:$0x7], $0x2000, $0x38;
	[tilespmem:$0x1E200] =	vst v63  }
0x3c: {  	_ =	swait.ge [sflag:s20], $0x2000  }
0x3d: {  	[sflag:s20] =	ssyncset.done $0x0  }
0x3e: {  	s19 =	rddreg [dreg:$0x8];
	[sflag:s20] =	ssyncadd.s32 $0xFFFFE000  }
0x3f: {  	[spmem:s19] =	stream.linear.scatter [tilespmem:s21], [sflag:$0x7], $0x2000, $0x38;
	[tilespmem:$0x1E200] =	vst v63  }
0x40: {  	_ =	swait.ge [sflag:s20], $0x2000  }
0x41: {  	[sflag:s20] =	ssyncset.done $0x0  }
0x42: {  	s12 =	rddreg [dreg:$0x9];
	[sflag:s20] =	ssyncadd.s32 $0xFFFFE000  }
0x43: {  	[spmem:s12] =	stream.linear.scatter [tilespmem:s21], [sflag:$0x7], $0x2000, $0x38;
	[tilespmem:$0x1E200] =	vst v63  }
0x44: {  	_ =	swait.ge [sflag:s20], $0x2000  }
0x45: {  	[sflag:s20] =	ssyncset.done $0x0  }
0x46: {  	s13 =	rddreg [dreg:$0xa];
	[sflag:s20] =	ssyncadd.s32 $0xFFFFE000  }
0x47: {  	[spmem:s13] =	stream.linear.scatter [tilespmem:s21], [sflag:$0x7], $0x2000, $0x38;
	[tilespmem:$0x1E200] =	vst v63  }
0x48: {  	_ =	swait.ge [sflag:s20], $0x2000  }
0x49: {  	[sflag:s20] =	ssyncset.done $0x0  }
0x4a: {  	s14 =	rddreg [dreg:$0xb];
	[sflag:s20] =	ssyncadd.s32 $0xFFFFE000  }
0x4b: {  	[spmem:s14] =	stream.linear.scatter [tilespmem:s21], [sflag:$0x7], $0x2000, $0x38;
	[tilespmem:$0x1E200] =	vst v63  }
0x4c: {  	_ =	swait.ge [sflag:s20], $0x2000  }
0x4d: {  	[sflag:s20] =	ssyncset.done $0x0  }
0x4e: {  	s15 =	rddreg [dreg:$0xc];
	[sflag:s20] =	ssyncadd.s32 $0xFFFFE000  }
0x4f: {  	[spmem:s15] =	stream.linear.scatter [tilespmem:s21], [sflag:$0x7], $0x2000, $0x38;
	[tilespmem:$0x1E200] =	vst v63  }
0x50: {  	_ =	swait.ge [sflag:s20], $0x2000  }
0x51: {  	[sflag:s20] =	ssyncset.done $0x0  }
0x52: {  	s16 =	rddreg [dreg:$0xd];
	[sflag:s20] =	ssyncadd.s32 $0xFFFFE000  }
0x53: {  	[spmem:s16] =	stream.linear.scatter [tilespmem:s21], [sflag:$0x7], $0x2000, $0x38;
	[tilespmem:$0x1E200] =	vst v63  }
0x54: {  	_ =	swait.ge [sflag:s20], $0x2000  }
0x55: {  	[sflag:s20] =	ssyncset.done $0x0  }
0x56: {  	s13 =	simm.s32 @!p0 $0x3000;
	s9 =	rddreg [dreg:$0xe];
	[sflag:s20] =	ssyncadd.s32 $0xFFFFE000  }
0x57: {  	[spmem:s9] =	stream.linear.scatter @!p0 [tilespmem:s13], [sflag:$0x7], $0x2000, $0x38;
	[tilespmem:$0x1E200] =	vst v63  }
0x58: {  	s13 =	simm.s32 @!p0 $0x7  }
0x59: {  	_ =	swait.ge @!p0 [sflag:s13], $0x2000  }
0x5a: {  	[sflag:s13] =	ssyncset.done @!p0 $0x0  }
0x5b: {  	[sflag:s13] =	ssyncadd.s32 @!p0 $0xFFFFE000  }
0x5c: {  	[bflag:$0x0] =	sbarrier.arrive $0xFFFF  }
0x5d: {  	v1 =	vld [tilespmem:$0x0];
	_ =	sdelay $0x1  }
0x5e: {  	v2 =	vld [tilespmem:$0x10];
	_ =	sdelay $0x1  }
0x5f: {  	v3 =	vld [tilespmem:$0x20]  }
0x60: {  	v4 =	vand.u32 $0xFFFF, v1  }
0x61: {  	v59 =	vld [tilespmem:$0x30];
	v1 =	vshrl.u32 v1, $0x10;
	[tilespmem:$0x2C00] =	vst v4  }
0x62: {  	[tilespmem:$0x2E00] =	vst v1;
	v1 =	vand.u32 $0xFFFF, v2  }
0x63: {  	[tilespmem:$0x2C10] =	vst v1;
	v1 =	vshrl.u32 v2, $0x10  }
0x64: {  	[tilespmem:$0x2E10] =	vst v1;
	v1 =	vand.u32 $0xFFFF, v3  }
0x65: {  	[tilespmem:$0x2C20] =	vst v1;
	v1 =	vshrl.u32 v3, $0x10  }
0x66: {  	[tilespmem:$0x2E20] =	vst v1;
	v1 =	vand.u32 $0xFFFF, v59  }
0x67: {  	[tilespmem:$0x2C30] =	vst v1;
	v1 =	vshrl.u32 v59, $0x10  }
0x68: {  	[tilespmem:$0x2E30] =	vst v1  }
0x69: {  	[tilespmem:s21], [sflag:$0x1] =	stream.indirect.gather [hbm4b:s1+s22], $0x80, s23, s22, $0xb8;
	[tilespmem:$0x1E200] =	vst v63  }
0x6a: {  	v1 =	vld [tilespmem:$0x40];
	_ =	sdelay $0x1  }
0x6b: {  	v2 =	vld [tilespmem:$0x50];
	_ =	sdelay $0x1  }
0x6c: {  	v3 =	vld [tilespmem:$0x60]  }
0x6d: {  	v60 =	vand.u32 $0xFFFF, v1  }
0x6e: {  	v61 =	vld [tilespmem:$0x70];
	v1 =	vshrl.u32 v1, $0x10;
	[tilespmem:$0x2C80] =	vst v60  }
0x6f: {  	[tilespmem:$0x2E80] =	vst v1;
	v1 =	vand.u32 $0xFFFF, v2  }
0x70: {  	[tilespmem:$0x2C90] =	vst v1;
	v1 =	vshrl.u32 v2, $0x10  }
0x71: {  	[tilespmem:$0x2E90] =	vst v1;
	v1 =	vand.u32 $0xFFFF, v3  }
0x72: {  	[tilespmem:$0x2CA0] =	vst v1;
	v1 =	vshrl.u32 v3, $0x10  }
0x73: {  	[tilespmem:$0x2EA0] =	vst v1;
	v1 =	vand.u32 $0xFFFF, v61  }
0x74: {  	[tilespmem:$0x2CB0] =	vst v1;
	v1 =	vshrl.u32 v61, $0x10  }
0x75: {  	[tilespmem:$0x2EB0] =	vst v1  }
0x76: {  	[tilespmem:s25], [sflag:$0x2] =	stream.indirect.gather [hbm4b:s1+s22], $0x80, s24, s22, $0xb8;
	[tilespmem:$0x1E200] =	vst v63  }
0x77: {  	v1 =	vld [tilespmem:$0x80];
	_ =	sdelay $0x1  }
0x78: {  	v2 =	vld [tilespmem:$0x90];
	_ =	sdelay $0x1  }
0x79: {  	v3 =	vld [tilespmem:$0xA0]  }
0x7a: {  	v62 =	vand.u32 $0xFFFF, v1  }
0x7b: {  	v63 =	vld [tilespmem:$0xB0];
	v1 =	vshrl.u32 v1, $0x10;
	[tilespmem:$0x2D00] =	vst v62  }
0x7c: {  	[tilespmem:$0x2F00] =	vst v1;
	v1 =	vand.u32 $0xFFFF, v2  }
0x7d: {  	[tilespmem:$0x2D10] =	vst v1;
	v1 =	vshrl.u32 v2, $0x10  }
0x7e: {  	[tilespmem:$0x2F10] =	vst v1;
	v1 =	vand.u32 $0xFFFF, v3  }
0x7f: {  	[tilespmem:$0x2D20] =	vst v1;
	v1 =	vshrl.u32 v3, $0x10  }
0x80: {  	[tilespmem:$0x2F20] =	vst v1;
	v1 =	vand.u32 $0xFFFF, v63  }
0x81: {  	[tilespmem:$0x2D30] =	vst v1;
	v1 =	vshrl.u32 v63, $0x10  }
0x82: {  	[tilespmem:$0x2F30] =	vst v1  }
0x83: {  	[tilespmem:s28], [sflag:$0x3] =	stream.indirect.gather [hbm4b:s1+s22], $0x80, s26, s22, $0xb8;
	[tilespmem:$0x1E200] =	vst v63  }
0x84: {  	_ =	swait.ge [sflag:s29], $0x2000  }
0x85: {  	[sflag:s29] =	ssyncset.done $0x0  }
0x86: {  	[sflag:s29] =	ssyncadd.s32 $0xFFFFE000  }
0x87: {  	[spmem:s3] =	stream.indirect.scatter.add.f32 [tilespmem:s21], [sflag:$0x4], $0x80, s30, s22, $0xb8;
	[tilespmem:$0x1E200] =	vst v63  }
0x88: {  	_ =	swait.ge [sflag:s31], $0x2000  }
0x89: {  	[sflag:s31] =	ssyncset.done $0x0  }
0x8a: {  	[sflag:s31] =	ssyncadd.s32 $0xFFFFE000  }
0x8b: {  	[spmem:s3] =	stream.indirect.scatter.add.f32 [tilespmem:s25], [sflag:$0x5], $0x80, s2, s22, $0xb8;
	[tilespmem:$0x1E200] =	vst v63  }
0x8c: {  	_ =	swait.ge [sflag:s4], $0x2000  }
0x8d: {  	[sflag:s4] =	ssyncset.done $0x0  }
0x8e: {  	[sflag:s4] =	ssyncadd.s32 $0xFFFFE000  }
0x8f: {  	[spmem:s3] =	stream.indirect.scatter.add.f32 [tilespmem:s28], [sflag:$0x6], $0x80, s5, s22, $0xb8;
	[tilespmem:$0x1E200] =	vst v63  }
0x90: {  	_ =	swait.ge [sflag:s8], $0x2000  }
0x91: {  	s17 =	simm.s32 $0xC0;
	[sflag:s8] =	ssyncset.done $0x0  }
0x92: {  	s13 =	sand.u32 $0x7FC0, s17;
	[sflag:s8] =	ssyncadd.s32 $0xFFFFE000  }
0x93: {  	v1 =	vld [tilespmem:s13+$0x0];
	_ =	sdelay $0x4  }
0x94: {  	v2 =	vand.u32 $0xFFFF, v1  }
0x95: {  	v1 =	vshrl.u32 v1, $0x10;
	[tilespmem:$0x2C00] =	vst v2  }
0x96: {  	[tilespmem:$0x2E00] =	vst v1  }
0x97: {  	v1 =	vld [tilespmem:s13+$0x10];
	_ =	sdelay $0x4  }
0x98: {  	v2 =	vand.u32 $0xFFFF, v1  }
0x99: {  	v1 =	vshrl.u32 v1, $0x10;
	[tilespmem:$0x2C10] =	vst v2  }
0x9a: {  	[tilespmem:$0x2E10] =	vst v1  }
0x9b: {  	v1 =	vld [tilespmem:s13+$0x20];
	_ =	sdelay $0x4  }
0x9c: {  	v2 =	vand.u32 $0xFFFF, v1  }
0x9d: {  	v1 =	vshrl.u32 v1, $0x10;
	[tilespmem:$0x2C20] =	vst v2  }
0x9e: {  	[tilespmem:$0x2E20] =	vst v1  }
0x9f: {  	v1 =	vld [tilespmem:s13+$0x30];
	_ =	sdelay $0x4  }
0xa0: {  	v2 =	vand.u32 $0xFFFF, v1  }
0xa1: {  	v1 =	vshrl.u32 v1, $0x10;
	[tilespmem:$0x2C30] =	vst v2  }
0xa2: {  	[tilespmem:$0x2E30] =	vst v1  }
0xa3: {  	[tilespmem:s21], [sflag:$0x1] =	stream.indirect.gather [hbm4b:s1+s22], $0x80, s23, s22, $0xb8;
	[tilespmem:$0x1E200] =	vst v63  }
0xa4: {  	s14 =	simm.s32 $0x0;
	s13 =	simm.s32 $0x0;
	_ =	swait.ge [sflag:s10], $0x2000  }
0xa5: {  	s14 =	sand.u32 $0x3F80, s14;
	s15 =	sand.u32 $0x40, s13;
	[sflag:s10] =	ssyncset.done $0x0  }
0xa6: {  	s14 =	sor.u32 s15, s14;
	[sflag:s10] =	ssyncadd.s32 $0xFFFFE000  }
0xa7: {  	v1 =	vld [tilespmem:s14+$0x100];
	_ =	sdelay $0x4  }
0xa8: {  	v2 =	vand.u32 $0xFFFF, v1  }
0xa9: {  	v1 =	vshrl.u32 v1, $0x10;
	[tilespmem:$0x2C80] =	vst v2  }
0xaa: {  	[tilespmem:$0x2E80] =	vst v1  }
0xab: {  	v1 =	vld [tilespmem:s14+$0x110];
	_ =	sdelay $0x4  }
0xac: {  	v2 =	vand.u32 $0xFFFF, v1  }
0xad: {  	v1 =	vshrl.u32 v1, $0x10;
	[tilespmem:$0x2C90] =	vst v2  }
0xae: {  	[tilespmem:$0x2E90] =	vst v1  }
0xaf: {  	v1 =	vld [tilespmem:s14+$0x120];
	_ =	sdelay $0x4  }
0xb0: {  	v2 =	vand.u32 $0xFFFF, v1  }
0xb1: {  	v1 =	vshrl.u32 v1, $0x10;
	[tilespmem:$0x2CA0] =	vst v2  }
0xb2: {  	[tilespmem:$0x2EA0] =	vst v1  }
0xb3: {  	v1 =	vld [tilespmem:s14+$0x130];
	_ =	sdelay $0x4  }
0xb4: {  	v2 =	vand.u32 $0xFFFF, v1  }
0xb5: {  	v1 =	vshrl.u32 v1, $0x10;
	[tilespmem:$0x2CB0] =	vst v2  }
0xb6: {  	[tilespmem:$0x2EB0] =	vst v1  }
0xb7: {  	[tilespmem:s25], [sflag:$0x2] =	stream.indirect.gather [hbm4b:s1+s22], $0x80, s24, s22, $0xb8;
	[tilespmem:$0x1E200] =	vst v63  }
0xb8: {  	_ =	swait.ge [sflag:s11], $0x2000  }
0xb9: {  	s19 =	simm.s32 $0x140;
	[sflag:s11] =	ssyncset.done $0x0  }
0xba: {  	s16 =	sand.u32 $0x7FC0, s19;
	[sflag:s11] =	ssyncadd.s32 $0xFFFFE000  }
0xbb: {  	v1 =	vld [tilespmem:s16+$0x0];
	_ =	sdelay $0x4  }
0xbc: {  	v2 =	vand.u32 $0xFFFF, v1  }
0xbd: {  	v1 =	vshrl.u32 v1, $0x10;
	[tilespmem:$0x2D00] =	vst v2  }
0xbe: {  	[tilespmem:$0x2F00] =	vst v1  }
0xbf: {  	v1 =	vld [tilespmem:s16+$0x10];
	_ =	sdelay $0x4  }
0xc0: {  	v2 =	vand.u32 $0xFFFF, v1  }
0xc1: {  	v1 =	vshrl.u32 v1, $0x10;
	[tilespmem:$0x2D10] =	vst v2  }
0xc2: {  	[tilespmem:$0x2F10] =	vst v1  }
0xc3: {  	s14 =	simm.s32 $0x200;
	v1 =	vld [tilespmem:s16+$0x20]  }
.LBB2_4:
0xc4: {  	_ =	sdelay $0x1  }
0xc5: {  	p1 =	sne.s32 s14, $0x29C0  }
0xc6: {  	s13 =	sadd.s32 $0x40, s13;
	s15 =	smov.u32 s14;
	s14 =	sadd.s32 $0xC0, s14  }
0xc7: {  	v2 =	vand.u32 $0xFFFF, v1;
	v1 =	vshrl.u32 v1, $0x10  }
0xc8: {  	[tilespmem:$0x2D20] =	vst v2  }
0xc9: {  	[tilespmem:$0x2F20] =	vst v1  }
0xca: {  	v1 =	vld [tilespmem:s16+$0x30];
	_ =	sdelay $0x4  }
0xcb: {  	v2 =	vand.u32 $0xFFFF, v1;
	v1 =	vshrl.u32 v1, $0x10  }
0xcc: {  	[tilespmem:$0x2D30] =	vst v2  }
0xcd: {  	[tilespmem:$0x2F30] =	vst v1  }
0xce: {  	[tilespmem:s28], [sflag:$0x3] =	stream.indirect.gather [hbm4b:s1+s22], $0x80, s26, s22, $0xb8;
	[tilespmem:$0x1E200] =	vst v63  }
0xcf: {  	_ =	swait.ge [sflag:s29], $0x2000  }
0xd0: {  	[sflag:s29] =	ssyncset.done $0x0  }
0xd1: {  	[sflag:s29] =	ssyncadd.s32 $0xFFFFE000  }
0xd2: {  	[spmem:s3] =	stream.indirect.scatter.add.f32 [tilespmem:s21], [sflag:$0x4], $0x80, s30, s22, $0xb8;
	[tilespmem:$0x1E200] =	vst v63  }
0xd3: {  	_ =	swait.ge [sflag:s31], $0x2000  }
0xd4: {  	[sflag:s31] =	ssyncset.done $0x0  }
0xd5: {  	[sflag:s31] =	ssyncadd.s32 $0xFFFFE000  }
0xd6: {  	[spmem:s3] =	stream.indirect.scatter.add.f32 [tilespmem:s25], [sflag:$0x5], $0x80, s2, s22, $0xb8;
	[tilespmem:$0x1E200] =	vst v63  }
0xd7: {  	_ =	swait.ge [sflag:s4], $0x2000  }
0xd8: {  	[sflag:s4] =	ssyncset.done $0x0  }
0xd9: {  	[sflag:s4] =	ssyncadd.s32 $0xFFFFE000  }
0xda: {  	[spmem:s3] =	stream.indirect.scatter.add.f32 [tilespmem:s28], [sflag:$0x6], $0x80, s5, s22, $0xb8;
	[tilespmem:$0x1E200] =	vst v63  }
0xdb: {  	_ =	swait.ge [sflag:s8], $0x2000  }
0xdc: {  	s16 =	sadd.s32 $0xFFFFFF80, s15;
	[sflag:s8] =	ssyncset.done $0x0  }
0xdd: {  	s16 =	sand.u32 $0x7FC0, s16;
	[sflag:s8] =	ssyncadd.s32 $0xFFFFE000  }
0xde: {  	v1 =	vld [tilespmem:s16+$0x0];
	_ =	sdelay $0x4  }
0xdf: {  	v2 =	vand.u32 $0xFFFF, v1;
	v1 =	vshrl.u32 v1, $0x10  }
0xe0: {  	[tilespmem:$0x2C00] =	vst v2  }
0xe1: {  	[tilespmem:$0x2E00] =	vst v1  }
0xe2: {  	v1 =	vld [tilespmem:s16+$0x10];
	_ =	sdelay $0x4  }
0xe3: {  	v2 =	vand.u32 $0xFFFF, v1;
	v1 =	vshrl.u32 v1, $0x10  }
0xe4: {  	[tilespmem:$0x2C10] =	vst v2  }
0xe5: {  	[tilespmem:$0x2E10] =	vst v1  }
0xe6: {  	v1 =	vld [tilespmem:s16+$0x20];
	_ =	sdelay $0x4  }
0xe7: {  	v2 =	vand.u32 $0xFFFF, v1;
	v1 =	vshrl.u32 v1, $0x10  }
0xe8: {  	[tilespmem:$0x2C20] =	vst v2  }
0xe9: {  	[tilespmem:$0x2E20] =	vst v1  }
0xea: {  	v1 =	vld [tilespmem:s16+$0x30];
	_ =	sdelay $0x4  }
0xeb: {  	s16 =	sadd.s32 $0xFFFFFEC0, s15;
	v2 =	vand.u32 $0xFFFF, v1;
	v1 =	vshrl.u32 v1, $0x10  }
0xec: {  	s17 =	sand.u32 $0x40, s13;
	s16 =	sand.u32 $0x3F80, s16;
	[tilespmem:$0x2C30] =	vst v2  }
0xed: {  	s16 =	sor.u32 s17, s16;
	[tilespmem:$0x2E30] =	vst v1  }
0xee: {  	[tilespmem:s21], [sflag:$0x1] =	stream.indirect.gather [hbm4b:s1+s22], $0x80, s23, s22, $0xb8;
	[tilespmem:$0x1E200] =	vst v63  }
0xef: {  	_ =	swait.ge [sflag:s10], $0x2000  }
0xf0: {  	[sflag:s10] =	ssyncset.done $0x0  }
0xf1: {  	[sflag:s10] =	ssyncadd.s32 $0xFFFFE000  }
0xf2: {  	v1 =	vld [tilespmem:s16+$0x100];
	_ =	sdelay $0x4  }
0xf3: {  	v2 =	vand.u32 $0xFFFF, v1;
	v1 =	vshrl.u32 v1, $0x10  }
0xf4: {  	[tilespmem:$0x2C80] =	vst v2  }
0xf5: {  	[tilespmem:$0x2E80] =	vst v1  }
0xf6: {  	v1 =	vld [tilespmem:s16+$0x110];
	_ =	sdelay $0x4  }
0xf7: {  	v2 =	vand.u32 $0xFFFF, v1;
	v1 =	vshrl.u32 v1, $0x10  }
0xf8: {  	[tilespmem:$0x2C90] =	vst v2  }
0xf9: {  	[tilespmem:$0x2E90] =	vst v1  }
0xfa: {  	v1 =	vld [tilespmem:s16+$0x120];
	_ =	sdelay $0x4  }
0xfb: {  	v2 =	vand.u32 $0xFFFF, v1;
	v1 =	vshrl.u32 v1, $0x10  }
0xfc: {  	[tilespmem:$0x2CA0] =	vst v2  }
0xfd: {  	[tilespmem:$0x2EA0] =	vst v1  }
0xfe: {  	v1 =	vld [tilespmem:s16+$0x130];
	_ =	sdelay $0x2  }
0xff: {  	s16 =	sand.u32 $0x7FC0, s15;
	_ =	sdelay $0x1  }
0x100: {  	v2 =	vand.u32 $0xFFFF, v1;
	v1 =	vshrl.u32 v1, $0x10  }
0x101: {  	[tilespmem:$0x2CB0] =	vst v2  }
0x102: {  	[tilespmem:$0x2EB0] =	vst v1  }
0x103: {  	[tilespmem:s25], [sflag:$0x2] =	stream.indirect.gather [hbm4b:s1+s22], $0x80, s24, s22, $0xb8;
	[tilespmem:$0x1E200] =	vst v63  }
0x104: {  	_ =	swait.ge [sflag:s11], $0x2000  }
0x105: {  	[sflag:s11] =	ssyncset.done $0x0  }
0x106: {  	[sflag:s11] =	ssyncadd.s32 $0xFFFFE000  }
0x107: {  	v1 =	vld [tilespmem:s16+$0x0];
	_ =	sdelay $0x4  }
0x108: {  	v2 =	vand.u32 $0xFFFF, v1;
	v1 =	vshrl.u32 v1, $0x10  }
0x109: {  	[tilespmem:$0x2D00] =	vst v2  }
0x10a: {  	[tilespmem:$0x2F00] =	vst v1  }
0x10b: {  	v1 =	vld [tilespmem:s16+$0x10];
	_ =	sdelay $0x3  }
.Ltmp1:
0x10c: {  	(pc) =	sbr.rel @p1 .LBB2_4-.Ltmp1, $4  }
0x10d: {  	v2 =	vand.u32 $0xFFFF, v1;
	v1 =	vshrl.u32 v1, $0x10  }
0x10e: {  	[tilespmem:$0x2D10] =	vst v2  }
0x10f: {  	[tilespmem:$0x2F10] =	vst v1  }
0x110: {  	v1 =	vld [tilespmem:s16+$0x20]  }
0x111: {  	_ =	sdelay $0x3  }
0x112: {  	v2 =	vand.u32 $0xFFFF, v1  }
0x113: {  	v1 =	vshrl.u32 v1, $0x10;
	[tilespmem:$0x2D20] =	vst v2  }
0x114: {  	[tilespmem:$0x2F20] =	vst v1  }
0x115: {  	v1 =	vld [tilespmem:s16+$0x30];
	_ =	sdelay $0x4  }
0x116: {  	v2 =	vand.u32 $0xFFFF, v1  }
0x117: {  	v1 =	vshrl.u32 v1, $0x10;
	[tilespmem:$0x2D30] =	vst v2  }
0x118: {  	[tilespmem:$0x2F30] =	vst v1  }
0x119: {  	[tilespmem:s28], [sflag:$0x3] =	stream.indirect.gather [hbm4b:s1+s22], $0x80, s26, s22, $0xb8;
	[tilespmem:$0x1E200] =	vst v63  }
0x11a: {  	_ =	swait.ge [sflag:s29], $0x2000  }
0x11b: {  	[sflag:s29] =	ssyncset.done $0x0  }
0x11c: {  	[sflag:s29] =	ssyncadd.s32 $0xFFFFE000  }
0x11d: {  	[spmem:s3] =	stream.indirect.scatter.add.f32 [tilespmem:s21], [sflag:$0x4], $0x80, s30, s22, $0xb8;
	[tilespmem:$0x1E200] =	vst v63  }
0x11e: {  	_ =	swait.ge [sflag:s31], $0x2000  }
0x11f: {  	[sflag:s31] =	ssyncset.done $0x0  }
0x120: {  	[sflag:s31] =	ssyncadd.s32 $0xFFFFE000  }
0x121: {  	[spmem:s3] =	stream.indirect.scatter.add.f32 [tilespmem:s25], [sflag:$0x5], $0x80, s2, s22, $0xb8;
	[tilespmem:$0x1E200] =	vst v63  }
0x122: {  	_ =	swait.ge [sflag:s4], $0x2000  }
0x123: {  	[sflag:s4] =	ssyncset.done $0x0  }
0x124: {  	[sflag:s4] =	ssyncadd.s32 $0xFFFFE000  }
0x125: {  	[spmem:s3] =	stream.indirect.scatter.add.f32 [tilespmem:s28], [sflag:$0x6], $0x80, s5, s22, $0xb8;
	[tilespmem:$0x1E200] =	vst v63  }
0x126: {  	_ =	swait.ge [sflag:s8], $0x2000  }
0x127: {  	[sflag:s8] =	ssyncset.done $0x0  }
0x128: {  	[sflag:s8] =	ssyncadd.s32 $0xFFFFE000  }
0x129: {  	v1 =	vld [tilespmem:$0x2A00];
	_ =	sdelay $0x1  }
0x12a: {  	v2 =	vld [tilespmem:$0x2A10];
	_ =	sdelay $0x1  }
0x12b: {  	v3 =	vld [tilespmem:$0x2A20]  }
0x12c: {  	v4 =	vand.u32 $0xFFFF, v1  }
0x12d: {  	v63 =	vld [tilespmem:$0x2A30];
	v1 =	vshrl.u32 v1, $0x10;
	[tilespmem:$0x2C00] =	vst v4  }
0x12e: {  	[tilespmem:$0x2E00] =	vst v1;
	v1 =	vand.u32 $0xFFFF, v2  }
0x12f: {  	[tilespmem:$0x2C10] =	vst v1;
	v1 =	vshrl.u32 v2, $0x10  }
0x130: {  	[tilespmem:$0x2E10] =	vst v1;
	v1 =	vand.u32 $0xFFFF, v3  }
0x131: {  	[tilespmem:$0x2C20] =	vst v1;
	v1 =	vshrl.u32 v3, $0x10  }
0x132: {  	[tilespmem:$0x2E20] =	vst v1;
	v1 =	vand.u32 $0xFFFF, v63  }
0x133: {  	[tilespmem:$0x2C30] =	vst v1;
	v1 =	vshrl.u32 v63, $0x10  }
0x134: {  	[tilespmem:$0x2E30] =	vst v1  }
0x135: {  	[tilespmem:s21], [sflag:$0x1] =	stream.indirect.gather [hbm4b:s1+s22], $0x80, s23, s22, $0xb8;
	[tilespmem:$0x1E200] =	vst v63  }
0x136: {  	_ =	swait.ge [sflag:s29], $0x2000  }
0x137: {  	[sflag:s29] =	ssyncset.done $0x0  }
0x138: {  	[sflag:s29] =	ssyncadd.s32 $0xFFFFE000  }
0x139: {  	[spmem:s3] =	stream.indirect.scatter.add.f32 [tilespmem:s21], [sflag:$0x4], $0x80, s30, s22, $0xb8;
	[tilespmem:$0x1E200] =	vst v63  }
0x13a: {  	_ =	swait.ge [sflag:s8], $0x2000  }
0x13b: {  	[sflag:s8] =	ssyncset.done $0x0  }
0x13c: {  	[sflag:s8] =	ssyncadd.s32 $0xFFFFE000  }
0x13d: {  	_ =	swait.ge [sflag:s10], $0x2000  }
0x13e: {  	[sflag:s10] =	ssyncset.done $0x0  }
0x13f: {  	[sflag:s10] =	ssyncadd.s32 $0xFFFFE000  }
0x140: {  	_ =	swait.ge [sflag:s11], $0x2000  }
0x141: {  	[sflag:s11] =	ssyncset.done $0x0  }
0x142: {  	s13 =	sadd.s32 $0x0, s0;
	s12 =	smov.u32 s7;
	[sflag:s11] =	ssyncadd.s32 $0xFFFFE000  }
0x143: {  	s17 =	sadd.s32 $0x10, s0;
	p1 =	sgt.u32 s13, $0xA8;
	[bflag:$0x0] =	sbarrier.arrive $0xFFFF  }
0x144: {  	s13 =	sshll.u32 @!p1 s0, $0x6;
	s15 =	simm.s32 @!p1 $0x7;
	s9 =	rddreg [dreg:$0xf]  }
0x145: {  	s13 =	sor.u32 @!p1 $0x1C07, s13;
	s16 =	sshrl.u32 @!p1 s7, $0x3;
	s14 =	sadd.s32 @!p1 s9, s6  }
0x146: {  	[hbm:s14], [sflag:s13] =	dma.local @!p1 [spmem:s16], $0x400  }
0x147: {  	s7 =	smov.u32 s18;
	s16 =	simm.s32 $0x20;
	_ =	swait.ge @!p1 [sflag:s15], $0x400  }
0x148: {  	s13 =	sadd.s32 $0x4000, s9;
	s14 =	smov.u32 s18;
	[sflag:s15] =	ssyncset.done @!p1 $0x0  }
.LBB2_6:
0x149: {  	[sflag:s15] =	ssyncadd.s32 @!p1 $0xFFFFFC00  }
0x14a: {  	p1 =	sgt.u32 s17, $0xA8;
	s17 =	smov.u32 s16;
	s16 =	sadd.s32 $0x10, s16  }
0x14b: {  	p2 =	sne.s32 s16, $0xB0  }
.Ltmp2:
0x14c: {  	s18 =	sshll.u32 @!p1 s0, $0x6;
	s15 =	simm.s32 @!p1 $0x7;
	(pc) =	sbr.rel @p2 .LBB2_6-.Ltmp2, $4  }
0x14d: {  	s9 =	sadd.s32 @!p1 s13, s6;
	s19 =	sshrl.u32 @!p1 s14, $0x3;
	s18 =	sor.u32 @!p1 $0x1C07, s18  }
0x14e: {  	[hbm:s9], [sflag:s18] =	dma.local @!p1 [spmem:s19], $0x400  }
0x14f: {  	s13 =	sadd.s32 $0x4000, s13;
	_ =	swait.ge @!p1 [sflag:s15], $0x400  }
0x150: {  	s17 =	sadd.s32 s17, s0;
	s14 =	sadd.s32 $0x20000, s14;
	[sflag:s15] =	ssyncset.done @!p1 $0x0  }
0x151: {  	p2 =	sgt.u32 s17, $0xA8  }
0x152: {  	[sflag:s15] =	ssyncadd.s32 @!p1 $0xFFFFFC00;
	s9 =	sshll.u32 @!p2 s0, $0x6;
	s15 =	simm.s32 @!p2 $0x7  }
0x153: {  	s13 =	sadd.s32 @!p2 s13, s6;
	s14 =	sshrl.u32 @!p2 s14, $0x3;
	s9 =	sor.u32 @!p2 $0x1C07, s9  }
0x154: {  	[hbm:s13], [sflag:s9] =	dma.local @!p2 [spmem:s14], $0x400  }
0x155: {  	_ =	swait.ge @!p2 [sflag:s15], $0x400  }
0x156: {  	s18 =	rddreg [dreg:$0x10]  }
0x157: {  	s19 =	rddreg [dreg:$0x5];
	s13 =	sadd.s32 $0x1, s18  }
0x158: {  	p1 =	sne.s32 s13, s19  }
.Ltmp3:
0x159: {  	_ = 	snop;
	(pc) =	sbr.rel @p1 .LBB2_1-.Ltmp3, $3  }
0x15a: {  	_ =	sdelay $0x1  }
0x15b: {  	[sflag:s15] =	ssyncset.done @!p2 $0x0  }
0x15c: {  	[sflag:s15] =	ssyncadd.s32 @!p2 $0xFFFFFC00;
	s18 =	smov.u32 s7;
	s7 =	smov.u32 s12  }
0x15d: {  	_ =	sfence.sel $0x180000  }
0x15e: {  	[bflag:$0x0] =	sbarrier.arrive $0xFFFF  }
0x15f: {  	_ =	strace $0x90000047  }
0x160: {  	[bflag:$0x2] =	sbarrier.arrive $0xFFFF  }
0x161: {  	p0 =	sne.s32 s0, $0x0;
	s0 =	rddreg [dreg:$0x3]  }
0x162: {  	s0 =	sadd.s32 @!p0 $0x100000, s0  }
0x163: {  	[sflag:s0] =	ssyncadd.tile.s32 @!p0 $0x1;
	_ =	shalt  }
.Lfunc_end2:
_tile_overlayer_lowered:
.L_overlay_start_2:
0x164: {  	(tag) =	ssettag $0x2  }
0x165: {  	s0 =	rddreg [dreg:$0x0];
	s2 =	stileid.u32  }
0x166: {  	s1 =	rddreg [dreg:$0x1];
	p0 =	sne.s32 s2, $0x0  }
0x167: {  	s3 =	rddreg [dreg:$0x2];
	[bflag:$0x3] =	sbarrier.arrive $0xFFFF;
	s2 =	simm.s32 @!p0 $0x1C07  }
0x168: {  	[timem:s3], [sflag:s2] =	dma.local @!p0 [hbm:s0], s1  }
0x169: {  	s0 =	simm.s32 @!p0 $0x7  }
0x16a: {  	_ =	swait.ge @!p0 [sflag:s0], s1  }
0x16b: {  	s1 =	ssub.s32 @!p0 $0x0, s1;
	[sflag:s0] =	ssyncset.done @!p0 $0x0  }
0x16c: {  	[sflag:s0] =	ssyncadd.s32 @!p0 s1  }
0x16d: {  	[bflag:$0x3] =	sbarrier.arrive $0xFFFF  }
0x16e: {  	_ =	shalt  }

</sc_bundles>
